<compile_context>
chip_gen: v7x
topology: tpu7x:2x2x1
jax: 0.10.2.dev20260603
libtpu: 0.0.44.dev20260713+nightly
codegen_flags: <defaults>
</compile_context>

<pallas_src>
import jax
import jax.numpy as jnp
from jax import lax
from jax.experimental import pallas as pl
from jax.experimental.pallas import tpu as pltpu
from jax.experimental.pallas import tpu_sc as plsc

_ANCH = (
    (1.25, 1.625), (2.0, 3.75), (4.125, 2.875),
    (3.75, 7.625), (7.75, 5.625), (7.375, 14.875),
    (14.5, 11.25), (19.5, 24.75), (46.625, 40.75),
)
_T = 0.7
_MAXN = 50
_NPAD = 64
_QW = 96
_NC, _NS = 2, 16


def _sig(x):
    return 1.0 / (1.0 + jnp.exp(-x))


def _dense_body(t_ref, o_ref, out_ref):
    b = pl.program_id(0)
    f = (lax.broadcasted_iota(jnp.int32, (32, 128), 0) * 128
         + lax.broadcasted_iota(jnp.int32, (32, 128), 1))
    cx = (f & 63).astype(jnp.float32)
    cy = (f >> 6).astype(jnp.float32)
    bx1 = []
    bx2 = []
    by1 = []
    by2 = []
    areab = []
    c2 = []
    for a in range(3):
        wa, ha = _ANCH[a]
        bx = _sig(o_ref[0, 5 * a + 0, :].reshape(32, 128)) + cx
        by = _sig(o_ref[0, 5 * a + 1, :].reshape(32, 128)) + cy
        bw = jnp.exp(o_ref[0, 5 * a + 2, :].reshape(32, 128)) * wa
        bh = jnp.exp(o_ref[0, 5 * a + 3, :].reshape(32, 128)) * ha
        conf = _sig(o_ref[0, 5 * a + 4, :].reshape(32, 128))
        bx1.append(bx - bw * 0.5)
        bx2.append(bx + bw * 0.5)
        by1.append(by - bh * 0.5)
        by2.append(by + bh * 0.5)
        areab.append(bw * bh)
        c2.append(conf * conf)

    zero2 = jnp.zeros((32, 128), jnp.float32)

    def gtbody(j, carry):
        acc = list(carry)
        gx = t_ref[0, b, j] * 64.0
        gy = t_ref[1, b, j] * 64.0
        gw = t_ref[2, b, j] * 64.0
        gh = t_ref[3, b, j] * 64.0
        gx1 = gx - gw * 0.5
        gx2 = gx + gw * 0.5
        gy1 = gy - gh * 0.5
        gy2 = gy + gh * 0.5
        areag = gw * gh
        for a in range(3):
            iw = jnp.maximum(jnp.minimum(bx2[a], gx2)
                             - jnp.maximum(bx1[a], gx1), 0.0)
            ih = jnp.maximum(jnp.minimum(by2[a], gy2)
                             - jnp.maximum(by1[a], gy1), 0.0)
            inter = iw * ih
            union = (areab[a] + areag) - inter
            tu = _T * jnp.maximum(union, 1e-12)
            acc[2 * a] = jnp.maximum(
                acc[2 * a], jnp.where(inter >= tu, 1.0, 0.0))
            acc[2 * a + 1] = jnp.maximum(
                acc[2 * a + 1], jnp.where(inter > tu, 1.0, 0.0))
        return tuple(acc)

    acc = lax.fori_loop(0, _MAXN, gtbody, (zero2,) * 6)
    lane = lax.broadcasted_iota(jnp.int32, (128,), 0)
    for a in range(3):
        asum = jnp.sum(c2[a])
        bsum = jnp.sum(acc[2 * a] * c2[a])
        psum = jnp.sum(acc[2 * a + 1])
        out_ref[0, a, :] = jnp.where(
            lane == 0, asum,
            jnp.where(lane == 1, bsum, jnp.where(lane == 2, psum, 0.0)))


def _dense_call(dense_in, tsmem, interpret=False):
    nb = dense_in.shape[0]
    return pl.pallas_call(
        _dense_body,
        grid=(nb,),
        in_specs=[
            pl.BlockSpec(memory_space=pltpu.SMEM),
            pl.BlockSpec((1, 16, 4096), lambda b: (b, 0, 0)),
        ],
        out_specs=pl.BlockSpec((1, 3, 128), lambda b: (b, 0, 0)),
        out_shape=jax.ShapeDtypeStruct((nb, 3, 128), jnp.float32),
        interpret=interpret,
    )(tsmem, dense_in)


def _sc_body(flat_hbm, tgt_hbm, out_hbm, tgt_v, auxf, auxi, idxf, qf,
             sg_v, outrow, sem):
    wid = lax.axis_index("s") * _NC + lax.axis_index("c")
    nb = out_hbm.shape[0]

    @pl.when(wid < nb)
    def _():
        b = wid
        pltpu.sync_copy(tgt_hbm.at[b], tgt_v)
        i16 = lax.broadcasted_iota(jnp.int32, (16,), 0)

        n = jnp.int32(0)
        for c in range(4):
            rs = (tgt_v[pl.ds(16 * c, 16)] + tgt_v[pl.ds(64 + 16 * c, 16)]
                  + tgt_v[pl.ds(128 + 16 * c, 16)] + tgt_v[pl.ds(192 + 16 * c, 16)]
                  + tgt_v[pl.ds(256 + 16 * c, 16)])
            n = n + plsc.all_reduce_population_count(rs > 0.0)[0]
        nf = n.astype(jnp.float32)

        for c in range(4):
            jidx = i16 + 16 * c
            gx = tgt_v[pl.ds(16 * c, 16)] * 64.0
            gy = tgt_v[pl.ds(64 + 16 * c, 16)] * 64.0
            gw = tgt_v[pl.ds(128 + 16 * c, 16)] * 64.0
            gh = tgt_v[pl.ds(192 + 16 * c, 16)] * 64.0
            t4 = tgt_v[pl.ds(256 + 16 * c, 16)]
            cx = gx.astype(jnp.int32)
            cy = gy.astype(jnp.int32)
            cxf = cx.astype(jnp.float32)
            cyf = cy.astype(jnp.float32)
            cell = cy * 64 + cx
            ax = cxf + 0.5
            ay = cyf + 0.5
            gx1 = gx - gw * 0.5
            gx2 = gx + gw * 0.5
            gy1 = gy - gh * 0.5
            gy2 = gy + gh * 0.5
            areag = gw * gh
            best = jnp.full((16,), -1.0, jnp.float32)
            besta = jnp.zeros((16,), jnp.int32)
            for r in range(9):
                aw, ah = _ANCH[r]
                iw = jnp.maximum(jnp.minimum(ax + aw * 0.5, gx2)
                                 - jnp.maximum(ax - aw * 0.5, gx1), 0.0)
                ih = jnp.maximum(jnp.minimum(ay + ah * 0.5, gy2)
                                 - jnp.maximum(ay - ah * 0.5, gy1), 0.0)
                inter = iw * ih
                iou = inter / jnp.maximum((aw * ah + areag) - inter, 1e-12)
                if r == 0:
                    best = iou
                else:
                    besta = jnp.where(iou > best, r, besta)
                    best = jnp.maximum(best, iou)
            valid = jidx < n
            assigned = valid & (besta < 3)
            am3 = jnp.where(assigned, besta, 0)
            wav = jnp.where(am3 == 0, _ANCH[0][0],
                            jnp.where(am3 == 1, _ANCH[1][0], _ANCH[2][0]))
            hav = jnp.where(am3 == 0, _ANCH[0][1],
                            jnp.where(am3 == 1, _ANCH[1][1], _ANCH[2][1]))
            d0 = gx - cxf
            d1 = gy - cyf
            d2 = gw / wav
            d3 = gh / hav
            xs = 2.0 - areag * (1.0 / 4096.0)
            y = jnp.full((16,), 1.2, jnp.float32)
            for _ in range(4):
                y = 0.5 * (y + xs / y)
            cls = jnp.minimum(t4.astype(jnp.int32), 79)
            slot = cell * 3 + am3
            neg = -1 - jidx
            sl = pl.ds(16 * c, 16)
            auxi[0, sl] = jnp.where(assigned, slot, neg)
            auxi[1, sl] = jnp.where(assigned, slot * 128 + cls, neg)
            auxi[2, sl] = cls
            auxi[3, sl] = am3 * 85
            auxi[4, sl] = cy
            auxi[5, sl] = cx
            auxf[0, sl] = d0
            auxf[1, sl] = d1
            auxf[2, sl] = d2
            auxf[3, sl] = d3
            auxf[4, sl] = y
            auxf[5, sl] = cxf
            auxf[6, sl] = cyf
            auxf[7, sl] = wav
            auxf[8, sl] = hav
            auxf[9, sl] = gx1
            auxf[10, sl] = gx2
            auxf[11, sl] = gy1
            auxf[12, sl] = gy2
            auxf[13, sl] = areag
            auxf[14, sl] = jnp.where(valid, 1.0, 0.0)

        ch = [jnp.minimum(i16 + 16 * m, 84) * 4096 for m in range(6)]

        def build(i, carry):
            ii = jnp.full((16,), i, jnp.int32)
            v = plsc.load_gather(auxi, [jnp.minimum(i16, 5), ii])
            basei = (b * 255 + v[3]) * 4096 + v[4] * 64 + v[5]
            for m in range(6):
                idxf[pl.ds(i * _QW + 16 * m, 16)] = basei + ch[m]
            return carry

        lax.fori_loop(0, _MAXN, build, 0)

        def fire(i, carry):
            pltpu.async_copy(flat_hbm.at[idxf.at[pl.ds(i * _QW, _QW)]],
                             qf.at[pl.ds(i * _QW, _QW)], sem)
            return carry

        lax.fori_loop(0, _MAXN, fire, 0)

        def drain(i, carry):
            pltpu.make_async_copy(flat_hbm.at[idxf.at[pl.ds(i * _QW, _QW)]],
                                  qf.at[pl.ds(i * _QW, _QW)], sem).wait()
            return carry

        lax.fori_loop(0, _MAXN, drain, 0)

        def compute(i, carry):
            s1, cp, cn, clsacc = carry
            ii = jnp.full((16,), i, jnp.int32)
            vi = plsc.load_gather(auxi, [jnp.minimum(i16, 5), ii])
            vf = plsc.load_gather(auxf, [i16, ii])
            slot_i = vi[0]
            clskey_i = vi[1]
            cls_i = vi[2]
            asg = jnp.where(slot_i >= 0, 1.0, 0.0)
            cnt_slot = jnp.int32(0)
            cnt_cls = jnp.int32(0)
            for c in range(4):
                sl = pl.ds(16 * c, 16)
                later = (i16 + 16 * c) > i
                cnt_slot = cnt_slot + plsc.all_reduce_population_count(
                    (auxi[0, sl] == slot_i) & later)[0]
                cnt_cls = cnt_cls + plsc.all_reduce_population_count(
                    (auxi[1, sl] == clskey_i) & later)[0]
            lastf = jnp.where(cnt_slot == 0, 1.0, 0.0)
            clslastf = jnp.where(cnt_cls == 0, 1.0, 0.0)
            w = asg * lastf
            sg_first = None
            sg_last = None
            exv = None
            for m in range(6):
                qm = qf[pl.ds(i * _QW + 16 * m, 16)]
                sg = _sig(qm)
                sg_v[pl.ds(16 * m, 16)] = sg
                if m == 0:
                    sg_first = sg
                    exv = jnp.exp(qm)
                if m == 5:
                    sg_last = sg
                clsacc = clsacc + w * (sg * sg)
            sg0 = sg_first[0]
            sg1 = sg_first[1]
            sg2c = sg_first[2]
            sg3c = sg_first[3]
            conf = sg_first[4]
            sg84 = sg_last[4]
            s1 = s1 - w * (sg0 * sg0 + sg1 * sg1 + sg2c * sg2c
                           + sg3c * sg3c + conf * conf
                           + 11.0 * sg84 * sg84)
            e2 = exv[2]
            e3 = exv[3]
            d0 = vf[0]
            d1 = vf[1]
            d2 = vf[2]
            d3 = vf[3]
            sc = vf[4]
            f0 = sg0 - d0
            f1 = sg1 - d1
            f2 = e2 - d2
            f3 = e3 - d3
            box = sc * (f0 * f0 + f1 * f1 + f2 * f2 + f3 * f3)
            sgc = plsc.load_gather(
                sg_v, [jnp.full((16,), 5 + cls_i, jnp.int32)])[0]
            clsextra = 1.0 - 2.0 * sgc
            pbx = sg0 + vf[5]
            pby = sg1 + vf[6]
            pbw = e2 * vf[7]
            pbh = e3 * vf[8]
            px1 = pbx - pbw * 0.5
            px2 = pbx + pbw * 0.5
            py1 = pby - pbh * 0.5
            py2 = pby + pbh * 0.5
            areap = pbw * pbh
            mvec = jnp.full((16,), -1.0, jnp.float32)
            for c in range(4):
                sl = pl.ds(16 * c, 16)
                iw = jnp.maximum(jnp.minimum(px2, auxf[10, sl])
                                 - jnp.maximum(px1, auxf[9, sl]), 0.0)
                ih = jnp.maximum(jnp.minimum(py2, auxf[12, sl])
                                 - jnp.maximum(py1, auxf[11, sl]), 0.0)
                inter = iw * ih
                iou = inter / jnp.maximum((areap + auxf[13, sl]) - inter, 1e-12)
                mvec = jnp.maximum(mvec, jnp.where(auxf[14, sl] > 0.0, iou, -1.0))
            mi = mvec[0]
            for k in range(1, 16):
                mi = jnp.maximum(mi, mvec[k])
            cm = conf - mi
            corrp = cm * cm - jnp.where(mi >= _T, 0.0, 1.0) * conf * conf
            corrn = cm * cm - conf * conf
            s1 = s1 + w * box + asg * clslastf * clsextra
            cp = cp + w * corrp
            cn = cn + w * corrn
            return (s1, cp, cn, clsacc)

        s1, cp, cn, clsacc = lax.fori_loop(
            0, _MAXN, compute,
            (jnp.float32(0.0), jnp.float32(0.0), jnp.float32(0.0),
             jnp.zeros((16,), jnp.float32)))

        outrow[pl.ds(0, 16)] = clsacc
        outrow[pl.ds(16, 16)] = jnp.where(
            i16 == 0, s1,
            jnp.where(i16 == 1, cp,
                      jnp.where(i16 == 2, cn,
                                jnp.where(i16 == 3, nf, 0.0))))
        pltpu.sync_copy(outrow, out_hbm.at[b])


def _sc_call(out_flat, tgt_sc, interpret=False):
    nb = tgt_sc.shape[0]
    mesh = plsc.VectorSubcoreMesh(core_axis_name="c", subcore_axis_name="s",
                                  num_cores=_NC, num_subcores=_NS)
    kfn = pl.kernel(
        _sc_body,
        out_type=jax.ShapeDtypeStruct((nb, 32), jnp.float32),
        mesh=mesh,
        scratch_types=[
            pltpu.VMEM((320,), jnp.float32),
            pltpu.VMEM((16, _NPAD), jnp.float32),
            pltpu.VMEM((6, _NPAD), jnp.int32),
            pltpu.VMEM((_NPAD * _QW,), jnp.int32),
            pltpu.VMEM((_NPAD * _QW,), jnp.float32),
            pltpu.VMEM((_QW,), jnp.float32),
            pltpu.VMEM((32,), jnp.float32),
            pltpu.SemaphoreType.DMA,
        ],
        interpret=interpret,
        compiler_params=pltpu.CompilerParams(needs_layout_passes=False),
    )
    return kfn(out_flat, tgt_sc)


def kernel(outputs, targets):
    nb, C, H, W = outputs.shape
    out_flat = outputs.reshape(nb * C * H * W)
    tt = jnp.transpose(targets, (0, 2, 1))
    ttp = jnp.pad(tt, ((0, 0), (0, 0), (0, _NPAD - _MAXN)))
    tgt_sc = ttp.reshape(nb, 5 * _NPAD)

    chidx = jnp.asarray(
        [a * 85 + k for a in range(3) for k in range(5)] + [0],
        jnp.int32)
    dense_in = outputs[:, chidx, :, :].reshape(nb, 16, H * W)
    nvec = (targets.sum(axis=2) > 0.0).sum(axis=1)
    valid = (jnp.arange(_NPAD)[None, :] < nvec[:, None])[:, None, :]
    sent = jnp.asarray([-16384.0, -16384.0, 0.0, 0.0, 0.0],
                       jnp.float32)[None, :, None]
    tsmem = jnp.transpose(jnp.where(valid, ttp, sent), (1, 0, 2))
    dense = _dense_call(dense_in, tsmem)
    asum = dense[:, :, 0].sum(axis=1)
    bsum = dense[:, :, 1].sum(axis=1)
    psum = dense[:, :, 2].sum(axis=1)

    sums = _sc_call(out_flat, tgt_sc)
    s1 = sums[:, :16].sum(axis=1) + sums[:, 16]
    cp = sums[:, 17]
    cn = sums[:, 18]
    n = sums[:, 19]

    has_pos = psum > 0.0
    dense_iou = jnp.where(n > 0.0, jnp.where(has_pos, asum - bsum, asum), 0.0)
    corr = jnp.where(has_pos, cp, cn)
    return (dense_iou + s1 + corr).sum() / nb

# --- scband reference (transcript-rebuilt; emitter-appended) ---
"""Pipeline reference for scband-yolov3-loss-53764400611731 (READ-ONLY COPY).

The authoritative reference and input builder live on the scoring server;
editing this copy changes nothing except your own understanding.
"""

import jax, jax.numpy as jnp
import numpy as np

ANCHORS = np.array([[10,13],[16,30],[33,23],[30,61],[62,45],[59,119],[116,90],[156,198],[373,326]], dtype=np.float32)
NUM_CLASSES = 80
IGNORE_THRESH = 0.7
STRIDE = 8
ANCHOR_MASK = [0, 1, 2]


def _sigmoid_np(x):
    return 1.0 / (1.0 + np.exp(-x))


def _bboxes_iou_np(a, b):
    # a:(N,4), b:(M,4) in (cx, cy, w, h)
    tl = np.maximum(a[:, None, :2] - a[:, None, 2:] / 2.0, b[None, :, :2] - b[None, :, 2:] / 2.0)
    br = np.minimum(a[:, None, :2] + a[:, None, 2:] / 2.0, b[None, :, :2] + b[None, :, 2:] / 2.0)
    area_a = a[:, 2] * a[:, 3]
    area_b = b[:, 2] * b[:, 3]
    en = (tl < br).all(axis=2).astype(np.float32)
    inter = np.prod(np.clip(br - tl, 0.0, None), axis=2) * en
    union = area_a[:, None] + area_b[None, :] - inter
    return inter / np.maximum(union, 1e-12)


def _bboxes_iou_jnp(a, b):
    # a:(N,4), b:(M,4) in (cx, cy, w, h)
    tl = jnp.maximum(a[:, None, :2] - a[:, None, 2:] / 2.0, b[None, :, :2] - b[None, :, 2:] / 2.0)
    br = jnp.minimum(a[:, None, :2] + a[:, None, 2:] / 2.0, b[None, :, :2] + b[None, :, 2:] / 2.0)
    area_a = a[:, 2] * a[:, 3]
    area_b = b[:, 2] * b[:, 3]
    en = (tl < br).all(axis=2).astype(jnp.float32)
    inter = jnp.prod(jnp.clip(br - tl, 0.0, None), axis=2) * en
    union = area_a[:, None] + area_b[None, :] - inter
    return inter / jnp.maximum(union, 1e-12)


def _build_targets_jit(out, tgt):
    B, C, H, W = out.shape
    nA = 3
    nc = NUM_CLASSES
    maxN = tgt.shape[1]
    masked_anchors = ANCHORS[ANCHOR_MASK] / float(STRIDE)
    ref_anchors = ANCHORS / float(STRIDE)
    o = out.reshape(B, nA, 5 + nc, H, W).transpose(0, 1, 3, 4, 2)
    xs = np.broadcast_to(np.arange(W, dtype=np.float32), (nA, H, W))
    ys = np.broadcast_to(np.arange(H, dtype=np.float32).reshape(H, 1), (nA, H, W))
    wa = np.broadcast_to(masked_anchors[:, 0].reshape(nA, 1, 1), (nA, H, W))
    ha = np.broadcast_to(masked_anchors[:, 1].reshape(nA, 1, 1), (nA, H, W))
    bx = 1.0 / (1.0 + jnp.exp(-o[..., 0])) + xs
    by = 1.0 / (1.0 + jnp.exp(-o[..., 1])) + ys
    bw = jnp.exp(o[..., 2]) * wa
    bh = jnp.exp(o[..., 3]) * ha
    pred_boxes = jnp.stack([bx, by, bw, bh], axis=-1).transpose(0, 2, 3, 1, 4).reshape(B, H * W, nA, 4)
    masked_x1y1 = jnp.asarray(np.stack([xs, ys, wa, ha], axis=0).transpose(2, 3, 1, 0).reshape(H * W, nA, 4))
    nR = len(ref_anchors)
    xs9 = np.broadcast_to(np.arange(W, dtype=np.float32), (nR, H, W))
    ys9 = np.broadcast_to(np.arange(H, dtype=np.float32).reshape(H, 1), (nR, H, W))
    wa9 = np.broadcast_to(ref_anchors[:, 0].reshape(nR, 1, 1), (nR, H, W))
    ha9 = np.broadcast_to(ref_anchors[:, 1].reshape(nR, 1, 1), (nR, H, W))
    ref_x1y1 = np.stack([xs9, ys9, wa9, ha9], axis=0).transpose(2, 3, 1, 0).reshape(-1, 4)
    ref_xcyc = ref_x1y1.copy()
    ref_xcyc[:, :2] += 0.5
    ref_xcyc = jnp.asarray(ref_xcyc)
    scale = jnp.asarray(np.array([W, H, W, H], np.float32))
    num_objs = (tgt.sum(axis=2) > 0).sum(axis=1)

    def per_batch(pb_b, tgt_b, num_obj):
        valid = jnp.arange(maxN) < num_obj
        gt = tgt_b[:, :4].astype(jnp.float32) * scale
        gt_cls = tgt_b[:, 4]
        pb = pb_b.reshape(-1, 4)
        ious = _bboxes_iou_jnp(pb, gt).reshape(H * W, nA, maxN)
        ious = jnp.where(valid[None, None, :], ious, -1.0)
        max_iou = ious.max(axis=-1, keepdims=True)
        has_pos = jnp.any(max_iou > IGNORE_THRESH)
        iou_mask = jnp.where(has_pos & (max_iou >= IGNORE_THRESH), 0.0, 1.0).astype(jnp.float32)
        ref_ious = _bboxes_iou_jnp(ref_xcyc, gt).reshape(H * W, nR, maxN)
        iou_target = jnp.zeros((H * W, nA, 1), jnp.float32)
        box_target = jnp.zeros((H * W, nA, 4), jnp.float32)
        box_mask = jnp.zeros((H * W, nA, 1), jnp.float32)
        box_scale = jnp.zeros((H * W, nA, 2), jnp.float32)
        class_target = jnp.zeros((H * W, nA, nc), jnp.float32)
        class_mask = jnp.zeros((H * W, nA, 1), jnp.float32)

        def body(ni, carry):
            iou_t, iou_m, box_t, box_m, box_s, cls_t, cls_m = carry
            gb = gt[ni]
            cx = jnp.floor(gb[0]).astype(jnp.int32)
            cy = jnp.floor(gb[1]).astype(jnp.int32)
            cell = cy * W + cx
            a = jnp.argmax(ref_ious[cell, :, ni]).astype(jnp.int32)
            do = valid[ni] & (a < nA)
            am = a % nA
            ra = masked_x1y1[cell, am]
            delta = jnp.stack([gb[0] - ra[0], gb[1] - ra[1], gb[2] / ra[2], gb[3] / ra[3]]).astype(jnp.float32)
            s = jnp.sqrt(2.0 - gb[2] * gb[3] / W / H).astype(jnp.float32)
            box_t = box_t.at[cell, am].set(jnp.where(do, delta, box_t[cell, am]))
            box_m = box_m.at[cell, am].set(jnp.where(do, 1.0, box_m[cell, am]))
            box_s = box_s.at[cell, am].set(jnp.where(do, s, box_s[cell, am]))
            cls = gt_cls[ni].astype(jnp.int32)
            cls_t = cls_t.at[cell, am, cls].set(jnp.where(do, 1.0, cls_t[cell, am, cls]))
            cls_m = cls_m.at[cell, am].set(jnp.where(do, 1.0, cls_m[cell, am]))
            iou_t = iou_t.at[cell, am].set(jnp.where(do, max_iou[cell, am], iou_t[cell, am]))
            iou_m = iou_m.at[cell, am].set(jnp.where(do, 1.0, iou_m[cell, am]))
            return (iou_t, iou_m, box_t, box_m, box_s, cls_t, cls_m)

        carry = jax.lax.fori_loop(0, maxN, body, (iou_target, iou_mask, box_target, box_mask,
                                                  box_scale, class_target, class_mask))
        iou_t, iou_m, box_t, box_m, box_s, cls_t, cls_m = carry
        iou_m = jnp.where(num_obj > 0, iou_m, jnp.zeros_like(iou_m))
        return iou_t, iou_m, box_t, box_m, box_s, cls_t, cls_m

    iou_t, iou_m, box_t, box_m, box_s, cls_t, cls_m = jax.vmap(per_batch)(pred_boxes, tgt, num_objs)
    return (iou_t.reshape(-1, 1), iou_m.reshape(-1, 1), box_t.reshape(-1, 4),
            box_m.reshape(-1, 1), box_s.reshape(-1, 2), cls_t.reshape(-1, nc),
            cls_m.reshape(-1, 1))


def _build_targets_np(out, tgt):
    B, C, H, W = out.shape
    nA = 3
    nc = NUM_CLASSES
    masked_anchors = ANCHORS[ANCHOR_MASK] / float(STRIDE)
    ref_anchors = ANCHORS / float(STRIDE)
    o = out.reshape(B, nA, 5 + nc, H, W).transpose(0, 1, 3, 4, 2)
    xs = np.broadcast_to(np.arange(W, dtype=np.float32), (nA, H, W))
    ys = np.broadcast_to(np.arange(H, dtype=np.float32).reshape(H, 1), (nA, H, W))
    wa = np.broadcast_to(masked_anchors[:, 0].reshape(nA, 1, 1), (nA, H, W))
    ha = np.broadcast_to(masked_anchors[:, 1].reshape(nA, 1, 1), (nA, H, W))
    bx = _sigmoid_np(o[..., 0]) + xs
    by = _sigmoid_np(o[..., 1]) + ys
    bw = np.exp(o[..., 2]) * wa
    bh = np.exp(o[..., 3]) * ha
    pred_boxes = np.stack([bx, by, bw, bh], axis=-1).transpose(0, 2, 3, 1, 4).reshape(B, H * W, nA, 4)
    masked_x1y1 = np.stack([xs, ys, wa, ha], axis=0).transpose(2, 3, 1, 0).reshape(H * W, nA, 4)
    nR = len(ref_anchors)
    xs9 = np.broadcast_to(np.arange(W, dtype=np.float32), (nR, H, W))
    ys9 = np.broadcast_to(np.arange(H, dtype=np.float32).reshape(H, 1), (nR, H, W))
    wa9 = np.broadcast_to(ref_anchors[:, 0].reshape(nR, 1, 1), (nR, H, W))
    ha9 = np.broadcast_to(ref_anchors[:, 1].reshape(nR, 1, 1), (nR, H, W))
    ref_x1y1 = np.stack([xs9, ys9, wa9, ha9], axis=0).transpose(2, 3, 1, 0).reshape(-1, 4)
    ref_xcyc = ref_x1y1.copy()
    ref_xcyc[:, :2] += 0.5
    iou_target = np.zeros((B, H * W, nA, 1), np.float32)
    iou_mask = np.ones((B, H * W, nA, 1), np.float32)
    box_target = np.zeros((B, H * W, nA, 4), np.float32)
    box_mask = np.zeros((B, H * W, nA, 1), np.float32)
    box_scale = np.zeros((B, H * W, nA, 2), np.float32)
    class_target = np.zeros((B, H * W, nA, nc), np.float32)
    class_mask = np.zeros((B, H * W, nA, 1), np.float32)
    num_objs = (tgt.sum(axis=2) > 0).sum(axis=1)
    for bi in range(B):
        num_obj = int(num_objs[bi])
        if num_obj == 0:
            iou_mask[bi, ...] = 0
            continue
        gt = tgt[bi, :num_obj, :4].copy().astype(np.float32)
        gt_cls = tgt[bi, :num_obj, 4]
        gt[:, 0::2] *= W
        gt[:, 1::2] *= H
        pb = pred_boxes[bi].reshape(-1, 4)
        ious = _bboxes_iou_np(pb, gt).reshape(H * W, nA, num_obj)
        max_iou = ious.max(axis=-1, keepdims=True)
        n_pos = int((max_iou.reshape(-1) > IGNORE_THRESH).sum())
        if n_pos > 0:
            iou_mask[bi][max_iou >= IGNORE_THRESH] = 0
        ref_ious = _bboxes_iou_np(ref_xcyc, gt).reshape(H * W, nR, num_obj)
        for ni in range(num_obj):
            gb = gt[ni]
            cx = int(np.floor(gb[0]))
            cy = int(np.floor(gb[1]))
            cell = cy * W + cx
            a = int(np.argmax(ref_ious[cell, :, ni]))
            if a not in ANCHOR_MASK:
                continue
            ra = masked_x1y1[cell, a % 3]
            delta = np.array([gb[0] - ra[0], gb[1] - ra[1], gb[2] / ra[2], gb[3] / ra[3]], np.float32)
            box_target[bi, cell, a % 3, :] = delta
            box_mask[bi, cell, a % 3, :] = 1.0
            box_scale[bi, cell, a % 3, :] = np.sqrt(2.0 - gb[2] * gb[3] / W / H)
            class_target[bi, cell, a % 3, int(gt_cls[ni])] = 1.0
            class_mask[bi, cell, a % 3, :] = 1.0
            iou_target[bi, cell, a % 3, :] = max_iou[cell, a % 3, :]
            iou_mask[bi, cell, a % 3, :] = 1.0
    return (iou_target.reshape(-1, 1), iou_mask.reshape(-1, 1), box_target.reshape(-1, 4),
            box_mask.reshape(-1, 1), box_scale.reshape(-1, 2), class_target.reshape(-1, nc),
            class_mask.reshape(-1, 1))


def _loss_from_targets(outputs, tgts):
    iou_t, iou_m, box_t, box_m, box_s, cls_t, cls_m = [jnp.asarray(t) for t in tgts]
    B, C, H, W = outputs.shape
    nA = 3
    nc = NUM_CLASSES
    pred = outputs.reshape(B, nA, 5 + nc, H, W).transpose(0, 3, 4, 1, 2).reshape(-1, 5 + nc)
    dxy = jax.nn.sigmoid(pred[:, :2])
    dwh = jnp.exp(pred[:, 2:4])
    pred_deltas = jnp.concatenate([dxy, dwh], axis=1)
    pred_conf = jax.nn.sigmoid(pred[:, 4:5])
    pred_cls = jax.nn.sigmoid(pred[:, 5:])
    scale4 = jnp.concatenate([box_s, box_s], axis=1)
    box_loss = jnp.sum(box_m * scale4 * (pred_deltas - box_t) ** 2)
    iou_loss = jnp.sum(iou_m * (pred_conf - iou_t) ** 2)
    cls_loss = jnp.sum(cls_m * (pred_cls - cls_t) ** 2)
    return (box_loss + iou_loss + cls_loss) / B


def setup_inputs(seed: int = 0):
    key = jax.random.key(seed)
    k1, k2 = jax.random.split(key)
    outputs = jax.random.normal(k1, (16, 255, 64, 64), dtype=jnp.float32)
    targets = jax.random.uniform(k2, (16, 50, 5), dtype=jnp.float32)
    return {"outputs": outputs, "targets": targets}


def reference(outputs, targets):
    tgts = _build_targets_jit(outputs, targets)
    return _loss_from_targets(outputs, tgts)

if __name__ == "__main__":
    import jax
    _d = setup_inputs()
    print(jax.jit(kernel)(*tuple(_d.values())))

</pallas_src>

<mosaic_0001>
#map = affine_map<(d0, d1) -> (0)>
#map1 = affine_map<(d0, d1) -> (0, 0)>
module attributes {stable_mosaic.version = 14 : i64} {
  func.func @_sc_body(%arg0: i32, %arg1: i32, %arg2: memref<16711680xf32, #tpu.memory_space<hbm>>, %arg3: memref<16x320xf32, #tpu.memory_space<hbm>>, %arg4: memref<16x32xf32, #tpu.memory_space<hbm>>, %arg5: memref<320xf32, #tpu.memory_space<vmem>>, %arg6: memref<16x64xf32, #tpu.memory_space<vmem>>, %arg7: memref<6x64xi32, #tpu.memory_space<vmem>>, %arg8: memref<6144xi32, #tpu.memory_space<vmem>>, %arg9: memref<6144xf32, #tpu.memory_space<vmem>>, %arg10: memref<96xf32, #tpu.memory_space<vmem>>, %arg11: memref<32xf32, #tpu.memory_space<vmem>>, %arg12: memref<!tpu.dma_semaphore, #tpu.memory_space<semaphore_mem>>) attributes {dimension_semantics = [#tpu.dimension_semantics<core_parallel>, #tpu.dimension_semantics<subcore_parallel>], iteration_bounds = array<i64: 2, 16>, scalar_prefetch = 0 : i64, scratch_operands = 8 : i64, tpu.core_type = #tpu.core_type<sc_vector_subcore>, window_params = [{transform_indices = #map}, {transform_indices = #map1}, {transform_indices = #map1}]} {
    %mul3A = arith.constant 2 : i32
    %mul3A_0 = arith.muli %arg1, %mul3A : i32
    %add3A = arith.addi %mul3A_0, %arg0 : i32
    %lt3A = arith.constant 16 : i32
    %lt3A_1 = arith.cmpi slt, %add3A, %lt3A : i32
    %convert_element_type3A = arith.extui %lt3A_1 : i1 to i32
    %cond3A = arith.constant 0 : i32
    %cond3A_2 = arith.cmpi ne, %convert_element_type3A, %cond3A : i32
    scf.if %cond3A_2 {
      "tpu.region"() ({
        %run_scoped3A = tpu.sem_alloc : memref<!tpu.dma_semaphore, #tpu.memory_space<semaphore_mem>>
        %dma_start3A = arith.constant 0 : i32
        %dma_start3A_2482 = tpu.memref_slice %arg3[%add3A, %dma_start3A] : memref<16x320xf32, #tpu.memory_space<hbm>> -> memref<1x320xf32, #tpu.memory_space<hbm>>
        %dma_start3A_2483 = tpu.memref_squeeze %dma_start3A_2482 : memref<1x320xf32, #tpu.memory_space<hbm>> -> memref<320xf32, #tpu.memory_space<hbm>>
        %dma_start3A_2484 = arith.constant 0 : i32
        %dma_start3A_2485 = tpu.memref_slice %arg3[%add3A, %dma_start3A_2484] : memref<16x320xf32, #tpu.memory_space<hbm>> -> memref<1x320xf32, #tpu.memory_space<hbm>>
        %dma_start3A_2486 = tpu.memref_squeeze %dma_start3A_2485 : memref<1x320xf32, #tpu.memory_space<hbm>> -> memref<320xf32, #tpu.memory_space<hbm>>
        tpu.enqueue_dma source(%dma_start3A_2486 : memref<320xf32, #tpu.memory_space<hbm>>) target(%arg5 : memref<320xf32, #tpu.memory_space<vmem>>) target_semaphore(%run_scoped3A : memref<!tpu.dma_semaphore, #tpu.memory_space<semaphore_mem>>)
        %dma_wait3A = arith.constant 0 : i32
        %dma_wait3A_2487 = tpu.memref_slice %arg3[%add3A, %dma_wait3A] : memref<16x320xf32, #tpu.memory_space<hbm>> -> memref<1x320xf32, #tpu.memory_space<hbm>>
        %dma_wait3A_2488 = tpu.memref_squeeze %dma_wait3A_2487 : memref<1x320xf32, #tpu.memory_space<hbm>> -> memref<320xf32, #tpu.memory_space<hbm>>
        %dma_wait3A_2489 = arith.constant 0 : i32
        %dma_wait3A_2490 = tpu.memref_slice %arg3[%add3A, %dma_wait3A_2489] : memref<16x320xf32, #tpu.memory_space<hbm>> -> memref<1x320xf32, #tpu.memory_space<hbm>>
        %dma_wait3A_2491 = tpu.memref_squeeze %dma_wait3A_2490 : memref<1x320xf32, #tpu.memory_space<hbm>> -> memref<320xf32, #tpu.memory_space<hbm>>
        tpu.wait_dma2 semaphore(%run_scoped3A : memref<!tpu.dma_semaphore, #tpu.memory_space<semaphore_mem>>) src(%dma_wait3A_2491 : memref<320xf32, #tpu.memory_space<hbm>>) dst(%arg5 : memref<320xf32, #tpu.memory_space<vmem>>)
        tpu.yield
      }) : () -> ()
      %iota3A = tpu.iota {dimensions = array<i32: 0>} : vector<16xi32>
      %get3A = arith.constant 0 : index
      %get3A_3 = tpu.vector_load %arg5[%get3A] {strides = array<i32>} : memref<320xf32, #tpu.memory_space<vmem>>, vector<16xf32>,
      %get3A_4 = arith.constant 64 : index
      %get3A_5 = tpu.vector_load %arg5[%get3A_4] {strides = array<i32>} : memref<320xf32, #tpu.memory_space<vmem>>, vector<16xf32>,
      %add3A_6 = arith.addf %get3A_3, %get3A_5 : vector<16xf32>
      %get3A_7 = arith.constant 128 : index
      %get3A_8 = tpu.vector_load %arg5[%get3A_7] {strides = array<i32>} : memref<320xf32, #tpu.memory_space<vmem>>, vector<16xf32>,
      %add3A_9 = arith.addf %add3A_6, %get3A_8 : vector<16xf32>
      %get3A_10 = arith.constant 192 : index
      %get3A_11 = tpu.vector_load %arg5[%get3A_10] {strides = array<i32>} : memref<320xf32, #tpu.memory_space<vmem>>, vector<16xf32>,
      %add3A_12 = arith.addf %add3A_9, %get3A_11 : vector<16xf32>
      %get3A_13 = arith.constant 256 : index
      %get3A_14 = tpu.vector_load %arg5[%get3A_13] {strides = array<i32>} : memref<320xf32, #tpu.memory_space<vmem>>, vector<16xf32>,
      %add3A_15 = arith.addf %add3A_12, %get3A_14 : vector<16xf32>
      %gt3A = arith.constant 0.000000e+00 : f32
      %gt3A_16 = vector.broadcast %gt3A : f32 to vector<16xf32>
      %gt3A_17 = arith.cmpf ogt, %add3A_15, %gt3A_16 : vector<16xf32>
      %all_reduce_population_count3A = tpu.all_reduce %gt3A_17 {dim = 0 : i64, kind = #tpu.reduction_kind<sum>} : vector<16xi1> -> vector<16xi32>
      %slice3A = vector.extract_strided_slice %all_reduce_population_count3A {offsets = [0], sizes = [1], strides = [1]} : vector<16xi32> to vector<1xi32>
      %squeeze3A = vector.extract %slice3A[0] : i32 from vector<1xi32>
      %add3A_18 = arith.constant 0 : i32
      %add3A_19 = arith.addi %add3A_18, %squeeze3A : i32
      %get3A_20 = arith.constant 16 : index
      %get3A_21 = tpu.vector_load %arg5[%get3A_20] {strides = array<i32>} : memref<320xf32, #tpu.memory_space<vmem>>, vector<16xf32>,
      %get3A_22 = arith.constant 80 : index
      %get3A_23 = tpu.vector_load %arg5[%get3A_22] {strides = array<i32>} : memref<320xf32, #tpu.memory_space<vmem>>, vector<16xf32>,
      %add3A_24 = arith.addf %get3A_21, %get3A_23 : vector<16xf32>
      %get3A_25 = arith.constant 144 : index
      %get3A_26 = tpu.vector_load %arg5[%get3A_25] {strides = array<i32>} : memref<320xf32, #tpu.memory_space<vmem>>, vector<16xf32>,
      %add3A_27 = arith.addf %add3A_24, %get3A_26 : vector<16xf32>
      %get3A_28 = arith.constant 208 : index
      %get3A_29 = tpu.vector_load %arg5[%get3A_28] {strides = array<i32>} : memref<320xf32, #tpu.memory_space<vmem>>, vector<16xf32>,
      %add3A_30 = arith.addf %add3A_27, %get3A_29 : vector<16xf32>
      %get3A_31 = arith.constant 272 : index
      %get3A_32 = tpu.vector_load %arg5[%get3A_31] {strides = array<i32>} : memref<320xf32, #tpu.memory_space<vmem>>, vector<16xf32>,
      %add3A_33 = arith.addf %add3A_30, %get3A_32 : vector<16xf32>
      %gt3A_34 = arith.constant 0.000000e+00 : f32
      %gt3A_35 = vector.broadcast %gt3A_34 : f32 to vector<16xf32>
      %gt3A_36 = arith.cmpf ogt, %add3A_33, %gt3A_35 : vector<16xf32>
      %all_reduce_population_count3A_37 = tpu.all_reduce %gt3A_36 {dim = 0 : i64, kind = #tpu.reduction_kind<sum>} : vector<16xi1> -> vector<16xi32>
      %slice3A_38 = vector.extract_strided_slice %all_reduce_population_count3A_37 {offsets = [0], sizes = [1], strides = [1]} : vector<16xi32> to vector<1xi32>
      %squeeze3A_39 = vector.extract %slice3A_38[0] : i32 from vector<1xi32>
      %add3A_40 = arith.addi %add3A_19, %squeeze3A_39 : i32
      %get3A_41 = arith.constant 32 : index
      %get3A_42 = tpu.vector_load %arg5[%get3A_41] {strides = array<i32>} : memref<320xf32, #tpu.memory_space<vmem>>, vector<16xf32>,
      %get3A_43 = arith.constant 96 : index
      %get3A_44 = tpu.vector_load %arg5[%get3A_43] {strides = array<i32>} : memref<320xf32, #tpu.memory_space<vmem>>, vector<16xf32>,
      %add3A_45 = arith.addf %get3A_42, %get3A_44 : vector<16xf32>
      %get3A_46 = arith.constant 160 : index
      %get3A_47 = tpu.vector_load %arg5[%get3A_46] {strides = array<i32>} : memref<320xf32, #tpu.memory_space<vmem>>, vector<16xf32>,
      %add3A_48 = arith.addf %add3A_45, %get3A_47 : vector<16xf32>
      %get3A_49 = arith.constant 224 : index
      %get3A_50 = tpu.vector_load %arg5[%get3A_49] {strides = array<i32>} : memref<320xf32, #tpu.memory_space<vmem>>, vector<16xf32>,
      %add3A_51 = arith.addf %add3A_48, %get3A_50 : vector<16xf32>
      %get3A_52 = arith.constant 288 : index
      %get3A_53 = tpu.vector_load %arg5[%get3A_52] {strides = array<i32>} : memref<320xf32, #tpu.memory_space<vmem>>, vector<16xf32>,
      %add3A_54 = arith.addf %add3A_51, %get3A_53 : vector<16xf32>
      %gt3A_55 = arith.constant 0.000000e+00 : f32
      %gt3A_56 = vector.broadcast %gt3A_55 : f32 to vector<16xf32>
      %gt3A_57 = arith.cmpf ogt, %add3A_54, %gt3A_56 : vector<16xf32>
      %all_reduce_population_count3A_58 = tpu.all_reduce %gt3A_57 {dim = 0 : i64, kind = #tpu.reduction_kind<sum>} : vector<16xi1> -> vector<16xi32>
      %slice3A_59 = vector.extract_strided_slice %all_reduce_population_count3A_58 {offsets = [0], sizes = [1], strides = [1]} : vector<16xi32> to vector<1xi32>
      %squeeze3A_60 = vector.extract %slice3A_59[0] : i32 from vector<1xi32>
      %add3A_61 = arith.addi %add3A_40, %squeeze3A_60 : i32
      %get3A_62 = arith.constant 48 : index
      %get3A_63 = tpu.vector_load %arg5[%get3A_62] {strides = array<i32>} : memref<320xf32, #tpu.memory_space<vmem>>, vector<16xf32>,
      %get3A_64 = arith.constant 112 : index
      %get3A_65 = tpu.vector_load %arg5[%get3A_64] {strides = array<i32>} : memref<320xf32, #tpu.memory_space<vmem>>, vector<16xf32>,
      %add3A_66 = arith.addf %get3A_63, %get3A_65 : vector<16xf32>
      %get3A_67 = arith.constant 176 : index
      %get3A_68 = tpu.vector_load %arg5[%get3A_67] {strides = array<i32>} : memref<320xf32, #tpu.memory_space<vmem>>, vector<16xf32>,
      %add3A_69 = arith.addf %add3A_66, %get3A_68 : vector<16xf32>
      %get3A_70 = arith.constant 240 : index
      %get3A_71 = tpu.vector_load %arg5[%get3A_70] {strides = array<i32>} : memref<320xf32, #tpu.memory_space<vmem>>, vector<16xf32>,
      %add3A_72 = arith.addf %add3A_69, %get3A_71 : vector<16xf32>
      %get3A_73 = arith.constant 304 : index
      %get3A_74 = tpu.vector_load %arg5[%get3A_73] {strides = array<i32>} : memref<320xf32, #tpu.memory_space<vmem>>, vector<16xf32>,
      %add3A_75 = arith.addf %add3A_72, %get3A_74 : vector<16xf32>
      %gt3A_76 = arith.constant 0.000000e+00 : f32
      %gt3A_77 = vector.broadcast %gt3A_76 : f32 to vector<16xf32>
      %gt3A_78 = arith.cmpf ogt, %add3A_75, %gt3A_77 : vector<16xf32>
      %all_reduce_population_count3A_79 = tpu.all_reduce %gt3A_78 {dim = 0 : i64, kind = #tpu.reduction_kind<sum>} : vector<16xi1> -> vector<16xi32>
      %slice3A_80 = vector.extract_strided_slice %all_reduce_population_count3A_79 {offsets = [0], sizes = [1], strides = [1]} : vector<16xi32> to vector<1xi32>
      %squeeze3A_81 = vector.extract %slice3A_80[0] : i32 from vector<1xi32>
      %add3A_82 = arith.addi %add3A_61, %squeeze3A_81 : i32
      %convert_element_type3A_83 = arith.sitofp %add3A_82 : i32 to f32
      %add3A_84 = arith.constant 0 : i32
      %add3A_85 = vector.broadcast %add3A_84 : i32 to vector<16xi32>
      %add3A_86 = arith.addi %iota3A, %add3A_85 : vector<16xi32>
      %get3A_87 = arith.constant 0 : index
      %get3A_88 = tpu.vector_load %arg5[%get3A_87] {strides = array<i32>} : memref<320xf32, #tpu.memory_space<vmem>>, vector<16xf32>,
      %mul3A_89 = arith.constant 6.400000e+01 : f32
      %mul3A_90 = vector.broadcast %mul3A_89 : f32 to vector<16xf32>
      %mul3A_91 = arith.mulf %get3A_88, %mul3A_90 : vector<16xf32>
      %get3A_92 = arith.constant 64 : index
      %get3A_93 = tpu.vector_load %arg5[%get3A_92] {strides = array<i32>} : memref<320xf32, #tpu.memory_space<vmem>>, vector<16xf32>,
      %mul3A_94 = arith.constant 6.400000e+01 : f32
      %mul3A_95 = vector.broadcast %mul3A_94 : f32 to vector<16xf32>
      %mul3A_96 = arith.mulf %get3A_93, %mul3A_95 : vector<16xf32>
      %get3A_97 = arith.constant 128 : index
      %get3A_98 = tpu.vector_load %arg5[%get3A_97] {strides = array<i32>} : memref<320xf32, #tpu.memory_space<vmem>>, vector<16xf32>,
      %mul3A_99 = arith.constant 6.400000e+01 : f32
      %mul3A_100 = vector.broadcast %mul3A_99 : f32 to vector<16xf32>
      %mul3A_101 = arith.mulf %get3A_98, %mul3A_100 : vector<16xf32>
      %get3A_102 = arith.constant 192 : index
      %get3A_103 = tpu.vector_load %arg5[%get3A_102] {strides = array<i32>} : memref<320xf32, #tpu.memory_space<vmem>>, vector<16xf32>,
      %mul3A_104 = arith.constant 6.400000e+01 : f32
      %mul3A_105 = vector.broadcast %mul3A_104 : f32 to vector<16xf32>
      %mul3A_106 = arith.mulf %get3A_103, %mul3A_105 : vector<16xf32>
      %get3A_107 = arith.constant 256 : index
      %get3A_108 = tpu.vector_load %arg5[%get3A_107] {strides = array<i32>} : memref<320xf32, #tpu.memory_space<vmem>>, vector<16xf32>,
      %convert_element_type3A_109 = arith.fptosi %mul3A_91 : vector<16xf32> to vector<16xi32>
      %convert_element_type3A_110 = arith.fptosi %mul3A_96 : vector<16xf32> to vector<16xi32>
      %convert_element_type3A_111 = arith.sitofp %convert_element_type3A_109 : vector<16xi32> to vector<16xf32>
      %convert_element_type3A_112 = arith.sitofp %convert_element_type3A_110 : vector<16xi32> to vector<16xf32>
      %mul3A_113 = arith.constant 64 : i32
      %mul3A_114 = vector.broadcast %mul3A_113 : i32 to vector<16xi32>
      %mul3A_115 = arith.muli %convert_element_type3A_110, %mul3A_114 : vector<16xi32>
      %add3A_116 = arith.addi %mul3A_115, %convert_element_type3A_109 : vector<16xi32>
      %add3A_117 = arith.constant 5.000000e-01 : f32
      %add3A_118 = vector.broadcast %add3A_117 : f32 to vector<16xf32>
      %add3A_119 = arith.addf %convert_element_type3A_111, %add3A_118 : vector<16xf32>
      %add3A_120 = arith.constant 5.000000e-01 : f32
      %add3A_121 = vector.broadcast %add3A_120 : f32 to vector<16xf32>
      %add3A_122 = arith.addf %convert_element_type3A_112, %add3A_121 : vector<16xf32>
      %mul3A_123 = arith.constant 5.000000e-01 : f32
      %mul3A_124 = vector.broadcast %mul3A_123 : f32 to vector<16xf32>
      %mul3A_125 = arith.mulf %mul3A_101, %mul3A_124 : vector<16xf32>
      %sub3A = arith.subf %mul3A_91, %mul3A_125 : vector<16xf32>
      %mul3A_126 = arith.constant 5.000000e-01 : f32
      %mul3A_127 = vector.broadcast %mul3A_126 : f32 to vector<16xf32>
      %mul3A_128 = arith.mulf %mul3A_101, %mul3A_127 : vector<16xf32>
      %add3A_129 = arith.addf %mul3A_91, %mul3A_128 : vector<16xf32>
      %mul3A_130 = arith.constant 5.000000e-01 : f32
      %mul3A_131 = vector.broadcast %mul3A_130 : f32 to vector<16xf32>
      %mul3A_132 = arith.mulf %mul3A_106, %mul3A_131 : vector<16xf32>
      %sub3A_133 = arith.subf %mul3A_96, %mul3A_132 : vector<16xf32>
      %mul3A_134 = arith.constant 5.000000e-01 : f32
      %mul3A_135 = vector.broadcast %mul3A_134 : f32 to vector<16xf32>
      %mul3A_136 = arith.mulf %mul3A_106, %mul3A_135 : vector<16xf32>
      %add3A_137 = arith.addf %mul3A_96, %mul3A_136 : vector<16xf32>
      %mul3A_138 = arith.mulf %mul3A_101, %mul3A_106 : vector<16xf32>
      %broadcast_in_dim3A = arith.constant -1.000000e+00 : f32
      %broadcast_in_dim3A_139 = vector.broadcast %broadcast_in_dim3A : f32 to vector<16xf32>
      %broadcast_in_dim3A_140 = arith.constant 0 : i32
      %broadcast_in_dim3A_141 = vector.broadcast %broadcast_in_dim3A_140 : i32 to vector<16xi32>
      %add3A_142 = arith.constant 6.250000e-01 : f32
      %add3A_143 = vector.broadcast %add3A_142 : f32 to vector<16xf32>
      %add3A_144 = arith.addf %add3A_119, %add3A_143 : vector<16xf32>
      %min3A = arith.minimumf %add3A_144, %add3A_129 : vector<16xf32>
      %sub3A_145 = arith.constant 6.250000e-01 : f32
      %sub3A_146 = vector.broadcast %sub3A_145 : f32 to vector<16xf32>
      %sub3A_147 = arith.subf %add3A_119, %sub3A_146 : vector<16xf32>
      %max3A = arith.maximumf %sub3A_147, %sub3A : vector<16xf32>
      %sub3A_148 = arith.subf %min3A, %max3A : vector<16xf32>
      %max3A_149 = arith.constant 0.000000e+00 : f32
      %max3A_150 = vector.broadcast %max3A_149 : f32 to vector<16xf32>
      %max3A_151 = arith.maximumf %sub3A_148, %max3A_150 : vector<16xf32>
      %add3A_152 = arith.constant 8.125000e-01 : f32
      %add3A_153 = vector.broadcast %add3A_152 : f32 to vector<16xf32>
      %add3A_154 = arith.addf %add3A_122, %add3A_153 : vector<16xf32>
      %min3A_155 = arith.minimumf %add3A_154, %add3A_137 : vector<16xf32>
      %sub3A_156 = arith.constant 8.125000e-01 : f32
      %sub3A_157 = vector.broadcast %sub3A_156 : f32 to vector<16xf32>
      %sub3A_158 = arith.subf %add3A_122, %sub3A_157 : vector<16xf32>
      %max3A_159 = arith.maximumf %sub3A_158, %sub3A_133 : vector<16xf32>
      %sub3A_160 = arith.subf %min3A_155, %max3A_159 : vector<16xf32>
      %max3A_161 = arith.constant 0.000000e+00 : f32
      %max3A_162 = vector.broadcast %max3A_161 : f32 to vector<16xf32>
      %max3A_163 = arith.maximumf %sub3A_160, %max3A_162 : vector<16xf32>
      %mul3A_164 = arith.mulf %max3A_151, %max3A_163 : vector<16xf32>
      %add3A_165 = arith.constant 2.031250e+00 : f32
      %add3A_166 = vector.broadcast %add3A_165 : f32 to vector<16xf32>
      %add3A_167 = arith.addf %add3A_166, %mul3A_138 : vector<16xf32>
      %sub3A_168 = arith.subf %add3A_167, %mul3A_164 : vector<16xf32>
      %max3A_169 = arith.constant 9.99999996E-13 : f32
      %max3A_170 = vector.broadcast %max3A_169 : f32 to vector<16xf32>
      %max3A_171 = arith.maximumf %sub3A_168, %max3A_170 : vector<16xf32>
      %div3A = arith.divf %mul3A_164, %max3A_171 : vector<16xf32>
      %add3A_172 = arith.constant 1.000000e+00 : f32
      %add3A_173 = vector.broadcast %add3A_172 : f32 to vector<16xf32>
      %add3A_174 = arith.addf %add3A_119, %add3A_173 : vector<16xf32>
      %min3A_175 = arith.minimumf %add3A_174, %add3A_129 : vector<16xf32>
      %sub3A_176 = arith.constant 1.000000e+00 : f32
      %sub3A_177 = vector.broadcast %sub3A_176 : f32 to vector<16xf32>
      %sub3A_178 = arith.subf %add3A_119, %sub3A_177 : vector<16xf32>
      %max3A_179 = arith.maximumf %sub3A_178, %sub3A : vector<16xf32>
      %sub3A_180 = arith.subf %min3A_175, %max3A_179 : vector<16xf32>
      %max3A_181 = arith.constant 0.000000e+00 : f32
      %max3A_182 = vector.broadcast %max3A_181 : f32 to vector<16xf32>
      %max3A_183 = arith.maximumf %sub3A_180, %max3A_182 : vector<16xf32>
      %add3A_184 = arith.constant 1.875000e+00 : f32
      %add3A_185 = vector.broadcast %add3A_184 : f32 to vector<16xf32>
      %add3A_186 = arith.addf %add3A_122, %add3A_185 : vector<16xf32>
      %min3A_187 = arith.minimumf %add3A_186, %add3A_137 : vector<16xf32>
      %sub3A_188 = arith.constant 1.875000e+00 : f32
      %sub3A_189 = vector.broadcast %sub3A_188 : f32 to vector<16xf32>
      %sub3A_190 = arith.subf %add3A_122, %sub3A_189 : vector<16xf32>
      %max3A_191 = arith.maximumf %sub3A_190, %sub3A_133 : vector<16xf32>
      %sub3A_192 = arith.subf %min3A_187, %max3A_191 : vector<16xf32>
      %max3A_193 = arith.constant 0.000000e+00 : f32
      %max3A_194 = vector.broadcast %max3A_193 : f32 to vector<16xf32>
      %max3A_195 = arith.maximumf %sub3A_192, %max3A_194 : vector<16xf32>
      %mul3A_196 = arith.mulf %max3A_183, %max3A_195 : vector<16xf32>
      %add3A_197 = arith.constant 7.500000e+00 : f32
      %add3A_198 = vector.broadcast %add3A_197 : f32 to vector<16xf32>
      %add3A_199 = arith.addf %add3A_198, %mul3A_138 : vector<16xf32>
      %sub3A_200 = arith.subf %add3A_199, %mul3A_196 : vector<16xf32>
      %max3A_201 = arith.constant 9.99999996E-13 : f32
      %max3A_202 = vector.broadcast %max3A_201 : f32 to vector<16xf32>
      %max3A_203 = arith.maximumf %sub3A_200, %max3A_202 : vector<16xf32>
      %div3A_204 = arith.divf %mul3A_196, %max3A_203 : vector<16xf32>
      %gt3A_205 = arith.cmpf ogt, %div3A_204, %div3A : vector<16xf32>
      %jit3A = arith.constant 1 : i32
      %broadcast_in_dim3A_206 = vector.broadcast %jit3A : i32 to vector<16xi32>
      %select_n3A = arith.select %gt3A_205, %broadcast_in_dim3A_206, %broadcast_in_dim3A_141 : vector<16xi1>, vector<16xi32>
      %max3A_207 = arith.maximumf %div3A, %div3A_204 : vector<16xf32>
      %add3A_208 = arith.constant 2.062500e+00 : f32
      %add3A_209 = vector.broadcast %add3A_208 : f32 to vector<16xf32>
      %add3A_210 = arith.addf %add3A_119, %add3A_209 : vector<16xf32>
      %min3A_211 = arith.minimumf %add3A_210, %add3A_129 : vector<16xf32>
      %sub3A_212 = arith.constant 2.062500e+00 : f32
      %sub3A_213 = vector.broadcast %sub3A_212 : f32 to vector<16xf32>
      %sub3A_214 = arith.subf %add3A_119, %sub3A_213 : vector<16xf32>
      %max3A_215 = arith.maximumf %sub3A_214, %sub3A : vector<16xf32>
      %sub3A_216 = arith.subf %min3A_211, %max3A_215 : vector<16xf32>
      %max3A_217 = arith.constant 0.000000e+00 : f32
      %max3A_218 = vector.broadcast %max3A_217 : f32 to vector<16xf32>
      %max3A_219 = arith.maximumf %sub3A_216, %max3A_218 : vector<16xf32>
      %add3A_220 = arith.constant 1.437500e+00 : f32
      %add3A_221 = vector.broadcast %add3A_220 : f32 to vector<16xf32>
      %add3A_222 = arith.addf %add3A_122, %add3A_221 : vector<16xf32>
      %min3A_223 = arith.minimumf %add3A_222, %add3A_137 : vector<16xf32>
      %sub3A_224 = arith.constant 1.437500e+00 : f32
      %sub3A_225 = vector.broadcast %sub3A_224 : f32 to vector<16xf32>
      %sub3A_226 = arith.subf %add3A_122, %sub3A_225 : vector<16xf32>
      %max3A_227 = arith.maximumf %sub3A_226, %sub3A_133 : vector<16xf32>
      %sub3A_228 = arith.subf %min3A_223, %max3A_227 : vector<16xf32>
      %max3A_229 = arith.constant 0.000000e+00 : f32
      %max3A_230 = vector.broadcast %max3A_229 : f32 to vector<16xf32>
      %max3A_231 = arith.maximumf %sub3A_228, %max3A_230 : vector<16xf32>
      %mul3A_232 = arith.mulf %max3A_219, %max3A_231 : vector<16xf32>
      %add3A_233 = arith.constant 11.859375 : f32
      %add3A_234 = vector.broadcast %add3A_233 : f32 to vector<16xf32>
      %add3A_235 = arith.addf %add3A_234, %mul3A_138 : vector<16xf32>
      %sub3A_236 = arith.subf %add3A_235, %mul3A_232 : vector<16xf32>
      %max3A_237 = arith.constant 9.99999996E-13 : f32
      %max3A_238 = vector.broadcast %max3A_237 : f32 to vector<16xf32>
      %max3A_239 = arith.maximumf %sub3A_236, %max3A_238 : vector<16xf32>
      %div3A_240 = arith.divf %mul3A_232, %max3A_239 : vector<16xf32>
      %gt3A_241 = arith.cmpf ogt, %div3A_240, %max3A_207 : vector<16xf32>
      %jit3A_242 = arith.constant 2 : i32
      %broadcast_in_dim3A_243 = vector.broadcast %jit3A_242 : i32 to vector<16xi32>
      %select_n3A_244 = arith.select %gt3A_241, %broadcast_in_dim3A_243, %select_n3A : vector<16xi1>, vector<16xi32>
      %max3A_245 = arith.maximumf %max3A_207, %div3A_240 : vector<16xf32>
      %add3A_246 = arith.constant 1.875000e+00 : f32
      %add3A_247 = vector.broadcast %add3A_246 : f32 to vector<16xf32>
      %add3A_248 = arith.addf %add3A_119, %add3A_247 : vector<16xf32>
      %min3A_249 = arith.minimumf %add3A_248, %add3A_129 : vector<16xf32>
      %sub3A_250 = arith.constant 1.875000e+00 : f32
      %sub3A_251 = vector.broadcast %sub3A_250 : f32 to vector<16xf32>
      %sub3A_252 = arith.subf %add3A_119, %sub3A_251 : vector<16xf32>
      %max3A_253 = arith.maximumf %sub3A_252, %sub3A : vector<16xf32>
      %sub3A_254 = arith.subf %min3A_249, %max3A_253 : vector<16xf32>
      %max3A_255 = arith.constant 0.000000e+00 : f32
      %max3A_256 = vector.broadcast %max3A_255 : f32 to vector<16xf32>
      %max3A_257 = arith.maximumf %sub3A_254, %max3A_256 : vector<16xf32>
      %add3A_258 = arith.constant 3.812500e+00 : f32
      %add3A_259 = vector.broadcast %add3A_258 : f32 to vector<16xf32>
      %add3A_260 = arith.addf %add3A_122, %add3A_259 : vector<16xf32>
      %min3A_261 = arith.minimumf %add3A_260, %add3A_137 : vector<16xf32>
      %sub3A_262 = arith.constant 3.812500e+00 : f32
      %sub3A_263 = vector.broadcast %sub3A_262 : f32 to vector<16xf32>
      %sub3A_264 = arith.subf %add3A_122, %sub3A_263 : vector<16xf32>
      %max3A_265 = arith.maximumf %sub3A_264, %sub3A_133 : vector<16xf32>
      %sub3A_266 = arith.subf %min3A_261, %max3A_265 : vector<16xf32>
      %max3A_267 = arith.constant 0.000000e+00 : f32
      %max3A_268 = vector.broadcast %max3A_267 : f32 to vector<16xf32>
      %max3A_269 = arith.maximumf %sub3A_266, %max3A_268 : vector<16xf32>
      %mul3A_270 = arith.mulf %max3A_257, %max3A_269 : vector<16xf32>
      %add3A_271 = arith.constant 28.59375 : f32
      %add3A_272 = vector.broadcast %add3A_271 : f32 to vector<16xf32>
      %add3A_273 = arith.addf %add3A_272, %mul3A_138 : vector<16xf32>
      %sub3A_274 = arith.subf %add3A_273, %mul3A_270 : vector<16xf32>
      %max3A_275 = arith.constant 9.99999996E-13 : f32
      %max3A_276 = vector.broadcast %max3A_275 : f32 to vector<16xf32>
      %max3A_277 = arith.maximumf %sub3A_274, %max3A_276 : vector<16xf32>
      %div3A_278 = arith.divf %mul3A_270, %max3A_277 : vector<16xf32>
      %gt3A_279 = arith.cmpf ogt, %div3A_278, %max3A_245 : vector<16xf32>
      %jit3A_280 = arith.constant 3 : i32
      %broadcast_in_dim3A_281 = vector.broadcast %jit3A_280 : i32 to vector<16xi32>
      %select_n3A_282 = arith.select %gt3A_279, %broadcast_in_dim3A_281, %select_n3A_244 : vector<16xi1>, vector<16xi32>
      %max3A_283 = arith.maximumf %max3A_245, %div3A_278 : vector<16xf32>
      %add3A_284 = arith.constant 3.875000e+00 : f32
      %add3A_285 = vector.broadcast %add3A_284 : f32 to vector<16xf32>
      %add3A_286 = arith.addf %add3A_119, %add3A_285 : vector<16xf32>
      %min3A_287 = arith.minimumf %add3A_286, %add3A_129 : vector<16xf32>
      %sub3A_288 = arith.constant 3.875000e+00 : f32
      %sub3A_289 = vector.broadcast %sub3A_288 : f32 to vector<16xf32>
      %sub3A_290 = arith.subf %add3A_119, %sub3A_289 : vector<16xf32>
      %max3A_291 = arith.maximumf %sub3A_290, %sub3A : vector<16xf32>
      %sub3A_292 = arith.subf %min3A_287, %max3A_291 : vector<16xf32>
      %max3A_293 = arith.constant 0.000000e+00 : f32
      %max3A_294 = vector.broadcast %max3A_293 : f32 to vector<16xf32>
      %max3A_295 = arith.maximumf %sub3A_292, %max3A_294 : vector<16xf32>
      %add3A_296 = arith.constant 2.812500e+00 : f32
      %add3A_297 = vector.broadcast %add3A_296 : f32 to vector<16xf32>
      %add3A_298 = arith.addf %add3A_122, %add3A_297 : vector<16xf32>
      %min3A_299 = arith.minimumf %add3A_298, %add3A_137 : vector<16xf32>
      %sub3A_300 = arith.constant 2.812500e+00 : f32
      %sub3A_301 = vector.broadcast %sub3A_300 : f32 to vector<16xf32>
      %sub3A_302 = arith.subf %add3A_122, %sub3A_301 : vector<16xf32>
      %max3A_303 = arith.maximumf %sub3A_302, %sub3A_133 : vector<16xf32>
      %sub3A_304 = arith.subf %min3A_299, %max3A_303 : vector<16xf32>
      %max3A_305 = arith.constant 0.000000e+00 : f32
      %max3A_306 = vector.broadcast %max3A_305 : f32 to vector<16xf32>
      %max3A_307 = arith.maximumf %sub3A_304, %max3A_306 : vector<16xf32>
      %mul3A_308 = arith.mulf %max3A_295, %max3A_307 : vector<16xf32>
      %add3A_309 = arith.constant 43.59375 : f32
      %add3A_310 = vector.broadcast %add3A_309 : f32 to vector<16xf32>
      %add3A_311 = arith.addf %add3A_310, %mul3A_138 : vector<16xf32>
      %sub3A_312 = arith.subf %add3A_311, %mul3A_308 : vector<16xf32>
      %max3A_313 = arith.constant 9.99999996E-13 : f32
      %max3A_314 = vector.broadcast %max3A_313 : f32 to vector<16xf32>
      %max3A_315 = arith.maximumf %sub3A_312, %max3A_314 : vector<16xf32>
      %div3A_316 = arith.divf %mul3A_308, %max3A_315 : vector<16xf32>
      %gt3A_317 = arith.cmpf ogt, %div3A_316, %max3A_283 : vector<16xf32>
      %jit3A_318 = arith.constant 4 : i32
      %broadcast_in_dim3A_319 = vector.broadcast %jit3A_318 : i32 to vector<16xi32>
      %select_n3A_320 = arith.select %gt3A_317, %broadcast_in_dim3A_319, %select_n3A_282 : vector<16xi1>, vector<16xi32>
      %max3A_321 = arith.maximumf %max3A_283, %div3A_316 : vector<16xf32>
      %add3A_322 = arith.constant 3.687500e+00 : f32
      %add3A_323 = vector.broadcast %add3A_322 : f32 to vector<16xf32>
      %add3A_324 = arith.addf %add3A_119, %add3A_323 : vector<16xf32>
      %min3A_325 = arith.minimumf %add3A_324, %add3A_129 : vector<16xf32>
      %sub3A_326 = arith.constant 3.687500e+00 : f32
      %sub3A_327 = vector.broadcast %sub3A_326 : f32 to vector<16xf32>
      %sub3A_328 = arith.subf %add3A_119, %sub3A_327 : vector<16xf32>
      %max3A_329 = arith.maximumf %sub3A_328, %sub3A : vector<16xf32>
      %sub3A_330 = arith.subf %min3A_325, %max3A_329 : vector<16xf32>
      %max3A_331 = arith.constant 0.000000e+00 : f32
      %max3A_332 = vector.broadcast %max3A_331 : f32 to vector<16xf32>
      %max3A_333 = arith.maximumf %sub3A_330, %max3A_332 : vector<16xf32>
      %add3A_334 = arith.constant 7.437500e+00 : f32
      %add3A_335 = vector.broadcast %add3A_334 : f32 to vector<16xf32>
      %add3A_336 = arith.addf %add3A_122, %add3A_335 : vector<16xf32>
      %min3A_337 = arith.minimumf %add3A_336, %add3A_137 : vector<16xf32>
      %sub3A_338 = arith.constant 7.437500e+00 : f32
      %sub3A_339 = vector.broadcast %sub3A_338 : f32 to vector<16xf32>
      %sub3A_340 = arith.subf %add3A_122, %sub3A_339 : vector<16xf32>
      %max3A_341 = arith.maximumf %sub3A_340, %sub3A_133 : vector<16xf32>
      %sub3A_342 = arith.subf %min3A_337, %max3A_341 : vector<16xf32>
      %max3A_343 = arith.constant 0.000000e+00 : f32
      %max3A_344 = vector.broadcast %max3A_343 : f32 to vector<16xf32>
      %max3A_345 = arith.maximumf %sub3A_342, %max3A_344 : vector<16xf32>
      %mul3A_346 = arith.mulf %max3A_333, %max3A_345 : vector<16xf32>
      %add3A_347 = arith.constant 109.703125 : f32
      %add3A_348 = vector.broadcast %add3A_347 : f32 to vector<16xf32>
      %add3A_349 = arith.addf %add3A_348, %mul3A_138 : vector<16xf32>
      %sub3A_350 = arith.subf %add3A_349, %mul3A_346 : vector<16xf32>
      %max3A_351 = arith.constant 9.99999996E-13 : f32
      %max3A_352 = vector.broadcast %max3A_351 : f32 to vector<16xf32>
      %max3A_353 = arith.maximumf %sub3A_350, %max3A_352 : vector<16xf32>
      %div3A_354 = arith.divf %mul3A_346, %max3A_353 : vector<16xf32>
      %gt3A_355 = arith.cmpf ogt, %div3A_354, %max3A_321 : vector<16xf32>
      %jit3A_356 = arith.constant 5 : i32
      %broadcast_in_dim3A_357 = vector.broadcast %jit3A_356 : i32 to vector<16xi32>
      %select_n3A_358 = arith.select %gt3A_355, %broadcast_in_dim3A_357, %select_n3A_320 : vector<16xi1>, vector<16xi32>
      %max3A_359 = arith.maximumf %max3A_321, %div3A_354 : vector<16xf32>
      %add3A_360 = arith.constant 7.250000e+00 : f32
      %add3A_361 = vector.broadcast %add3A_360 : f32 to vector<16xf32>
      %add3A_362 = arith.addf %add3A_119, %add3A_361 : vector<16xf32>
      %min3A_363 = arith.minimumf %add3A_362, %add3A_129 : vector<16xf32>
      %sub3A_364 = arith.constant 7.250000e+00 : f32
      %sub3A_365 = vector.broadcast %sub3A_364 : f32 to vector<16xf32>
      %sub3A_366 = arith.subf %add3A_119, %sub3A_365 : vector<16xf32>
      %max3A_367 = arith.maximumf %sub3A_366, %sub3A : vector<16xf32>
      %sub3A_368 = arith.subf %min3A_363, %max3A_367 : vector<16xf32>
      %max3A_369 = arith.constant 0.000000e+00 : f32
      %max3A_370 = vector.broadcast %max3A_369 : f32 to vector<16xf32>
      %max3A_371 = arith.maximumf %sub3A_368, %max3A_370 : vector<16xf32>
      %add3A_372 = arith.constant 5.625000e+00 : f32
      %add3A_373 = vector.broadcast %add3A_372 : f32 to vector<16xf32>
      %add3A_374 = arith.addf %add3A_122, %add3A_373 : vector<16xf32>
      %min3A_375 = arith.minimumf %add3A_374, %add3A_137 : vector<16xf32>
      %sub3A_376 = arith.constant 5.625000e+00 : f32
      %sub3A_377 = vector.broadcast %sub3A_376 : f32 to vector<16xf32>
      %sub3A_378 = arith.subf %add3A_122, %sub3A_377 : vector<16xf32>
      %max3A_379 = arith.maximumf %sub3A_378, %sub3A_133 : vector<16xf32>
      %sub3A_380 = arith.subf %min3A_375, %max3A_379 : vector<16xf32>
      %max3A_381 = arith.constant 0.000000e+00 : f32
      %max3A_382 = vector.broadcast %max3A_381 : f32 to vector<16xf32>
      %max3A_383 = arith.maximumf %sub3A_380, %max3A_382 : vector<16xf32>
      %mul3A_384 = arith.mulf %max3A_371, %max3A_383 : vector<16xf32>
      %add3A_385 = arith.constant 1.631250e+02 : f32
      %add3A_386 = vector.broadcast %add3A_385 : f32 to vector<16xf32>
      %add3A_387 = arith.addf %add3A_386, %mul3A_138 : vector<16xf32>
      %sub3A_388 = arith.subf %add3A_387, %mul3A_384 : vector<16xf32>
      %max3A_389 = arith.constant 9.99999996E-13 : f32
      %max3A_390 = vector.broadcast %max3A_389 : f32 to vector<16xf32>
      %max3A_391 = arith.maximumf %sub3A_388, %max3A_390 : vector<16xf32>
      %div3A_392 = arith.divf %mul3A_384, %max3A_391 : vector<16xf32>
      %gt3A_393 = arith.cmpf ogt, %div3A_392, %max3A_359 : vector<16xf32>
      %jit3A_394 = arith.constant 6 : i32
      %broadcast_in_dim3A_395 = vector.broadcast %jit3A_394 : i32 to vector<16xi32>
      %select_n3A_396 = arith.select %gt3A_393, %broadcast_in_dim3A_395, %select_n3A_358 : vector<16xi1>, vector<16xi32>
      %max3A_397 = arith.maximumf %max3A_359, %div3A_392 : vector<16xf32>
      %add3A_398 = arith.constant 9.750000e+00 : f32
      %add3A_399 = vector.broadcast %add3A_398 : f32 to vector<16xf32>
      %add3A_400 = arith.addf %add3A_119, %add3A_399 : vector<16xf32>
      %min3A_401 = arith.minimumf %add3A_400, %add3A_129 : vector<16xf32>
      %sub3A_402 = arith.constant 9.750000e+00 : f32
      %sub3A_403 = vector.broadcast %sub3A_402 : f32 to vector<16xf32>
      %sub3A_404 = arith.subf %add3A_119, %sub3A_403 : vector<16xf32>
      %max3A_405 = arith.maximumf %sub3A_404, %sub3A : vector<16xf32>
      %sub3A_406 = arith.subf %min3A_401, %max3A_405 : vector<16xf32>
      %max3A_407 = arith.constant 0.000000e+00 : f32
      %max3A_408 = vector.broadcast %max3A_407 : f32 to vector<16xf32>
      %max3A_409 = arith.maximumf %sub3A_406, %max3A_408 : vector<16xf32>
      %add3A_410 = arith.constant 1.237500e+01 : f32
      %add3A_411 = vector.broadcast %add3A_410 : f32 to vector<16xf32>
      %add3A_412 = arith.addf %add3A_122, %add3A_411 : vector<16xf32>
      %min3A_413 = arith.minimumf %add3A_412, %add3A_137 : vector<16xf32>
      %sub3A_414 = arith.constant 1.237500e+01 : f32
      %sub3A_415 = vector.broadcast %sub3A_414 : f32 to vector<16xf32>
      %sub3A_416 = arith.subf %add3A_122, %sub3A_415 : vector<16xf32>
      %max3A_417 = arith.maximumf %sub3A_416, %sub3A_133 : vector<16xf32>
      %sub3A_418 = arith.subf %min3A_413, %max3A_417 : vector<16xf32>
      %max3A_419 = arith.constant 0.000000e+00 : f32
      %max3A_420 = vector.broadcast %max3A_419 : f32 to vector<16xf32>
      %max3A_421 = arith.maximumf %sub3A_418, %max3A_420 : vector<16xf32>
      %mul3A_422 = arith.mulf %max3A_409, %max3A_421 : vector<16xf32>
      %add3A_423 = arith.constant 4.826250e+02 : f32
      %add3A_424 = vector.broadcast %add3A_423 : f32 to vector<16xf32>
      %add3A_425 = arith.addf %add3A_424, %mul3A_138 : vector<16xf32>
      %sub3A_426 = arith.subf %add3A_425, %mul3A_422 : vector<16xf32>
      %max3A_427 = arith.constant 9.99999996E-13 : f32
      %max3A_428 = vector.broadcast %max3A_427 : f32 to vector<16xf32>
      %max3A_429 = arith.maximumf %sub3A_426, %max3A_428 : vector<16xf32>
      %div3A_430 = arith.divf %mul3A_422, %max3A_429 : vector<16xf32>
      %gt3A_431 = arith.cmpf ogt, %div3A_430, %max3A_397 : vector<16xf32>
      %jit3A_432 = arith.constant 7 : i32
      %broadcast_in_dim3A_433 = vector.broadcast %jit3A_432 : i32 to vector<16xi32>
      %select_n3A_434 = arith.select %gt3A_431, %broadcast_in_dim3A_433, %select_n3A_396 : vector<16xi1>, vector<16xi32>
      %max3A_435 = arith.maximumf %max3A_397, %div3A_430 : vector<16xf32>
      %add3A_436 = arith.constant 2.331250e+01 : f32
      %add3A_437 = vector.broadcast %add3A_436 : f32 to vector<16xf32>
      %add3A_438 = arith.addf %add3A_119, %add3A_437 : vector<16xf32>
      %min3A_439 = arith.minimumf %add3A_438, %add3A_129 : vector<16xf32>
      %sub3A_440 = arith.constant 2.331250e+01 : f32
      %sub3A_441 = vector.broadcast %sub3A_440 : f32 to vector<16xf32>
      %sub3A_442 = arith.subf %add3A_119, %sub3A_441 : vector<16xf32>
      %max3A_443 = arith.maximumf %sub3A_442, %sub3A : vector<16xf32>
      %sub3A_444 = arith.subf %min3A_439, %max3A_443 : vector<16xf32>
      %max3A_445 = arith.constant 0.000000e+00 : f32
      %max3A_446 = vector.broadcast %max3A_445 : f32 to vector<16xf32>
      %max3A_447 = arith.maximumf %sub3A_444, %max3A_446 : vector<16xf32>
      %add3A_448 = arith.constant 2.037500e+01 : f32
      %add3A_449 = vector.broadcast %add3A_448 : f32 to vector<16xf32>
      %add3A_450 = arith.addf %add3A_122, %add3A_449 : vector<16xf32>
      %min3A_451 = arith.minimumf %add3A_450, %add3A_137 : vector<16xf32>
      %sub3A_452 = arith.constant 2.037500e+01 : f32
      %sub3A_453 = vector.broadcast %sub3A_452 : f32 to vector<16xf32>
      %sub3A_454 = arith.subf %add3A_122, %sub3A_453 : vector<16xf32>
      %max3A_455 = arith.maximumf %sub3A_454, %sub3A_133 : vector<16xf32>
      %sub3A_456 = arith.subf %min3A_451, %max3A_455 : vector<16xf32>
      %max3A_457 = arith.constant 0.000000e+00 : f32
      %max3A_458 = vector.broadcast %max3A_457 : f32 to vector<16xf32>
      %max3A_459 = arith.maximumf %sub3A_456, %max3A_458 : vector<16xf32>
      %mul3A_460 = arith.mulf %max3A_447, %max3A_459 : vector<16xf32>
      %add3A_461 = arith.constant 1899.96875 : f32
      %add3A_462 = vector.broadcast %add3A_461 : f32 to vector<16xf32>
      %add3A_463 = arith.addf %add3A_462, %mul3A_138 : vector<16xf32>
      %sub3A_464 = arith.subf %add3A_463, %mul3A_460 : vector<16xf32>
      %max3A_465 = arith.constant 9.99999996E-13 : f32
      %max3A_466 = vector.broadcast %max3A_465 : f32 to vector<16xf32>
      %max3A_467 = arith.maximumf %sub3A_464, %max3A_466 : vector<16xf32>
      %div3A_468 = arith.divf %mul3A_460, %max3A_467 : vector<16xf32>
      %gt3A_469 = arith.cmpf ogt, %div3A_468, %max3A_435 : vector<16xf32>
      %jit3A_470 = arith.constant 8 : i32
      %broadcast_in_dim3A_471 = vector.broadcast %jit3A_470 : i32 to vector<16xi32>
      %select_n3A_472 = arith.select %gt3A_469, %broadcast_in_dim3A_471, %select_n3A_434 : vector<16xi1>, vector<16xi32>
      %max3A_473 = arith.maximumf %max3A_435, %div3A_468 : vector<16xf32>
      %lt3A_474 = vector.broadcast %add3A_82 : i32 to vector<16xi32>
      %lt3A_475 = arith.cmpi slt, %add3A_86, %lt3A_474 : vector<16xi32>
      %lt3A_476 = arith.constant 3 : i32
      %lt3A_477 = vector.broadcast %lt3A_476 : i32 to vector<16xi32>
      %lt3A_478 = arith.cmpi slt, %select_n3A_472, %lt3A_477 : vector<16xi32>
      %and3A = arith.andi %lt3A_475, %lt3A_478 : vector<16xi1>
      %jit3A_479 = arith.constant 0 : i32
      %broadcast_in_dim3A_480 = vector.broadcast %jit3A_479 : i32 to vector<16xi32>
      %select_n3A_481 = arith.select %and3A, %select_n3A_472, %broadcast_in_dim3A_480 : vector<16xi1>, vector<16xi32>
      %eq3A = arith.constant 0 : i32
      %eq3A_482 = vector.broadcast %eq3A : i32 to vector<16xi32>
      %eq3A_483 = arith.cmpi eq, %select_n3A_481, %eq3A_482 : vector<16xi32>
      %eq3A_484 = arith.constant 1 : i32
      %eq3A_485 = vector.broadcast %eq3A_484 : i32 to vector<16xi32>
      %eq3A_486 = arith.cmpi eq, %select_n3A_481, %eq3A_485 : vector<16xi32>
      %jit3A_487 = arith.constant 2.000000e+00 : f32
      %jit3A_488 = arith.constant 4.125000e+00 : f32
      %broadcast_in_dim3A_489 = vector.broadcast %jit3A_487 : f32 to vector<16xf32>
      %broadcast_in_dim3A_490 = vector.broadcast %jit3A_488 : f32 to vector<16xf32>
      %select_n3A_491 = arith.select %eq3A_486, %broadcast_in_dim3A_489, %broadcast_in_dim3A_490 : vector<16xi1>, vector<16xf32>
      %jit3A_492 = arith.constant 1.250000e+00 : f32
      %broadcast_in_dim3A_493 = vector.broadcast %jit3A_492 : f32 to vector<16xf32>
      %select_n3A_494 = arith.select %eq3A_483, %broadcast_in_dim3A_493, %select_n3A_491 : vector<16xi1>, vector<16xf32>
      %eq3A_495 = arith.constant 0 : i32
      %eq3A_496 = vector.broadcast %eq3A_495 : i32 to vector<16xi32>
      %eq3A_497 = arith.cmpi eq, %select_n3A_481, %eq3A_496 : vector<16xi32>
      %eq3A_498 = arith.constant 1 : i32
      %eq3A_499 = vector.broadcast %eq3A_498 : i32 to vector<16xi32>
      %eq3A_500 = arith.cmpi eq, %select_n3A_481, %eq3A_499 : vector<16xi32>
      %jit3A_501 = arith.constant 3.750000e+00 : f32
      %jit3A_502 = arith.constant 2.875000e+00 : f32
      %broadcast_in_dim3A_503 = vector.broadcast %jit3A_501 : f32 to vector<16xf32>
      %broadcast_in_dim3A_504 = vector.broadcast %jit3A_502 : f32 to vector<16xf32>
      %select_n3A_505 = arith.select %eq3A_500, %broadcast_in_dim3A_503, %broadcast_in_dim3A_504 : vector<16xi1>, vector<16xf32>
      %jit3A_506 = arith.constant 1.625000e+00 : f32
      %broadcast_in_dim3A_507 = vector.broadcast %jit3A_506 : f32 to vector<16xf32>
      %select_n3A_508 = arith.select %eq3A_497, %broadcast_in_dim3A_507, %select_n3A_505 : vector<16xi1>, vector<16xf32>
      %sub3A_509 = arith.subf %mul3A_91, %convert_element_type3A_111 : vector<16xf32>
      %sub3A_510 = arith.subf %mul3A_96, %convert_element_type3A_112 : vector<16xf32>
      %div3A_511 = arith.divf %mul3A_101, %select_n3A_494 : vector<16xf32>
      %div3A_512 = arith.divf %mul3A_106, %select_n3A_508 : vector<16xf32>
      %mul3A_513 = arith.constant 2.44140625E-4 : f32
      %mul3A_514 = vector.broadcast %mul3A_513 : f32 to vector<16xf32>
      %mul3A_515 = arith.mulf %mul3A_138, %mul3A_514 : vector<16xf32>
      %sub3A_516 = arith.constant 2.000000e+00 : f32
      %sub3A_517 = vector.broadcast %sub3A_516 : f32 to vector<16xf32>
      %sub3A_518 = arith.subf %sub3A_517, %mul3A_515 : vector<16xf32>
      %broadcast_in_dim3A_519 = arith.constant 1.200000e+00 : f32
      %broadcast_in_dim3A_520 = vector.broadcast %broadcast_in_dim3A_519 : f32 to vector<16xf32>
      %div3A_521 = arith.divf %sub3A_518, %broadcast_in_dim3A_520 : vector<16xf32>
      %add3A_522 = arith.addf %broadcast_in_dim3A_520, %div3A_521 : vector<16xf32>
      %mul3A_523 = arith.constant 5.000000e-01 : f32
      %mul3A_524 = vector.broadcast %mul3A_523 : f32 to vector<16xf32>
      %mul3A_525 = arith.mulf %mul3A_524, %add3A_522 : vector<16xf32>
      %div3A_526 = arith.divf %sub3A_518, %mul3A_525 : vector<16xf32>
      %add3A_527 = arith.addf %mul3A_525, %div3A_526 : vector<16xf32>
      %mul3A_528 = arith.constant 5.000000e-01 : f32
      %mul3A_529 = vector.broadcast %mul3A_528 : f32 to vector<16xf32>
      %mul3A_530 = arith.mulf %mul3A_529, %add3A_527 : vector<16xf32>
      %div3A_531 = arith.divf %sub3A_518, %mul3A_530 : vector<16xf32>
      %add3A_532 = arith.addf %mul3A_530, %div3A_531 : vector<16xf32>
      %mul3A_533 = arith.constant 5.000000e-01 : f32
      %mul3A_534 = vector.broadcast %mul3A_533 : f32 to vector<16xf32>
      %mul3A_535 = arith.mulf %mul3A_534, %add3A_532 : vector<16xf32>
      %div3A_536 = arith.divf %sub3A_518, %mul3A_535 : vector<16xf32>
      %add3A_537 = arith.addf %mul3A_535, %div3A_536 : vector<16xf32>
      %mul3A_538 = arith.constant 5.000000e-01 : f32
      %mul3A_539 = vector.broadcast %mul3A_538 : f32 to vector<16xf32>
      %mul3A_540 = arith.mulf %mul3A_539, %add3A_537 : vector<16xf32>
      %convert_element_type3A_541 = arith.fptosi %get3A_108 : vector<16xf32> to vector<16xi32>
      %min3A_542 = arith.constant 79 : i32
      %min3A_543 = vector.broadcast %min3A_542 : i32 to vector<16xi32>
      %min3A_544 = arith.minsi %convert_element_type3A_541, %min3A_543 : vector<16xi32>
      %mul3A_545 = arith.constant 3 : i32
      %mul3A_546 = vector.broadcast %mul3A_545 : i32 to vector<16xi32>
      %mul3A_547 = arith.muli %add3A_116, %mul3A_546 : vector<16xi32>
      %add3A_548 = arith.addi %mul3A_547, %select_n3A_481 : vector<16xi32>
      %sub3A_549 = arith.constant -1 : i32
      %sub3A_550 = vector.broadcast %sub3A_549 : i32 to vector<16xi32>
      %sub3A_551 = arith.subi %sub3A_550, %add3A_86 : vector<16xi32>
      %select_n3A_552 = arith.select %and3A, %add3A_548, %sub3A_551 : vector<16xi1>, vector<16xi32>
      %swap3A = arith.constant 0 : i32
      %swap3A_553 = arith.index_cast %swap3A : i32 to index
      %swap3A_554 = arith.constant 0 : index
      %swap3A_555 = tpu.vector_load %arg7[%swap3A_553, %swap3A_554] {strides = array<i32>} : memref<6x64xi32, #tpu.memory_space<vmem>>, vector<16xi32>,
      tpu.vector_store %arg7[%swap3A_553, %swap3A_554], %select_n3A_552 {strides = array<i32>} : memref<6x64xi32, #tpu.memory_space<vmem>>, vector<16xi32>,
      %mul3A_556 = arith.constant 128 : i32
      %mul3A_557 = vector.broadcast %mul3A_556 : i32 to vector<16xi32>
      %mul3A_558 = arith.muli %add3A_548, %mul3A_557 : vector<16xi32>
      %add3A_559 = arith.addi %mul3A_558, %min3A_544 : vector<16xi32>
      %select_n3A_560 = arith.select %and3A, %add3A_559, %sub3A_551 : vector<16xi1>, vector<16xi32>
      %swap3A_561 = arith.constant 1 : i32
      %swap3A_562 = arith.index_cast %swap3A_561 : i32 to index
      %swap3A_563 = arith.constant 0 : index
      %swap3A_564 = tpu.vector_load %arg7[%swap3A_562, %swap3A_563] {strides = array<i32>} : memref<6x64xi32, #tpu.memory_space<vmem>>, vector<16xi32>,
      tpu.vector_store %arg7[%swap3A_562, %swap3A_563], %select_n3A_560 {strides = array<i32>} : memref<6x64xi32, #tpu.memory_space<vmem>>, vector<16xi32>,
      %swap3A_565 = arith.constant 2 : i32
      %swap3A_566 = arith.index_cast %swap3A_565 : i32 to index
      %swap3A_567 = arith.constant 0 : index
      %swap3A_568 = tpu.vector_load %arg7[%swap3A_566, %swap3A_567] {strides = array<i32>} : memref<6x64xi32, #tpu.memory_space<vmem>>, vector<16xi32>,
      tpu.vector_store %arg7[%swap3A_566, %swap3A_567], %min3A_544 {strides = array<i32>} : memref<6x64xi32, #tpu.memory_space<vmem>>, vector<16xi32>,
      %mul3A_569 = arith.constant 85 : i32
      %mul3A_570 = vector.broadcast %mul3A_569 : i32 to vector<16xi32>
      %mul3A_571 = arith.muli %select_n3A_481, %mul3A_570 : vector<16xi32>
      %swap3A_572 = arith.constant 3 : i32
      %swap3A_573 = arith.index_cast %swap3A_572 : i32 to index
      %swap3A_574 = arith.constant 0 : index
      %swap3A_575 = tpu.vector_load %arg7[%swap3A_573, %swap3A_574] {strides = array<i32>} : memref<6x64xi32, #tpu.memory_space<vmem>>, vector<16xi32>,
      tpu.vector_store %arg7[%swap3A_573, %swap3A_574], %mul3A_571 {strides = array<i32>} : memref<6x64xi32, #tpu.memory_space<vmem>>, vector<16xi32>,
      %swap3A_576 = arith.constant 4 : i32
      %swap3A_577 = arith.index_cast %swap3A_576 : i32 to index
      %swap3A_578 = arith.constant 0 : index
      %swap3A_579 = tpu.vector_load %arg7[%swap3A_577, %swap3A_578] {strides = array<i32>} : memref<6x64xi32, #tpu.memory_space<vmem>>, vector<16xi32>,
      tpu.vector_store %arg7[%swap3A_577, %swap3A_578], %convert_element_type3A_110 {strides = array<i32>} : memref<6x64xi32, #tpu.memory_space<vmem>>, vector<16xi32>,
      %swap3A_580 = arith.constant 5 : i32
      %swap3A_581 = arith.index_cast %swap3A_580 : i32 to index
      %swap3A_582 = arith.constant 0 : index
      %swap3A_583 = tpu.vector_load %arg7[%swap3A_581, %swap3A_582] {strides = array<i32>} : memref<6x64xi32, #tpu.memory_space<vmem>>, vector<16xi32>,
      tpu.vector_store %arg7[%swap3A_581, %swap3A_582], %convert_element_type3A_109 {strides = array<i32>} : memref<6x64xi32, #tpu.memory_space<vmem>>, vector<16xi32>,
      %swap3A_584 = arith.constant 0 : i32
      %swap3A_585 = arith.index_cast %swap3A_584 : i32 to index
      %swap3A_586 = arith.constant 0 : index
      %swap3A_587 = tpu.vector_load %arg6[%swap3A_585, %swap3A_586] {strides = array<i32>} : memref<16x64xf32, #tpu.memory_space<vmem>>, vector<16xf32>,
      tpu.vector_store %arg6[%swap3A_585, %swap3A_586], %sub3A_509 {strides = array<i32>} : memref<16x64xf32, #tpu.memory_space<vmem>>, vector<16xf32>,
      %swap3A_588 = arith.constant 1 : i32
      %swap3A_589 = arith.index_cast %swap3A_588 : i32 to index
      %swap3A_590 = arith.constant 0 : index
      %swap3A_591 = tpu.vector_load %arg6[%swap3A_589, %swap3A_590] {strides = array<i32>} : memref<16x64xf32, #tpu.memory_space<vmem>>, vector<16xf32>,
      tpu.vector_store %arg6[%swap3A_589, %swap3A_590], %sub3A_510 {strides = array<i32>} : memref<16x64xf32, #tpu.memory_space<vmem>>, vector<16xf32>,
      %swap3A_592 = arith.constant 2 : i32
      %swap3A_593 = arith.index_cast %swap3A_592 : i32 to index
      %swap3A_594 = arith.constant 0 : index
      %swap3A_595 = tpu.vector_load %arg6[%swap3A_593, %swap3A_594] {strides = array<i32>} : memref<16x64xf32, #tpu.memory_space<vmem>>, vector<16xf32>,
      tpu.vector_store %arg6[%swap3A_593, %swap3A_594], %div3A_511 {strides = array<i32>} : memref<16x64xf32, #tpu.memory_space<vmem>>, vector<16xf32>,
      %swap3A_596 = arith.constant 3 : i32
      %swap3A_597 = arith.index_cast %swap3A_596 : i32 to index
      %swap3A_598 = arith.constant 0 : index
      %swap3A_599 = tpu.vector_load %arg6[%swap3A_597, %swap3A_598] {strides = array<i32>} : memref<16x64xf32, #tpu.memory_space<vmem>>, vector<16xf32>,
      tpu.vector_store %arg6[%swap3A_597, %swap3A_598], %div3A_512 {strides = array<i32>} : memref<16x64xf32, #tpu.memory_space<vmem>>, vector<16xf32>,
      %swap3A_600 = arith.constant 4 : i32
      %swap3A_601 = arith.index_cast %swap3A_600 : i32 to index
      %swap3A_602 = arith.constant 0 : index
      %swap3A_603 = tpu.vector_load %arg6[%swap3A_601, %swap3A_602] {strides = array<i32>} : memref<16x64xf32, #tpu.memory_space<vmem>>, vector<16xf32>,
      tpu.vector_store %arg6[%swap3A_601, %swap3A_602], %mul3A_540 {strides = array<i32>} : memref<16x64xf32, #tpu.memory_space<vmem>>, vector<16xf32>,
      %swap3A_604 = arith.constant 5 : i32
      %swap3A_605 = arith.index_cast %swap3A_604 : i32 to index
      %swap3A_606 = arith.constant 0 : index
      %swap3A_607 = tpu.vector_load %arg6[%swap3A_605, %swap3A_606] {strides = array<i32>} : memref<16x64xf32, #tpu.memory_space<vmem>>, vector<16xf32>,
      tpu.vector_store %arg6[%swap3A_605, %swap3A_606], %convert_element_type3A_111 {strides = array<i32>} : memref<16x64xf32, #tpu.memory_space<vmem>>, vector<16xf32>,
      %swap3A_608 = arith.constant 6 : i32
      %swap3A_609 = arith.index_cast %swap3A_608 : i32 to index
      %swap3A_610 = arith.constant 0 : index
      %swap3A_611 = tpu.vector_load %arg6[%swap3A_609, %swap3A_610] {strides = array<i32>} : memref<16x64xf32, #tpu.memory_space<vmem>>, vector<16xf32>,
      tpu.vector_store %arg6[%swap3A_609, %swap3A_610], %convert_element_type3A_112 {strides = array<i32>} : memref<16x64xf32, #tpu.memory_space<vmem>>, vector<16xf32>,
      %swap3A_612 = arith.constant 7 : i32
      %swap3A_613 = arith.index_cast %swap3A_612 : i32 to index
      %swap3A_614 = arith.constant 0 : index
      %swap3A_615 = tpu.vector_load %arg6[%swap3A_613, %swap3A_614] {strides = array<i32>} : memref<16x64xf32, #tpu.memory_space<vmem>>, vector<16xf32>,
      tpu.vector_store %arg6[%swap3A_613, %swap3A_614], %select_n3A_494 {strides = array<i32>} : memref<16x64xf32, #tpu.memory_space<vmem>>, vector<16xf32>,
      %swap3A_616 = arith.constant 8 : i32
      %swap3A_617 = arith.index_cast %swap3A_616 : i32 to index
      %swap3A_618 = arith.constant 0 : index
      %swap3A_619 = tpu.vector_load %arg6[%swap3A_617, %swap3A_618] {strides = array<i32>} : memref<16x64xf32, #tpu.memory_space<vmem>>, vector<16xf32>,
      tpu.vector_store %arg6[%swap3A_617, %swap3A_618], %select_n3A_508 {strides = array<i32>} : memref<16x64xf32, #tpu.memory_space<vmem>>, vector<16xf32>,
      %swap3A_620 = arith.constant 9 : i32
      %swap3A_621 = arith.index_cast %swap3A_620 : i32 to index
      %swap3A_622 = arith.constant 0 : index
      %swap3A_623 = tpu.vector_load %arg6[%swap3A_621, %swap3A_622] {strides = array<i32>} : memref<16x64xf32, #tpu.memory_space<vmem>>, vector<16xf32>,
      tpu.vector_store %arg6[%swap3A_621, %swap3A_622], %sub3A {strides = array<i32>} : memref<16x64xf32, #tpu.memory_space<vmem>>, vector<16xf32>,
      %swap3A_624 = arith.constant 10 : i32
      %swap3A_625 = arith.index_cast %swap3A_624 : i32 to index
      %swap3A_626 = arith.constant 0 : index
      %swap3A_627 = tpu.vector_load %arg6[%swap3A_625, %swap3A_626] {strides = array<i32>} : memref<16x64xf32, #tpu.memory_space<vmem>>, vector<16xf32>,
      tpu.vector_store %arg6[%swap3A_625, %swap3A_626], %add3A_129 {strides = array<i32>} : memref<16x64xf32, #tpu.memory_space<vmem>>, vector<16xf32>,
      %swap3A_628 = arith.constant 11 : i32
      %swap3A_629 = arith.index_cast %swap3A_628 : i32 to index
      %swap3A_630 = arith.constant 0 : index
      %swap3A_631 = tpu.vector_load %arg6[%swap3A_629, %swap3A_630] {strides = array<i32>} : memref<16x64xf32, #tpu.memory_space<vmem>>, vector<16xf32>,
      tpu.vector_store %arg6[%swap3A_629, %swap3A_630], %sub3A_133 {strides = array<i32>} : memref<16x64xf32, #tpu.memory_space<vmem>>, vector<16xf32>,
      %swap3A_632 = arith.constant 12 : i32
      %swap3A_633 = arith.index_cast %swap3A_632 : i32 to index
      %swap3A_634 = arith.constant 0 : index
      %swap3A_635 = tpu.vector_load %arg6[%swap3A_633, %swap3A_634] {strides = array<i32>} : memref<16x64xf32, #tpu.memory_space<vmem>>, vector<16xf32>,
      tpu.vector_store %arg6[%swap3A_633, %swap3A_634], %add3A_137 {strides = array<i32>} : memref<16x64xf32, #tpu.memory_space<vmem>>, vector<16xf32>,
      %swap3A_636 = arith.constant 13 : i32
      %swap3A_637 = arith.index_cast %swap3A_636 : i32 to index
      %swap3A_638 = arith.constant 0 : index
      %swap3A_639 = tpu.vector_load %arg6[%swap3A_637, %swap3A_638] {strides = array<i32>} : memref<16x64xf32, #tpu.memory_space<vmem>>, vector<16xf32>,
      tpu.vector_store %arg6[%swap3A_637, %swap3A_638], %mul3A_138 {strides = array<i32>} : memref<16x64xf32, #tpu.memory_space<vmem>>, vector<16xf32>,
      %jit3A_640 = arith.constant 1.000000e+00 : f32
      %jit3A_641 = arith.constant 0.000000e+00 : f32
      %broadcast_in_dim3A_642 = vector.broadcast %jit3A_640 : f32 to vector<16xf32>
      %broadcast_in_dim3A_643 = vector.broadcast %jit3A_641 : f32 to vector<16xf32>
      %select_n3A_644 = arith.select %lt3A_475, %broadcast_in_dim3A_642, %broadcast_in_dim3A_643 : vector<16xi1>, vector<16xf32>
      %swap3A_645 = arith.constant 14 : i32
      %swap3A_646 = arith.index_cast %swap3A_645 : i32 to index
      %swap3A_647 = arith.constant 0 : index
      %swap3A_648 = tpu.vector_load %arg6[%swap3A_646, %swap3A_647] {strides = array<i32>} : memref<16x64xf32, #tpu.memory_space<vmem>>, vector<16xf32>,
      tpu.vector_store %arg6[%swap3A_646, %swap3A_647], %select_n3A_644 {strides = array<i32>} : memref<16x64xf32, #tpu.memory_space<vmem>>, vector<16xf32>,
      %add3A_649 = arith.constant 16 : i32
      %add3A_650 = vector.broadcast %add3A_649 : i32 to vector<16xi32>
      %add3A_651 = arith.addi %iota3A, %add3A_650 : vector<16xi32>
      %get3A_652 = arith.constant 16 : index
      %get3A_653 = tpu.vector_load %arg5[%get3A_652] {strides = array<i32>} : memref<320xf32, #tpu.memory_space<vmem>>, vector<16xf32>,
      %mul3A_654 = arith.constant 6.400000e+01 : f32
      %mul3A_655 = vector.broadcast %mul3A_654 : f32 to vector<16xf32>
      %mul3A_656 = arith.mulf %get3A_653, %mul3A_655 : vector<16xf32>
      %get3A_657 = arith.constant 80 : index
      %get3A_658 = tpu.vector_load %arg5[%get3A_657] {strides = array<i32>} : memref<320xf32, #tpu.memory_space<vmem>>, vector<16xf32>,
      %mul3A_659 = arith.constant 6.400000e+01 : f32
      %mul3A_660 = vector.broadcast %mul3A_659 : f32 to vector<16xf32>
      %mul3A_661 = arith.mulf %get3A_658, %mul3A_660 : vector<16xf32>
      %get3A_662 = arith.constant 144 : index
      %get3A_663 = tpu.vector_load %arg5[%get3A_662] {strides = array<i32>} : memref<320xf32, #tpu.memory_space<vmem>>, vector<16xf32>,
      %mul3A_664 = arith.constant 6.400000e+01 : f32
      %mul3A_665 = vector.broadcast %mul3A_664 : f32 to vector<16xf32>
      %mul3A_666 = arith.mulf %get3A_663, %mul3A_665 : vector<16xf32>
      %get3A_667 = arith.constant 208 : index
      %get3A_668 = tpu.vector_load %arg5[%get3A_667] {strides = array<i32>} : memref<320xf32, #tpu.memory_space<vmem>>, vector<16xf32>,
      %mul3A_669 = arith.constant 6.400000e+01 : f32
      %mul3A_670 = vector.broadcast %mul3A_669 : f32 to vector<16xf32>
      %mul3A_671 = arith.mulf %get3A_668, %mul3A_670 : vector<16xf32>
      %get3A_672 = arith.constant 272 : index
      %get3A_673 = tpu.vector_load %arg5[%get3A_672] {strides = array<i32>} : memref<320xf32, #tpu.memory_space<vmem>>, vector<16xf32>,
      %convert_element_type3A_674 = arith.fptosi %mul3A_656 : vector<16xf32> to vector<16xi32>
      %convert_element_type3A_675 = arith.fptosi %mul3A_661 : vector<16xf32> to vector<16xi32>
      %convert_element_type3A_676 = arith.sitofp %convert_element_type3A_674 : vector<16xi32> to vector<16xf32>
      %convert_element_type3A_677 = arith.sitofp %convert_element_type3A_675 : vector<16xi32> to vector<16xf32>
      %mul3A_678 = arith.constant 64 : i32
      %mul3A_679 = vector.broadcast %mul3A_678 : i32 to vector<16xi32>
      %mul3A_680 = arith.muli %convert_element_type3A_675, %mul3A_679 : vector<16xi32>
      %add3A_681 = arith.addi %mul3A_680, %convert_element_type3A_674 : vector<16xi32>
      %add3A_682 = arith.constant 5.000000e-01 : f32
      %add3A_683 = vector.broadcast %add3A_682 : f32 to vector<16xf32>
      %add3A_684 = arith.addf %convert_element_type3A_676, %add3A_683 : vector<16xf32>
      %add3A_685 = arith.constant 5.000000e-01 : f32
      %add3A_686 = vector.broadcast %add3A_685 : f32 to vector<16xf32>
      %add3A_687 = arith.addf %convert_element_type3A_677, %add3A_686 : vector<16xf32>
      %mul3A_688 = arith.constant 5.000000e-01 : f32
      %mul3A_689 = vector.broadcast %mul3A_688 : f32 to vector<16xf32>
      %mul3A_690 = arith.mulf %mul3A_666, %mul3A_689 : vector<16xf32>
      %sub3A_691 = arith.subf %mul3A_656, %mul3A_690 : vector<16xf32>
      %mul3A_692 = arith.constant 5.000000e-01 : f32
      %mul3A_693 = vector.broadcast %mul3A_692 : f32 to vector<16xf32>
      %mul3A_694 = arith.mulf %mul3A_666, %mul3A_693 : vector<16xf32>
      %add3A_695 = arith.addf %mul3A_656, %mul3A_694 : vector<16xf32>
      %mul3A_696 = arith.constant 5.000000e-01 : f32
      %mul3A_697 = vector.broadcast %mul3A_696 : f32 to vector<16xf32>
      %mul3A_698 = arith.mulf %mul3A_671, %mul3A_697 : vector<16xf32>
      %sub3A_699 = arith.subf %mul3A_661, %mul3A_698 : vector<16xf32>
      %mul3A_700 = arith.constant 5.000000e-01 : f32
      %mul3A_701 = vector.broadcast %mul3A_700 : f32 to vector<16xf32>
      %mul3A_702 = arith.mulf %mul3A_671, %mul3A_701 : vector<16xf32>
      %add3A_703 = arith.addf %mul3A_661, %mul3A_702 : vector<16xf32>
      %mul3A_704 = arith.mulf %mul3A_666, %mul3A_671 : vector<16xf32>
      %broadcast_in_dim3A_705 = arith.constant -1.000000e+00 : f32
      %broadcast_in_dim3A_706 = vector.broadcast %broadcast_in_dim3A_705 : f32 to vector<16xf32>
      %broadcast_in_dim3A_707 = arith.constant 0 : i32
      %broadcast_in_dim3A_708 = vector.broadcast %broadcast_in_dim3A_707 : i32 to vector<16xi32>
      %add3A_709 = arith.constant 6.250000e-01 : f32
      %add3A_710 = vector.broadcast %add3A_709 : f32 to vector<16xf32>
      %add3A_711 = arith.addf %add3A_684, %add3A_710 : vector<16xf32>
      %min3A_712 = arith.minimumf %add3A_711, %add3A_695 : vector<16xf32>
      %sub3A_713 = arith.constant 6.250000e-01 : f32
      %sub3A_714 = vector.broadcast %sub3A_713 : f32 to vector<16xf32>
      %sub3A_715 = arith.subf %add3A_684, %sub3A_714 : vector<16xf32>
      %max3A_716 = arith.maximumf %sub3A_715, %sub3A_691 : vector<16xf32>
      %sub3A_717 = arith.subf %min3A_712, %max3A_716 : vector<16xf32>
      %max3A_718 = arith.constant 0.000000e+00 : f32
      %max3A_719 = vector.broadcast %max3A_718 : f32 to vector<16xf32>
      %max3A_720 = arith.maximumf %sub3A_717, %max3A_719 : vector<16xf32>
      %add3A_721 = arith.constant 8.125000e-01 : f32
      %add3A_722 = vector.broadcast %add3A_721 : f32 to vector<16xf32>
      %add3A_723 = arith.addf %add3A_687, %add3A_722 : vector<16xf32>
      %min3A_724 = arith.minimumf %add3A_723, %add3A_703 : vector<16xf32>
      %sub3A_725 = arith.constant 8.125000e-01 : f32
      %sub3A_726 = vector.broadcast %sub3A_725 : f32 to vector<16xf32>
      %sub3A_727 = arith.subf %add3A_687, %sub3A_726 : vector<16xf32>
      %max3A_728 = arith.maximumf %sub3A_727, %sub3A_699 : vector<16xf32>
      %sub3A_729 = arith.subf %min3A_724, %max3A_728 : vector<16xf32>
      %max3A_730 = arith.constant 0.000000e+00 : f32
      %max3A_731 = vector.broadcast %max3A_730 : f32 to vector<16xf32>
      %max3A_732 = arith.maximumf %sub3A_729, %max3A_731 : vector<16xf32>
      %mul3A_733 = arith.mulf %max3A_720, %max3A_732 : vector<16xf32>
      %add3A_734 = arith.constant 2.031250e+00 : f32
      %add3A_735 = vector.broadcast %add3A_734 : f32 to vector<16xf32>
      %add3A_736 = arith.addf %add3A_735, %mul3A_704 : vector<16xf32>
      %sub3A_737 = arith.subf %add3A_736, %mul3A_733 : vector<16xf32>
      %max3A_738 = arith.constant 9.99999996E-13 : f32
      %max3A_739 = vector.broadcast %max3A_738 : f32 to vector<16xf32>
      %max3A_740 = arith.maximumf %sub3A_737, %max3A_739 : vector<16xf32>
      %div3A_741 = arith.divf %mul3A_733, %max3A_740 : vector<16xf32>
      %add3A_742 = arith.constant 1.000000e+00 : f32
      %add3A_743 = vector.broadcast %add3A_742 : f32 to vector<16xf32>
      %add3A_744 = arith.addf %add3A_684, %add3A_743 : vector<16xf32>
      %min3A_745 = arith.minimumf %add3A_744, %add3A_695 : vector<16xf32>
      %sub3A_746 = arith.constant 1.000000e+00 : f32
      %sub3A_747 = vector.broadcast %sub3A_746 : f32 to vector<16xf32>
      %sub3A_748 = arith.subf %add3A_684, %sub3A_747 : vector<16xf32>
      %max3A_749 = arith.maximumf %sub3A_748, %sub3A_691 : vector<16xf32>
      %sub3A_750 = arith.subf %min3A_745, %max3A_749 : vector<16xf32>
      %max3A_751 = arith.constant 0.000000e+00 : f32
      %max3A_752 = vector.broadcast %max3A_751 : f32 to vector<16xf32>
      %max3A_753 = arith.maximumf %sub3A_750, %max3A_752 : vector<16xf32>
      %add3A_754 = arith.constant 1.875000e+00 : f32
      %add3A_755 = vector.broadcast %add3A_754 : f32 to vector<16xf32>
      %add3A_756 = arith.addf %add3A_687, %add3A_755 : vector<16xf32>
      %min3A_757 = arith.minimumf %add3A_756, %add3A_703 : vector<16xf32>
      %sub3A_758 = arith.constant 1.875000e+00 : f32
      %sub3A_759 = vector.broadcast %sub3A_758 : f32 to vector<16xf32>
      %sub3A_760 = arith.subf %add3A_687, %sub3A_759 : vector<16xf32>
      %max3A_761 = arith.maximumf %sub3A_760, %sub3A_699 : vector<16xf32>
      %sub3A_762 = arith.subf %min3A_757, %max3A_761 : vector<16xf32>
      %max3A_763 = arith.constant 0.000000e+00 : f32
      %max3A_764 = vector.broadcast %max3A_763 : f32 to vector<16xf32>
      %max3A_765 = arith.maximumf %sub3A_762, %max3A_764 : vector<16xf32>
      %mul3A_766 = arith.mulf %max3A_753, %max3A_765 : vector<16xf32>
      %add3A_767 = arith.constant 7.500000e+00 : f32
      %add3A_768 = vector.broadcast %add3A_767 : f32 to vector<16xf32>
      %add3A_769 = arith.addf %add3A_768, %mul3A_704 : vector<16xf32>
      %sub3A_770 = arith.subf %add3A_769, %mul3A_766 : vector<16xf32>
      %max3A_771 = arith.constant 9.99999996E-13 : f32
      %max3A_772 = vector.broadcast %max3A_771 : f32 to vector<16xf32>
      %max3A_773 = arith.maximumf %sub3A_770, %max3A_772 : vector<16xf32>
      %div3A_774 = arith.divf %mul3A_766, %max3A_773 : vector<16xf32>
      %gt3A_775 = arith.cmpf ogt, %div3A_774, %div3A_741 : vector<16xf32>
      %jit3A_776 = arith.constant 1 : i32
      %broadcast_in_dim3A_777 = vector.broadcast %jit3A_776 : i32 to vector<16xi32>
      %select_n3A_778 = arith.select %gt3A_775, %broadcast_in_dim3A_777, %broadcast_in_dim3A_708 : vector<16xi1>, vector<16xi32>
      %max3A_779 = arith.maximumf %div3A_741, %div3A_774 : vector<16xf32>
      %add3A_780 = arith.constant 2.062500e+00 : f32
      %add3A_781 = vector.broadcast %add3A_780 : f32 to vector<16xf32>
      %add3A_782 = arith.addf %add3A_684, %add3A_781 : vector<16xf32>
      %min3A_783 = arith.minimumf %add3A_782, %add3A_695 : vector<16xf32>
      %sub3A_784 = arith.constant 2.062500e+00 : f32
      %sub3A_785 = vector.broadcast %sub3A_784 : f32 to vector<16xf32>
      %sub3A_786 = arith.subf %add3A_684, %sub3A_785 : vector<16xf32>
      %max3A_787 = arith.maximumf %sub3A_786, %sub3A_691 : vector<16xf32>
      %sub3A_788 = arith.subf %min3A_783, %max3A_787 : vector<16xf32>
      %max3A_789 = arith.constant 0.000000e+00 : f32
      %max3A_790 = vector.broadcast %max3A_789 : f32 to vector<16xf32>
      %max3A_791 = arith.maximumf %sub3A_788, %max3A_790 : vector<16xf32>
      %add3A_792 = arith.constant 1.437500e+00 : f32
      %add3A_793 = vector.broadcast %add3A_792 : f32 to vector<16xf32>
      %add3A_794 = arith.addf %add3A_687, %add3A_793 : vector<16xf32>
      %min3A_795 = arith.minimumf %add3A_794, %add3A_703 : vector<16xf32>
      %sub3A_796 = arith.constant 1.437500e+00 : f32
      %sub3A_797 = vector.broadcast %sub3A_796 : f32 to vector<16xf32>
      %sub3A_798 = arith.subf %add3A_687, %sub3A_797 : vector<16xf32>
      %max3A_799 = arith.maximumf %sub3A_798, %sub3A_699 : vector<16xf32>
      %sub3A_800 = arith.subf %min3A_795, %max3A_799 : vector<16xf32>
      %max3A_801 = arith.constant 0.000000e+00 : f32
      %max3A_802 = vector.broadcast %max3A_801 : f32 to vector<16xf32>
      %max3A_803 = arith.maximumf %sub3A_800, %max3A_802 : vector<16xf32>
      %mul3A_804 = arith.mulf %max3A_791, %max3A_803 : vector<16xf32>
      %add3A_805 = arith.constant 11.859375 : f32
      %add3A_806 = vector.broadcast %add3A_805 : f32 to vector<16xf32>
      %add3A_807 = arith.addf %add3A_806, %mul3A_704 : vector<16xf32>
      %sub3A_808 = arith.subf %add3A_807, %mul3A_804 : vector<16xf32>
      %max3A_809 = arith.constant 9.99999996E-13 : f32
      %max3A_810 = vector.broadcast %max3A_809 : f32 to vector<16xf32>
      %max3A_811 = arith.maximumf %sub3A_808, %max3A_810 : vector<16xf32>
      %div3A_812 = arith.divf %mul3A_804, %max3A_811 : vector<16xf32>
      %gt3A_813 = arith.cmpf ogt, %div3A_812, %max3A_779 : vector<16xf32>
      %jit3A_814 = arith.constant 2 : i32
      %broadcast_in_dim3A_815 = vector.broadcast %jit3A_814 : i32 to vector<16xi32>
      %select_n3A_816 = arith.select %gt3A_813, %broadcast_in_dim3A_815, %select_n3A_778 : vector<16xi1>, vector<16xi32>
      %max3A_817 = arith.maximumf %max3A_779, %div3A_812 : vector<16xf32>
      %add3A_818 = arith.constant 1.875000e+00 : f32
      %add3A_819 = vector.broadcast %add3A_818 : f32 to vector<16xf32>
      %add3A_820 = arith.addf %add3A_684, %add3A_819 : vector<16xf32>
      %min3A_821 = arith.minimumf %add3A_820, %add3A_695 : vector<16xf32>
      %sub3A_822 = arith.constant 1.875000e+00 : f32
      %sub3A_823 = vector.broadcast %sub3A_822 : f32 to vector<16xf32>
      %sub3A_824 = arith.subf %add3A_684, %sub3A_823 : vector<16xf32>
      %max3A_825 = arith.maximumf %sub3A_824, %sub3A_691 : vector<16xf32>
      %sub3A_826 = arith.subf %min3A_821, %max3A_825 : vector<16xf32>
      %max3A_827 = arith.constant 0.000000e+00 : f32
      %max3A_828 = vector.broadcast %max3A_827 : f32 to vector<16xf32>
      %max3A_829 = arith.maximumf %sub3A_826, %max3A_828 : vector<16xf32>
      %add3A_830 = arith.constant 3.812500e+00 : f32
      %add3A_831 = vector.broadcast %add3A_830 : f32 to vector<16xf32>
      %add3A_832 = arith.addf %add3A_687, %add3A_831 : vector<16xf32>
      %min3A_833 = arith.minimumf %add3A_832, %add3A_703 : vector<16xf32>
      %sub3A_834 = arith.constant 3.812500e+00 : f32
      %sub3A_835 = vector.broadcast %sub3A_834 : f32 to vector<16xf32>
      %sub3A_836 = arith.subf %add3A_687, %sub3A_835 : vector<16xf32>
      %max3A_837 = arith.maximumf %sub3A_836, %sub3A_699 : vector<16xf32>
      %sub3A_838 = arith.subf %min3A_833, %max3A_837 : vector<16xf32>
      %max3A_839 = arith.constant 0.000000e+00 : f32
      %max3A_840 = vector.broadcast %max3A_839 : f32 to vector<16xf32>
      %max3A_841 = arith.maximumf %sub3A_838, %max3A_840 : vector<16xf32>
      %mul3A_842 = arith.mulf %max3A_829, %max3A_841 : vector<16xf32>
      %add3A_843 = arith.constant 28.59375 : f32
      %add3A_844 = vector.broadcast %add3A_843 : f32 to vector<16xf32>
      %add3A_845 = arith.addf %add3A_844, %mul3A_704 : vector<16xf32>
      %sub3A_846 = arith.subf %add3A_845, %mul3A_842 : vector<16xf32>
      %max3A_847 = arith.constant 9.99999996E-13 : f32
      %max3A_848 = vector.broadcast %max3A_847 : f32 to vector<16xf32>
      %max3A_849 = arith.maximumf %sub3A_846, %max3A_848 : vector<16xf32>
      %div3A_850 = arith.divf %mul3A_842, %max3A_849 : vector<16xf32>
      %gt3A_851 = arith.cmpf ogt, %div3A_850, %max3A_817 : vector<16xf32>
      %jit3A_852 = arith.constant 3 : i32
      %broadcast_in_dim3A_853 = vector.broadcast %jit3A_852 : i32 to vector<16xi32>
      %select_n3A_854 = arith.select %gt3A_851, %broadcast_in_dim3A_853, %select_n3A_816 : vector<16xi1>, vector<16xi32>
      %max3A_855 = arith.maximumf %max3A_817, %div3A_850 : vector<16xf32>
      %add3A_856 = arith.constant 3.875000e+00 : f32
      %add3A_857 = vector.broadcast %add3A_856 : f32 to vector<16xf32>
      %add3A_858 = arith.addf %add3A_684, %add3A_857 : vector<16xf32>
      %min3A_859 = arith.minimumf %add3A_858, %add3A_695 : vector<16xf32>
      %sub3A_860 = arith.constant 3.875000e+00 : f32
      %sub3A_861 = vector.broadcast %sub3A_860 : f32 to vector<16xf32>
      %sub3A_862 = arith.subf %add3A_684, %sub3A_861 : vector<16xf32>
      %max3A_863 = arith.maximumf %sub3A_862, %sub3A_691 : vector<16xf32>
      %sub3A_864 = arith.subf %min3A_859, %max3A_863 : vector<16xf32>
      %max3A_865 = arith.constant 0.000000e+00 : f32
      %max3A_866 = vector.broadcast %max3A_865 : f32 to vector<16xf32>
      %max3A_867 = arith.maximumf %sub3A_864, %max3A_866 : vector<16xf32>
      %add3A_868 = arith.constant 2.812500e+00 : f32
      %add3A_869 = vector.broadcast %add3A_868 : f32 to vector<16xf32>
      %add3A_870 = arith.addf %add3A_687, %add3A_869 : vector<16xf32>
      %min3A_871 = arith.minimumf %add3A_870, %add3A_703 : vector<16xf32>
      %sub3A_872 = arith.constant 2.812500e+00 : f32
      %sub3A_873 = vector.broadcast %sub3A_872 : f32 to vector<16xf32>
      %sub3A_874 = arith.subf %add3A_687, %sub3A_873 : vector<16xf32>
      %max3A_875 = arith.maximumf %sub3A_874, %sub3A_699 : vector<16xf32>
      %sub3A_876 = arith.subf %min3A_871, %max3A_875 : vector<16xf32>
      %max3A_877 = arith.constant 0.000000e+00 : f32
      %max3A_878 = vector.broadcast %max3A_877 : f32 to vector<16xf32>
      %max3A_879 = arith.maximumf %sub3A_876, %max3A_878 : vector<16xf32>
      %mul3A_880 = arith.mulf %max3A_867, %max3A_879 : vector<16xf32>
      %add3A_881 = arith.constant 43.59375 : f32
      %add3A_882 = vector.broadcast %add3A_881 : f32 to vector<16xf32>
      %add3A_883 = arith.addf %add3A_882, %mul3A_704 : vector<16xf32>
      %sub3A_884 = arith.subf %add3A_883, %mul3A_880 : vector<16xf32>
      %max3A_885 = arith.constant 9.99999996E-13 : f32
      %max3A_886 = vector.broadcast %max3A_885 : f32 to vector<16xf32>
      %max3A_887 = arith.maximumf %sub3A_884, %max3A_886 : vector<16xf32>
      %div3A_888 = arith.divf %mul3A_880, %max3A_887 : vector<16xf32>
      %gt3A_889 = arith.cmpf ogt, %div3A_888, %max3A_855 : vector<16xf32>
      %jit3A_890 = arith.constant 4 : i32
      %broadcast_in_dim3A_891 = vector.broadcast %jit3A_890 : i32 to vector<16xi32>
      %select_n3A_892 = arith.select %gt3A_889, %broadcast_in_dim3A_891, %select_n3A_854 : vector<16xi1>, vector<16xi32>
      %max3A_893 = arith.maximumf %max3A_855, %div3A_888 : vector<16xf32>
      %add3A_894 = arith.constant 3.687500e+00 : f32
      %add3A_895 = vector.broadcast %add3A_894 : f32 to vector<16xf32>
      %add3A_896 = arith.addf %add3A_684, %add3A_895 : vector<16xf32>
      %min3A_897 = arith.minimumf %add3A_896, %add3A_695 : vector<16xf32>
      %sub3A_898 = arith.constant 3.687500e+00 : f32
      %sub3A_899 = vector.broadcast %sub3A_898 : f32 to vector<16xf32>
      %sub3A_900 = arith.subf %add3A_684, %sub3A_899 : vector<16xf32>
      %max3A_901 = arith.maximumf %sub3A_900, %sub3A_691 : vector<16xf32>
      %sub3A_902 = arith.subf %min3A_897, %max3A_901 : vector<16xf32>
      %max3A_903 = arith.constant 0.000000e+00 : f32
      %max3A_904 = vector.broadcast %max3A_903 : f32 to vector<16xf32>
      %max3A_905 = arith.maximumf %sub3A_902, %max3A_904 : vector<16xf32>
      %add3A_906 = arith.constant 7.437500e+00 : f32
      %add3A_907 = vector.broadcast %add3A_906 : f32 to vector<16xf32>
      %add3A_908 = arith.addf %add3A_687, %add3A_907 : vector<16xf32>
      %min3A_909 = arith.minimumf %add3A_908, %add3A_703 : vector<16xf32>
      %sub3A_910 = arith.constant 7.437500e+00 : f32
      %sub3A_911 = vector.broadcast %sub3A_910 : f32 to vector<16xf32>
      %sub3A_912 = arith.subf %add3A_687, %sub3A_911 : vector<16xf32>
      %max3A_913 = arith.maximumf %sub3A_912, %sub3A_699 : vector<16xf32>
      %sub3A_914 = arith.subf %min3A_909, %max3A_913 : vector<16xf32>
      %max3A_915 = arith.constant 0.000000e+00 : f32
      %max3A_916 = vector.broadcast %max3A_915 : f32 to vector<16xf32>
      %max3A_917 = arith.maximumf %sub3A_914, %max3A_916 : vector<16xf32>
      %mul3A_918 = arith.mulf %max3A_905, %max3A_917 : vector<16xf32>
      %add3A_919 = arith.constant 109.703125 : f32
      %add3A_920 = vector.broadcast %add3A_919 : f32 to vector<16xf32>
      %add3A_921 = arith.addf %add3A_920, %mul3A_704 : vector<16xf32>
      %sub3A_922 = arith.subf %add3A_921, %mul3A_918 : vector<16xf32>
      %max3A_923 = arith.constant 9.99999996E-13 : f32
      %max3A_924 = vector.broadcast %max3A_923 : f32 to vector<16xf32>
      %max3A_925 = arith.maximumf %sub3A_922, %max3A_924 : vector<16xf32>
      %div3A_926 = arith.divf %mul3A_918, %max3A_925 : vector<16xf32>
      %gt3A_927 = arith.cmpf ogt, %div3A_926, %max3A_893 : vector<16xf32>
      %jit3A_928 = arith.constant 5 : i32
      %broadcast_in_dim3A_929 = vector.broadcast %jit3A_928 : i32 to vector<16xi32>
      %select_n3A_930 = arith.select %gt3A_927, %broadcast_in_dim3A_929, %select_n3A_892 : vector<16xi1>, vector<16xi32>
      %max3A_931 = arith.maximumf %max3A_893, %div3A_926 : vector<16xf32>
      %add3A_932 = arith.constant 7.250000e+00 : f32
      %add3A_933 = vector.broadcast %add3A_932 : f32 to vector<16xf32>
      %add3A_934 = arith.addf %add3A_684, %add3A_933 : vector<16xf32>
      %min3A_935 = arith.minimumf %add3A_934, %add3A_695 : vector<16xf32>
      %sub3A_936 = arith.constant 7.250000e+00 : f32
      %sub3A_937 = vector.broadcast %sub3A_936 : f32 to vector<16xf32>
      %sub3A_938 = arith.subf %add3A_684, %sub3A_937 : vector<16xf32>
      %max3A_939 = arith.maximumf %sub3A_938, %sub3A_691 : vector<16xf32>
      %sub3A_940 = arith.subf %min3A_935, %max3A_939 : vector<16xf32>
      %max3A_941 = arith.constant 0.000000e+00 : f32
      %max3A_942 = vector.broadcast %max3A_941 : f32 to vector<16xf32>
      %max3A_943 = arith.maximumf %sub3A_940, %max3A_942 : vector<16xf32>
      %add3A_944 = arith.constant 5.625000e+00 : f32
      %add3A_945 = vector.broadcast %add3A_944 : f32 to vector<16xf32>
      %add3A_946 = arith.addf %add3A_687, %add3A_945 : vector<16xf32>
      %min3A_947 = arith.minimumf %add3A_946, %add3A_703 : vector<16xf32>
      %sub3A_948 = arith.constant 5.625000e+00 : f32
      %sub3A_949 = vector.broadcast %sub3A_948 : f32 to vector<16xf32>
      %sub3A_950 = arith.subf %add3A_687, %sub3A_949 : vector<16xf32>
      %max3A_951 = arith.maximumf %sub3A_950, %sub3A_699 : vector<16xf32>
      %sub3A_952 = arith.subf %min3A_947, %max3A_951 : vector<16xf32>
      %max3A_953 = arith.constant 0.000000e+00 : f32
      %max3A_954 = vector.broadcast %max3A_953 : f32 to vector<16xf32>
      %max3A_955 = arith.maximumf %sub3A_952, %max3A_954 : vector<16xf32>
      %mul3A_956 = arith.mulf %max3A_943, %max3A_955 : vector<16xf32>
      %add3A_957 = arith.constant 1.631250e+02 : f32
      %add3A_958 = vector.broadcast %add3A_957 : f32 to vector<16xf32>
      %add3A_959 = arith.addf %add3A_958, %mul3A_704 : vector<16xf32>
      %sub3A_960 = arith.subf %add3A_959, %mul3A_956 : vector<16xf32>
      %max3A_961 = arith.constant 9.99999996E-13 : f32
      %max3A_962 = vector.broadcast %max3A_961 : f32 to vector<16xf32>
      %max3A_963 = arith.maximumf %sub3A_960, %max3A_962 : vector<16xf32>
      %div3A_964 = arith.divf %mul3A_956, %max3A_963 : vector<16xf32>
      %gt3A_965 = arith.cmpf ogt, %div3A_964, %max3A_931 : vector<16xf32>
      %jit3A_966 = arith.constant 6 : i32
      %broadcast_in_dim3A_967 = vector.broadcast %jit3A_966 : i32 to vector<16xi32>
      %select_n3A_968 = arith.select %gt3A_965, %broadcast_in_dim3A_967, %select_n3A_930 : vector<16xi1>, vector<16xi32>
      %max3A_969 = arith.maximumf %max3A_931, %div3A_964 : vector<16xf32>
      %add3A_970 = arith.constant 9.750000e+00 : f32
      %add3A_971 = vector.broadcast %add3A_970 : f32 to vector<16xf32>
      %add3A_972 = arith.addf %add3A_684, %add3A_971 : vector<16xf32>
      %min3A_973 = arith.minimumf %add3A_972, %add3A_695 : vector<16xf32>
      %sub3A_974 = arith.constant 9.750000e+00 : f32
      %sub3A_975 = vector.broadcast %sub3A_974 : f32 to vector<16xf32>
      %sub3A_976 = arith.subf %add3A_684, %sub3A_975 : vector<16xf32>
      %max3A_977 = arith.maximumf %sub3A_976, %sub3A_691 : vector<16xf32>
      %sub3A_978 = arith.subf %min3A_973, %max3A_977 : vector<16xf32>
      %max3A_979 = arith.constant 0.000000e+00 : f32
      %max3A_980 = vector.broadcast %max3A_979 : f32 to vector<16xf32>
      %max3A_981 = arith.maximumf %sub3A_978, %max3A_980 : vector<16xf32>
      %add3A_982 = arith.constant 1.237500e+01 : f32
      %add3A_983 = vector.broadcast %add3A_982 : f32 to vector<16xf32>
      %add3A_984 = arith.addf %add3A_687, %add3A_983 : vector<16xf32>
      %min3A_985 = arith.minimumf %add3A_984, %add3A_703 : vector<16xf32>
      %sub3A_986 = arith.constant 1.237500e+01 : f32
      %sub3A_987 = vector.broadcast %sub3A_986 : f32 to vector<16xf32>
      %sub3A_988 = arith.subf %add3A_687, %sub3A_987 : vector<16xf32>
      %max3A_989 = arith.maximumf %sub3A_988, %sub3A_699 : vector<16xf32>
      %sub3A_990 = arith.subf %min3A_985, %max3A_989 : vector<16xf32>
      %max3A_991 = arith.constant 0.000000e+00 : f32
      %max3A_992 = vector.broadcast %max3A_991 : f32 to vector<16xf32>
      %max3A_993 = arith.maximumf %sub3A_990, %max3A_992 : vector<16xf32>
      %mul3A_994 = arith.mulf %max3A_981, %max3A_993 : vector<16xf32>
      %add3A_995 = arith.constant 4.826250e+02 : f32
      %add3A_996 = vector.broadcast %add3A_995 : f32 to vector<16xf32>
      %add3A_997 = arith.addf %add3A_996, %mul3A_704 : vector<16xf32>
      %sub3A_998 = arith.subf %add3A_997, %mul3A_994 : vector<16xf32>
      %max3A_999 = arith.constant 9.99999996E-13 : f32
      %max3A_1000 = vector.broadcast %max3A_999 : f32 to vector<16xf32>
      %max3A_1001 = arith.maximumf %sub3A_998, %max3A_1000 : vector<16xf32>
      %div3A_1002 = arith.divf %mul3A_994, %max3A_1001 : vector<16xf32>
      %gt3A_1003 = arith.cmpf ogt, %div3A_1002, %max3A_969 : vector<16xf32>
      %jit3A_1004 = arith.constant 7 : i32
      %broadcast_in_dim3A_1005 = vector.broadcast %jit3A_1004 : i32 to vector<16xi32>
      %select_n3A_1006 = arith.select %gt3A_1003, %broadcast_in_dim3A_1005, %select_n3A_968 : vector<16xi1>, vector<16xi32>
      %max3A_1007 = arith.maximumf %max3A_969, %div3A_1002 : vector<16xf32>
      %add3A_1008 = arith.constant 2.331250e+01 : f32
      %add3A_1009 = vector.broadcast %add3A_1008 : f32 to vector<16xf32>
      %add3A_1010 = arith.addf %add3A_684, %add3A_1009 : vector<16xf32>
      %min3A_1011 = arith.minimumf %add3A_1010, %add3A_695 : vector<16xf32>
      %sub3A_1012 = arith.constant 2.331250e+01 : f32
      %sub3A_1013 = vector.broadcast %sub3A_1012 : f32 to vector<16xf32>
      %sub3A_1014 = arith.subf %add3A_684, %sub3A_1013 : vector<16xf32>
      %max3A_1015 = arith.maximumf %sub3A_1014, %sub3A_691 : vector<16xf32>
      %sub3A_1016 = arith.subf %min3A_1011, %max3A_1015 : vector<16xf32>
      %max3A_1017 = arith.constant 0.000000e+00 : f32
      %max3A_1018 = vector.broadcast %max3A_1017 : f32 to vector<16xf32>
      %max3A_1019 = arith.maximumf %sub3A_1016, %max3A_1018 : vector<16xf32>
      %add3A_1020 = arith.constant 2.037500e+01 : f32
      %add3A_1021 = vector.broadcast %add3A_1020 : f32 to vector<16xf32>
      %add3A_1022 = arith.addf %add3A_687, %add3A_1021 : vector<16xf32>
      %min3A_1023 = arith.minimumf %add3A_1022, %add3A_703 : vector<16xf32>
      %sub3A_1024 = arith.constant 2.037500e+01 : f32
      %sub3A_1025 = vector.broadcast %sub3A_1024 : f32 to vector<16xf32>
      %sub3A_1026 = arith.subf %add3A_687, %sub3A_1025 : vector<16xf32>
      %max3A_1027 = arith.maximumf %sub3A_1026, %sub3A_699 : vector<16xf32>
      %sub3A_1028 = arith.subf %min3A_1023, %max3A_1027 : vector<16xf32>
      %max3A_1029 = arith.constant 0.000000e+00 : f32
      %max3A_1030 = vector.broadcast %max3A_1029 : f32 to vector<16xf32>
      %max3A_1031 = arith.maximumf %sub3A_1028, %max3A_1030 : vector<16xf32>
      %mul3A_1032 = arith.mulf %max3A_1019, %max3A_1031 : vector<16xf32>
      %add3A_1033 = arith.constant 1899.96875 : f32
      %add3A_1034 = vector.broadcast %add3A_1033 : f32 to vector<16xf32>
      %add3A_1035 = arith.addf %add3A_1034, %mul3A_704 : vector<16xf32>
      %sub3A_1036 = arith.subf %add3A_1035, %mul3A_1032 : vector<16xf32>
      %max3A_1037 = arith.constant 9.99999996E-13 : f32
      %max3A_1038 = vector.broadcast %max3A_1037 : f32 to vector<16xf32>
      %max3A_1039 = arith.maximumf %sub3A_1036, %max3A_1038 : vector<16xf32>
      %div3A_1040 = arith.divf %mul3A_1032, %max3A_1039 : vector<16xf32>
      %gt3A_1041 = arith.cmpf ogt, %div3A_1040, %max3A_1007 : vector<16xf32>
      %jit3A_1042 = arith.constant 8 : i32
      %broadcast_in_dim3A_1043 = vector.broadcast %jit3A_1042 : i32 to vector<16xi32>
      %select_n3A_1044 = arith.select %gt3A_1041, %broadcast_in_dim3A_1043, %select_n3A_1006 : vector<16xi1>, vector<16xi32>
      %max3A_1045 = arith.maximumf %max3A_1007, %div3A_1040 : vector<16xf32>
      %lt3A_1046 = vector.broadcast %add3A_82 : i32 to vector<16xi32>
      %lt3A_1047 = arith.cmpi slt, %add3A_651, %lt3A_1046 : vector<16xi32>
      %lt3A_1048 = arith.constant 3 : i32
      %lt3A_1049 = vector.broadcast %lt3A_1048 : i32 to vector<16xi32>
      %lt3A_1050 = arith.cmpi slt, %select_n3A_1044, %lt3A_1049 : vector<16xi32>
      %and3A_1051 = arith.andi %lt3A_1047, %lt3A_1050 : vector<16xi1>
      %jit3A_1052 = arith.constant 0 : i32
      %broadcast_in_dim3A_1053 = vector.broadcast %jit3A_1052 : i32 to vector<16xi32>
      %select_n3A_1054 = arith.select %and3A_1051, %select_n3A_1044, %broadcast_in_dim3A_1053 : vector<16xi1>, vector<16xi32>
      %eq3A_1055 = arith.constant 0 : i32
      %eq3A_1056 = vector.broadcast %eq3A_1055 : i32 to vector<16xi32>
      %eq3A_1057 = arith.cmpi eq, %select_n3A_1054, %eq3A_1056 : vector<16xi32>
      %eq3A_1058 = arith.constant 1 : i32
      %eq3A_1059 = vector.broadcast %eq3A_1058 : i32 to vector<16xi32>
      %eq3A_1060 = arith.cmpi eq, %select_n3A_1054, %eq3A_1059 : vector<16xi32>
      %jit3A_1061 = arith.constant 2.000000e+00 : f32
      %jit3A_1062 = arith.constant 4.125000e+00 : f32
      %broadcast_in_dim3A_1063 = vector.broadcast %jit3A_1061 : f32 to vector<16xf32>
      %broadcast_in_dim3A_1064 = vector.broadcast %jit3A_1062 : f32 to vector<16xf32>
      %select_n3A_1065 = arith.select %eq3A_1060, %broadcast_in_dim3A_1063, %broadcast_in_dim3A_1064 : vector<16xi1>, vector<16xf32>
      %jit3A_1066 = arith.constant 1.250000e+00 : f32
      %broadcast_in_dim3A_1067 = vector.broadcast %jit3A_1066 : f32 to vector<16xf32>
      %select_n3A_1068 = arith.select %eq3A_1057, %broadcast_in_dim3A_1067, %select_n3A_1065 : vector<16xi1>, vector<16xf32>
      %eq3A_1069 = arith.constant 0 : i32
      %eq3A_1070 = vector.broadcast %eq3A_1069 : i32 to vector<16xi32>
      %eq3A_1071 = arith.cmpi eq, %select_n3A_1054, %eq3A_1070 : vector<16xi32>
      %eq3A_1072 = arith.constant 1 : i32
      %eq3A_1073 = vector.broadcast %eq3A_1072 : i32 to vector<16xi32>
      %eq3A_1074 = arith.cmpi eq, %select_n3A_1054, %eq3A_1073 : vector<16xi32>
      %jit3A_1075 = arith.constant 3.750000e+00 : f32
      %jit3A_1076 = arith.constant 2.875000e+00 : f32
      %broadcast_in_dim3A_1077 = vector.broadcast %jit3A_1075 : f32 to vector<16xf32>
      %broadcast_in_dim3A_1078 = vector.broadcast %jit3A_1076 : f32 to vector<16xf32>
      %select_n3A_1079 = arith.select %eq3A_1074, %broadcast_in_dim3A_1077, %broadcast_in_dim3A_1078 : vector<16xi1>, vector<16xf32>
      %jit3A_1080 = arith.constant 1.625000e+00 : f32
      %broadcast_in_dim3A_1081 = vector.broadcast %jit3A_1080 : f32 to vector<16xf32>
      %select_n3A_1082 = arith.select %eq3A_1071, %broadcast_in_dim3A_1081, %select_n3A_1079 : vector<16xi1>, vector<16xf32>
      %sub3A_1083 = arith.subf %mul3A_656, %convert_element_type3A_676 : vector<16xf32>
      %sub3A_1084 = arith.subf %mul3A_661, %convert_element_type3A_677 : vector<16xf32>
      %div3A_1085 = arith.divf %mul3A_666, %select_n3A_1068 : vector<16xf32>
      %div3A_1086 = arith.divf %mul3A_671, %select_n3A_1082 : vector<16xf32>
      %mul3A_1087 = arith.constant 2.44140625E-4 : f32
      %mul3A_1088 = vector.broadcast %mul3A_1087 : f32 to vector<16xf32>
      %mul3A_1089 = arith.mulf %mul3A_704, %mul3A_1088 : vector<16xf32>
      %sub3A_1090 = arith.constant 2.000000e+00 : f32
      %sub3A_1091 = vector.broadcast %sub3A_1090 : f32 to vector<16xf32>
      %sub3A_1092 = arith.subf %sub3A_1091, %mul3A_1089 : vector<16xf32>
      %broadcast_in_dim3A_1093 = arith.constant 1.200000e+00 : f32
      %broadcast_in_dim3A_1094 = vector.broadcast %broadcast_in_dim3A_1093 : f32 to vector<16xf32>
      %div3A_1095 = arith.divf %sub3A_1092, %broadcast_in_dim3A_1094 : vector<16xf32>
      %add3A_1096 = arith.addf %broadcast_in_dim3A_1094, %div3A_1095 : vector<16xf32>
      %mul3A_1097 = arith.constant 5.000000e-01 : f32
      %mul3A_1098 = vector.broadcast %mul3A_1097 : f32 to vector<16xf32>
      %mul3A_1099 = arith.mulf %mul3A_1098, %add3A_1096 : vector<16xf32>
      %div3A_1100 = arith.divf %sub3A_1092, %mul3A_1099 : vector<16xf32>
      %add3A_1101 = arith.addf %mul3A_1099, %div3A_1100 : vector<16xf32>
      %mul3A_1102 = arith.constant 5.000000e-01 : f32
      %mul3A_1103 = vector.broadcast %mul3A_1102 : f32 to vector<16xf32>
      %mul3A_1104 = arith.mulf %mul3A_1103, %add3A_1101 : vector<16xf32>
      %div3A_1105 = arith.divf %sub3A_1092, %mul3A_1104 : vector<16xf32>
      %add3A_1106 = arith.addf %mul3A_1104, %div3A_1105 : vector<16xf32>
      %mul3A_1107 = arith.constant 5.000000e-01 : f32
      %mul3A_1108 = vector.broadcast %mul3A_1107 : f32 to vector<16xf32>
      %mul3A_1109 = arith.mulf %mul3A_1108, %add3A_1106 : vector<16xf32>
      %div3A_1110 = arith.divf %sub3A_1092, %mul3A_1109 : vector<16xf32>
      %add3A_1111 = arith.addf %mul3A_1109, %div3A_1110 : vector<16xf32>
      %mul3A_1112 = arith.constant 5.000000e-01 : f32
      %mul3A_1113 = vector.broadcast %mul3A_1112 : f32 to vector<16xf32>
      %mul3A_1114 = arith.mulf %mul3A_1113, %add3A_1111 : vector<16xf32>
      %convert_element_type3A_1115 = arith.fptosi %get3A_673 : vector<16xf32> to vector<16xi32>
      %min3A_1116 = arith.constant 79 : i32
      %min3A_1117 = vector.broadcast %min3A_1116 : i32 to vector<16xi32>
      %min3A_1118 = arith.minsi %convert_element_type3A_1115, %min3A_1117 : vector<16xi32>
      %mul3A_1119 = arith.constant 3 : i32
      %mul3A_1120 = vector.broadcast %mul3A_1119 : i32 to vector<16xi32>
      %mul3A_1121 = arith.muli %add3A_681, %mul3A_1120 : vector<16xi32>
      %add3A_1122 = arith.addi %mul3A_1121, %select_n3A_1054 : vector<16xi32>
      %sub3A_1123 = arith.constant -1 : i32
      %sub3A_1124 = vector.broadcast %sub3A_1123 : i32 to vector<16xi32>
      %sub3A_1125 = arith.subi %sub3A_1124, %add3A_651 : vector<16xi32>
      %select_n3A_1126 = arith.select %and3A_1051, %add3A_1122, %sub3A_1125 : vector<16xi1>, vector<16xi32>
      %swap3A_1127 = arith.constant 0 : i32
      %swap3A_1128 = arith.index_cast %swap3A_1127 : i32 to index
      %swap3A_1129 = arith.constant 16 : index
      %swap3A_1130 = tpu.vector_load %arg7[%swap3A_1128, %swap3A_1129] {strides = array<i32>} : memref<6x64xi32, #tpu.memory_space<vmem>>, vector<16xi32>,
      tpu.vector_store %arg7[%swap3A_1128, %swap3A_1129], %select_n3A_1126 {strides = array<i32>} : memref<6x64xi32, #tpu.memory_space<vmem>>, vector<16xi32>,
      %mul3A_1131 = arith.constant 128 : i32
      %mul3A_1132 = vector.broadcast %mul3A_1131 : i32 to vector<16xi32>
      %mul3A_1133 = arith.muli %add3A_1122, %mul3A_1132 : vector<16xi32>
      %add3A_1134 = arith.addi %mul3A_1133, %min3A_1118 : vector<16xi32>
      %select_n3A_1135 = arith.select %and3A_1051, %add3A_1134, %sub3A_1125 : vector<16xi1>, vector<16xi32>
      %swap3A_1136 = arith.constant 1 : i32
      %swap3A_1137 = arith.index_cast %swap3A_1136 : i32 to index
      %swap3A_1138 = arith.constant 16 : index
      %swap3A_1139 = tpu.vector_load %arg7[%swap3A_1137, %swap3A_1138] {strides = array<i32>} : memref<6x64xi32, #tpu.memory_space<vmem>>, vector<16xi32>,
      tpu.vector_store %arg7[%swap3A_1137, %swap3A_1138], %select_n3A_1135 {strides = array<i32>} : memref<6x64xi32, #tpu.memory_space<vmem>>, vector<16xi32>,
      %swap3A_1140 = arith.constant 2 : i32
      %swap3A_1141 = arith.index_cast %swap3A_1140 : i32 to index
      %swap3A_1142 = arith.constant 16 : index
      %swap3A_1143 = tpu.vector_load %arg7[%swap3A_1141, %swap3A_1142] {strides = array<i32>} : memref<6x64xi32, #tpu.memory_space<vmem>>, vector<16xi32>,
      tpu.vector_store %arg7[%swap3A_1141, %swap3A_1142], %min3A_1118 {strides = array<i32>} : memref<6x64xi32, #tpu.memory_space<vmem>>, vector<16xi32>,
      %mul3A_1144 = arith.constant 85 : i32
      %mul3A_1145 = vector.broadcast %mul3A_1144 : i32 to vector<16xi32>
      %mul3A_1146 = arith.muli %select_n3A_1054, %mul3A_1145 : vector<16xi32>
      %swap3A_1147 = arith.constant 3 : i32
      %swap3A_1148 = arith.index_cast %swap3A_1147 : i32 to index
      %swap3A_1149 = arith.constant 16 : index
      %swap3A_1150 = tpu.vector_load %arg7[%swap3A_1148, %swap3A_1149] {strides = array<i32>} : memref<6x64xi32, #tpu.memory_space<vmem>>, vector<16xi32>,
      tpu.vector_store %arg7[%swap3A_1148, %swap3A_1149], %mul3A_1146 {strides = array<i32>} : memref<6x64xi32, #tpu.memory_space<vmem>>, vector<16xi32>,
      %swap3A_1151 = arith.constant 4 : i32
      %swap3A_1152 = arith.index_cast %swap3A_1151 : i32 to index
      %swap3A_1153 = arith.constant 16 : index
      %swap3A_1154 = tpu.vector_load %arg7[%swap3A_1152, %swap3A_1153] {strides = array<i32>} : memref<6x64xi32, #tpu.memory_space<vmem>>, vector<16xi32>,
      tpu.vector_store %arg7[%swap3A_1152, %swap3A_1153], %convert_element_type3A_675 {strides = array<i32>} : memref<6x64xi32, #tpu.memory_space<vmem>>, vector<16xi32>,
      %swap3A_1155 = arith.constant 5 : i32
      %swap3A_1156 = arith.index_cast %swap3A_1155 : i32 to index
      %swap3A_1157 = arith.constant 16 : index
      %swap3A_1158 = tpu.vector_load %arg7[%swap3A_1156, %swap3A_1157] {strides = array<i32>} : memref<6x64xi32, #tpu.memory_space<vmem>>, vector<16xi32>,
      tpu.vector_store %arg7[%swap3A_1156, %swap3A_1157], %convert_element_type3A_674 {strides = array<i32>} : memref<6x64xi32, #tpu.memory_space<vmem>>, vector<16xi32>,
      %swap3A_1159 = arith.constant 0 : i32
      %swap3A_1160 = arith.index_cast %swap3A_1159 : i32 to index
      %swap3A_1161 = arith.constant 16 : index
      %swap3A_1162 = tpu.vector_load %arg6[%swap3A_1160, %swap3A_1161] {strides = array<i32>} : memref<16x64xf32, #tpu.memory_space<vmem>>, vector<16xf32>,
      tpu.vector_store %arg6[%swap3A_1160, %swap3A_1161], %sub3A_1083 {strides = array<i32>} : memref<16x64xf32, #tpu.memory_space<vmem>>, vector<16xf32>,
      %swap3A_1163 = arith.constant 1 : i32
      %swap3A_1164 = arith.index_cast %swap3A_1163 : i32 to index
      %swap3A_1165 = arith.constant 16 : index
      %swap3A_1166 = tpu.vector_load %arg6[%swap3A_1164, %swap3A_1165] {strides = array<i32>} : memref<16x64xf32, #tpu.memory_space<vmem>>, vector<16xf32>,
      tpu.vector_store %arg6[%swap3A_1164, %swap3A_1165], %sub3A_1084 {strides = array<i32>} : memref<16x64xf32, #tpu.memory_space<vmem>>, vector<16xf32>,
      %swap3A_1167 = arith.constant 2 : i32
      %swap3A_1168 = arith.index_cast %swap3A_1167 : i32 to index
      %swap3A_1169 = arith.constant 16 : index
      %swap3A_1170 = tpu.vector_load %arg6[%swap3A_1168, %swap3A_1169] {strides = array<i32>} : memref<16x64xf32, #tpu.memory_space<vmem>>, vector<16xf32>,
      tpu.vector_store %arg6[%swap3A_1168, %swap3A_1169], %div3A_1085 {strides = array<i32>} : memref<16x64xf32, #tpu.memory_space<vmem>>, vector<16xf32>,
      %swap3A_1171 = arith.constant 3 : i32
      %swap3A_1172 = arith.index_cast %swap3A_1171 : i32 to index
      %swap3A_1173 = arith.constant 16 : index
      %swap3A_1174 = tpu.vector_load %arg6[%swap3A_1172, %swap3A_1173] {strides = array<i32>} : memref<16x64xf32, #tpu.memory_space<vmem>>, vector<16xf32>,
      tpu.vector_store %arg6[%swap3A_1172, %swap3A_1173], %div3A_1086 {strides = array<i32>} : memref<16x64xf32, #tpu.memory_space<vmem>>, vector<16xf32>,
      %swap3A_1175 = arith.constant 4 : i32
      %swap3A_1176 = arith.index_cast %swap3A_1175 : i32 to index
      %swap3A_1177 = arith.constant 16 : index
      %swap3A_1178 = tpu.vector_load %arg6[%swap3A_1176, %swap3A_1177] {strides = array<i32>} : memref<16x64xf32, #tpu.memory_space<vmem>>, vector<16xf32>,
      tpu.vector_store %arg6[%swap3A_1176, %swap3A_1177], %mul3A_1114 {strides = array<i32>} : memref<16x64xf32, #tpu.memory_space<vmem>>, vector<16xf32>,
      %swap3A_1179 = arith.constant 5 : i32
      %swap3A_1180 = arith.index_cast %swap3A_1179 : i32 to index
      %swap3A_1181 = arith.constant 16 : index
      %swap3A_1182 = tpu.vector_load %arg6[%swap3A_1180, %swap3A_1181] {strides = array<i32>} : memref<16x64xf32, #tpu.memory_space<vmem>>, vector<16xf32>,
      tpu.vector_store %arg6[%swap3A_1180, %swap3A_1181], %convert_element_type3A_676 {strides = array<i32>} : memref<16x64xf32, #tpu.memory_space<vmem>>, vector<16xf32>,
      %swap3A_1183 = arith.constant 6 : i32
      %swap3A_1184 = arith.index_cast %swap3A_1183 : i32 to index
      %swap3A_1185 = arith.constant 16 : index
      %swap3A_1186 = tpu.vector_load %arg6[%swap3A_1184, %swap3A_1185] {strides = array<i32>} : memref<16x64xf32, #tpu.memory_space<vmem>>, vector<16xf32>,
      tpu.vector_store %arg6[%swap3A_1184, %swap3A_1185], %convert_element_type3A_677 {strides = array<i32>} : memref<16x64xf32, #tpu.memory_space<vmem>>, vector<16xf32>,
      %swap3A_1187 = arith.constant 7 : i32
      %swap3A_1188 = arith.index_cast %swap3A_1187 : i32 to index
      %swap3A_1189 = arith.constant 16 : index
      %swap3A_1190 = tpu.vector_load %arg6[%swap3A_1188, %swap3A_1189] {strides = array<i32>} : memref<16x64xf32, #tpu.memory_space<vmem>>, vector<16xf32>,
      tpu.vector_store %arg6[%swap3A_1188, %swap3A_1189], %select_n3A_1068 {strides = array<i32>} : memref<16x64xf32, #tpu.memory_space<vmem>>, vector<16xf32>,
      %swap3A_1191 = arith.constant 8 : i32
      %swap3A_1192 = arith.index_cast %swap3A_1191 : i32 to index
      %swap3A_1193 = arith.constant 16 : index
      %swap3A_1194 = tpu.vector_load %arg6[%swap3A_1192, %swap3A_1193] {strides = array<i32>} : memref<16x64xf32, #tpu.memory_space<vmem>>, vector<16xf32>,
      tpu.vector_store %arg6[%swap3A_1192, %swap3A_1193], %select_n3A_1082 {strides = array<i32>} : memref<16x64xf32, #tpu.memory_space<vmem>>, vector<16xf32>,
      %swap3A_1195 = arith.constant 9 : i32
      %swap3A_1196 = arith.index_cast %swap3A_1195 : i32 to index
      %swap3A_1197 = arith.constant 16 : index
      %swap3A_1198 = tpu.vector_load %arg6[%swap3A_1196, %swap3A_1197] {strides = array<i32>} : memref<16x64xf32, #tpu.memory_space<vmem>>, vector<16xf32>,
      tpu.vector_store %arg6[%swap3A_1196, %swap3A_1197], %sub3A_691 {strides = array<i32>} : memref<16x64xf32, #tpu.memory_space<vmem>>, vector<16xf32>,
      %swap3A_1199 = arith.constant 10 : i32
      %swap3A_1200 = arith.index_cast %swap3A_1199 : i32 to index
      %swap3A_1201 = arith.constant 16 : index
      %swap3A_1202 = tpu.vector_load %arg6[%swap3A_1200, %swap3A_1201] {strides = array<i32>} : memref<16x64xf32, #tpu.memory_space<vmem>>, vector<16xf32>,
      tpu.vector_store %arg6[%swap3A_1200, %swap3A_1201], %add3A_695 {strides = array<i32>} : memref<16x64xf32, #tpu.memory_space<vmem>>, vector<16xf32>,
      %swap3A_1203 = arith.constant 11 : i32
      %swap3A_1204 = arith.index_cast %swap3A_1203 : i32 to index
      %swap3A_1205 = arith.constant 16 : index
      %swap3A_1206 = tpu.vector_load %arg6[%swap3A_1204, %swap3A_1205] {strides = array<i32>} : memref<16x64xf32, #tpu.memory_space<vmem>>, vector<16xf32>,
      tpu.vector_store %arg6[%swap3A_1204, %swap3A_1205], %sub3A_699 {strides = array<i32>} : memref<16x64xf32, #tpu.memory_space<vmem>>, vector<16xf32>,
      %swap3A_1207 = arith.constant 12 : i32
      %swap3A_1208 = arith.index_cast %swap3A_1207 : i32 to index
      %swap3A_1209 = arith.constant 16 : index
      %swap3A_1210 = tpu.vector_load %arg6[%swap3A_1208, %swap3A_1209] {strides = array<i32>} : memref<16x64xf32, #tpu.memory_space<vmem>>, vector<16xf32>,
      tpu.vector_store %arg6[%swap3A_1208, %swap3A_1209], %add3A_703 {strides = array<i32>} : memref<16x64xf32, #tpu.memory_space<vmem>>, vector<16xf32>,
      %swap3A_1211 = arith.constant 13 : i32
      %swap3A_1212 = arith.index_cast %swap3A_1211 : i32 to index
      %swap3A_1213 = arith.constant 16 : index
      %swap3A_1214 = tpu.vector_load %arg6[%swap3A_1212, %swap3A_1213] {strides = array<i32>} : memref<16x64xf32, #tpu.memory_space<vmem>>, vector<16xf32>,
      tpu.vector_store %arg6[%swap3A_1212, %swap3A_1213], %mul3A_704 {strides = array<i32>} : memref<16x64xf32, #tpu.memory_space<vmem>>, vector<16xf32>,
      %jit3A_1215 = arith.constant 1.000000e+00 : f32
      %jit3A_1216 = arith.constant 0.000000e+00 : f32
      %broadcast_in_dim3A_1217 = vector.broadcast %jit3A_1215 : f32 to vector<16xf32>
      %broadcast_in_dim3A_1218 = vector.broadcast %jit3A_1216 : f32 to vector<16xf32>
      %select_n3A_1219 = arith.select %lt3A_1047, %broadcast_in_dim3A_1217, %broadcast_in_dim3A_1218 : vector<16xi1>, vector<16xf32>
      %swap3A_1220 = arith.constant 14 : i32
      %swap3A_1221 = arith.index_cast %swap3A_1220 : i32 to index
      %swap3A_1222 = arith.constant 16 : index
      %swap3A_1223 = tpu.vector_load %arg6[%swap3A_1221, %swap3A_1222] {strides = array<i32>} : memref<16x64xf32, #tpu.memory_space<vmem>>, vector<16xf32>,
      tpu.vector_store %arg6[%swap3A_1221, %swap3A_1222], %select_n3A_1219 {strides = array<i32>} : memref<16x64xf32, #tpu.memory_space<vmem>>, vector<16xf32>,
      %add3A_1224 = arith.constant 32 : i32
      %add3A_1225 = vector.broadcast %add3A_1224 : i32 to vector<16xi32>
      %add3A_1226 = arith.addi %iota3A, %add3A_1225 : vector<16xi32>
      %get3A_1227 = arith.constant 32 : index
      %get3A_1228 = tpu.vector_load %arg5[%get3A_1227] {strides = array<i32>} : memref<320xf32, #tpu.memory_space<vmem>>, vector<16xf32>,
      %mul3A_1229 = arith.constant 6.400000e+01 : f32
      %mul3A_1230 = vector.broadcast %mul3A_1229 : f32 to vector<16xf32>
      %mul3A_1231 = arith.mulf %get3A_1228, %mul3A_1230 : vector<16xf32>
      %get3A_1232 = arith.constant 96 : index
      %get3A_1233 = tpu.vector_load %arg5[%get3A_1232] {strides = array<i32>} : memref<320xf32, #tpu.memory_space<vmem>>, vector<16xf32>,
      %mul3A_1234 = arith.constant 6.400000e+01 : f32
      %mul3A_1235 = vector.broadcast %mul3A_1234 : f32 to vector<16xf32>
      %mul3A_1236 = arith.mulf %get3A_1233, %mul3A_1235 : vector<16xf32>
      %get3A_1237 = arith.constant 160 : index
      %get3A_1238 = tpu.vector_load %arg5[%get3A_1237] {strides = array<i32>} : memref<320xf32, #tpu.memory_space<vmem>>, vector<16xf32>,
      %mul3A_1239 = arith.constant 6.400000e+01 : f32
      %mul3A_1240 = vector.broadcast %mul3A_1239 : f32 to vector<16xf32>
      %mul3A_1241 = arith.mulf %get3A_1238, %mul3A_1240 : vector<16xf32>
      %get3A_1242 = arith.constant 224 : index
      %get3A_1243 = tpu.vector_load %arg5[%get3A_1242] {strides = array<i32>} : memref<320xf32, #tpu.memory_space<vmem>>, vector<16xf32>,
      %mul3A_1244 = arith.constant 6.400000e+01 : f32
      %mul3A_1245 = vector.broadcast %mul3A_1244 : f32 to vector<16xf32>
      %mul3A_1246 = arith.mulf %get3A_1243, %mul3A_1245 : vector<16xf32>
      %get3A_1247 = arith.constant 288 : index
      %get3A_1248 = tpu.vector_load %arg5[%get3A_1247] {strides = array<i32>} : memref<320xf32, #tpu.memory_space<vmem>>, vector<16xf32>,
      %convert_element_type3A_1249 = arith.fptosi %mul3A_1231 : vector<16xf32> to vector<16xi32>
      %convert_element_type3A_1250 = arith.fptosi %mul3A_1236 : vector<16xf32> to vector<16xi32>
      %convert_element_type3A_1251 = arith.sitofp %convert_element_type3A_1249 : vector<16xi32> to vector<16xf32>
      %convert_element_type3A_1252 = arith.sitofp %convert_element_type3A_1250 : vector<16xi32> to vector<16xf32>
      %mul3A_1253 = arith.constant 64 : i32
      %mul3A_1254 = vector.broadcast %mul3A_1253 : i32 to vector<16xi32>
      %mul3A_1255 = arith.muli %convert_element_type3A_1250, %mul3A_1254 : vector<16xi32>
      %add3A_1256 = arith.addi %mul3A_1255, %convert_element_type3A_1249 : vector<16xi32>
      %add3A_1257 = arith.constant 5.000000e-01 : f32
      %add3A_1258 = vector.broadcast %add3A_1257 : f32 to vector<16xf32>
      %add3A_1259 = arith.addf %convert_element_type3A_1251, %add3A_1258 : vector<16xf32>
      %add3A_1260 = arith.constant 5.000000e-01 : f32
      %add3A_1261 = vector.broadcast %add3A_1260 : f32 to vector<16xf32>
      %add3A_1262 = arith.addf %convert_element_type3A_1252, %add3A_1261 : vector<16xf32>
      %mul3A_1263 = arith.constant 5.000000e-01 : f32
      %mul3A_1264 = vector.broadcast %mul3A_1263 : f32 to vector<16xf32>
      %mul3A_1265 = arith.mulf %mul3A_1241, %mul3A_1264 : vector<16xf32>
      %sub3A_1266 = arith.subf %mul3A_1231, %mul3A_1265 : vector<16xf32>
      %mul3A_1267 = arith.constant 5.000000e-01 : f32
      %mul3A_1268 = vector.broadcast %mul3A_1267 : f32 to vector<16xf32>
      %mul3A_1269 = arith.mulf %mul3A_1241, %mul3A_1268 : vector<16xf32>
      %add3A_1270 = arith.addf %mul3A_1231, %mul3A_1269 : vector<16xf32>
      %mul3A_1271 = arith.constant 5.000000e-01 : f32
      %mul3A_1272 = vector.broadcast %mul3A_1271 : f32 to vector<16xf32>
      %mul3A_1273 = arith.mulf %mul3A_1246, %mul3A_1272 : vector<16xf32>
      %sub3A_1274 = arith.subf %mul3A_1236, %mul3A_1273 : vector<16xf32>
      %mul3A_1275 = arith.constant 5.000000e-01 : f32
      %mul3A_1276 = vector.broadcast %mul3A_1275 : f32 to vector<16xf32>
      %mul3A_1277 = arith.mulf %mul3A_1246, %mul3A_1276 : vector<16xf32>
      %add3A_1278 = arith.addf %mul3A_1236, %mul3A_1277 : vector<16xf32>
      %mul3A_1279 = arith.mulf %mul3A_1241, %mul3A_1246 : vector<16xf32>
      %broadcast_in_dim3A_1280 = arith.constant -1.000000e+00 : f32
      %broadcast_in_dim3A_1281 = vector.broadcast %broadcast_in_dim3A_1280 : f32 to vector<16xf32>
      %broadcast_in_dim3A_1282 = arith.constant 0 : i32
      %broadcast_in_dim3A_1283 = vector.broadcast %broadcast_in_dim3A_1282 : i32 to vector<16xi32>
      %add3A_1284 = arith.constant 6.250000e-01 : f32
      %add3A_1285 = vector.broadcast %add3A_1284 : f32 to vector<16xf32>
      %add3A_1286 = arith.addf %add3A_1259, %add3A_1285 : vector<16xf32>
      %min3A_1287 = arith.minimumf %add3A_1286, %add3A_1270 : vector<16xf32>
      %sub3A_1288 = arith.constant 6.250000e-01 : f32
      %sub3A_1289 = vector.broadcast %sub3A_1288 : f32 to vector<16xf32>
      %sub3A_1290 = arith.subf %add3A_1259, %sub3A_1289 : vector<16xf32>
      %max3A_1291 = arith.maximumf %sub3A_1290, %sub3A_1266 : vector<16xf32>
      %sub3A_1292 = arith.subf %min3A_1287, %max3A_1291 : vector<16xf32>
      %max3A_1293 = arith.constant 0.000000e+00 : f32
      %max3A_1294 = vector.broadcast %max3A_1293 : f32 to vector<16xf32>
      %max3A_1295 = arith.maximumf %sub3A_1292, %max3A_1294 : vector<16xf32>
      %add3A_1296 = arith.constant 8.125000e-01 : f32
      %add3A_1297 = vector.broadcast %add3A_1296 : f32 to vector<16xf32>
      %add3A_1298 = arith.addf %add3A_1262, %add3A_1297 : vector<16xf32>
      %min3A_1299 = arith.minimumf %add3A_1298, %add3A_1278 : vector<16xf32>
      %sub3A_1300 = arith.constant 8.125000e-01 : f32
      %sub3A_1301 = vector.broadcast %sub3A_1300 : f32 to vector<16xf32>
      %sub3A_1302 = arith.subf %add3A_1262, %sub3A_1301 : vector<16xf32>
      %max3A_1303 = arith.maximumf %sub3A_1302, %sub3A_1274 : vector<16xf32>
      %sub3A_1304 = arith.subf %min3A_1299, %max3A_1303 : vector<16xf32>
      %max3A_1305 = arith.constant 0.000000e+00 : f32
      %max3A_1306 = vector.broadcast %max3A_1305 : f32 to vector<16xf32>
      %max3A_1307 = arith.maximumf %sub3A_1304, %max3A_1306 : vector<16xf32>
      %mul3A_1308 = arith.mulf %max3A_1295, %max3A_1307 : vector<16xf32>
      %add3A_1309 = arith.constant 2.031250e+00 : f32
      %add3A_1310 = vector.broadcast %add3A_1309 : f32 to vector<16xf32>
      %add3A_1311 = arith.addf %add3A_1310, %mul3A_1279 : vector<16xf32>
      %sub3A_1312 = arith.subf %add3A_1311, %mul3A_1308 : vector<16xf32>
      %max3A_1313 = arith.constant 9.99999996E-13 : f32
      %max3A_1314 = vector.broadcast %max3A_1313 : f32 to vector<16xf32>
      %max3A_1315 = arith.maximumf %sub3A_1312, %max3A_1314 : vector<16xf32>
      %div3A_1316 = arith.divf %mul3A_1308, %max3A_1315 : vector<16xf32>
      %add3A_1317 = arith.constant 1.000000e+00 : f32
      %add3A_1318 = vector.broadcast %add3A_1317 : f32 to vector<16xf32>
      %add3A_1319 = arith.addf %add3A_1259, %add3A_1318 : vector<16xf32>
      %min3A_1320 = arith.minimumf %add3A_1319, %add3A_1270 : vector<16xf32>
      %sub3A_1321 = arith.constant 1.000000e+00 : f32
      %sub3A_1322 = vector.broadcast %sub3A_1321 : f32 to vector<16xf32>
      %sub3A_1323 = arith.subf %add3A_1259, %sub3A_1322 : vector<16xf32>
      %max3A_1324 = arith.maximumf %sub3A_1323, %sub3A_1266 : vector<16xf32>
      %sub3A_1325 = arith.subf %min3A_1320, %max3A_1324 : vector<16xf32>
      %max3A_1326 = arith.constant 0.000000e+00 : f32
      %max3A_1327 = vector.broadcast %max3A_1326 : f32 to vector<16xf32>
      %max3A_1328 = arith.maximumf %sub3A_1325, %max3A_1327 : vector<16xf32>
      %add3A_1329 = arith.constant 1.875000e+00 : f32
      %add3A_1330 = vector.broadcast %add3A_1329 : f32 to vector<16xf32>
      %add3A_1331 = arith.addf %add3A_1262, %add3A_1330 : vector<16xf32>
      %min3A_1332 = arith.minimumf %add3A_1331, %add3A_1278 : vector<16xf32>
      %sub3A_1333 = arith.constant 1.875000e+00 : f32
      %sub3A_1334 = vector.broadcast %sub3A_1333 : f32 to vector<16xf32>
      %sub3A_1335 = arith.subf %add3A_1262, %sub3A_1334 : vector<16xf32>
      %max3A_1336 = arith.maximumf %sub3A_1335, %sub3A_1274 : vector<16xf32>
      %sub3A_1337 = arith.subf %min3A_1332, %max3A_1336 : vector<16xf32>
      %max3A_1338 = arith.constant 0.000000e+00 : f32
      %max3A_1339 = vector.broadcast %max3A_1338 : f32 to vector<16xf32>
      %max3A_1340 = arith.maximumf %sub3A_1337, %max3A_1339 : vector<16xf32>
      %mul3A_1341 = arith.mulf %max3A_1328, %max3A_1340 : vector<16xf32>
      %add3A_1342 = arith.constant 7.500000e+00 : f32
      %add3A_1343 = vector.broadcast %add3A_1342 : f32 to vector<16xf32>
      %add3A_1344 = arith.addf %add3A_1343, %mul3A_1279 : vector<16xf32>
      %sub3A_1345 = arith.subf %add3A_1344, %mul3A_1341 : vector<16xf32>
      %max3A_1346 = arith.constant 9.99999996E-13 : f32
      %max3A_1347 = vector.broadcast %max3A_1346 : f32 to vector<16xf32>
      %max3A_1348 = arith.maximumf %sub3A_1345, %max3A_1347 : vector<16xf32>
      %div3A_1349 = arith.divf %mul3A_1341, %max3A_1348 : vector<16xf32>
      %gt3A_1350 = arith.cmpf ogt, %div3A_1349, %div3A_1316 : vector<16xf32>
      %jit3A_1351 = arith.constant 1 : i32
      %broadcast_in_dim3A_1352 = vector.broadcast %jit3A_1351 : i32 to vector<16xi32>
      %select_n3A_1353 = arith.select %gt3A_1350, %broadcast_in_dim3A_1352, %broadcast_in_dim3A_1283 : vector<16xi1>, vector<16xi32>
      %max3A_1354 = arith.maximumf %div3A_1316, %div3A_1349 : vector<16xf32>
      %add3A_1355 = arith.constant 2.062500e+00 : f32
      %add3A_1356 = vector.broadcast %add3A_1355 : f32 to vector<16xf32>
      %add3A_1357 = arith.addf %add3A_1259, %add3A_1356 : vector<16xf32>
      %min3A_1358 = arith.minimumf %add3A_1357, %add3A_1270 : vector<16xf32>
      %sub3A_1359 = arith.constant 2.062500e+00 : f32
      %sub3A_1360 = vector.broadcast %sub3A_1359 : f32 to vector<16xf32>
      %sub3A_1361 = arith.subf %add3A_1259, %sub3A_1360 : vector<16xf32>
      %max3A_1362 = arith.maximumf %sub3A_1361, %sub3A_1266 : vector<16xf32>
      %sub3A_1363 = arith.subf %min3A_1358, %max3A_1362 : vector<16xf32>
      %max3A_1364 = arith.constant 0.000000e+00 : f32
      %max3A_1365 = vector.broadcast %max3A_1364 : f32 to vector<16xf32>
      %max3A_1366 = arith.maximumf %sub3A_1363, %max3A_1365 : vector<16xf32>
      %add3A_1367 = arith.constant 1.437500e+00 : f32
      %add3A_1368 = vector.broadcast %add3A_1367 : f32 to vector<16xf32>
      %add3A_1369 = arith.addf %add3A_1262, %add3A_1368 : vector<16xf32>
      %min3A_1370 = arith.minimumf %add3A_1369, %add3A_1278 : vector<16xf32>
      %sub3A_1371 = arith.constant 1.437500e+00 : f32
      %sub3A_1372 = vector.broadcast %sub3A_1371 : f32 to vector<16xf32>
      %sub3A_1373 = arith.subf %add3A_1262, %sub3A_1372 : vector<16xf32>
      %max3A_1374 = arith.maximumf %sub3A_1373, %sub3A_1274 : vector<16xf32>
      %sub3A_1375 = arith.subf %min3A_1370, %max3A_1374 : vector<16xf32>
      %max3A_1376 = arith.constant 0.000000e+00 : f32
      %max3A_1377 = vector.broadcast %max3A_1376 : f32 to vector<16xf32>
      %max3A_1378 = arith.maximumf %sub3A_1375, %max3A_1377 : vector<16xf32>
      %mul3A_1379 = arith.mulf %max3A_1366, %max3A_1378 : vector<16xf32>
      %add3A_1380 = arith.constant 11.859375 : f32
      %add3A_1381 = vector.broadcast %add3A_1380 : f32 to vector<16xf32>
      %add3A_1382 = arith.addf %add3A_1381, %mul3A_1279 : vector<16xf32>
      %sub3A_1383 = arith.subf %add3A_1382, %mul3A_1379 : vector<16xf32>
      %max3A_1384 = arith.constant 9.99999996E-13 : f32
      %max3A_1385 = vector.broadcast %max3A_1384 : f32 to vector<16xf32>
      %max3A_1386 = arith.maximumf %sub3A_1383, %max3A_1385 : vector<16xf32>
      %div3A_1387 = arith.divf %mul3A_1379, %max3A_1386 : vector<16xf32>
      %gt3A_1388 = arith.cmpf ogt, %div3A_1387, %max3A_1354 : vector<16xf32>
      %jit3A_1389 = arith.constant 2 : i32
      %broadcast_in_dim3A_1390 = vector.broadcast %jit3A_1389 : i32 to vector<16xi32>
      %select_n3A_1391 = arith.select %gt3A_1388, %broadcast_in_dim3A_1390, %select_n3A_1353 : vector<16xi1>, vector<16xi32>
      %max3A_1392 = arith.maximumf %max3A_1354, %div3A_1387 : vector<16xf32>
      %add3A_1393 = arith.constant 1.875000e+00 : f32
      %add3A_1394 = vector.broadcast %add3A_1393 : f32 to vector<16xf32>
      %add3A_1395 = arith.addf %add3A_1259, %add3A_1394 : vector<16xf32>
      %min3A_1396 = arith.minimumf %add3A_1395, %add3A_1270 : vector<16xf32>
      %sub3A_1397 = arith.constant 1.875000e+00 : f32
      %sub3A_1398 = vector.broadcast %sub3A_1397 : f32 to vector<16xf32>
      %sub3A_1399 = arith.subf %add3A_1259, %sub3A_1398 : vector<16xf32>
      %max3A_1400 = arith.maximumf %sub3A_1399, %sub3A_1266 : vector<16xf32>
      %sub3A_1401 = arith.subf %min3A_1396, %max3A_1400 : vector<16xf32>
      %max3A_1402 = arith.constant 0.000000e+00 : f32
      %max3A_1403 = vector.broadcast %max3A_1402 : f32 to vector<16xf32>
      %max3A_1404 = arith.maximumf %sub3A_1401, %max3A_1403 : vector<16xf32>
      %add3A_1405 = arith.constant 3.812500e+00 : f32
      %add3A_1406 = vector.broadcast %add3A_1405 : f32 to vector<16xf32>
      %add3A_1407 = arith.addf %add3A_1262, %add3A_1406 : vector<16xf32>
      %min3A_1408 = arith.minimumf %add3A_1407, %add3A_1278 : vector<16xf32>
      %sub3A_1409 = arith.constant 3.812500e+00 : f32
      %sub3A_1410 = vector.broadcast %sub3A_1409 : f32 to vector<16xf32>
      %sub3A_1411 = arith.subf %add3A_1262, %sub3A_1410 : vector<16xf32>
      %max3A_1412 = arith.maximumf %sub3A_1411, %sub3A_1274 : vector<16xf32>
      %sub3A_1413 = arith.subf %min3A_1408, %max3A_1412 : vector<16xf32>
      %max3A_1414 = arith.constant 0.000000e+00 : f32
      %max3A_1415 = vector.broadcast %max3A_1414 : f32 to vector<16xf32>
      %max3A_1416 = arith.maximumf %sub3A_1413, %max3A_1415 : vector<16xf32>
      %mul3A_1417 = arith.mulf %max3A_1404, %max3A_1416 : vector<16xf32>
      %add3A_1418 = arith.constant 28.59375 : f32
      %add3A_1419 = vector.broadcast %add3A_1418 : f32 to vector<16xf32>
      %add3A_1420 = arith.addf %add3A_1419, %mul3A_1279 : vector<16xf32>
      %sub3A_1421 = arith.subf %add3A_1420, %mul3A_1417 : vector<16xf32>
      %max3A_1422 = arith.constant 9.99999996E-13 : f32
      %max3A_1423 = vector.broadcast %max3A_1422 : f32 to vector<16xf32>
      %max3A_1424 = arith.maximumf %sub3A_1421, %max3A_1423 : vector<16xf32>
      %div3A_1425 = arith.divf %mul3A_1417, %max3A_1424 : vector<16xf32>
      %gt3A_1426 = arith.cmpf ogt, %div3A_1425, %max3A_1392 : vector<16xf32>
      %jit3A_1427 = arith.constant 3 : i32
      %broadcast_in_dim3A_1428 = vector.broadcast %jit3A_1427 : i32 to vector<16xi32>
      %select_n3A_1429 = arith.select %gt3A_1426, %broadcast_in_dim3A_1428, %select_n3A_1391 : vector<16xi1>, vector<16xi32>
      %max3A_1430 = arith.maximumf %max3A_1392, %div3A_1425 : vector<16xf32>
      %add3A_1431 = arith.constant 3.875000e+00 : f32
      %add3A_1432 = vector.broadcast %add3A_1431 : f32 to vector<16xf32>
      %add3A_1433 = arith.addf %add3A_1259, %add3A_1432 : vector<16xf32>
      %min3A_1434 = arith.minimumf %add3A_1433, %add3A_1270 : vector<16xf32>
      %sub3A_1435 = arith.constant 3.875000e+00 : f32
      %sub3A_1436 = vector.broadcast %sub3A_1435 : f32 to vector<16xf32>
      %sub3A_1437 = arith.subf %add3A_1259, %sub3A_1436 : vector<16xf32>
      %max3A_1438 = arith.maximumf %sub3A_1437, %sub3A_1266 : vector<16xf32>
      %sub3A_1439 = arith.subf %min3A_1434, %max3A_1438 : vector<16xf32>
      %max3A_1440 = arith.constant 0.000000e+00 : f32
      %max3A_1441 = vector.broadcast %max3A_1440 : f32 to vector<16xf32>
      %max3A_1442 = arith.maximumf %sub3A_1439, %max3A_1441 : vector<16xf32>
      %add3A_1443 = arith.constant 2.812500e+00 : f32
      %add3A_1444 = vector.broadcast %add3A_1443 : f32 to vector<16xf32>
      %add3A_1445 = arith.addf %add3A_1262, %add3A_1444 : vector<16xf32>
      %min3A_1446 = arith.minimumf %add3A_1445, %add3A_1278 : vector<16xf32>
      %sub3A_1447 = arith.constant 2.812500e+00 : f32
      %sub3A_1448 = vector.broadcast %sub3A_1447 : f32 to vector<16xf32>
      %sub3A_1449 = arith.subf %add3A_1262, %sub3A_1448 : vector<16xf32>
      %max3A_1450 = arith.maximumf %sub3A_1449, %sub3A_1274 : vector<16xf32>
      %sub3A_1451 = arith.subf %min3A_1446, %max3A_1450 : vector<16xf32>
      %max3A_1452 = arith.constant 0.000000e+00 : f32
      %max3A_1453 = vector.broadcast %max3A_1452 : f32 to vector<16xf32>
      %max3A_1454 = arith.maximumf %sub3A_1451, %max3A_1453 : vector<16xf32>
      %mul3A_1455 = arith.mulf %max3A_1442, %max3A_1454 : vector<16xf32>
      %add3A_1456 = arith.constant 43.59375 : f32
      %add3A_1457 = vector.broadcast %add3A_1456 : f32 to vector<16xf32>
      %add3A_1458 = arith.addf %add3A_1457, %mul3A_1279 : vector<16xf32>
      %sub3A_1459 = arith.subf %add3A_1458, %mul3A_1455 : vector<16xf32>
      %max3A_1460 = arith.constant 9.99999996E-13 : f32
      %max3A_1461 = vector.broadcast %max3A_1460 : f32 to vector<16xf32>
      %max3A_1462 = arith.maximumf %sub3A_1459, %max3A_1461 : vector<16xf32>
      %div3A_1463 = arith.divf %mul3A_1455, %max3A_1462 : vector<16xf32>
      %gt3A_1464 = arith.cmpf ogt, %div3A_1463, %max3A_1430 : vector<16xf32>
      %jit3A_1465 = arith.constant 4 : i32
      %broadcast_in_dim3A_1466 = vector.broadcast %jit3A_1465 : i32 to vector<16xi32>
      %select_n3A_1467 = arith.select %gt3A_1464, %broadcast_in_dim3A_1466, %select_n3A_1429 : vector<16xi1>, vector<16xi32>
      %max3A_1468 = arith.maximumf %max3A_1430, %div3A_1463 : vector<16xf32>
      %add3A_1469 = arith.constant 3.687500e+00 : f32
      %add3A_1470 = vector.broadcast %add3A_1469 : f32 to vector<16xf32>
      %add3A_1471 = arith.addf %add3A_1259, %add3A_1470 : vector<16xf32>
      %min3A_1472 = arith.minimumf %add3A_1471, %add3A_1270 : vector<16xf32>
      %sub3A_1473 = arith.constant 3.687500e+00 : f32
      %sub3A_1474 = vector.broadcast %sub3A_1473 : f32 to vector<16xf32>
      %sub3A_1475 = arith.subf %add3A_1259, %sub3A_1474 : vector<16xf32>
      %max3A_1476 = arith.maximumf %sub3A_1475, %sub3A_1266 : vector<16xf32>
      %sub3A_1477 = arith.subf %min3A_1472, %max3A_1476 : vector<16xf32>
      %max3A_1478 = arith.constant 0.000000e+00 : f32
      %max3A_1479 = vector.broadcast %max3A_1478 : f32 to vector<16xf32>
      %max3A_1480 = arith.maximumf %sub3A_1477, %max3A_1479 : vector<16xf32>
      %add3A_1481 = arith.constant 7.437500e+00 : f32
      %add3A_1482 = vector.broadcast %add3A_1481 : f32 to vector<16xf32>
      %add3A_1483 = arith.addf %add3A_1262, %add3A_1482 : vector<16xf32>
      %min3A_1484 = arith.minimumf %add3A_1483, %add3A_1278 : vector<16xf32>
      %sub3A_1485 = arith.constant 7.437500e+00 : f32
      %sub3A_1486 = vector.broadcast %sub3A_1485 : f32 to vector<16xf32>
      %sub3A_1487 = arith.subf %add3A_1262, %sub3A_1486 : vector<16xf32>
      %max3A_1488 = arith.maximumf %sub3A_1487, %sub3A_1274 : vector<16xf32>
      %sub3A_1489 = arith.subf %min3A_1484, %max3A_1488 : vector<16xf32>
      %max3A_1490 = arith.constant 0.000000e+00 : f32
      %max3A_1491 = vector.broadcast %max3A_1490 : f32 to vector<16xf32>
      %max3A_1492 = arith.maximumf %sub3A_1489, %max3A_1491 : vector<16xf32>
      %mul3A_1493 = arith.mulf %max3A_1480, %max3A_1492 : vector<16xf32>
      %add3A_1494 = arith.constant 109.703125 : f32
      %add3A_1495 = vector.broadcast %add3A_1494 : f32 to vector<16xf32>
      %add3A_1496 = arith.addf %add3A_1495, %mul3A_1279 : vector<16xf32>
      %sub3A_1497 = arith.subf %add3A_1496, %mul3A_1493 : vector<16xf32>
      %max3A_1498 = arith.constant 9.99999996E-13 : f32
      %max3A_1499 = vector.broadcast %max3A_1498 : f32 to vector<16xf32>
      %max3A_1500 = arith.maximumf %sub3A_1497, %max3A_1499 : vector<16xf32>
      %div3A_1501 = arith.divf %mul3A_1493, %max3A_1500 : vector<16xf32>
      %gt3A_1502 = arith.cmpf ogt, %div3A_1501, %max3A_1468 : vector<16xf32>
      %jit3A_1503 = arith.constant 5 : i32
      %broadcast_in_dim3A_1504 = vector.broadcast %jit3A_1503 : i32 to vector<16xi32>
      %select_n3A_1505 = arith.select %gt3A_1502, %broadcast_in_dim3A_1504, %select_n3A_1467 : vector<16xi1>, vector<16xi32>
      %max3A_1506 = arith.maximumf %max3A_1468, %div3A_1501 : vector<16xf32>
      %add3A_1507 = arith.constant 7.250000e+00 : f32
      %add3A_1508 = vector.broadcast %add3A_1507 : f32 to vector<16xf32>
      %add3A_1509 = arith.addf %add3A_1259, %add3A_1508 : vector<16xf32>
      %min3A_1510 = arith.minimumf %add3A_1509, %add3A_1270 : vector<16xf32>
      %sub3A_1511 = arith.constant 7.250000e+00 : f32
      %sub3A_1512 = vector.broadcast %sub3A_1511 : f32 to vector<16xf32>
      %sub3A_1513 = arith.subf %add3A_1259, %sub3A_1512 : vector<16xf32>
      %max3A_1514 = arith.maximumf %sub3A_1513, %sub3A_1266 : vector<16xf32>
      %sub3A_1515 = arith.subf %min3A_1510, %max3A_1514 : vector<16xf32>
      %max3A_1516 = arith.constant 0.000000e+00 : f32
      %max3A_1517 = vector.broadcast %max3A_1516 : f32 to vector<16xf32>
      %max3A_1518 = arith.maximumf %sub3A_1515, %max3A_1517 : vector<16xf32>
      %add3A_1519 = arith.constant 5.625000e+00 : f32
      %add3A_1520 = vector.broadcast %add3A_1519 : f32 to vector<16xf32>
      %add3A_1521 = arith.addf %add3A_1262, %add3A_1520 : vector<16xf32>
      %min3A_1522 = arith.minimumf %add3A_1521, %add3A_1278 : vector<16xf32>
      %sub3A_1523 = arith.constant 5.625000e+00 : f32
      %sub3A_1524 = vector.broadcast %sub3A_1523 : f32 to vector<16xf32>
      %sub3A_1525 = arith.subf %add3A_1262, %sub3A_1524 : vector<16xf32>
      %max3A_1526 = arith.maximumf %sub3A_1525, %sub3A_1274 : vector<16xf32>
      %sub3A_1527 = arith.subf %min3A_1522, %max3A_1526 : vector<16xf32>
      %max3A_1528 = arith.constant 0.000000e+00 : f32
      %max3A_1529 = vector.broadcast %max3A_1528 : f32 to vector<16xf32>
      %max3A_1530 = arith.maximumf %sub3A_1527, %max3A_1529 : vector<16xf32>
      %mul3A_1531 = arith.mulf %max3A_1518, %max3A_1530 : vector<16xf32>
      %add3A_1532 = arith.constant 1.631250e+02 : f32
      %add3A_1533 = vector.broadcast %add3A_1532 : f32 to vector<16xf32>
      %add3A_1534 = arith.addf %add3A_1533, %mul3A_1279 : vector<16xf32>
      %sub3A_1535 = arith.subf %add3A_1534, %mul3A_1531 : vector<16xf32>
      %max3A_1536 = arith.constant 9.99999996E-13 : f32
      %max3A_1537 = vector.broadcast %max3A_1536 : f32 to vector<16xf32>
      %max3A_1538 = arith.maximumf %sub3A_1535, %max3A_1537 : vector<16xf32>
      %div3A_1539 = arith.divf %mul3A_1531, %max3A_1538 : vector<16xf32>
      %gt3A_1540 = arith.cmpf ogt, %div3A_1539, %max3A_1506 : vector<16xf32>
      %jit3A_1541 = arith.constant 6 : i32
      %broadcast_in_dim3A_1542 = vector.broadcast %jit3A_1541 : i32 to vector<16xi32>
      %select_n3A_1543 = arith.select %gt3A_1540, %broadcast_in_dim3A_1542, %select_n3A_1505 : vector<16xi1>, vector<16xi32>
      %max3A_1544 = arith.maximumf %max3A_1506, %div3A_1539 : vector<16xf32>
      %add3A_1545 = arith.constant 9.750000e+00 : f32
      %add3A_1546 = vector.broadcast %add3A_1545 : f32 to vector<16xf32>
      %add3A_1547 = arith.addf %add3A_1259, %add3A_1546 : vector<16xf32>
      %min3A_1548 = arith.minimumf %add3A_1547, %add3A_1270 : vector<16xf32>
      %sub3A_1549 = arith.constant 9.750000e+00 : f32
      %sub3A_1550 = vector.broadcast %sub3A_1549 : f32 to vector<16xf32>
      %sub3A_1551 = arith.subf %add3A_1259, %sub3A_1550 : vector<16xf32>
      %max3A_1552 = arith.maximumf %sub3A_1551, %sub3A_1266 : vector<16xf32>
      %sub3A_1553 = arith.subf %min3A_1548, %max3A_1552 : vector<16xf32>
      %max3A_1554 = arith.constant 0.000000e+00 : f32
      %max3A_1555 = vector.broadcast %max3A_1554 : f32 to vector<16xf32>
      %max3A_1556 = arith.maximumf %sub3A_1553, %max3A_1555 : vector<16xf32>
      %add3A_1557 = arith.constant 1.237500e+01 : f32
      %add3A_1558 = vector.broadcast %add3A_1557 : f32 to vector<16xf32>
      %add3A_1559 = arith.addf %add3A_1262, %add3A_1558 : vector<16xf32>
      %min3A_1560 = arith.minimumf %add3A_1559, %add3A_1278 : vector<16xf32>
      %sub3A_1561 = arith.constant 1.237500e+01 : f32
      %sub3A_1562 = vector.broadcast %sub3A_1561 : f32 to vector<16xf32>
      %sub3A_1563 = arith.subf %add3A_1262, %sub3A_1562 : vector<16xf32>
      %max3A_1564 = arith.maximumf %sub3A_1563, %sub3A_1274 : vector<16xf32>
      %sub3A_1565 = arith.subf %min3A_1560, %max3A_1564 : vector<16xf32>
      %max3A_1566 = arith.constant 0.000000e+00 : f32
      %max3A_1567 = vector.broadcast %max3A_1566 : f32 to vector<16xf32>
      %max3A_1568 = arith.maximumf %sub3A_1565, %max3A_1567 : vector<16xf32>
      %mul3A_1569 = arith.mulf %max3A_1556, %max3A_1568 : vector<16xf32>
      %add3A_1570 = arith.constant 4.826250e+02 : f32
      %add3A_1571 = vector.broadcast %add3A_1570 : f32 to vector<16xf32>
      %add3A_1572 = arith.addf %add3A_1571, %mul3A_1279 : vector<16xf32>
      %sub3A_1573 = arith.subf %add3A_1572, %mul3A_1569 : vector<16xf32>
      %max3A_1574 = arith.constant 9.99999996E-13 : f32
      %max3A_1575 = vector.broadcast %max3A_1574 : f32 to vector<16xf32>
      %max3A_1576 = arith.maximumf %sub3A_1573, %max3A_1575 : vector<16xf32>
      %div3A_1577 = arith.divf %mul3A_1569, %max3A_1576 : vector<16xf32>
      %gt3A_1578 = arith.cmpf ogt, %div3A_1577, %max3A_1544 : vector<16xf32>
      %jit3A_1579 = arith.constant 7 : i32
      %broadcast_in_dim3A_1580 = vector.broadcast %jit3A_1579 : i32 to vector<16xi32>
      %select_n3A_1581 = arith.select %gt3A_1578, %broadcast_in_dim3A_1580, %select_n3A_1543 : vector<16xi1>, vector<16xi32>
      %max3A_1582 = arith.maximumf %max3A_1544, %div3A_1577 : vector<16xf32>
      %add3A_1583 = arith.constant 2.331250e+01 : f32
      %add3A_1584 = vector.broadcast %add3A_1583 : f32 to vector<16xf32>
      %add3A_1585 = arith.addf %add3A_1259, %add3A_1584 : vector<16xf32>
      %min3A_1586 = arith.minimumf %add3A_1585, %add3A_1270 : vector<16xf32>
      %sub3A_1587 = arith.constant 2.331250e+01 : f32
      %sub3A_1588 = vector.broadcast %sub3A_1587 : f32 to vector<16xf32>
      %sub3A_1589 = arith.subf %add3A_1259, %sub3A_1588 : vector<16xf32>
      %max3A_1590 = arith.maximumf %sub3A_1589, %sub3A_1266 : vector<16xf32>
      %sub3A_1591 = arith.subf %min3A_1586, %max3A_1590 : vector<16xf32>
      %max3A_1592 = arith.constant 0.000000e+00 : f32
      %max3A_1593 = vector.broadcast %max3A_1592 : f32 to vector<16xf32>
      %max3A_1594 = arith.maximumf %sub3A_1591, %max3A_1593 : vector<16xf32>
      %add3A_1595 = arith.constant 2.037500e+01 : f32
      %add3A_1596 = vector.broadcast %add3A_1595 : f32 to vector<16xf32>
      %add3A_1597 = arith.addf %add3A_1262, %add3A_1596 : vector<16xf32>
      %min3A_1598 = arith.minimumf %add3A_1597, %add3A_1278 : vector<16xf32>
      %sub3A_1599 = arith.constant 2.037500e+01 : f32
      %sub3A_1600 = vector.broadcast %sub3A_1599 : f32 to vector<16xf32>
      %sub3A_1601 = arith.subf %add3A_1262, %sub3A_1600 : vector<16xf32>
      %max3A_1602 = arith.maximumf %sub3A_1601, %sub3A_1274 : vector<16xf32>
      %sub3A_1603 = arith.subf %min3A_1598, %max3A_1602 : vector<16xf32>
      %max3A_1604 = arith.constant 0.000000e+00 : f32
      %max3A_1605 = vector.broadcast %max3A_1604 : f32 to vector<16xf32>
      %max3A_1606 = arith.maximumf %sub3A_1603, %max3A_1605 : vector<16xf32>
      %mul3A_1607 = arith.mulf %max3A_1594, %max3A_1606 : vector<16xf32>
      %add3A_1608 = arith.constant 1899.96875 : f32
      %add3A_1609 = vector.broadcast %add3A_1608 : f32 to vector<16xf32>
      %add3A_1610 = arith.addf %add3A_1609, %mul3A_1279 : vector<16xf32>
      %sub3A_1611 = arith.subf %add3A_1610, %mul3A_1607 : vector<16xf32>
      %max3A_1612 = arith.constant 9.99999996E-13 : f32
      %max3A_1613 = vector.broadcast %max3A_1612 : f32 to vector<16xf32>
      %max3A_1614 = arith.maximumf %sub3A_1611, %max3A_1613 : vector<16xf32>
      %div3A_1615 = arith.divf %mul3A_1607, %max3A_1614 : vector<16xf32>
      %gt3A_1616 = arith.cmpf ogt, %div3A_1615, %max3A_1582 : vector<16xf32>
      %jit3A_1617 = arith.constant 8 : i32
      %broadcast_in_dim3A_1618 = vector.broadcast %jit3A_1617 : i32 to vector<16xi32>
      %select_n3A_1619 = arith.select %gt3A_1616, %broadcast_in_dim3A_1618, %select_n3A_1581 : vector<16xi1>, vector<16xi32>
      %max3A_1620 = arith.maximumf %max3A_1582, %div3A_1615 : vector<16xf32>
      %lt3A_1621 = vector.broadcast %add3A_82 : i32 to vector<16xi32>
      %lt3A_1622 = arith.cmpi slt, %add3A_1226, %lt3A_1621 : vector<16xi32>
      %lt3A_1623 = arith.constant 3 : i32
      %lt3A_1624 = vector.broadcast %lt3A_1623 : i32 to vector<16xi32>
      %lt3A_1625 = arith.cmpi slt, %select_n3A_1619, %lt3A_1624 : vector<16xi32>
      %and3A_1626 = arith.andi %lt3A_1622, %lt3A_1625 : vector<16xi1>
      %jit3A_1627 = arith.constant 0 : i32
      %broadcast_in_dim3A_1628 = vector.broadcast %jit3A_1627 : i32 to vector<16xi32>
      %select_n3A_1629 = arith.select %and3A_1626, %select_n3A_1619, %broadcast_in_dim3A_1628 : vector<16xi1>, vector<16xi32>
      %eq3A_1630 = arith.constant 0 : i32
      %eq3A_1631 = vector.broadcast %eq3A_1630 : i32 to vector<16xi32>
      %eq3A_1632 = arith.cmpi eq, %select_n3A_1629, %eq3A_1631 : vector<16xi32>
      %eq3A_1633 = arith.constant 1 : i32
      %eq3A_1634 = vector.broadcast %eq3A_1633 : i32 to vector<16xi32>
      %eq3A_1635 = arith.cmpi eq, %select_n3A_1629, %eq3A_1634 : vector<16xi32>
      %jit3A_1636 = arith.constant 2.000000e+00 : f32
      %jit3A_1637 = arith.constant 4.125000e+00 : f32
      %broadcast_in_dim3A_1638 = vector.broadcast %jit3A_1636 : f32 to vector<16xf32>
      %broadcast_in_dim3A_1639 = vector.broadcast %jit3A_1637 : f32 to vector<16xf32>
      %select_n3A_1640 = arith.select %eq3A_1635, %broadcast_in_dim3A_1638, %broadcast_in_dim3A_1639 : vector<16xi1>, vector<16xf32>
      %jit3A_1641 = arith.constant 1.250000e+00 : f32
      %broadcast_in_dim3A_1642 = vector.broadcast %jit3A_1641 : f32 to vector<16xf32>
      %select_n3A_1643 = arith.select %eq3A_1632, %broadcast_in_dim3A_1642, %select_n3A_1640 : vector<16xi1>, vector<16xf32>
      %eq3A_1644 = arith.constant 0 : i32
      %eq3A_1645 = vector.broadcast %eq3A_1644 : i32 to vector<16xi32>
      %eq3A_1646 = arith.cmpi eq, %select_n3A_1629, %eq3A_1645 : vector<16xi32>
      %eq3A_1647 = arith.constant 1 : i32
      %eq3A_1648 = vector.broadcast %eq3A_1647 : i32 to vector<16xi32>
      %eq3A_1649 = arith.cmpi eq, %select_n3A_1629, %eq3A_1648 : vector<16xi32>
      %jit3A_1650 = arith.constant 3.750000e+00 : f32
      %jit3A_1651 = arith.constant 2.875000e+00 : f32
      %broadcast_in_dim3A_1652 = vector.broadcast %jit3A_1650 : f32 to vector<16xf32>
      %broadcast_in_dim3A_1653 = vector.broadcast %jit3A_1651 : f32 to vector<16xf32>
      %select_n3A_1654 = arith.select %eq3A_1649, %broadcast_in_dim3A_1652, %broadcast_in_dim3A_1653 : vector<16xi1>, vector<16xf32>
      %jit3A_1655 = arith.constant 1.625000e+00 : f32
      %broadcast_in_dim3A_1656 = vector.broadcast %jit3A_1655 : f32 to vector<16xf32>
      %select_n3A_1657 = arith.select %eq3A_1646, %broadcast_in_dim3A_1656, %select_n3A_1654 : vector<16xi1>, vector<16xf32>
      %sub3A_1658 = arith.subf %mul3A_1231, %convert_element_type3A_1251 : vector<16xf32>
      %sub3A_1659 = arith.subf %mul3A_1236, %convert_element_type3A_1252 : vector<16xf32>
      %div3A_1660 = arith.divf %mul3A_1241, %select_n3A_1643 : vector<16xf32>
      %div3A_1661 = arith.divf %mul3A_1246, %select_n3A_1657 : vector<16xf32>
      %mul3A_1662 = arith.constant 2.44140625E-4 : f32
      %mul3A_1663 = vector.broadcast %mul3A_1662 : f32 to vector<16xf32>
      %mul3A_1664 = arith.mulf %mul3A_1279, %mul3A_1663 : vector<16xf32>
      %sub3A_1665 = arith.constant 2.000000e+00 : f32
      %sub3A_1666 = vector.broadcast %sub3A_1665 : f32 to vector<16xf32>
      %sub3A_1667 = arith.subf %sub3A_1666, %mul3A_1664 : vector<16xf32>
      %broadcast_in_dim3A_1668 = arith.constant 1.200000e+00 : f32
      %broadcast_in_dim3A_1669 = vector.broadcast %broadcast_in_dim3A_1668 : f32 to vector<16xf32>
      %div3A_1670 = arith.divf %sub3A_1667, %broadcast_in_dim3A_1669 : vector<16xf32>
      %add3A_1671 = arith.addf %broadcast_in_dim3A_1669, %div3A_1670 : vector<16xf32>
      %mul3A_1672 = arith.constant 5.000000e-01 : f32
      %mul3A_1673 = vector.broadcast %mul3A_1672 : f32 to vector<16xf32>
      %mul3A_1674 = arith.mulf %mul3A_1673, %add3A_1671 : vector<16xf32>
      %div3A_1675 = arith.divf %sub3A_1667, %mul3A_1674 : vector<16xf32>
      %add3A_1676 = arith.addf %mul3A_1674, %div3A_1675 : vector<16xf32>
      %mul3A_1677 = arith.constant 5.000000e-01 : f32
      %mul3A_1678 = vector.broadcast %mul3A_1677 : f32 to vector<16xf32>
      %mul3A_1679 = arith.mulf %mul3A_1678, %add3A_1676 : vector<16xf32>
      %div3A_1680 = arith.divf %sub3A_1667, %mul3A_1679 : vector<16xf32>
      %add3A_1681 = arith.addf %mul3A_1679, %div3A_1680 : vector<16xf32>
      %mul3A_1682 = arith.constant 5.000000e-01 : f32
      %mul3A_1683 = vector.broadcast %mul3A_1682 : f32 to vector<16xf32>
      %mul3A_1684 = arith.mulf %mul3A_1683, %add3A_1681 : vector<16xf32>
      %div3A_1685 = arith.divf %sub3A_1667, %mul3A_1684 : vector<16xf32>
      %add3A_1686 = arith.addf %mul3A_1684, %div3A_1685 : vector<16xf32>
      %mul3A_1687 = arith.constant 5.000000e-01 : f32
      %mul3A_1688 = vector.broadcast %mul3A_1687 : f32 to vector<16xf32>
      %mul3A_1689 = arith.mulf %mul3A_1688, %add3A_1686 : vector<16xf32>
      %convert_element_type3A_1690 = arith.fptosi %get3A_1248 : vector<16xf32> to vector<16xi32>
      %min3A_1691 = arith.constant 79 : i32
      %min3A_1692 = vector.broadcast %min3A_1691 : i32 to vector<16xi32>
      %min3A_1693 = arith.minsi %convert_element_type3A_1690, %min3A_1692 : vector<16xi32>
      %mul3A_1694 = arith.constant 3 : i32
      %mul3A_1695 = vector.broadcast %mul3A_1694 : i32 to vector<16xi32>
      %mul3A_1696 = arith.muli %add3A_1256, %mul3A_1695 : vector<16xi32>
      %add3A_1697 = arith.addi %mul3A_1696, %select_n3A_1629 : vector<16xi32>
      %sub3A_1698 = arith.constant -1 : i32
      %sub3A_1699 = vector.broadcast %sub3A_1698 : i32 to vector<16xi32>
      %sub3A_1700 = arith.subi %sub3A_1699, %add3A_1226 : vector<16xi32>
      %select_n3A_1701 = arith.select %and3A_1626, %add3A_1697, %sub3A_1700 : vector<16xi1>, vector<16xi32>
      %swap3A_1702 = arith.constant 0 : i32
      %swap3A_1703 = arith.index_cast %swap3A_1702 : i32 to index
      %swap3A_1704 = arith.constant 32 : index
      %swap3A_1705 = tpu.vector_load %arg7[%swap3A_1703, %swap3A_1704] {strides = array<i32>} : memref<6x64xi32, #tpu.memory_space<vmem>>, vector<16xi32>,
      tpu.vector_store %arg7[%swap3A_1703, %swap3A_1704], %select_n3A_1701 {strides = array<i32>} : memref<6x64xi32, #tpu.memory_space<vmem>>, vector<16xi32>,
      %mul3A_1706 = arith.constant 128 : i32
      %mul3A_1707 = vector.broadcast %mul3A_1706 : i32 to vector<16xi32>
      %mul3A_1708 = arith.muli %add3A_1697, %mul3A_1707 : vector<16xi32>
      %add3A_1709 = arith.addi %mul3A_1708, %min3A_1693 : vector<16xi32>
      %select_n3A_1710 = arith.select %and3A_1626, %add3A_1709, %sub3A_1700 : vector<16xi1>, vector<16xi32>
      %swap3A_1711 = arith.constant 1 : i32
      %swap3A_1712 = arith.index_cast %swap3A_1711 : i32 to index
      %swap3A_1713 = arith.constant 32 : index
      %swap3A_1714 = tpu.vector_load %arg7[%swap3A_1712, %swap3A_1713] {strides = array<i32>} : memref<6x64xi32, #tpu.memory_space<vmem>>, vector<16xi32>,
      tpu.vector_store %arg7[%swap3A_1712, %swap3A_1713], %select_n3A_1710 {strides = array<i32>} : memref<6x64xi32, #tpu.memory_space<vmem>>, vector<16xi32>,
      %swap3A_1715 = arith.constant 2 : i32
      %swap3A_1716 = arith.index_cast %swap3A_1715 : i32 to index
      %swap3A_1717 = arith.constant 32 : index
      %swap3A_1718 = tpu.vector_load %arg7[%swap3A_1716, %swap3A_1717] {strides = array<i32>} : memref<6x64xi32, #tpu.memory_space<vmem>>, vector<16xi32>,
      tpu.vector_store %arg7[%swap3A_1716, %swap3A_1717], %min3A_1693 {strides = array<i32>} : memref<6x64xi32, #tpu.memory_space<vmem>>, vector<16xi32>,
      %mul3A_1719 = arith.constant 85 : i32
      %mul3A_1720 = vector.broadcast %mul3A_1719 : i32 to vector<16xi32>
      %mul3A_1721 = arith.muli %select_n3A_1629, %mul3A_1720 : vector<16xi32>
      %swap3A_1722 = arith.constant 3 : i32
      %swap3A_1723 = arith.index_cast %swap3A_1722 : i32 to index
      %swap3A_1724 = arith.constant 32 : index
      %swap3A_1725 = tpu.vector_load %arg7[%swap3A_1723, %swap3A_1724] {strides = array<i32>} : memref<6x64xi32, #tpu.memory_space<vmem>>, vector<16xi32>,
      tpu.vector_store %arg7[%swap3A_1723, %swap3A_1724], %mul3A_1721 {strides = array<i32>} : memref<6x64xi32, #tpu.memory_space<vmem>>, vector<16xi32>,
      %swap3A_1726 = arith.constant 4 : i32
      %swap3A_1727 = arith.index_cast %swap3A_1726 : i32 to index
      %swap3A_1728 = arith.constant 32 : index
      %swap3A_1729 = tpu.vector_load %arg7[%swap3A_1727, %swap3A_1728] {strides = array<i32>} : memref<6x64xi32, #tpu.memory_space<vmem>>, vector<16xi32>,
      tpu.vector_store %arg7[%swap3A_1727, %swap3A_1728], %convert_element_type3A_1250 {strides = array<i32>} : memref<6x64xi32, #tpu.memory_space<vmem>>, vector<16xi32>,
      %swap3A_1730 = arith.constant 5 : i32
      %swap3A_1731 = arith.index_cast %swap3A_1730 : i32 to index
      %swap3A_1732 = arith.constant 32 : index
      %swap3A_1733 = tpu.vector_load %arg7[%swap3A_1731, %swap3A_1732] {strides = array<i32>} : memref<6x64xi32, #tpu.memory_space<vmem>>, vector<16xi32>,
      tpu.vector_store %arg7[%swap3A_1731, %swap3A_1732], %convert_element_type3A_1249 {strides = array<i32>} : memref<6x64xi32, #tpu.memory_space<vmem>>, vector<16xi32>,
      %swap3A_1734 = arith.constant 0 : i32
      %swap3A_1735 = arith.index_cast %swap3A_1734 : i32 to index
      %swap3A_1736 = arith.constant 32 : index
      %swap3A_1737 = tpu.vector_load %arg6[%swap3A_1735, %swap3A_1736] {strides = array<i32>} : memref<16x64xf32, #tpu.memory_space<vmem>>, vector<16xf32>,
      tpu.vector_store %arg6[%swap3A_1735, %swap3A_1736], %sub3A_1658 {strides = array<i32>} : memref<16x64xf32, #tpu.memory_space<vmem>>, vector<16xf32>,
      %swap3A_1738 = arith.constant 1 : i32
      %swap3A_1739 = arith.index_cast %swap3A_1738 : i32 to index
      %swap3A_1740 = arith.constant 32 : index
      %swap3A_1741 = tpu.vector_load %arg6[%swap3A_1739, %swap3A_1740] {strides = array<i32>} : memref<16x64xf32, #tpu.memory_space<vmem>>, vector<16xf32>,
      tpu.vector_store %arg6[%swap3A_1739, %swap3A_1740], %sub3A_1659 {strides = array<i32>} : memref<16x64xf32, #tpu.memory_space<vmem>>, vector<16xf32>,
      %swap3A_1742 = arith.constant 2 : i32
      %swap3A_1743 = arith.index_cast %swap3A_1742 : i32 to index
      %swap3A_1744 = arith.constant 32 : index
      %swap3A_1745 = tpu.vector_load %arg6[%swap3A_1743, %swap3A_1744] {strides = array<i32>} : memref<16x64xf32, #tpu.memory_space<vmem>>, vector<16xf32>,
      tpu.vector_store %arg6[%swap3A_1743, %swap3A_1744], %div3A_1660 {strides = array<i32>} : memref<16x64xf32, #tpu.memory_space<vmem>>, vector<16xf32>,
      %swap3A_1746 = arith.constant 3 : i32
      %swap3A_1747 = arith.index_cast %swap3A_1746 : i32 to index
      %swap3A_1748 = arith.constant 32 : index
      %swap3A_1749 = tpu.vector_load %arg6[%swap3A_1747, %swap3A_1748] {strides = array<i32>} : memref<16x64xf32, #tpu.memory_space<vmem>>, vector<16xf32>,
      tpu.vector_store %arg6[%swap3A_1747, %swap3A_1748], %div3A_1661 {strides = array<i32>} : memref<16x64xf32, #tpu.memory_space<vmem>>, vector<16xf32>,
      %swap3A_1750 = arith.constant 4 : i32
      %swap3A_1751 = arith.index_cast %swap3A_1750 : i32 to index
      %swap3A_1752 = arith.constant 32 : index
      %swap3A_1753 = tpu.vector_load %arg6[%swap3A_1751, %swap3A_1752] {strides = array<i32>} : memref<16x64xf32, #tpu.memory_space<vmem>>, vector<16xf32>,
      tpu.vector_store %arg6[%swap3A_1751, %swap3A_1752], %mul3A_1689 {strides = array<i32>} : memref<16x64xf32, #tpu.memory_space<vmem>>, vector<16xf32>,
      %swap3A_1754 = arith.constant 5 : i32
      %swap3A_1755 = arith.index_cast %swap3A_1754 : i32 to index
      %swap3A_1756 = arith.constant 32 : index
      %swap3A_1757 = tpu.vector_load %arg6[%swap3A_1755, %swap3A_1756] {strides = array<i32>} : memref<16x64xf32, #tpu.memory_space<vmem>>, vector<16xf32>,
      tpu.vector_store %arg6[%swap3A_1755, %swap3A_1756], %convert_element_type3A_1251 {strides = array<i32>} : memref<16x64xf32, #tpu.memory_space<vmem>>, vector<16xf32>,
      %swap3A_1758 = arith.constant 6 : i32
      %swap3A_1759 = arith.index_cast %swap3A_1758 : i32 to index
      %swap3A_1760 = arith.constant 32 : index
      %swap3A_1761 = tpu.vector_load %arg6[%swap3A_1759, %swap3A_1760] {strides = array<i32>} : memref<16x64xf32, #tpu.memory_space<vmem>>, vector<16xf32>,
      tpu.vector_store %arg6[%swap3A_1759, %swap3A_1760], %convert_element_type3A_1252 {strides = array<i32>} : memref<16x64xf32, #tpu.memory_space<vmem>>, vector<16xf32>,
      %swap3A_1762 = arith.constant 7 : i32
      %swap3A_1763 = arith.index_cast %swap3A_1762 : i32 to index
      %swap3A_1764 = arith.constant 32 : index
      %swap3A_1765 = tpu.vector_load %arg6[%swap3A_1763, %swap3A_1764] {strides = array<i32>} : memref<16x64xf32, #tpu.memory_space<vmem>>, vector<16xf32>,
      tpu.vector_store %arg6[%swap3A_1763, %swap3A_1764], %select_n3A_1643 {strides = array<i32>} : memref<16x64xf32, #tpu.memory_space<vmem>>, vector<16xf32>,
      %swap3A_1766 = arith.constant 8 : i32
      %swap3A_1767 = arith.index_cast %swap3A_1766 : i32 to index
      %swap3A_1768 = arith.constant 32 : index
      %swap3A_1769 = tpu.vector_load %arg6[%swap3A_1767, %swap3A_1768] {strides = array<i32>} : memref<16x64xf32, #tpu.memory_space<vmem>>, vector<16xf32>,
      tpu.vector_store %arg6[%swap3A_1767, %swap3A_1768], %select_n3A_1657 {strides = array<i32>} : memref<16x64xf32, #tpu.memory_space<vmem>>, vector<16xf32>,
      %swap3A_1770 = arith.constant 9 : i32
      %swap3A_1771 = arith.index_cast %swap3A_1770 : i32 to index
      %swap3A_1772 = arith.constant 32 : index
      %swap3A_1773 = tpu.vector_load %arg6[%swap3A_1771, %swap3A_1772] {strides = array<i32>} : memref<16x64xf32, #tpu.memory_space<vmem>>, vector<16xf32>,
      tpu.vector_store %arg6[%swap3A_1771, %swap3A_1772], %sub3A_1266 {strides = array<i32>} : memref<16x64xf32, #tpu.memory_space<vmem>>, vector<16xf32>,
      %swap3A_1774 = arith.constant 10 : i32
      %swap3A_1775 = arith.index_cast %swap3A_1774 : i32 to index
      %swap3A_1776 = arith.constant 32 : index
      %swap3A_1777 = tpu.vector_load %arg6[%swap3A_1775, %swap3A_1776] {strides = array<i32>} : memref<16x64xf32, #tpu.memory_space<vmem>>, vector<16xf32>,
      tpu.vector_store %arg6[%swap3A_1775, %swap3A_1776], %add3A_1270 {strides = array<i32>} : memref<16x64xf32, #tpu.memory_space<vmem>>, vector<16xf32>,
      %swap3A_1778 = arith.constant 11 : i32
      %swap3A_1779 = arith.index_cast %swap3A_1778 : i32 to index
      %swap3A_1780 = arith.constant 32 : index
      %swap3A_1781 = tpu.vector_load %arg6[%swap3A_1779, %swap3A_1780] {strides = array<i32>} : memref<16x64xf32, #tpu.memory_space<vmem>>, vector<16xf32>,
      tpu.vector_store %arg6[%swap3A_1779, %swap3A_1780], %sub3A_1274 {strides = array<i32>} : memref<16x64xf32, #tpu.memory_space<vmem>>, vector<16xf32>,
      %swap3A_1782 = arith.constant 12 : i32
      %swap3A_1783 = arith.index_cast %swap3A_1782 : i32 to index
      %swap3A_1784 = arith.constant 32 : index
      %swap3A_1785 = tpu.vector_load %arg6[%swap3A_1783, %swap3A_1784] {strides = array<i32>} : memref<16x64xf32, #tpu.memory_space<vmem>>, vector<16xf32>,
      tpu.vector_store %arg6[%swap3A_1783, %swap3A_1784], %add3A_1278 {strides = array<i32>} : memref<16x64xf32, #tpu.memory_space<vmem>>, vector<16xf32>,
      %swap3A_1786 = arith.constant 13 : i32
      %swap3A_1787 = arith.index_cast %swap3A_1786 : i32 to index
      %swap3A_1788 = arith.constant 32 : index
      %swap3A_1789 = tpu.vector_load %arg6[%swap3A_1787, %swap3A_1788] {strides = array<i32>} : memref<16x64xf32, #tpu.memory_space<vmem>>, vector<16xf32>,
      tpu.vector_store %arg6[%swap3A_1787, %swap3A_1788], %mul3A_1279 {strides = array<i32>} : memref<16x64xf32, #tpu.memory_space<vmem>>, vector<16xf32>,
      %jit3A_1790 = arith.constant 1.000000e+00 : f32
      %jit3A_1791 = arith.constant 0.000000e+00 : f32
      %broadcast_in_dim3A_1792 = vector.broadcast %jit3A_1790 : f32 to vector<16xf32>
      %broadcast_in_dim3A_1793 = vector.broadcast %jit3A_1791 : f32 to vector<16xf32>
      %select_n3A_1794 = arith.select %lt3A_1622, %broadcast_in_dim3A_1792, %broadcast_in_dim3A_1793 : vector<16xi1>, vector<16xf32>
      %swap3A_1795 = arith.constant 14 : i32
      %swap3A_1796 = arith.index_cast %swap3A_1795 : i32 to index
      %swap3A_1797 = arith.constant 32 : index
      %swap3A_1798 = tpu.vector_load %arg6[%swap3A_1796, %swap3A_1797] {strides = array<i32>} : memref<16x64xf32, #tpu.memory_space<vmem>>, vector<16xf32>,
      tpu.vector_store %arg6[%swap3A_1796, %swap3A_1797], %select_n3A_1794 {strides = array<i32>} : memref<16x64xf32, #tpu.memory_space<vmem>>, vector<16xf32>,
      %add3A_1799 = arith.constant 48 : i32
      %add3A_1800 = vector.broadcast %add3A_1799 : i32 to vector<16xi32>
      %add3A_1801 = arith.addi %iota3A, %add3A_1800 : vector<16xi32>
      %get3A_1802 = arith.constant 48 : index
      %get3A_1803 = tpu.vector_load %arg5[%get3A_1802] {strides = array<i32>} : memref<320xf32, #tpu.memory_space<vmem>>, vector<16xf32>,
      %mul3A_1804 = arith.constant 6.400000e+01 : f32
      %mul3A_1805 = vector.broadcast %mul3A_1804 : f32 to vector<16xf32>
      %mul3A_1806 = arith.mulf %get3A_1803, %mul3A_1805 : vector<16xf32>
      %get3A_1807 = arith.constant 112 : index
      %get3A_1808 = tpu.vector_load %arg5[%get3A_1807] {strides = array<i32>} : memref<320xf32, #tpu.memory_space<vmem>>, vector<16xf32>,
      %mul3A_1809 = arith.constant 6.400000e+01 : f32
      %mul3A_1810 = vector.broadcast %mul3A_1809 : f32 to vector<16xf32>
      %mul3A_1811 = arith.mulf %get3A_1808, %mul3A_1810 : vector<16xf32>
      %get3A_1812 = arith.constant 176 : index
      %get3A_1813 = tpu.vector_load %arg5[%get3A_1812] {strides = array<i32>} : memref<320xf32, #tpu.memory_space<vmem>>, vector<16xf32>,
      %mul3A_1814 = arith.constant 6.400000e+01 : f32
      %mul3A_1815 = vector.broadcast %mul3A_1814 : f32 to vector<16xf32>
      %mul3A_1816 = arith.mulf %get3A_1813, %mul3A_1815 : vector<16xf32>
      %get3A_1817 = arith.constant 240 : index
      %get3A_1818 = tpu.vector_load %arg5[%get3A_1817] {strides = array<i32>} : memref<320xf32, #tpu.memory_space<vmem>>, vector<16xf32>,
      %mul3A_1819 = arith.constant 6.400000e+01 : f32
      %mul3A_1820 = vector.broadcast %mul3A_1819 : f32 to vector<16xf32>
      %mul3A_1821 = arith.mulf %get3A_1818, %mul3A_1820 : vector<16xf32>
      %get3A_1822 = arith.constant 304 : index
      %get3A_1823 = tpu.vector_load %arg5[%get3A_1822] {strides = array<i32>} : memref<320xf32, #tpu.memory_space<vmem>>, vector<16xf32>,
      %convert_element_type3A_1824 = arith.fptosi %mul3A_1806 : vector<16xf32> to vector<16xi32>
      %convert_element_type3A_1825 = arith.fptosi %mul3A_1811 : vector<16xf32> to vector<16xi32>
      %convert_element_type3A_1826 = arith.sitofp %convert_element_type3A_1824 : vector<16xi32> to vector<16xf32>
      %convert_element_type3A_1827 = arith.sitofp %convert_element_type3A_1825 : vector<16xi32> to vector<16xf32>
      %mul3A_1828 = arith.constant 64 : i32
      %mul3A_1829 = vector.broadcast %mul3A_1828 : i32 to vector<16xi32>
      %mul3A_1830 = arith.muli %convert_element_type3A_1825, %mul3A_1829 : vector<16xi32>
      %add3A_1831 = arith.addi %mul3A_1830, %convert_element_type3A_1824 : vector<16xi32>
      %add3A_1832 = arith.constant 5.000000e-01 : f32
      %add3A_1833 = vector.broadcast %add3A_1832 : f32 to vector<16xf32>
      %add3A_1834 = arith.addf %convert_element_type3A_1826, %add3A_1833 : vector<16xf32>
      %add3A_1835 = arith.constant 5.000000e-01 : f32
      %add3A_1836 = vector.broadcast %add3A_1835 : f32 to vector<16xf32>
      %add3A_1837 = arith.addf %convert_element_type3A_1827, %add3A_1836 : vector<16xf32>
      %mul3A_1838 = arith.constant 5.000000e-01 : f32
      %mul3A_1839 = vector.broadcast %mul3A_1838 : f32 to vector<16xf32>
      %mul3A_1840 = arith.mulf %mul3A_1816, %mul3A_1839 : vector<16xf32>
      %sub3A_1841 = arith.subf %mul3A_1806, %mul3A_1840 : vector<16xf32>
      %mul3A_1842 = arith.constant 5.000000e-01 : f32
      %mul3A_1843 = vector.broadcast %mul3A_1842 : f32 to vector<16xf32>
      %mul3A_1844 = arith.mulf %mul3A_1816, %mul3A_1843 : vector<16xf32>
      %add3A_1845 = arith.addf %mul3A_1806, %mul3A_1844 : vector<16xf32>
      %mul3A_1846 = arith.constant 5.000000e-01 : f32
      %mul3A_1847 = vector.broadcast %mul3A_1846 : f32 to vector<16xf32>
      %mul3A_1848 = arith.mulf %mul3A_1821, %mul3A_1847 : vector<16xf32>
      %sub3A_1849 = arith.subf %mul3A_1811, %mul3A_1848 : vector<16xf32>
      %mul3A_1850 = arith.constant 5.000000e-01 : f32
      %mul3A_1851 = vector.broadcast %mul3A_1850 : f32 to vector<16xf32>
      %mul3A_1852 = arith.mulf %mul3A_1821, %mul3A_1851 : vector<16xf32>
      %add3A_1853 = arith.addf %mul3A_1811, %mul3A_1852 : vector<16xf32>
      %mul3A_1854 = arith.mulf %mul3A_1816, %mul3A_1821 : vector<16xf32>
      %broadcast_in_dim3A_1855 = arith.constant -1.000000e+00 : f32
      %broadcast_in_dim3A_1856 = vector.broadcast %broadcast_in_dim3A_1855 : f32 to vector<16xf32>
      %broadcast_in_dim3A_1857 = arith.constant 0 : i32
      %broadcast_in_dim3A_1858 = vector.broadcast %broadcast_in_dim3A_1857 : i32 to vector<16xi32>
      %add3A_1859 = arith.constant 6.250000e-01 : f32
      %add3A_1860 = vector.broadcast %add3A_1859 : f32 to vector<16xf32>
      %add3A_1861 = arith.addf %add3A_1834, %add3A_1860 : vector<16xf32>
      %min3A_1862 = arith.minimumf %add3A_1861, %add3A_1845 : vector<16xf32>
      %sub3A_1863 = arith.constant 6.250000e-01 : f32
      %sub3A_1864 = vector.broadcast %sub3A_1863 : f32 to vector<16xf32>
      %sub3A_1865 = arith.subf %add3A_1834, %sub3A_1864 : vector<16xf32>
      %max3A_1866 = arith.maximumf %sub3A_1865, %sub3A_1841 : vector<16xf32>
      %sub3A_1867 = arith.subf %min3A_1862, %max3A_1866 : vector<16xf32>
      %max3A_1868 = arith.constant 0.000000e+00 : f32
      %max3A_1869 = vector.broadcast %max3A_1868 : f32 to vector<16xf32>
      %max3A_1870 = arith.maximumf %sub3A_1867, %max3A_1869 : vector<16xf32>
      %add3A_1871 = arith.constant 8.125000e-01 : f32
      %add3A_1872 = vector.broadcast %add3A_1871 : f32 to vector<16xf32>
      %add3A_1873 = arith.addf %add3A_1837, %add3A_1872 : vector<16xf32>
      %min3A_1874 = arith.minimumf %add3A_1873, %add3A_1853 : vector<16xf32>
      %sub3A_1875 = arith.constant 8.125000e-01 : f32
      %sub3A_1876 = vector.broadcast %sub3A_1875 : f32 to vector<16xf32>
      %sub3A_1877 = arith.subf %add3A_1837, %sub3A_1876 : vector<16xf32>
      %max3A_1878 = arith.maximumf %sub3A_1877, %sub3A_1849 : vector<16xf32>
      %sub3A_1879 = arith.subf %min3A_1874, %max3A_1878 : vector<16xf32>
      %max3A_1880 = arith.constant 0.000000e+00 : f32
      %max3A_1881 = vector.broadcast %max3A_1880 : f32 to vector<16xf32>
      %max3A_1882 = arith.maximumf %sub3A_1879, %max3A_1881 : vector<16xf32>
      %mul3A_1883 = arith.mulf %max3A_1870, %max3A_1882 : vector<16xf32>
      %add3A_1884 = arith.constant 2.031250e+00 : f32
      %add3A_1885 = vector.broadcast %add3A_1884 : f32 to vector<16xf32>
      %add3A_1886 = arith.addf %add3A_1885, %mul3A_1854 : vector<16xf32>
      %sub3A_1887 = arith.subf %add3A_1886, %mul3A_1883 : vector<16xf32>
      %max3A_1888 = arith.constant 9.99999996E-13 : f32
      %max3A_1889 = vector.broadcast %max3A_1888 : f32 to vector<16xf32>
      %max3A_1890 = arith.maximumf %sub3A_1887, %max3A_1889 : vector<16xf32>
      %div3A_1891 = arith.divf %mul3A_1883, %max3A_1890 : vector<16xf32>
      %add3A_1892 = arith.constant 1.000000e+00 : f32
      %add3A_1893 = vector.broadcast %add3A_1892 : f32 to vector<16xf32>
      %add3A_1894 = arith.addf %add3A_1834, %add3A_1893 : vector<16xf32>
      %min3A_1895 = arith.minimumf %add3A_1894, %add3A_1845 : vector<16xf32>
      %sub3A_1896 = arith.constant 1.000000e+00 : f32
      %sub3A_1897 = vector.broadcast %sub3A_1896 : f32 to vector<16xf32>
      %sub3A_1898 = arith.subf %add3A_1834, %sub3A_1897 : vector<16xf32>
      %max3A_1899 = arith.maximumf %sub3A_1898, %sub3A_1841 : vector<16xf32>
      %sub3A_1900 = arith.subf %min3A_1895, %max3A_1899 : vector<16xf32>
      %max3A_1901 = arith.constant 0.000000e+00 : f32
      %max3A_1902 = vector.broadcast %max3A_1901 : f32 to vector<16xf32>
      %max3A_1903 = arith.maximumf %sub3A_1900, %max3A_1902 : vector<16xf32>
      %add3A_1904 = arith.constant 1.875000e+00 : f32
      %add3A_1905 = vector.broadcast %add3A_1904 : f32 to vector<16xf32>
      %add3A_1906 = arith.addf %add3A_1837, %add3A_1905 : vector<16xf32>
      %min3A_1907 = arith.minimumf %add3A_1906, %add3A_1853 : vector<16xf32>
      %sub3A_1908 = arith.constant 1.875000e+00 : f32
      %sub3A_1909 = vector.broadcast %sub3A_1908 : f32 to vector<16xf32>
      %sub3A_1910 = arith.subf %add3A_1837, %sub3A_1909 : vector<16xf32>
      %max3A_1911 = arith.maximumf %sub3A_1910, %sub3A_1849 : vector<16xf32>
      %sub3A_1912 = arith.subf %min3A_1907, %max3A_1911 : vector<16xf32>
      %max3A_1913 = arith.constant 0.000000e+00 : f32
      %max3A_1914 = vector.broadcast %max3A_1913 : f32 to vector<16xf32>
      %max3A_1915 = arith.maximumf %sub3A_1912, %max3A_1914 : vector<16xf32>
      %mul3A_1916 = arith.mulf %max3A_1903, %max3A_1915 : vector<16xf32>
      %add3A_1917 = arith.constant 7.500000e+00 : f32
      %add3A_1918 = vector.broadcast %add3A_1917 : f32 to vector<16xf32>
      %add3A_1919 = arith.addf %add3A_1918, %mul3A_1854 : vector<16xf32>
      %sub3A_1920 = arith.subf %add3A_1919, %mul3A_1916 : vector<16xf32>
      %max3A_1921 = arith.constant 9.99999996E-13 : f32
      %max3A_1922 = vector.broadcast %max3A_1921 : f32 to vector<16xf32>
      %max3A_1923 = arith.maximumf %sub3A_1920, %max3A_1922 : vector<16xf32>
      %div3A_1924 = arith.divf %mul3A_1916, %max3A_1923 : vector<16xf32>
      %gt3A_1925 = arith.cmpf ogt, %div3A_1924, %div3A_1891 : vector<16xf32>
      %jit3A_1926 = arith.constant 1 : i32
      %broadcast_in_dim3A_1927 = vector.broadcast %jit3A_1926 : i32 to vector<16xi32>
      %select_n3A_1928 = arith.select %gt3A_1925, %broadcast_in_dim3A_1927, %broadcast_in_dim3A_1858 : vector<16xi1>, vector<16xi32>
      %max3A_1929 = arith.maximumf %div3A_1891, %div3A_1924 : vector<16xf32>
      %add3A_1930 = arith.constant 2.062500e+00 : f32
      %add3A_1931 = vector.broadcast %add3A_1930 : f32 to vector<16xf32>
      %add3A_1932 = arith.addf %add3A_1834, %add3A_1931 : vector<16xf32>
      %min3A_1933 = arith.minimumf %add3A_1932, %add3A_1845 : vector<16xf32>
      %sub3A_1934 = arith.constant 2.062500e+00 : f32
      %sub3A_1935 = vector.broadcast %sub3A_1934 : f32 to vector<16xf32>
      %sub3A_1936 = arith.subf %add3A_1834, %sub3A_1935 : vector<16xf32>
      %max3A_1937 = arith.maximumf %sub3A_1936, %sub3A_1841 : vector<16xf32>
      %sub3A_1938 = arith.subf %min3A_1933, %max3A_1937 : vector<16xf32>
      %max3A_1939 = arith.constant 0.000000e+00 : f32
      %max3A_1940 = vector.broadcast %max3A_1939 : f32 to vector<16xf32>
      %max3A_1941 = arith.maximumf %sub3A_1938, %max3A_1940 : vector<16xf32>
      %add3A_1942 = arith.constant 1.437500e+00 : f32
      %add3A_1943 = vector.broadcast %add3A_1942 : f32 to vector<16xf32>
      %add3A_1944 = arith.addf %add3A_1837, %add3A_1943 : vector<16xf32>
      %min3A_1945 = arith.minimumf %add3A_1944, %add3A_1853 : vector<16xf32>
      %sub3A_1946 = arith.constant 1.437500e+00 : f32
      %sub3A_1947 = vector.broadcast %sub3A_1946 : f32 to vector<16xf32>
      %sub3A_1948 = arith.subf %add3A_1837, %sub3A_1947 : vector<16xf32>
      %max3A_1949 = arith.maximumf %sub3A_1948, %sub3A_1849 : vector<16xf32>
      %sub3A_1950 = arith.subf %min3A_1945, %max3A_1949 : vector<16xf32>
      %max3A_1951 = arith.constant 0.000000e+00 : f32
      %max3A_1952 = vector.broadcast %max3A_1951 : f32 to vector<16xf32>
      %max3A_1953 = arith.maximumf %sub3A_1950, %max3A_1952 : vector<16xf32>
      %mul3A_1954 = arith.mulf %max3A_1941, %max3A_1953 : vector<16xf32>
      %add3A_1955 = arith.constant 11.859375 : f32
      %add3A_1956 = vector.broadcast %add3A_1955 : f32 to vector<16xf32>
      %add3A_1957 = arith.addf %add3A_1956, %mul3A_1854 : vector<16xf32>
      %sub3A_1958 = arith.subf %add3A_1957, %mul3A_1954 : vector<16xf32>
      %max3A_1959 = arith.constant 9.99999996E-13 : f32
      %max3A_1960 = vector.broadcast %max3A_1959 : f32 to vector<16xf32>
      %max3A_1961 = arith.maximumf %sub3A_1958, %max3A_1960 : vector<16xf32>
      %div3A_1962 = arith.divf %mul3A_1954, %max3A_1961 : vector<16xf32>
      %gt3A_1963 = arith.cmpf ogt, %div3A_1962, %max3A_1929 : vector<16xf32>
      %jit3A_1964 = arith.constant 2 : i32
      %broadcast_in_dim3A_1965 = vector.broadcast %jit3A_1964 : i32 to vector<16xi32>
      %select_n3A_1966 = arith.select %gt3A_1963, %broadcast_in_dim3A_1965, %select_n3A_1928 : vector<16xi1>, vector<16xi32>
      %max3A_1967 = arith.maximumf %max3A_1929, %div3A_1962 : vector<16xf32>
      %add3A_1968 = arith.constant 1.875000e+00 : f32
      %add3A_1969 = vector.broadcast %add3A_1968 : f32 to vector<16xf32>
      %add3A_1970 = arith.addf %add3A_1834, %add3A_1969 : vector<16xf32>
      %min3A_1971 = arith.minimumf %add3A_1970, %add3A_1845 : vector<16xf32>
      %sub3A_1972 = arith.constant 1.875000e+00 : f32
      %sub3A_1973 = vector.broadcast %sub3A_1972 : f32 to vector<16xf32>
      %sub3A_1974 = arith.subf %add3A_1834, %sub3A_1973 : vector<16xf32>
      %max3A_1975 = arith.maximumf %sub3A_1974, %sub3A_1841 : vector<16xf32>
      %sub3A_1976 = arith.subf %min3A_1971, %max3A_1975 : vector<16xf32>
      %max3A_1977 = arith.constant 0.000000e+00 : f32
      %max3A_1978 = vector.broadcast %max3A_1977 : f32 to vector<16xf32>
      %max3A_1979 = arith.maximumf %sub3A_1976, %max3A_1978 : vector<16xf32>
      %add3A_1980 = arith.constant 3.812500e+00 : f32
      %add3A_1981 = vector.broadcast %add3A_1980 : f32 to vector<16xf32>
      %add3A_1982 = arith.addf %add3A_1837, %add3A_1981 : vector<16xf32>
      %min3A_1983 = arith.minimumf %add3A_1982, %add3A_1853 : vector<16xf32>
      %sub3A_1984 = arith.constant 3.812500e+00 : f32
      %sub3A_1985 = vector.broadcast %sub3A_1984 : f32 to vector<16xf32>
      %sub3A_1986 = arith.subf %add3A_1837, %sub3A_1985 : vector<16xf32>
      %max3A_1987 = arith.maximumf %sub3A_1986, %sub3A_1849 : vector<16xf32>
      %sub3A_1988 = arith.subf %min3A_1983, %max3A_1987 : vector<16xf32>
      %max3A_1989 = arith.constant 0.000000e+00 : f32
      %max3A_1990 = vector.broadcast %max3A_1989 : f32 to vector<16xf32>
      %max3A_1991 = arith.maximumf %sub3A_1988, %max3A_1990 : vector<16xf32>
      %mul3A_1992 = arith.mulf %max3A_1979, %max3A_1991 : vector<16xf32>
      %add3A_1993 = arith.constant 28.59375 : f32
      %add3A_1994 = vector.broadcast %add3A_1993 : f32 to vector<16xf32>
      %add3A_1995 = arith.addf %add3A_1994, %mul3A_1854 : vector<16xf32>
      %sub3A_1996 = arith.subf %add3A_1995, %mul3A_1992 : vector<16xf32>
      %max3A_1997 = arith.constant 9.99999996E-13 : f32
      %max3A_1998 = vector.broadcast %max3A_1997 : f32 to vector<16xf32>
      %max3A_1999 = arith.maximumf %sub3A_1996, %max3A_1998 : vector<16xf32>
      %div3A_2000 = arith.divf %mul3A_1992, %max3A_1999 : vector<16xf32>
      %gt3A_2001 = arith.cmpf ogt, %div3A_2000, %max3A_1967 : vector<16xf32>
      %jit3A_2002 = arith.constant 3 : i32
      %broadcast_in_dim3A_2003 = vector.broadcast %jit3A_2002 : i32 to vector<16xi32>
      %select_n3A_2004 = arith.select %gt3A_2001, %broadcast_in_dim3A_2003, %select_n3A_1966 : vector<16xi1>, vector<16xi32>
      %max3A_2005 = arith.maximumf %max3A_1967, %div3A_2000 : vector<16xf32>
      %add3A_2006 = arith.constant 3.875000e+00 : f32
      %add3A_2007 = vector.broadcast %add3A_2006 : f32 to vector<16xf32>
      %add3A_2008 = arith.addf %add3A_1834, %add3A_2007 : vector<16xf32>
      %min3A_2009 = arith.minimumf %add3A_2008, %add3A_1845 : vector<16xf32>
      %sub3A_2010 = arith.constant 3.875000e+00 : f32
      %sub3A_2011 = vector.broadcast %sub3A_2010 : f32 to vector<16xf32>
      %sub3A_2012 = arith.subf %add3A_1834, %sub3A_2011 : vector<16xf32>
      %max3A_2013 = arith.maximumf %sub3A_2012, %sub3A_1841 : vector<16xf32>
      %sub3A_2014 = arith.subf %min3A_2009, %max3A_2013 : vector<16xf32>
      %max3A_2015 = arith.constant 0.000000e+00 : f32
      %max3A_2016 = vector.broadcast %max3A_2015 : f32 to vector<16xf32>
      %max3A_2017 = arith.maximumf %sub3A_2014, %max3A_2016 : vector<16xf32>
      %add3A_2018 = arith.constant 2.812500e+00 : f32
      %add3A_2019 = vector.broadcast %add3A_2018 : f32 to vector<16xf32>
      %add3A_2020 = arith.addf %add3A_1837, %add3A_2019 : vector<16xf32>
      %min3A_2021 = arith.minimumf %add3A_2020, %add3A_1853 : vector<16xf32>
      %sub3A_2022 = arith.constant 2.812500e+00 : f32
      %sub3A_2023 = vector.broadcast %sub3A_2022 : f32 to vector<16xf32>
      %sub3A_2024 = arith.subf %add3A_1837, %sub3A_2023 : vector<16xf32>
      %max3A_2025 = arith.maximumf %sub3A_2024, %sub3A_1849 : vector<16xf32>
      %sub3A_2026 = arith.subf %min3A_2021, %max3A_2025 : vector<16xf32>
      %max3A_2027 = arith.constant 0.000000e+00 : f32
      %max3A_2028 = vector.broadcast %max3A_2027 : f32 to vector<16xf32>
      %max3A_2029 = arith.maximumf %sub3A_2026, %max3A_2028 : vector<16xf32>
      %mul3A_2030 = arith.mulf %max3A_2017, %max3A_2029 : vector<16xf32>
      %add3A_2031 = arith.constant 43.59375 : f32
      %add3A_2032 = vector.broadcast %add3A_2031 : f32 to vector<16xf32>
      %add3A_2033 = arith.addf %add3A_2032, %mul3A_1854 : vector<16xf32>
      %sub3A_2034 = arith.subf %add3A_2033, %mul3A_2030 : vector<16xf32>
      %max3A_2035 = arith.constant 9.99999996E-13 : f32
      %max3A_2036 = vector.broadcast %max3A_2035 : f32 to vector<16xf32>
      %max3A_2037 = arith.maximumf %sub3A_2034, %max3A_2036 : vector<16xf32>
      %div3A_2038 = arith.divf %mul3A_2030, %max3A_2037 : vector<16xf32>
      %gt3A_2039 = arith.cmpf ogt, %div3A_2038, %max3A_2005 : vector<16xf32>
      %jit3A_2040 = arith.constant 4 : i32
      %broadcast_in_dim3A_2041 = vector.broadcast %jit3A_2040 : i32 to vector<16xi32>
      %select_n3A_2042 = arith.select %gt3A_2039, %broadcast_in_dim3A_2041, %select_n3A_2004 : vector<16xi1>, vector<16xi32>
      %max3A_2043 = arith.maximumf %max3A_2005, %div3A_2038 : vector<16xf32>
      %add3A_2044 = arith.constant 3.687500e+00 : f32
      %add3A_2045 = vector.broadcast %add3A_2044 : f32 to vector<16xf32>
      %add3A_2046 = arith.addf %add3A_1834, %add3A_2045 : vector<16xf32>
      %min3A_2047 = arith.minimumf %add3A_2046, %add3A_1845 : vector<16xf32>
      %sub3A_2048 = arith.constant 3.687500e+00 : f32
      %sub3A_2049 = vector.broadcast %sub3A_2048 : f32 to vector<16xf32>
      %sub3A_2050 = arith.subf %add3A_1834, %sub3A_2049 : vector<16xf32>
      %max3A_2051 = arith.maximumf %sub3A_2050, %sub3A_1841 : vector<16xf32>
      %sub3A_2052 = arith.subf %min3A_2047, %max3A_2051 : vector<16xf32>
      %max3A_2053 = arith.constant 0.000000e+00 : f32
      %max3A_2054 = vector.broadcast %max3A_2053 : f32 to vector<16xf32>
      %max3A_2055 = arith.maximumf %sub3A_2052, %max3A_2054 : vector<16xf32>
      %add3A_2056 = arith.constant 7.437500e+00 : f32
      %add3A_2057 = vector.broadcast %add3A_2056 : f32 to vector<16xf32>
      %add3A_2058 = arith.addf %add3A_1837, %add3A_2057 : vector<16xf32>
      %min3A_2059 = arith.minimumf %add3A_2058, %add3A_1853 : vector<16xf32>
      %sub3A_2060 = arith.constant 7.437500e+00 : f32
      %sub3A_2061 = vector.broadcast %sub3A_2060 : f32 to vector<16xf32>
      %sub3A_2062 = arith.subf %add3A_1837, %sub3A_2061 : vector<16xf32>
      %max3A_2063 = arith.maximumf %sub3A_2062, %sub3A_1849 : vector<16xf32>
      %sub3A_2064 = arith.subf %min3A_2059, %max3A_2063 : vector<16xf32>
      %max3A_2065 = arith.constant 0.000000e+00 : f32
      %max3A_2066 = vector.broadcast %max3A_2065 : f32 to vector<16xf32>
      %max3A_2067 = arith.maximumf %sub3A_2064, %max3A_2066 : vector<16xf32>
      %mul3A_2068 = arith.mulf %max3A_2055, %max3A_2067 : vector<16xf32>
      %add3A_2069 = arith.constant 109.703125 : f32
      %add3A_2070 = vector.broadcast %add3A_2069 : f32 to vector<16xf32>
      %add3A_2071 = arith.addf %add3A_2070, %mul3A_1854 : vector<16xf32>
      %sub3A_2072 = arith.subf %add3A_2071, %mul3A_2068 : vector<16xf32>
      %max3A_2073 = arith.constant 9.99999996E-13 : f32
      %max3A_2074 = vector.broadcast %max3A_2073 : f32 to vector<16xf32>
      %max3A_2075 = arith.maximumf %sub3A_2072, %max3A_2074 : vector<16xf32>
      %div3A_2076 = arith.divf %mul3A_2068, %max3A_2075 : vector<16xf32>
      %gt3A_2077 = arith.cmpf ogt, %div3A_2076, %max3A_2043 : vector<16xf32>
      %jit3A_2078 = arith.constant 5 : i32
      %broadcast_in_dim3A_2079 = vector.broadcast %jit3A_2078 : i32 to vector<16xi32>
      %select_n3A_2080 = arith.select %gt3A_2077, %broadcast_in_dim3A_2079, %select_n3A_2042 : vector<16xi1>, vector<16xi32>
      %max3A_2081 = arith.maximumf %max3A_2043, %div3A_2076 : vector<16xf32>
      %add3A_2082 = arith.constant 7.250000e+00 : f32
      %add3A_2083 = vector.broadcast %add3A_2082 : f32 to vector<16xf32>
      %add3A_2084 = arith.addf %add3A_1834, %add3A_2083 : vector<16xf32>
      %min3A_2085 = arith.minimumf %add3A_2084, %add3A_1845 : vector<16xf32>
      %sub3A_2086 = arith.constant 7.250000e+00 : f32
      %sub3A_2087 = vector.broadcast %sub3A_2086 : f32 to vector<16xf32>
      %sub3A_2088 = arith.subf %add3A_1834, %sub3A_2087 : vector<16xf32>
      %max3A_2089 = arith.maximumf %sub3A_2088, %sub3A_1841 : vector<16xf32>
      %sub3A_2090 = arith.subf %min3A_2085, %max3A_2089 : vector<16xf32>
      %max3A_2091 = arith.constant 0.000000e+00 : f32
      %max3A_2092 = vector.broadcast %max3A_2091 : f32 to vector<16xf32>
      %max3A_2093 = arith.maximumf %sub3A_2090, %max3A_2092 : vector<16xf32>
      %add3A_2094 = arith.constant 5.625000e+00 : f32
      %add3A_2095 = vector.broadcast %add3A_2094 : f32 to vector<16xf32>
      %add3A_2096 = arith.addf %add3A_1837, %add3A_2095 : vector<16xf32>
      %min3A_2097 = arith.minimumf %add3A_2096, %add3A_1853 : vector<16xf32>
      %sub3A_2098 = arith.constant 5.625000e+00 : f32
      %sub3A_2099 = vector.broadcast %sub3A_2098 : f32 to vector<16xf32>
      %sub3A_2100 = arith.subf %add3A_1837, %sub3A_2099 : vector<16xf32>
      %max3A_2101 = arith.maximumf %sub3A_2100, %sub3A_1849 : vector<16xf32>
      %sub3A_2102 = arith.subf %min3A_2097, %max3A_2101 : vector<16xf32>
      %max3A_2103 = arith.constant 0.000000e+00 : f32
      %max3A_2104 = vector.broadcast %max3A_2103 : f32 to vector<16xf32>
      %max3A_2105 = arith.maximumf %sub3A_2102, %max3A_2104 : vector<16xf32>
      %mul3A_2106 = arith.mulf %max3A_2093, %max3A_2105 : vector<16xf32>
      %add3A_2107 = arith.constant 1.631250e+02 : f32
      %add3A_2108 = vector.broadcast %add3A_2107 : f32 to vector<16xf32>
      %add3A_2109 = arith.addf %add3A_2108, %mul3A_1854 : vector<16xf32>
      %sub3A_2110 = arith.subf %add3A_2109, %mul3A_2106 : vector<16xf32>
      %max3A_2111 = arith.constant 9.99999996E-13 : f32
      %max3A_2112 = vector.broadcast %max3A_2111 : f32 to vector<16xf32>
      %max3A_2113 = arith.maximumf %sub3A_2110, %max3A_2112 : vector<16xf32>
      %div3A_2114 = arith.divf %mul3A_2106, %max3A_2113 : vector<16xf32>
      %gt3A_2115 = arith.cmpf ogt, %div3A_2114, %max3A_2081 : vector<16xf32>
      %jit3A_2116 = arith.constant 6 : i32
      %broadcast_in_dim3A_2117 = vector.broadcast %jit3A_2116 : i32 to vector<16xi32>
      %select_n3A_2118 = arith.select %gt3A_2115, %broadcast_in_dim3A_2117, %select_n3A_2080 : vector<16xi1>, vector<16xi32>
      %max3A_2119 = arith.maximumf %max3A_2081, %div3A_2114 : vector<16xf32>
      %add3A_2120 = arith.constant 9.750000e+00 : f32
      %add3A_2121 = vector.broadcast %add3A_2120 : f32 to vector<16xf32>
      %add3A_2122 = arith.addf %add3A_1834, %add3A_2121 : vector<16xf32>
      %min3A_2123 = arith.minimumf %add3A_2122, %add3A_1845 : vector<16xf32>
      %sub3A_2124 = arith.constant 9.750000e+00 : f32
      %sub3A_2125 = vector.broadcast %sub3A_2124 : f32 to vector<16xf32>
      %sub3A_2126 = arith.subf %add3A_1834, %sub3A_2125 : vector<16xf32>
      %max3A_2127 = arith.maximumf %sub3A_2126, %sub3A_1841 : vector<16xf32>
      %sub3A_2128 = arith.subf %min3A_2123, %max3A_2127 : vector<16xf32>
      %max3A_2129 = arith.constant 0.000000e+00 : f32
      %max3A_2130 = vector.broadcast %max3A_2129 : f32 to vector<16xf32>
      %max3A_2131 = arith.maximumf %sub3A_2128, %max3A_2130 : vector<16xf32>
      %add3A_2132 = arith.constant 1.237500e+01 : f32
      %add3A_2133 = vector.broadcast %add3A_2132 : f32 to vector<16xf32>
      %add3A_2134 = arith.addf %add3A_1837, %add3A_2133 : vector<16xf32>
      %min3A_2135 = arith.minimumf %add3A_2134, %add3A_1853 : vector<16xf32>
      %sub3A_2136 = arith.constant 1.237500e+01 : f32
      %sub3A_2137 = vector.broadcast %sub3A_2136 : f32 to vector<16xf32>
      %sub3A_2138 = arith.subf %add3A_1837, %sub3A_2137 : vector<16xf32>
      %max3A_2139 = arith.maximumf %sub3A_2138, %sub3A_1849 : vector<16xf32>
      %sub3A_2140 = arith.subf %min3A_2135, %max3A_2139 : vector<16xf32>
      %max3A_2141 = arith.constant 0.000000e+00 : f32
      %max3A_2142 = vector.broadcast %max3A_2141 : f32 to vector<16xf32>
      %max3A_2143 = arith.maximumf %sub3A_2140, %max3A_2142 : vector<16xf32>
      %mul3A_2144 = arith.mulf %max3A_2131, %max3A_2143 : vector<16xf32>
      %add3A_2145 = arith.constant 4.826250e+02 : f32
      %add3A_2146 = vector.broadcast %add3A_2145 : f32 to vector<16xf32>
      %add3A_2147 = arith.addf %add3A_2146, %mul3A_1854 : vector<16xf32>
      %sub3A_2148 = arith.subf %add3A_2147, %mul3A_2144 : vector<16xf32>
      %max3A_2149 = arith.constant 9.99999996E-13 : f32
      %max3A_2150 = vector.broadcast %max3A_2149 : f32 to vector<16xf32>
      %max3A_2151 = arith.maximumf %sub3A_2148, %max3A_2150 : vector<16xf32>
      %div3A_2152 = arith.divf %mul3A_2144, %max3A_2151 : vector<16xf32>
      %gt3A_2153 = arith.cmpf ogt, %div3A_2152, %max3A_2119 : vector<16xf32>
      %jit3A_2154 = arith.constant 7 : i32
      %broadcast_in_dim3A_2155 = vector.broadcast %jit3A_2154 : i32 to vector<16xi32>
      %select_n3A_2156 = arith.select %gt3A_2153, %broadcast_in_dim3A_2155, %select_n3A_2118 : vector<16xi1>, vector<16xi32>
      %max3A_2157 = arith.maximumf %max3A_2119, %div3A_2152 : vector<16xf32>
      %add3A_2158 = arith.constant 2.331250e+01 : f32
      %add3A_2159 = vector.broadcast %add3A_2158 : f32 to vector<16xf32>
      %add3A_2160 = arith.addf %add3A_1834, %add3A_2159 : vector<16xf32>
      %min3A_2161 = arith.minimumf %add3A_2160, %add3A_1845 : vector<16xf32>
      %sub3A_2162 = arith.constant 2.331250e+01 : f32
      %sub3A_2163 = vector.broadcast %sub3A_2162 : f32 to vector<16xf32>
      %sub3A_2164 = arith.subf %add3A_1834, %sub3A_2163 : vector<16xf32>
      %max3A_2165 = arith.maximumf %sub3A_2164, %sub3A_1841 : vector<16xf32>
      %sub3A_2166 = arith.subf %min3A_2161, %max3A_2165 : vector<16xf32>
      %max3A_2167 = arith.constant 0.000000e+00 : f32
      %max3A_2168 = vector.broadcast %max3A_2167 : f32 to vector<16xf32>
      %max3A_2169 = arith.maximumf %sub3A_2166, %max3A_2168 : vector<16xf32>
      %add3A_2170 = arith.constant 2.037500e+01 : f32
      %add3A_2171 = vector.broadcast %add3A_2170 : f32 to vector<16xf32>
      %add3A_2172 = arith.addf %add3A_1837, %add3A_2171 : vector<16xf32>
      %min3A_2173 = arith.minimumf %add3A_2172, %add3A_1853 : vector<16xf32>
      %sub3A_2174 = arith.constant 2.037500e+01 : f32
      %sub3A_2175 = vector.broadcast %sub3A_2174 : f32 to vector<16xf32>
      %sub3A_2176 = arith.subf %add3A_1837, %sub3A_2175 : vector<16xf32>
      %max3A_2177 = arith.maximumf %sub3A_2176, %sub3A_1849 : vector<16xf32>
      %sub3A_2178 = arith.subf %min3A_2173, %max3A_2177 : vector<16xf32>
      %max3A_2179 = arith.constant 0.000000e+00 : f32
      %max3A_2180 = vector.broadcast %max3A_2179 : f32 to vector<16xf32>
      %max3A_2181 = arith.maximumf %sub3A_2178, %max3A_2180 : vector<16xf32>
      %mul3A_2182 = arith.mulf %max3A_2169, %max3A_2181 : vector<16xf32>
      %add3A_2183 = arith.constant 1899.96875 : f32
      %add3A_2184 = vector.broadcast %add3A_2183 : f32 to vector<16xf32>
      %add3A_2185 = arith.addf %add3A_2184, %mul3A_1854 : vector<16xf32>
      %sub3A_2186 = arith.subf %add3A_2185, %mul3A_2182 : vector<16xf32>
      %max3A_2187 = arith.constant 9.99999996E-13 : f32
      %max3A_2188 = vector.broadcast %max3A_2187 : f32 to vector<16xf32>
      %max3A_2189 = arith.maximumf %sub3A_2186, %max3A_2188 : vector<16xf32>
      %div3A_2190 = arith.divf %mul3A_2182, %max3A_2189 : vector<16xf32>
      %gt3A_2191 = arith.cmpf ogt, %div3A_2190, %max3A_2157 : vector<16xf32>
      %jit3A_2192 = arith.constant 8 : i32
      %broadcast_in_dim3A_2193 = vector.broadcast %jit3A_2192 : i32 to vector<16xi32>
      %select_n3A_2194 = arith.select %gt3A_2191, %broadcast_in_dim3A_2193, %select_n3A_2156 : vector<16xi1>, vector<16xi32>
      %max3A_2195 = arith.maximumf %max3A_2157, %div3A_2190 : vector<16xf32>
      %lt3A_2196 = vector.broadcast %add3A_82 : i32 to vector<16xi32>
      %lt3A_2197 = arith.cmpi slt, %add3A_1801, %lt3A_2196 : vector<16xi32>
      %lt3A_2198 = arith.constant 3 : i32
      %lt3A_2199 = vector.broadcast %lt3A_2198 : i32 to vector<16xi32>
      %lt3A_2200 = arith.cmpi slt, %select_n3A_2194, %lt3A_2199 : vector<16xi32>
      %and3A_2201 = arith.andi %lt3A_2197, %lt3A_2200 : vector<16xi1>
      %jit3A_2202 = arith.constant 0 : i32
      %broadcast_in_dim3A_2203 = vector.broadcast %jit3A_2202 : i32 to vector<16xi32>
      %select_n3A_2204 = arith.select %and3A_2201, %select_n3A_2194, %broadcast_in_dim3A_2203 : vector<16xi1>, vector<16xi32>
      %eq3A_2205 = arith.constant 0 : i32
      %eq3A_2206 = vector.broadcast %eq3A_2205 : i32 to vector<16xi32>
      %eq3A_2207 = arith.cmpi eq, %select_n3A_2204, %eq3A_2206 : vector<16xi32>
      %eq3A_2208 = arith.constant 1 : i32
      %eq3A_2209 = vector.broadcast %eq3A_2208 : i32 to vector<16xi32>
      %eq3A_2210 = arith.cmpi eq, %select_n3A_2204, %eq3A_2209 : vector<16xi32>
      %jit3A_2211 = arith.constant 2.000000e+00 : f32
      %jit3A_2212 = arith.constant 4.125000e+00 : f32
      %broadcast_in_dim3A_2213 = vector.broadcast %jit3A_2211 : f32 to vector<16xf32>
      %broadcast_in_dim3A_2214 = vector.broadcast %jit3A_2212 : f32 to vector<16xf32>
      %select_n3A_2215 = arith.select %eq3A_2210, %broadcast_in_dim3A_2213, %broadcast_in_dim3A_2214 : vector<16xi1>, vector<16xf32>
      %jit3A_2216 = arith.constant 1.250000e+00 : f32
      %broadcast_in_dim3A_2217 = vector.broadcast %jit3A_2216 : f32 to vector<16xf32>
      %select_n3A_2218 = arith.select %eq3A_2207, %broadcast_in_dim3A_2217, %select_n3A_2215 : vector<16xi1>, vector<16xf32>
      %eq3A_2219 = arith.constant 0 : i32
      %eq3A_2220 = vector.broadcast %eq3A_2219 : i32 to vector<16xi32>
      %eq3A_2221 = arith.cmpi eq, %select_n3A_2204, %eq3A_2220 : vector<16xi32>
      %eq3A_2222 = arith.constant 1 : i32
      %eq3A_2223 = vector.broadcast %eq3A_2222 : i32 to vector<16xi32>
      %eq3A_2224 = arith.cmpi eq, %select_n3A_2204, %eq3A_2223 : vector<16xi32>
      %jit3A_2225 = arith.constant 3.750000e+00 : f32
      %jit3A_2226 = arith.constant 2.875000e+00 : f32
      %broadcast_in_dim3A_2227 = vector.broadcast %jit3A_2225 : f32 to vector<16xf32>
      %broadcast_in_dim3A_2228 = vector.broadcast %jit3A_2226 : f32 to vector<16xf32>
      %select_n3A_2229 = arith.select %eq3A_2224, %broadcast_in_dim3A_2227, %broadcast_in_dim3A_2228 : vector<16xi1>, vector<16xf32>
      %jit3A_2230 = arith.constant 1.625000e+00 : f32
      %broadcast_in_dim3A_2231 = vector.broadcast %jit3A_2230 : f32 to vector<16xf32>
      %select_n3A_2232 = arith.select %eq3A_2221, %broadcast_in_dim3A_2231, %select_n3A_2229 : vector<16xi1>, vector<16xf32>
      %sub3A_2233 = arith.subf %mul3A_1806, %convert_element_type3A_1826 : vector<16xf32>
      %sub3A_2234 = arith.subf %mul3A_1811, %convert_element_type3A_1827 : vector<16xf32>
      %div3A_2235 = arith.divf %mul3A_1816, %select_n3A_2218 : vector<16xf32>
      %div3A_2236 = arith.divf %mul3A_1821, %select_n3A_2232 : vector<16xf32>
      %mul3A_2237 = arith.constant 2.44140625E-4 : f32
      %mul3A_2238 = vector.broadcast %mul3A_2237 : f32 to vector<16xf32>
      %mul3A_2239 = arith.mulf %mul3A_1854, %mul3A_2238 : vector<16xf32>
      %sub3A_2240 = arith.constant 2.000000e+00 : f32
      %sub3A_2241 = vector.broadcast %sub3A_2240 : f32 to vector<16xf32>
      %sub3A_2242 = arith.subf %sub3A_2241, %mul3A_2239 : vector<16xf32>
      %broadcast_in_dim3A_2243 = arith.constant 1.200000e+00 : f32
      %broadcast_in_dim3A_2244 = vector.broadcast %broadcast_in_dim3A_2243 : f32 to vector<16xf32>
      %div3A_2245 = arith.divf %sub3A_2242, %broadcast_in_dim3A_2244 : vector<16xf32>
      %add3A_2246 = arith.addf %broadcast_in_dim3A_2244, %div3A_2245 : vector<16xf32>
      %mul3A_2247 = arith.constant 5.000000e-01 : f32
      %mul3A_2248 = vector.broadcast %mul3A_2247 : f32 to vector<16xf32>
      %mul3A_2249 = arith.mulf %mul3A_2248, %add3A_2246 : vector<16xf32>
      %div3A_2250 = arith.divf %sub3A_2242, %mul3A_2249 : vector<16xf32>
      %add3A_2251 = arith.addf %mul3A_2249, %div3A_2250 : vector<16xf32>
      %mul3A_2252 = arith.constant 5.000000e-01 : f32
      %mul3A_2253 = vector.broadcast %mul3A_2252 : f32 to vector<16xf32>
      %mul3A_2254 = arith.mulf %mul3A_2253, %add3A_2251 : vector<16xf32>
      %div3A_2255 = arith.divf %sub3A_2242, %mul3A_2254 : vector<16xf32>
      %add3A_2256 = arith.addf %mul3A_2254, %div3A_2255 : vector<16xf32>
      %mul3A_2257 = arith.constant 5.000000e-01 : f32
      %mul3A_2258 = vector.broadcast %mul3A_2257 : f32 to vector<16xf32>
      %mul3A_2259 = arith.mulf %mul3A_2258, %add3A_2256 : vector<16xf32>
      %div3A_2260 = arith.divf %sub3A_2242, %mul3A_2259 : vector<16xf32>
      %add3A_2261 = arith.addf %mul3A_2259, %div3A_2260 : vector<16xf32>
      %mul3A_2262 = arith.constant 5.000000e-01 : f32
      %mul3A_2263 = vector.broadcast %mul3A_2262 : f32 to vector<16xf32>
      %mul3A_2264 = arith.mulf %mul3A_2263, %add3A_2261 : vector<16xf32>
      %convert_element_type3A_2265 = arith.fptosi %get3A_1823 : vector<16xf32> to vector<16xi32>
      %min3A_2266 = arith.constant 79 : i32
      %min3A_2267 = vector.broadcast %min3A_2266 : i32 to vector<16xi32>
      %min3A_2268 = arith.minsi %convert_element_type3A_2265, %min3A_2267 : vector<16xi32>
      %mul3A_2269 = arith.constant 3 : i32
      %mul3A_2270 = vector.broadcast %mul3A_2269 : i32 to vector<16xi32>
      %mul3A_2271 = arith.muli %add3A_1831, %mul3A_2270 : vector<16xi32>
      %add3A_2272 = arith.addi %mul3A_2271, %select_n3A_2204 : vector<16xi32>
      %sub3A_2273 = arith.constant -1 : i32
      %sub3A_2274 = vector.broadcast %sub3A_2273 : i32 to vector<16xi32>
      %sub3A_2275 = arith.subi %sub3A_2274, %add3A_1801 : vector<16xi32>
      %select_n3A_2276 = arith.select %and3A_2201, %add3A_2272, %sub3A_2275 : vector<16xi1>, vector<16xi32>
      %swap3A_2277 = arith.constant 0 : i32
      %swap3A_2278 = arith.index_cast %swap3A_2277 : i32 to index
      %swap3A_2279 = arith.constant 48 : index
      %swap3A_2280 = tpu.vector_load %arg7[%swap3A_2278, %swap3A_2279] {strides = array<i32>} : memref<6x64xi32, #tpu.memory_space<vmem>>, vector<16xi32>,
      tpu.vector_store %arg7[%swap3A_2278, %swap3A_2279], %select_n3A_2276 {strides = array<i32>} : memref<6x64xi32, #tpu.memory_space<vmem>>, vector<16xi32>,
      %mul3A_2281 = arith.constant 128 : i32
      %mul3A_2282 = vector.broadcast %mul3A_2281 : i32 to vector<16xi32>
      %mul3A_2283 = arith.muli %add3A_2272, %mul3A_2282 : vector<16xi32>
      %add3A_2284 = arith.addi %mul3A_2283, %min3A_2268 : vector<16xi32>
      %select_n3A_2285 = arith.select %and3A_2201, %add3A_2284, %sub3A_2275 : vector<16xi1>, vector<16xi32>
      %swap3A_2286 = arith.constant 1 : i32
      %swap3A_2287 = arith.index_cast %swap3A_2286 : i32 to index
      %swap3A_2288 = arith.constant 48 : index
      %swap3A_2289 = tpu.vector_load %arg7[%swap3A_2287, %swap3A_2288] {strides = array<i32>} : memref<6x64xi32, #tpu.memory_space<vmem>>, vector<16xi32>,
      tpu.vector_store %arg7[%swap3A_2287, %swap3A_2288], %select_n3A_2285 {strides = array<i32>} : memref<6x64xi32, #tpu.memory_space<vmem>>, vector<16xi32>,
      %swap3A_2290 = arith.constant 2 : i32
      %swap3A_2291 = arith.index_cast %swap3A_2290 : i32 to index
      %swap3A_2292 = arith.constant 48 : index
      %swap3A_2293 = tpu.vector_load %arg7[%swap3A_2291, %swap3A_2292] {strides = array<i32>} : memref<6x64xi32, #tpu.memory_space<vmem>>, vector<16xi32>,
      tpu.vector_store %arg7[%swap3A_2291, %swap3A_2292], %min3A_2268 {strides = array<i32>} : memref<6x64xi32, #tpu.memory_space<vmem>>, vector<16xi32>,
      %mul3A_2294 = arith.constant 85 : i32
      %mul3A_2295 = vector.broadcast %mul3A_2294 : i32 to vector<16xi32>
      %mul3A_2296 = arith.muli %select_n3A_2204, %mul3A_2295 : vector<16xi32>
      %swap3A_2297 = arith.constant 3 : i32
      %swap3A_2298 = arith.index_cast %swap3A_2297 : i32 to index
      %swap3A_2299 = arith.constant 48 : index
      %swap3A_2300 = tpu.vector_load %arg7[%swap3A_2298, %swap3A_2299] {strides = array<i32>} : memref<6x64xi32, #tpu.memory_space<vmem>>, vector<16xi32>,
      tpu.vector_store %arg7[%swap3A_2298, %swap3A_2299], %mul3A_2296 {strides = array<i32>} : memref<6x64xi32, #tpu.memory_space<vmem>>, vector<16xi32>,
      %swap3A_2301 = arith.constant 4 : i32
      %swap3A_2302 = arith.index_cast %swap3A_2301 : i32 to index
      %swap3A_2303 = arith.constant 48 : index
      %swap3A_2304 = tpu.vector_load %arg7[%swap3A_2302, %swap3A_2303] {strides = array<i32>} : memref<6x64xi32, #tpu.memory_space<vmem>>, vector<16xi32>,
      tpu.vector_store %arg7[%swap3A_2302, %swap3A_2303], %convert_element_type3A_1825 {strides = array<i32>} : memref<6x64xi32, #tpu.memory_space<vmem>>, vector<16xi32>,
      %swap3A_2305 = arith.constant 5 : i32
      %swap3A_2306 = arith.index_cast %swap3A_2305 : i32 to index
      %swap3A_2307 = arith.constant 48 : index
      %swap3A_2308 = tpu.vector_load %arg7[%swap3A_2306, %swap3A_2307] {strides = array<i32>} : memref<6x64xi32, #tpu.memory_space<vmem>>, vector<16xi32>,
      tpu.vector_store %arg7[%swap3A_2306, %swap3A_2307], %convert_element_type3A_1824 {strides = array<i32>} : memref<6x64xi32, #tpu.memory_space<vmem>>, vector<16xi32>,
      %swap3A_2309 = arith.constant 0 : i32
      %swap3A_2310 = arith.index_cast %swap3A_2309 : i32 to index
      %swap3A_2311 = arith.constant 48 : index
      %swap3A_2312 = tpu.vector_load %arg6[%swap3A_2310, %swap3A_2311] {strides = array<i32>} : memref<16x64xf32, #tpu.memory_space<vmem>>, vector<16xf32>,
      tpu.vector_store %arg6[%swap3A_2310, %swap3A_2311], %sub3A_2233 {strides = array<i32>} : memref<16x64xf32, #tpu.memory_space<vmem>>, vector<16xf32>,
      %swap3A_2313 = arith.constant 1 : i32
      %swap3A_2314 = arith.index_cast %swap3A_2313 : i32 to index
      %swap3A_2315 = arith.constant 48 : index
      %swap3A_2316 = tpu.vector_load %arg6[%swap3A_2314, %swap3A_2315] {strides = array<i32>} : memref<16x64xf32, #tpu.memory_space<vmem>>, vector<16xf32>,
      tpu.vector_store %arg6[%swap3A_2314, %swap3A_2315], %sub3A_2234 {strides = array<i32>} : memref<16x64xf32, #tpu.memory_space<vmem>>, vector<16xf32>,
      %swap3A_2317 = arith.constant 2 : i32
      %swap3A_2318 = arith.index_cast %swap3A_2317 : i32 to index
      %swap3A_2319 = arith.constant 48 : index
      %swap3A_2320 = tpu.vector_load %arg6[%swap3A_2318, %swap3A_2319] {strides = array<i32>} : memref<16x64xf32, #tpu.memory_space<vmem>>, vector<16xf32>,
      tpu.vector_store %arg6[%swap3A_2318, %swap3A_2319], %div3A_2235 {strides = array<i32>} : memref<16x64xf32, #tpu.memory_space<vmem>>, vector<16xf32>,
      %swap3A_2321 = arith.constant 3 : i32
      %swap3A_2322 = arith.index_cast %swap3A_2321 : i32 to index
      %swap3A_2323 = arith.constant 48 : index
      %swap3A_2324 = tpu.vector_load %arg6[%swap3A_2322, %swap3A_2323] {strides = array<i32>} : memref<16x64xf32, #tpu.memory_space<vmem>>, vector<16xf32>,
      tpu.vector_store %arg6[%swap3A_2322, %swap3A_2323], %div3A_2236 {strides = array<i32>} : memref<16x64xf32, #tpu.memory_space<vmem>>, vector<16xf32>,
      %swap3A_2325 = arith.constant 4 : i32
      %swap3A_2326 = arith.index_cast %swap3A_2325 : i32 to index
      %swap3A_2327 = arith.constant 48 : index
      %swap3A_2328 = tpu.vector_load %arg6[%swap3A_2326, %swap3A_2327] {strides = array<i32>} : memref<16x64xf32, #tpu.memory_space<vmem>>, vector<16xf32>,
      tpu.vector_store %arg6[%swap3A_2326, %swap3A_2327], %mul3A_2264 {strides = array<i32>} : memref<16x64xf32, #tpu.memory_space<vmem>>, vector<16xf32>,
      %swap3A_2329 = arith.constant 5 : i32
      %swap3A_2330 = arith.index_cast %swap3A_2329 : i32 to index
      %swap3A_2331 = arith.constant 48 : index
      %swap3A_2332 = tpu.vector_load %arg6[%swap3A_2330, %swap3A_2331] {strides = array<i32>} : memref<16x64xf32, #tpu.memory_space<vmem>>, vector<16xf32>,
      tpu.vector_store %arg6[%swap3A_2330, %swap3A_2331], %convert_element_type3A_1826 {strides = array<i32>} : memref<16x64xf32, #tpu.memory_space<vmem>>, vector<16xf32>,
      %swap3A_2333 = arith.constant 6 : i32
      %swap3A_2334 = arith.index_cast %swap3A_2333 : i32 to index
      %swap3A_2335 = arith.constant 48 : index
      %swap3A_2336 = tpu.vector_load %arg6[%swap3A_2334, %swap3A_2335] {strides = array<i32>} : memref<16x64xf32, #tpu.memory_space<vmem>>, vector<16xf32>,
      tpu.vector_store %arg6[%swap3A_2334, %swap3A_2335], %convert_element_type3A_1827 {strides = array<i32>} : memref<16x64xf32, #tpu.memory_space<vmem>>, vector<16xf32>,
      %swap3A_2337 = arith.constant 7 : i32
      %swap3A_2338 = arith.index_cast %swap3A_2337 : i32 to index
      %swap3A_2339 = arith.constant 48 : index
      %swap3A_2340 = tpu.vector_load %arg6[%swap3A_2338, %swap3A_2339] {strides = array<i32>} : memref<16x64xf32, #tpu.memory_space<vmem>>, vector<16xf32>,
      tpu.vector_store %arg6[%swap3A_2338, %swap3A_2339], %select_n3A_2218 {strides = array<i32>} : memref<16x64xf32, #tpu.memory_space<vmem>>, vector<16xf32>,
      %swap3A_2341 = arith.constant 8 : i32
      %swap3A_2342 = arith.index_cast %swap3A_2341 : i32 to index
      %swap3A_2343 = arith.constant 48 : index
      %swap3A_2344 = tpu.vector_load %arg6[%swap3A_2342, %swap3A_2343] {strides = array<i32>} : memref<16x64xf32, #tpu.memory_space<vmem>>, vector<16xf32>,
      tpu.vector_store %arg6[%swap3A_2342, %swap3A_2343], %select_n3A_2232 {strides = array<i32>} : memref<16x64xf32, #tpu.memory_space<vmem>>, vector<16xf32>,
      %swap3A_2345 = arith.constant 9 : i32
      %swap3A_2346 = arith.index_cast %swap3A_2345 : i32 to index
      %swap3A_2347 = arith.constant 48 : index
      %swap3A_2348 = tpu.vector_load %arg6[%swap3A_2346, %swap3A_2347] {strides = array<i32>} : memref<16x64xf32, #tpu.memory_space<vmem>>, vector<16xf32>,
      tpu.vector_store %arg6[%swap3A_2346, %swap3A_2347], %sub3A_1841 {strides = array<i32>} : memref<16x64xf32, #tpu.memory_space<vmem>>, vector<16xf32>,
      %swap3A_2349 = arith.constant 10 : i32
      %swap3A_2350 = arith.index_cast %swap3A_2349 : i32 to index
      %swap3A_2351 = arith.constant 48 : index
      %swap3A_2352 = tpu.vector_load %arg6[%swap3A_2350, %swap3A_2351] {strides = array<i32>} : memref<16x64xf32, #tpu.memory_space<vmem>>, vector<16xf32>,
      tpu.vector_store %arg6[%swap3A_2350, %swap3A_2351], %add3A_1845 {strides = array<i32>} : memref<16x64xf32, #tpu.memory_space<vmem>>, vector<16xf32>,
      %swap3A_2353 = arith.constant 11 : i32
      %swap3A_2354 = arith.index_cast %swap3A_2353 : i32 to index
      %swap3A_2355 = arith.constant 48 : index
      %swap3A_2356 = tpu.vector_load %arg6[%swap3A_2354, %swap3A_2355] {strides = array<i32>} : memref<16x64xf32, #tpu.memory_space<vmem>>, vector<16xf32>,
      tpu.vector_store %arg6[%swap3A_2354, %swap3A_2355], %sub3A_1849 {strides = array<i32>} : memref<16x64xf32, #tpu.memory_space<vmem>>, vector<16xf32>,
      %swap3A_2357 = arith.constant 12 : i32
      %swap3A_2358 = arith.index_cast %swap3A_2357 : i32 to index
      %swap3A_2359 = arith.constant 48 : index
      %swap3A_2360 = tpu.vector_load %arg6[%swap3A_2358, %swap3A_2359] {strides = array<i32>} : memref<16x64xf32, #tpu.memory_space<vmem>>, vector<16xf32>,
      tpu.vector_store %arg6[%swap3A_2358, %swap3A_2359], %add3A_1853 {strides = array<i32>} : memref<16x64xf32, #tpu.memory_space<vmem>>, vector<16xf32>,
      %swap3A_2361 = arith.constant 13 : i32
      %swap3A_2362 = arith.index_cast %swap3A_2361 : i32 to index
      %swap3A_2363 = arith.constant 48 : index
      %swap3A_2364 = tpu.vector_load %arg6[%swap3A_2362, %swap3A_2363] {strides = array<i32>} : memref<16x64xf32, #tpu.memory_space<vmem>>, vector<16xf32>,
      tpu.vector_store %arg6[%swap3A_2362, %swap3A_2363], %mul3A_1854 {strides = array<i32>} : memref<16x64xf32, #tpu.memory_space<vmem>>, vector<16xf32>,
      %jit3A_2365 = arith.constant 1.000000e+00 : f32
      %jit3A_2366 = arith.constant 0.000000e+00 : f32
      %broadcast_in_dim3A_2367 = vector.broadcast %jit3A_2365 : f32 to vector<16xf32>
      %broadcast_in_dim3A_2368 = vector.broadcast %jit3A_2366 : f32 to vector<16xf32>
      %select_n3A_2369 = arith.select %lt3A_2197, %broadcast_in_dim3A_2367, %broadcast_in_dim3A_2368 : vector<16xi1>, vector<16xf32>
      %swap3A_2370 = arith.constant 14 : i32
      %swap3A_2371 = arith.index_cast %swap3A_2370 : i32 to index
      %swap3A_2372 = arith.constant 48 : index
      %swap3A_2373 = tpu.vector_load %arg6[%swap3A_2371, %swap3A_2372] {strides = array<i32>} : memref<16x64xf32, #tpu.memory_space<vmem>>, vector<16xf32>,
      tpu.vector_store %arg6[%swap3A_2371, %swap3A_2372], %select_n3A_2369 {strides = array<i32>} : memref<16x64xf32, #tpu.memory_space<vmem>>, vector<16xf32>,
      %add3A_2374 = arith.constant 0 : i32
      %add3A_2375 = vector.broadcast %add3A_2374 : i32 to vector<16xi32>
      %add3A_2376 = arith.addi %iota3A, %add3A_2375 : vector<16xi32>
      %min3A_2377 = arith.constant 84 : i32
      %min3A_2378 = vector.broadcast %min3A_2377 : i32 to vector<16xi32>
      %min3A_2379 = arith.minsi %add3A_2376, %min3A_2378 : vector<16xi32>
      %mul3A_2380 = arith.constant 4096 : i32
      %mul3A_2381 = vector.broadcast %mul3A_2380 : i32 to vector<16xi32>
      %mul3A_2382 = arith.muli %min3A_2379, %mul3A_2381 : vector<16xi32>
      %add3A_2383 = arith.constant 16 : i32
      %add3A_2384 = vector.broadcast %add3A_2383 : i32 to vector<16xi32>
      %add3A_2385 = arith.addi %iota3A, %add3A_2384 : vector<16xi32>
      %min3A_2386 = arith.constant 84 : i32
      %min3A_2387 = vector.broadcast %min3A_2386 : i32 to vector<16xi32>
      %min3A_2388 = arith.minsi %add3A_2385, %min3A_2387 : vector<16xi32>
      %mul3A_2389 = arith.constant 4096 : i32
      %mul3A_2390 = vector.broadcast %mul3A_2389 : i32 to vector<16xi32>
      %mul3A_2391 = arith.muli %min3A_2388, %mul3A_2390 : vector<16xi32>
      %add3A_2392 = arith.constant 32 : i32
      %add3A_2393 = vector.broadcast %add3A_2392 : i32 to vector<16xi32>
      %add3A_2394 = arith.addi %iota3A, %add3A_2393 : vector<16xi32>
      %min3A_2395 = arith.constant 84 : i32
      %min3A_2396 = vector.broadcast %min3A_2395 : i32 to vector<16xi32>
      %min3A_2397 = arith.minsi %add3A_2394, %min3A_2396 : vector<16xi32>
      %mul3A_2398 = arith.constant 4096 : i32
      %mul3A_2399 = vector.broadcast %mul3A_2398 : i32 to vector<16xi32>
      %mul3A_2400 = arith.muli %min3A_2397, %mul3A_2399 : vector<16xi32>
      %add3A_2401 = arith.constant 48 : i32
      %add3A_2402 = vector.broadcast %add3A_2401 : i32 to vector<16xi32>
      %add3A_2403 = arith.addi %iota3A, %add3A_2402 : vector<16xi32>
      %min3A_2404 = arith.constant 84 : i32
      %min3A_2405 = vector.broadcast %min3A_2404 : i32 to vector<16xi32>
      %min3A_2406 = arith.minsi %add3A_2403, %min3A_2405 : vector<16xi32>
      %mul3A_2407 = arith.constant 4096 : i32
      %mul3A_2408 = vector.broadcast %mul3A_2407 : i32 to vector<16xi32>
      %mul3A_2409 = arith.muli %min3A_2406, %mul3A_2408 : vector<16xi32>
      %add3A_2410 = arith.constant 64 : i32
      %add3A_2411 = vector.broadcast %add3A_2410 : i32 to vector<16xi32>
      %add3A_2412 = arith.addi %iota3A, %add3A_2411 : vector<16xi32>
      %min3A_2413 = arith.constant 84 : i32
      %min3A_2414 = vector.broadcast %min3A_2413 : i32 to vector<16xi32>
      %min3A_2415 = arith.minsi %add3A_2412, %min3A_2414 : vector<16xi32>
      %mul3A_2416 = arith.constant 4096 : i32
      %mul3A_2417 = vector.broadcast %mul3A_2416 : i32 to vector<16xi32>
      %mul3A_2418 = arith.muli %min3A_2415, %mul3A_2417 : vector<16xi32>
      %add3A_2419 = arith.constant 80 : i32
      %add3A_2420 = vector.broadcast %add3A_2419 : i32 to vector<16xi32>
      %add3A_2421 = arith.addi %iota3A, %add3A_2420 : vector<16xi32>
      %min3A_2422 = arith.constant 84 : i32
      %min3A_2423 = vector.broadcast %min3A_2422 : i32 to vector<16xi32>
      %min3A_2424 = arith.minsi %add3A_2421, %min3A_2423 : vector<16xi32>
      %mul3A_2425 = arith.constant 4096 : i32
      %mul3A_2426 = vector.broadcast %mul3A_2425 : i32 to vector<16xi32>
      %mul3A_2427 = arith.muli %min3A_2424, %mul3A_2426 : vector<16xi32>
      %scan3A = arith.constant 0 : i32
      %scan3A_2428 = arith.constant 0 : i32
      %scan3A_2429 = arith.constant 50 : i32
      %scan3A_2430 = arith.addi %scan3A_2428, %scan3A_2429 : i32
      %scan3A_2431 = arith.constant 1 : i32
      scf.for %scan3A_2482 = %scan3A_2428 to %scan3A_2430 step %scan3A_2431  : i32 {
        %broadcast_in_dim3A_2483 = vector.broadcast %scan3A_2482 : i32 to vector<16xi32>
        %min3A_2484 = arith.constant 5 : i32
        %min3A_2485 = vector.broadcast %min3A_2484 : i32 to vector<16xi32>
        %min3A_2486 = arith.minsi %iota3A, %min3A_2485 : vector<16xi32>
        %gather3A = tpu.vector_load_idx %arg7[%min3A_2486, %broadcast_in_dim3A_2483] : memref<6x64xi32, #tpu.memory_space<vmem>>[vector<16xi32>, vector<16xi32>], vector<16xi32>,
        %mul3A_2487 = arith.constant 255 : i32
        %mul3A_2488 = arith.muli %add3A, %mul3A_2487 : i32
        %slice3A_2489 = vector.extract_strided_slice %gather3A {offsets = [3], sizes = [1], strides = [1]} : vector<16xi32> to vector<1xi32>
        %squeeze3A_2490 = vector.extract %slice3A_2489[0] : i32 from vector<1xi32>
        %add3A_2491 = arith.addi %mul3A_2488, %squeeze3A_2490 : i32
        %mul3A_2492 = arith.constant 4096 : i32
        %mul3A_2493 = arith.muli %add3A_2491, %mul3A_2492 : i32
        %slice3A_2494 = vector.extract_strided_slice %gather3A {offsets = [4], sizes = [1], strides = [1]} : vector<16xi32> to vector<1xi32>
        %squeeze3A_2495 = vector.extract %slice3A_2494[0] : i32 from vector<1xi32>
        %mul3A_2496 = arith.constant 64 : i32
        %mul3A_2497 = arith.muli %squeeze3A_2495, %mul3A_2496 : i32
        %add3A_2498 = arith.addi %mul3A_2493, %mul3A_2497 : i32
        %slice3A_2499 = vector.extract_strided_slice %gather3A {offsets = [5], sizes = [1], strides = [1]} : vector<16xi32> to vector<1xi32>
        %squeeze3A_2500 = vector.extract %slice3A_2499[0] : i32 from vector<1xi32>
        %add3A_2501 = arith.addi %add3A_2498, %squeeze3A_2500 : i32
        %add3A_2502 = vector.broadcast %add3A_2501 : i32 to vector<16xi32>
        %add3A_2503 = arith.addi %add3A_2502, %mul3A_2382 : vector<16xi32>
        %mul3A_2504 = arith.constant 96 : i32
        %mul3A_2505 = arith.muli %scan3A_2482, %mul3A_2504 : i32
        %add3A_2506 = arith.constant 0 : i32
        %add3A_2507 = arith.addi %mul3A_2505, %add3A_2506 : i32
        %swap3A_2508 = arith.index_cast %add3A_2507 : i32 to index
        %swap3A_2509 = tpu.vector_load %arg8[%swap3A_2508] {strides = array<i32>} : memref<6144xi32, #tpu.memory_space<vmem>>, vector<16xi32>,
        tpu.vector_store %arg8[%swap3A_2508], %add3A_2503 {strides = array<i32>} : memref<6144xi32, #tpu.memory_space<vmem>>, vector<16xi32>,
        %add3A_2510 = vector.broadcast %add3A_2501 : i32 to vector<16xi32>
        %add3A_2511 = arith.addi %add3A_2510, %mul3A_2391 : vector<16xi32>
        %mul3A_2512 = arith.constant 96 : i32
        %mul3A_2513 = arith.muli %scan3A_2482, %mul3A_2512 : i32
        %add3A_2514 = arith.constant 16 : i32
        %add3A_2515 = arith.addi %mul3A_2513, %add3A_2514 : i32
        %swap3A_2516 = arith.index_cast %add3A_2515 : i32 to index
        %swap3A_2517 = tpu.vector_load %arg8[%swap3A_2516] {strides = array<i32>} : memref<6144xi32, #tpu.memory_space<vmem>>, vector<16xi32>,
        tpu.vector_store %arg8[%swap3A_2516], %add3A_2511 {strides = array<i32>} : memref<6144xi32, #tpu.memory_space<vmem>>, vector<16xi32>,
        %add3A_2518 = vector.broadcast %add3A_2501 : i32 to vector<16xi32>
        %add3A_2519 = arith.addi %add3A_2518, %mul3A_2400 : vector<16xi32>
        %mul3A_2520 = arith.constant 96 : i32
        %mul3A_2521 = arith.muli %scan3A_2482, %mul3A_2520 : i32
        %add3A_2522 = arith.constant 32 : i32
        %add3A_2523 = arith.addi %mul3A_2521, %add3A_2522 : i32
        %swap3A_2524 = arith.index_cast %add3A_2523 : i32 to index
        %swap3A_2525 = tpu.vector_load %arg8[%swap3A_2524] {strides = array<i32>} : memref<6144xi32, #tpu.memory_space<vmem>>, vector<16xi32>,
        tpu.vector_store %arg8[%swap3A_2524], %add3A_2519 {strides = array<i32>} : memref<6144xi32, #tpu.memory_space<vmem>>, vector<16xi32>,
        %add3A_2526 = vector.broadcast %add3A_2501 : i32 to vector<16xi32>
        %add3A_2527 = arith.addi %add3A_2526, %mul3A_2409 : vector<16xi32>
        %mul3A_2528 = arith.constant 96 : i32
        %mul3A_2529 = arith.muli %scan3A_2482, %mul3A_2528 : i32
        %add3A_2530 = arith.constant 48 : i32
        %add3A_2531 = arith.addi %mul3A_2529, %add3A_2530 : i32
        %swap3A_2532 = arith.index_cast %add3A_2531 : i32 to index
        %swap3A_2533 = tpu.vector_load %arg8[%swap3A_2532] {strides = array<i32>} : memref<6144xi32, #tpu.memory_space<vmem>>, vector<16xi32>,
        tpu.vector_store %arg8[%swap3A_2532], %add3A_2527 {strides = array<i32>} : memref<6144xi32, #tpu.memory_space<vmem>>, vector<16xi32>,
        %add3A_2534 = vector.broadcast %add3A_2501 : i32 to vector<16xi32>
        %add3A_2535 = arith.addi %add3A_2534, %mul3A_2418 : vector<16xi32>
        %mul3A_2536 = arith.constant 96 : i32
        %mul3A_2537 = arith.muli %scan3A_2482, %mul3A_2536 : i32
        %add3A_2538 = arith.constant 64 : i32
        %add3A_2539 = arith.addi %mul3A_2537, %add3A_2538 : i32
        %swap3A_2540 = arith.index_cast %add3A_2539 : i32 to index
        %swap3A_2541 = tpu.vector_load %arg8[%swap3A_2540] {strides = array<i32>} : memref<6144xi32, #tpu.memory_space<vmem>>, vector<16xi32>,
        tpu.vector_store %arg8[%swap3A_2540], %add3A_2535 {strides = array<i32>} : memref<6144xi32, #tpu.memory_space<vmem>>, vector<16xi32>,
        %add3A_2542 = vector.broadcast %add3A_2501 : i32 to vector<16xi32>
        %add3A_2543 = arith.addi %add3A_2542, %mul3A_2427 : vector<16xi32>
        %mul3A_2544 = arith.constant 96 : i32
        %mul3A_2545 = arith.muli %scan3A_2482, %mul3A_2544 : i32
        %add3A_2546 = arith.constant 80 : i32
        %add3A_2547 = arith.addi %mul3A_2545, %add3A_2546 : i32
        %swap3A_2548 = arith.index_cast %add3A_2547 : i32 to index
        %swap3A_2549 = tpu.vector_load %arg8[%swap3A_2548] {strides = array<i32>} : memref<6144xi32, #tpu.memory_space<vmem>>, vector<16xi32>,
        tpu.vector_store %arg8[%swap3A_2548], %add3A_2543 {strides = array<i32>} : memref<6144xi32, #tpu.memory_space<vmem>>, vector<16xi32>,
      }
      %scan3A_2432 = arith.constant 50 : i32
      %scan3A_2433 = arith.constant 0 : i32
      %scan3A_2434 = arith.constant 0 : i32
      %scan3A_2435 = arith.constant 50 : i32
      %scan3A_2436 = arith.addi %scan3A_2434, %scan3A_2435 : i32
      %scan3A_2437 = arith.constant 1 : i32
      scf.for %scan3A_2482 = %scan3A_2434 to %scan3A_2436 step %scan3A_2437  : i32 {
        %mul3A_2483 = arith.constant 96 : i32
        %mul3A_2484 = arith.muli %scan3A_2482, %mul3A_2483 : i32
        %mul3A_2485 = arith.constant 96 : i32
        %mul3A_2486 = arith.muli %scan3A_2482, %mul3A_2485 : i32
        %dma_start3A = tpu.memref_slice %arg9[%mul3A_2486] : memref<6144xf32, #tpu.memory_space<vmem>> -> memref<96xf32, #tpu.memory_space<vmem>>
        %dma_start3A_2487 = tpu.memref_slice %arg8[%mul3A_2484] : memref<6144xi32, #tpu.memory_space<vmem>> -> memref<96xi32, #tpu.memory_space<vmem>>
        %dma_start3A_2488 = arith.constant 0 : i32
        %dma_start3A_2489 = tpu.memref_slice %arg2[%dma_start3A_2488] : memref<16711680xf32, #tpu.memory_space<hbm>> -> memref<16711680xf32, #tpu.memory_space<hbm>>
        tpu.enqueue_indirect_dma source(%dma_start3A_2489 : memref<16711680xf32, #tpu.memory_space<hbm>>) target(%dma_start3A : memref<96xf32, #tpu.memory_space<vmem>>) offsets(%dma_start3A_2487 : memref<96xi32, #tpu.memory_space<vmem>>) semaphore(%arg12 : memref<!tpu.dma_semaphore, #tpu.memory_space<semaphore_mem>>)
      }
      %scan3A_2438 = arith.constant 50 : i32
      %scan3A_2439 = arith.constant 0 : i32
      %scan3A_2440 = arith.constant 0 : i32
      %scan3A_2441 = arith.constant 50 : i32
      %scan3A_2442 = arith.addi %scan3A_2440, %scan3A_2441 : i32
      %scan3A_2443 = arith.constant 1 : i32
      scf.for %scan3A_2482 = %scan3A_2440 to %scan3A_2442 step %scan3A_2443  : i32 {
        %mul3A_2483 = arith.constant 96 : i32
        %mul3A_2484 = arith.muli %scan3A_2482, %mul3A_2483 : i32
        %mul3A_2485 = arith.constant 96 : i32
        %mul3A_2486 = arith.muli %scan3A_2482, %mul3A_2485 : i32
        %dma_wait3A = tpu.memref_slice %arg9[%mul3A_2486] : memref<6144xf32, #tpu.memory_space<vmem>> -> memref<96xf32, #tpu.memory_space<vmem>>
        %dma_wait3A_2487 = tpu.memref_slice %arg8[%mul3A_2484] : memref<6144xi32, #tpu.memory_space<vmem>> -> memref<96xi32, #tpu.memory_space<vmem>>
        %dma_wait3A_2488 = arith.constant 0 : i32
        %dma_wait3A_2489 = tpu.memref_slice %arg2[%dma_wait3A_2488] : memref<16711680xf32, #tpu.memory_space<hbm>> -> memref<16711680xf32, #tpu.memory_space<hbm>>
        tpu.wait_indirect_dma semaphore(%arg12 : memref<!tpu.dma_semaphore, #tpu.memory_space<semaphore_mem>>) src(%dma_wait3A_2489 : memref<16711680xf32, #tpu.memory_space<hbm>>) dst(%dma_wait3A : memref<96xf32, #tpu.memory_space<vmem>>)
      }
      %scan3A_2444 = arith.constant 50 : i32
      %broadcast_in_dim3A_2445 = arith.constant 0.000000e+00 : f32
      %broadcast_in_dim3A_2446 = vector.broadcast %broadcast_in_dim3A_2445 : f32 to vector<16xf32>
      %scan3A_2447 = arith.constant 0.000000e+00 : f32
      %scan3A_2448 = arith.constant 0.000000e+00 : f32
      %scan3A_2449 = arith.constant 0.000000e+00 : f32
      %scan3A_2450 = arith.constant 0 : i32
      %scan3A_2451 = arith.constant 50 : i32
      %scan3A_2452 = arith.addi %scan3A_2450, %scan3A_2451 : i32
      %scan3A_2453 = arith.constant 1 : i32
      %scan3A_2454:4 = scf.for %scan3A_2482 = %scan3A_2450 to %scan3A_2452 step %scan3A_2453 iter_args(%scan3A_2483 = %scan3A_2447, %scan3A_2484 = %scan3A_2448, %scan3A_2485 = %scan3A_2449, %scan3A_2486 = %broadcast_in_dim3A_2446) -> (f32, f32, f32, vector<16xf32>)  : i32 {
        %broadcast_in_dim3A_2487 = vector.broadcast %scan3A_2482 : i32 to vector<16xi32>
        %min3A_2488 = arith.constant 5 : i32
        %min3A_2489 = vector.broadcast %min3A_2488 : i32 to vector<16xi32>
        %min3A_2490 = arith.minsi %iota3A, %min3A_2489 : vector<16xi32>
        %gather3A = tpu.vector_load_idx %arg7[%min3A_2490, %broadcast_in_dim3A_2487] : memref<6x64xi32, #tpu.memory_space<vmem>>[vector<16xi32>, vector<16xi32>], vector<16xi32>,
        %gather3A_2491 = tpu.vector_load_idx %arg6[%iota3A, %broadcast_in_dim3A_2487] : memref<16x64xf32, #tpu.memory_space<vmem>>[vector<16xi32>, vector<16xi32>], vector<16xf32>,
        %slice3A_2492 = vector.extract_strided_slice %gather3A {offsets = [0], sizes = [1], strides = [1]} : vector<16xi32> to vector<1xi32>
        %squeeze3A_2493 = vector.extract %slice3A_2492[0] : i32 from vector<1xi32>
        %slice3A_2494 = vector.extract_strided_slice %gather3A {offsets = [1], sizes = [1], strides = [1]} : vector<16xi32> to vector<1xi32>
        %squeeze3A_2495 = vector.extract %slice3A_2494[0] : i32 from vector<1xi32>
        %slice3A_2496 = vector.extract_strided_slice %gather3A {offsets = [2], sizes = [1], strides = [1]} : vector<16xi32> to vector<1xi32>
        %squeeze3A_2497 = vector.extract %slice3A_2496[0] : i32 from vector<1xi32>
        %ge3A = arith.constant 0 : i32
        %ge3A_2498 = arith.cmpi sge, %squeeze3A_2493, %ge3A : i32
        %jit3A_2499 = arith.constant 1.000000e+00 : f32
        %jit3A_2500 = arith.constant 0.000000e+00 : f32
        %select_n3A_2501 = arith.select %ge3A_2498, %jit3A_2499, %jit3A_2500 : f32
        %add3A_2502 = arith.constant 0 : i32
        %add3A_2503 = vector.broadcast %add3A_2502 : i32 to vector<16xi32>
        %add3A_2504 = arith.addi %iota3A, %add3A_2503 : vector<16xi32>
        %gt3A_2505 = vector.broadcast %scan3A_2482 : i32 to vector<16xi32>
        %gt3A_2506 = arith.cmpi sgt, %add3A_2504, %gt3A_2505 : vector<16xi32>
        %get3A_2507 = arith.constant 0 : i32
        %get3A_2508 = arith.index_cast %get3A_2507 : i32 to index
        %get3A_2509 = arith.constant 0 : index
        %get3A_2510 = tpu.vector_load %arg7[%get3A_2508, %get3A_2509] {strides = array<i32>} : memref<6x64xi32, #tpu.memory_space<vmem>>, vector<16xi32>,
        %eq3A_2511 = vector.broadcast %squeeze3A_2493 : i32 to vector<16xi32>
        %eq3A_2512 = arith.cmpi eq, %get3A_2510, %eq3A_2511 : vector<16xi32>
        %and3A_2513 = arith.andi %eq3A_2512, %gt3A_2506 : vector<16xi1>
        %all_reduce_population_count3A_2514 = tpu.all_reduce %and3A_2513 {dim = 0 : i64, kind = #tpu.reduction_kind<sum>} : vector<16xi1> -> vector<16xi32>
        %slice3A_2515 = vector.extract_strided_slice %all_reduce_population_count3A_2514 {offsets = [0], sizes = [1], strides = [1]} : vector<16xi32> to vector<1xi32>
        %squeeze3A_2516 = vector.extract %slice3A_2515[0] : i32 from vector<1xi32>
        %add3A_2517 = arith.constant 0 : i32
        %add3A_2518 = arith.addi %add3A_2517, %squeeze3A_2516 : i32
        %get3A_2519 = arith.constant 1 : i32
        %get3A_2520 = arith.index_cast %get3A_2519 : i32 to index
        %get3A_2521 = arith.constant 0 : index
        %get3A_2522 = tpu.vector_load %arg7[%get3A_2520, %get3A_2521] {strides = array<i32>} : memref<6x64xi32, #tpu.memory_space<vmem>>, vector<16xi32>,
        %eq3A_2523 = vector.broadcast %squeeze3A_2495 : i32 to vector<16xi32>
        %eq3A_2524 = arith.cmpi eq, %get3A_2522, %eq3A_2523 : vector<16xi32>
        %and3A_2525 = arith.andi %eq3A_2524, %gt3A_2506 : vector<16xi1>
        %all_reduce_population_count3A_2526 = tpu.all_reduce %and3A_2525 {dim = 0 : i64, kind = #tpu.reduction_kind<sum>} : vector<16xi1> -> vector<16xi32>
        %slice3A_2527 = vector.extract_strided_slice %all_reduce_population_count3A_2526 {offsets = [0], sizes = [1], strides = [1]} : vector<16xi32> to vector<1xi32>
        %squeeze3A_2528 = vector.extract %slice3A_2527[0] : i32 from vector<1xi32>
        %add3A_2529 = arith.constant 0 : i32
        %add3A_2530 = arith.addi %add3A_2529, %squeeze3A_2528 : i32
        %add3A_2531 = arith.constant 16 : i32
        %add3A_2532 = vector.broadcast %add3A_2531 : i32 to vector<16xi32>
        %add3A_2533 = arith.addi %iota3A, %add3A_2532 : vector<16xi32>
        %gt3A_2534 = vector.broadcast %scan3A_2482 : i32 to vector<16xi32>
        %gt3A_2535 = arith.cmpi sgt, %add3A_2533, %gt3A_2534 : vector<16xi32>
        %get3A_2536 = arith.constant 0 : i32
        %get3A_2537 = arith.index_cast %get3A_2536 : i32 to index
        %get3A_2538 = arith.constant 16 : index
        %get3A_2539 = tpu.vector_load %arg7[%get3A_2537, %get3A_2538] {strides = array<i32>} : memref<6x64xi32, #tpu.memory_space<vmem>>, vector<16xi32>,
        %eq3A_2540 = vector.broadcast %squeeze3A_2493 : i32 to vector<16xi32>
        %eq3A_2541 = arith.cmpi eq, %get3A_2539, %eq3A_2540 : vector<16xi32>
        %and3A_2542 = arith.andi %eq3A_2541, %gt3A_2535 : vector<16xi1>
        %all_reduce_population_count3A_2543 = tpu.all_reduce %and3A_2542 {dim = 0 : i64, kind = #tpu.reduction_kind<sum>} : vector<16xi1> -> vector<16xi32>
        %slice3A_2544 = vector.extract_strided_slice %all_reduce_population_count3A_2543 {offsets = [0], sizes = [1], strides = [1]} : vector<16xi32> to vector<1xi32>
        %squeeze3A_2545 = vector.extract %slice3A_2544[0] : i32 from vector<1xi32>
        %add3A_2546 = arith.addi %add3A_2518, %squeeze3A_2545 : i32
        %get3A_2547 = arith.constant 1 : i32
        %get3A_2548 = arith.index_cast %get3A_2547 : i32 to index
        %get3A_2549 = arith.constant 16 : index
        %get3A_2550 = tpu.vector_load %arg7[%get3A_2548, %get3A_2549] {strides = array<i32>} : memref<6x64xi32, #tpu.memory_space<vmem>>, vector<16xi32>,
        %eq3A_2551 = vector.broadcast %squeeze3A_2495 : i32 to vector<16xi32>
        %eq3A_2552 = arith.cmpi eq, %get3A_2550, %eq3A_2551 : vector<16xi32>
        %and3A_2553 = arith.andi %eq3A_2552, %gt3A_2535 : vector<16xi1>
        %all_reduce_population_count3A_2554 = tpu.all_reduce %and3A_2553 {dim = 0 : i64, kind = #tpu.reduction_kind<sum>} : vector<16xi1> -> vector<16xi32>
        %slice3A_2555 = vector.extract_strided_slice %all_reduce_population_count3A_2554 {offsets = [0], sizes = [1], strides = [1]} : vector<16xi32> to vector<1xi32>
        %squeeze3A_2556 = vector.extract %slice3A_2555[0] : i32 from vector<1xi32>
        %add3A_2557 = arith.addi %add3A_2530, %squeeze3A_2556 : i32
        %add3A_2558 = arith.constant 32 : i32
        %add3A_2559 = vector.broadcast %add3A_2558 : i32 to vector<16xi32>
        %add3A_2560 = arith.addi %iota3A, %add3A_2559 : vector<16xi32>
        %gt3A_2561 = vector.broadcast %scan3A_2482 : i32 to vector<16xi32>
        %gt3A_2562 = arith.cmpi sgt, %add3A_2560, %gt3A_2561 : vector<16xi32>
        %get3A_2563 = arith.constant 0 : i32
        %get3A_2564 = arith.index_cast %get3A_2563 : i32 to index
        %get3A_2565 = arith.constant 32 : index
        %get3A_2566 = tpu.vector_load %arg7[%get3A_2564, %get3A_2565] {strides = array<i32>} : memref<6x64xi32, #tpu.memory_space<vmem>>, vector<16xi32>,
        %eq3A_2567 = vector.broadcast %squeeze3A_2493 : i32 to vector<16xi32>
        %eq3A_2568 = arith.cmpi eq, %get3A_2566, %eq3A_2567 : vector<16xi32>
        %and3A_2569 = arith.andi %eq3A_2568, %gt3A_2562 : vector<16xi1>
        %all_reduce_population_count3A_2570 = tpu.all_reduce %and3A_2569 {dim = 0 : i64, kind = #tpu.reduction_kind<sum>} : vector<16xi1> -> vector<16xi32>
        %slice3A_2571 = vector.extract_strided_slice %all_reduce_population_count3A_2570 {offsets = [0], sizes = [1], strides = [1]} : vector<16xi32> to vector<1xi32>
        %squeeze3A_2572 = vector.extract %slice3A_2571[0] : i32 from vector<1xi32>
        %add3A_2573 = arith.addi %add3A_2546, %squeeze3A_2572 : i32
        %get3A_2574 = arith.constant 1 : i32
        %get3A_2575 = arith.index_cast %get3A_2574 : i32 to index
        %get3A_2576 = arith.constant 32 : index
        %get3A_2577 = tpu.vector_load %arg7[%get3A_2575, %get3A_2576] {strides = array<i32>} : memref<6x64xi32, #tpu.memory_space<vmem>>, vector<16xi32>,
        %eq3A_2578 = vector.broadcast %squeeze3A_2495 : i32 to vector<16xi32>
        %eq3A_2579 = arith.cmpi eq, %get3A_2577, %eq3A_2578 : vector<16xi32>
        %and3A_2580 = arith.andi %eq3A_2579, %gt3A_2562 : vector<16xi1>
        %all_reduce_population_count3A_2581 = tpu.all_reduce %and3A_2580 {dim = 0 : i64, kind = #tpu.reduction_kind<sum>} : vector<16xi1> -> vector<16xi32>
        %slice3A_2582 = vector.extract_strided_slice %all_reduce_population_count3A_2581 {offsets = [0], sizes = [1], strides = [1]} : vector<16xi32> to vector<1xi32>
        %squeeze3A_2583 = vector.extract %slice3A_2582[0] : i32 from vector<1xi32>
        %add3A_2584 = arith.addi %add3A_2557, %squeeze3A_2583 : i32
        %add3A_2585 = arith.constant 48 : i32
        %add3A_2586 = vector.broadcast %add3A_2585 : i32 to vector<16xi32>
        %add3A_2587 = arith.addi %iota3A, %add3A_2586 : vector<16xi32>
        %gt3A_2588 = vector.broadcast %scan3A_2482 : i32 to vector<16xi32>
        %gt3A_2589 = arith.cmpi sgt, %add3A_2587, %gt3A_2588 : vector<16xi32>
        %get3A_2590 = arith.constant 0 : i32
        %get3A_2591 = arith.index_cast %get3A_2590 : i32 to index
        %get3A_2592 = arith.constant 48 : index
        %get3A_2593 = tpu.vector_load %arg7[%get3A_2591, %get3A_2592] {strides = array<i32>} : memref<6x64xi32, #tpu.memory_space<vmem>>, vector<16xi32>,
        %eq3A_2594 = vector.broadcast %squeeze3A_2493 : i32 to vector<16xi32>
        %eq3A_2595 = arith.cmpi eq, %get3A_2593, %eq3A_2594 : vector<16xi32>
        %and3A_2596 = arith.andi %eq3A_2595, %gt3A_2589 : vector<16xi1>
        %all_reduce_population_count3A_2597 = tpu.all_reduce %and3A_2596 {dim = 0 : i64, kind = #tpu.reduction_kind<sum>} : vector<16xi1> -> vector<16xi32>
        %slice3A_2598 = vector.extract_strided_slice %all_reduce_population_count3A_2597 {offsets = [0], sizes = [1], strides = [1]} : vector<16xi32> to vector<1xi32>
        %squeeze3A_2599 = vector.extract %slice3A_2598[0] : i32 from vector<1xi32>
        %add3A_2600 = arith.addi %add3A_2573, %squeeze3A_2599 : i32
        %get3A_2601 = arith.constant 1 : i32
        %get3A_2602 = arith.index_cast %get3A_2601 : i32 to index
        %get3A_2603 = arith.constant 48 : index
        %get3A_2604 = tpu.vector_load %arg7[%get3A_2602, %get3A_2603] {strides = array<i32>} : memref<6x64xi32, #tpu.memory_space<vmem>>, vector<16xi32>,
        %eq3A_2605 = vector.broadcast %squeeze3A_2495 : i32 to vector<16xi32>
        %eq3A_2606 = arith.cmpi eq, %get3A_2604, %eq3A_2605 : vector<16xi32>
        %and3A_2607 = arith.andi %eq3A_2606, %gt3A_2589 : vector<16xi1>
        %all_reduce_population_count3A_2608 = tpu.all_reduce %and3A_2607 {dim = 0 : i64, kind = #tpu.reduction_kind<sum>} : vector<16xi1> -> vector<16xi32>
        %slice3A_2609 = vector.extract_strided_slice %all_reduce_population_count3A_2608 {offsets = [0], sizes = [1], strides = [1]} : vector<16xi32> to vector<1xi32>
        %squeeze3A_2610 = vector.extract %slice3A_2609[0] : i32 from vector<1xi32>
        %add3A_2611 = arith.addi %add3A_2584, %squeeze3A_2610 : i32
        %eq3A_2612 = arith.constant 0 : i32
        %eq3A_2613 = arith.cmpi eq, %add3A_2600, %eq3A_2612 : i32
        %jit3A_2614 = arith.constant 1.000000e+00 : f32
        %jit3A_2615 = arith.constant 0.000000e+00 : f32
        %select_n3A_2616 = arith.select %eq3A_2613, %jit3A_2614, %jit3A_2615 : f32
        %eq3A_2617 = arith.constant 0 : i32
        %eq3A_2618 = arith.cmpi eq, %add3A_2611, %eq3A_2617 : i32
        %jit3A_2619 = arith.constant 1.000000e+00 : f32
        %jit3A_2620 = arith.constant 0.000000e+00 : f32
        %select_n3A_2621 = arith.select %eq3A_2618, %jit3A_2619, %jit3A_2620 : f32
        %mul3A_2622 = arith.mulf %select_n3A_2501, %select_n3A_2616 : f32
        %mul3A_2623 = arith.constant 96 : i32
        %mul3A_2624 = arith.muli %scan3A_2482, %mul3A_2623 : i32
        %add3A_2625 = arith.constant 0 : i32
        %add3A_2626 = arith.addi %mul3A_2624, %add3A_2625 : i32
        %get3A_2627 = arith.index_cast %add3A_2626 : i32 to index
        %get3A_2628 = tpu.vector_load %arg9[%get3A_2627] {strides = array<i32>} : memref<6144xf32, #tpu.memory_space<vmem>>, vector<16xf32>,
        %neg3A = arith.constant 0.000000e+00 : f32
        %neg3A_2629 = vector.broadcast %neg3A : f32 to vector<16xf32>
        %neg3A_2630 = arith.subf %neg3A_2629, %get3A_2628 : vector<16xf32>
        %exp3A = math.exp %neg3A_2630 : vector<16xf32>
        %add3A_2631 = arith.constant 1.000000e+00 : f32
        %add3A_2632 = vector.broadcast %add3A_2631 : f32 to vector<16xf32>
        %add3A_2633 = arith.addf %add3A_2632, %exp3A : vector<16xf32>
        %div3A_2634 = arith.constant 1.000000e+00 : f32
        %div3A_2635 = vector.broadcast %div3A_2634 : f32 to vector<16xf32>
        %div3A_2636 = arith.divf %div3A_2635, %add3A_2633 : vector<16xf32>
        %swap3A_2637 = arith.constant 0 : index
        %swap3A_2638 = tpu.vector_load %arg10[%swap3A_2637] {strides = array<i32>} : memref<96xf32, #tpu.memory_space<vmem>>, vector<16xf32>,
        tpu.vector_store %arg10[%swap3A_2637], %div3A_2636 {strides = array<i32>} : memref<96xf32, #tpu.memory_space<vmem>>, vector<16xf32>,
        %exp3A_2639 = math.exp %get3A_2628 : vector<16xf32>
        %mul3A_2640 = arith.mulf %div3A_2636, %div3A_2636 : vector<16xf32>
        %mul3A_2641 = vector.broadcast %mul3A_2622 : f32 to vector<16xf32>
        %mul3A_2642 = arith.mulf %mul3A_2641, %mul3A_2640 : vector<16xf32>
        %add3A_2643 = arith.addf %scan3A_2486, %mul3A_2642 : vector<16xf32>
        %mul3A_2644 = arith.constant 96 : i32
        %mul3A_2645 = arith.muli %scan3A_2482, %mul3A_2644 : i32
        %add3A_2646 = arith.constant 16 : i32
        %add3A_2647 = arith.addi %mul3A_2645, %add3A_2646 : i32
        %get3A_2648 = arith.index_cast %add3A_2647 : i32 to index
        %get3A_2649 = tpu.vector_load %arg9[%get3A_2648] {strides = array<i32>} : memref<6144xf32, #tpu.memory_space<vmem>>, vector<16xf32>,
        %neg3A_2650 = arith.constant 0.000000e+00 : f32
        %neg3A_2651 = vector.broadcast %neg3A_2650 : f32 to vector<16xf32>
        %neg3A_2652 = arith.subf %neg3A_2651, %get3A_2649 : vector<16xf32>
        %exp3A_2653 = math.exp %neg3A_2652 : vector<16xf32>
        %add3A_2654 = arith.constant 1.000000e+00 : f32
        %add3A_2655 = vector.broadcast %add3A_2654 : f32 to vector<16xf32>
        %add3A_2656 = arith.addf %add3A_2655, %exp3A_2653 : vector<16xf32>
        %div3A_2657 = arith.constant 1.000000e+00 : f32
        %div3A_2658 = vector.broadcast %div3A_2657 : f32 to vector<16xf32>
        %div3A_2659 = arith.divf %div3A_2658, %add3A_2656 : vector<16xf32>
        %swap3A_2660 = arith.constant 16 : index
        %swap3A_2661 = tpu.vector_load %arg10[%swap3A_2660] {strides = array<i32>} : memref<96xf32, #tpu.memory_space<vmem>>, vector<16xf32>,
        tpu.vector_store %arg10[%swap3A_2660], %div3A_2659 {strides = array<i32>} : memref<96xf32, #tpu.memory_space<vmem>>, vector<16xf32>,
        %mul3A_2662 = arith.mulf %div3A_2659, %div3A_2659 : vector<16xf32>
        %mul3A_2663 = vector.broadcast %mul3A_2622 : f32 to vector<16xf32>
        %mul3A_2664 = arith.mulf %mul3A_2663, %mul3A_2662 : vector<16xf32>
        %add3A_2665 = arith.addf %add3A_2643, %mul3A_2664 : vector<16xf32>
        %mul3A_2666 = arith.constant 96 : i32
        %mul3A_2667 = arith.muli %scan3A_2482, %mul3A_2666 : i32
        %add3A_2668 = arith.constant 32 : i32
        %add3A_2669 = arith.addi %mul3A_2667, %add3A_2668 : i32
        %get3A_2670 = arith.index_cast %add3A_2669 : i32 to index
        %get3A_2671 = tpu.vector_load %arg9[%get3A_2670] {strides = array<i32>} : memref<6144xf32, #tpu.memory_space<vmem>>, vector<16xf32>,
        %neg3A_2672 = arith.constant 0.000000e+00 : f32
        %neg3A_2673 = vector.broadcast %neg3A_2672 : f32 to vector<16xf32>
        %neg3A_2674 = arith.subf %neg3A_2673, %get3A_2671 : vector<16xf32>
        %exp3A_2675 = math.exp %neg3A_2674 : vector<16xf32>
        %add3A_2676 = arith.constant 1.000000e+00 : f32
        %add3A_2677 = vector.broadcast %add3A_2676 : f32 to vector<16xf32>
        %add3A_2678 = arith.addf %add3A_2677, %exp3A_2675 : vector<16xf32>
        %div3A_2679 = arith.constant 1.000000e+00 : f32
        %div3A_2680 = vector.broadcast %div3A_2679 : f32 to vector<16xf32>
        %div3A_2681 = arith.divf %div3A_2680, %add3A_2678 : vector<16xf32>
        %swap3A_2682 = arith.constant 32 : index
        %swap3A_2683 = tpu.vector_load %arg10[%swap3A_2682] {strides = array<i32>} : memref<96xf32, #tpu.memory_space<vmem>>, vector<16xf32>,
        tpu.vector_store %arg10[%swap3A_2682], %div3A_2681 {strides = array<i32>} : memref<96xf32, #tpu.memory_space<vmem>>, vector<16xf32>,
        %mul3A_2684 = arith.mulf %div3A_2681, %div3A_2681 : vector<16xf32>
        %mul3A_2685 = vector.broadcast %mul3A_2622 : f32 to vector<16xf32>
        %mul3A_2686 = arith.mulf %mul3A_2685, %mul3A_2684 : vector<16xf32>
        %add3A_2687 = arith.addf %add3A_2665, %mul3A_2686 : vector<16xf32>
        %mul3A_2688 = arith.constant 96 : i32
        %mul3A_2689 = arith.muli %scan3A_2482, %mul3A_2688 : i32
        %add3A_2690 = arith.constant 48 : i32
        %add3A_2691 = arith.addi %mul3A_2689, %add3A_2690 : i32
        %get3A_2692 = arith.index_cast %add3A_2691 : i32 to index
        %get3A_2693 = tpu.vector_load %arg9[%get3A_2692] {strides = array<i32>} : memref<6144xf32, #tpu.memory_space<vmem>>, vector<16xf32>,
        %neg3A_2694 = arith.constant 0.000000e+00 : f32
        %neg3A_2695 = vector.broadcast %neg3A_2694 : f32 to vector<16xf32>
        %neg3A_2696 = arith.subf %neg3A_2695, %get3A_2693 : vector<16xf32>
        %exp3A_2697 = math.exp %neg3A_2696 : vector<16xf32>
        %add3A_2698 = arith.constant 1.000000e+00 : f32
        %add3A_2699 = vector.broadcast %add3A_2698 : f32 to vector<16xf32>
        %add3A_2700 = arith.addf %add3A_2699, %exp3A_2697 : vector<16xf32>
        %div3A_2701 = arith.constant 1.000000e+00 : f32
        %div3A_2702 = vector.broadcast %div3A_2701 : f32 to vector<16xf32>
        %div3A_2703 = arith.divf %div3A_2702, %add3A_2700 : vector<16xf32>
        %swap3A_2704 = arith.constant 48 : index
        %swap3A_2705 = tpu.vector_load %arg10[%swap3A_2704] {strides = array<i32>} : memref<96xf32, #tpu.memory_space<vmem>>, vector<16xf32>,
        tpu.vector_store %arg10[%swap3A_2704], %div3A_2703 {strides = array<i32>} : memref<96xf32, #tpu.memory_space<vmem>>, vector<16xf32>,
        %mul3A_2706 = arith.mulf %div3A_2703, %div3A_2703 : vector<16xf32>
        %mul3A_2707 = vector.broadcast %mul3A_2622 : f32 to vector<16xf32>
        %mul3A_2708 = arith.mulf %mul3A_2707, %mul3A_2706 : vector<16xf32>
        %add3A_2709 = arith.addf %add3A_2687, %mul3A_2708 : vector<16xf32>
        %mul3A_2710 = arith.constant 96 : i32
        %mul3A_2711 = arith.muli %scan3A_2482, %mul3A_2710 : i32
        %add3A_2712 = arith.constant 64 : i32
        %add3A_2713 = arith.addi %mul3A_2711, %add3A_2712 : i32
        %get3A_2714 = arith.index_cast %add3A_2713 : i32 to index
        %get3A_2715 = tpu.vector_load %arg9[%get3A_2714] {strides = array<i32>} : memref<6144xf32, #tpu.memory_space<vmem>>, vector<16xf32>,
        %neg3A_2716 = arith.constant 0.000000e+00 : f32
        %neg3A_2717 = vector.broadcast %neg3A_2716 : f32 to vector<16xf32>
        %neg3A_2718 = arith.subf %neg3A_2717, %get3A_2715 : vector<16xf32>
        %exp3A_2719 = math.exp %neg3A_2718 : vector<16xf32>
        %add3A_2720 = arith.constant 1.000000e+00 : f32
        %add3A_2721 = vector.broadcast %add3A_2720 : f32 to vector<16xf32>
        %add3A_2722 = arith.addf %add3A_2721, %exp3A_2719 : vector<16xf32>
        %div3A_2723 = arith.constant 1.000000e+00 : f32
        %div3A_2724 = vector.broadcast %div3A_2723 : f32 to vector<16xf32>
        %div3A_2725 = arith.divf %div3A_2724, %add3A_2722 : vector<16xf32>
        %swap3A_2726 = arith.constant 64 : index
        %swap3A_2727 = tpu.vector_load %arg10[%swap3A_2726] {strides = array<i32>} : memref<96xf32, #tpu.memory_space<vmem>>, vector<16xf32>,
        tpu.vector_store %arg10[%swap3A_2726], %div3A_2725 {strides = array<i32>} : memref<96xf32, #tpu.memory_space<vmem>>, vector<16xf32>,
        %mul3A_2728 = arith.mulf %div3A_2725, %div3A_2725 : vector<16xf32>
        %mul3A_2729 = vector.broadcast %mul3A_2622 : f32 to vector<16xf32>
        %mul3A_2730 = arith.mulf %mul3A_2729, %mul3A_2728 : vector<16xf32>
        %add3A_2731 = arith.addf %add3A_2709, %mul3A_2730 : vector<16xf32>
        %mul3A_2732 = arith.constant 96 : i32
        %mul3A_2733 = arith.muli %scan3A_2482, %mul3A_2732 : i32
        %add3A_2734 = arith.constant 80 : i32
        %add3A_2735 = arith.addi %mul3A_2733, %add3A_2734 : i32
        %get3A_2736 = arith.index_cast %add3A_2735 : i32 to index
        %get3A_2737 = tpu.vector_load %arg9[%get3A_2736] {strides = array<i32>} : memref<6144xf32, #tpu.memory_space<vmem>>, vector<16xf32>,
        %neg3A_2738 = arith.constant 0.000000e+00 : f32
        %neg3A_2739 = vector.broadcast %neg3A_2738 : f32 to vector<16xf32>
        %neg3A_2740 = arith.subf %neg3A_2739, %get3A_2737 : vector<16xf32>
        %exp3A_2741 = math.exp %neg3A_2740 : vector<16xf32>
        %add3A_2742 = arith.constant 1.000000e+00 : f32
        %add3A_2743 = vector.broadcast %add3A_2742 : f32 to vector<16xf32>
        %add3A_2744 = arith.addf %add3A_2743, %exp3A_2741 : vector<16xf32>
        %div3A_2745 = arith.constant 1.000000e+00 : f32
        %div3A_2746 = vector.broadcast %div3A_2745 : f32 to vector<16xf32>
        %div3A_2747 = arith.divf %div3A_2746, %add3A_2744 : vector<16xf32>
        %swap3A_2748 = arith.constant 80 : index
        %swap3A_2749 = tpu.vector_load %arg10[%swap3A_2748] {strides = array<i32>} : memref<96xf32, #tpu.memory_space<vmem>>, vector<16xf32>,
        tpu.vector_store %arg10[%swap3A_2748], %div3A_2747 {strides = array<i32>} : memref<96xf32, #tpu.memory_space<vmem>>, vector<16xf32>,
        %mul3A_2750 = arith.mulf %div3A_2747, %div3A_2747 : vector<16xf32>
        %mul3A_2751 = vector.broadcast %mul3A_2622 : f32 to vector<16xf32>
        %mul3A_2752 = arith.mulf %mul3A_2751, %mul3A_2750 : vector<16xf32>
        %add3A_2753 = arith.addf %add3A_2731, %mul3A_2752 : vector<16xf32>
        %slice3A_2754 = vector.extract_strided_slice %div3A_2636 {offsets = [0], sizes = [1], strides = [1]} : vector<16xf32> to vector<1xf32>
        %squeeze3A_2755 = vector.extract %slice3A_2754[0] : f32 from vector<1xf32>
        %slice3A_2756 = vector.extract_strided_slice %div3A_2636 {offsets = [1], sizes = [1], strides = [1]} : vector<16xf32> to vector<1xf32>
        %squeeze3A_2757 = vector.extract %slice3A_2756[0] : f32 from vector<1xf32>
        %slice3A_2758 = vector.extract_strided_slice %div3A_2636 {offsets = [2], sizes = [1], strides = [1]} : vector<16xf32> to vector<1xf32>
        %squeeze3A_2759 = vector.extract %slice3A_2758[0] : f32 from vector<1xf32>
        %slice3A_2760 = vector.extract_strided_slice %div3A_2636 {offsets = [3], sizes = [1], strides = [1]} : vector<16xf32> to vector<1xf32>
        %squeeze3A_2761 = vector.extract %slice3A_2760[0] : f32 from vector<1xf32>
        %slice3A_2762 = vector.extract_strided_slice %div3A_2636 {offsets = [4], sizes = [1], strides = [1]} : vector<16xf32> to vector<1xf32>
        %squeeze3A_2763 = vector.extract %slice3A_2762[0] : f32 from vector<1xf32>
        %slice3A_2764 = vector.extract_strided_slice %div3A_2747 {offsets = [4], sizes = [1], strides = [1]} : vector<16xf32> to vector<1xf32>
        %squeeze3A_2765 = vector.extract %slice3A_2764[0] : f32 from vector<1xf32>
        %mul3A_2766 = arith.mulf %squeeze3A_2755, %squeeze3A_2755 : f32
        %mul3A_2767 = arith.mulf %squeeze3A_2757, %squeeze3A_2757 : f32
        %add3A_2768 = arith.addf %mul3A_2766, %mul3A_2767 : f32
        %mul3A_2769 = arith.mulf %squeeze3A_2759, %squeeze3A_2759 : f32
        %add3A_2770 = arith.addf %add3A_2768, %mul3A_2769 : f32
        %mul3A_2771 = arith.mulf %squeeze3A_2761, %squeeze3A_2761 : f32
        %add3A_2772 = arith.addf %add3A_2770, %mul3A_2771 : f32
        %mul3A_2773 = arith.mulf %squeeze3A_2763, %squeeze3A_2763 : f32
        %add3A_2774 = arith.addf %add3A_2772, %mul3A_2773 : f32
        %mul3A_2775 = arith.constant 1.100000e+01 : f32
        %mul3A_2776 = arith.mulf %mul3A_2775, %squeeze3A_2765 : f32
        %mul3A_2777 = arith.mulf %mul3A_2776, %squeeze3A_2765 : f32
        %add3A_2778 = arith.addf %add3A_2774, %mul3A_2777 : f32
        %mul3A_2779 = arith.mulf %mul3A_2622, %add3A_2778 : f32
        %sub3A_2780 = arith.subf %scan3A_2483, %mul3A_2779 : f32
        %slice3A_2781 = vector.extract_strided_slice %exp3A_2639 {offsets = [2], sizes = [1], strides = [1]} : vector<16xf32> to vector<1xf32>
        %squeeze3A_2782 = vector.extract %slice3A_2781[0] : f32 from vector<1xf32>
        %slice3A_2783 = vector.extract_strided_slice %exp3A_2639 {offsets = [3], sizes = [1], strides = [1]} : vector<16xf32> to vector<1xf32>
        %squeeze3A_2784 = vector.extract %slice3A_2783[0] : f32 from vector<1xf32>
        %slice3A_2785 = vector.extract_strided_slice %gather3A_2491 {offsets = [0], sizes = [1], strides = [1]} : vector<16xf32> to vector<1xf32>
        %squeeze3A_2786 = vector.extract %slice3A_2785[0] : f32 from vector<1xf32>
        %slice3A_2787 = vector.extract_strided_slice %gather3A_2491 {offsets = [1], sizes = [1], strides = [1]} : vector<16xf32> to vector<1xf32>
        %squeeze3A_2788 = vector.extract %slice3A_2787[0] : f32 from vector<1xf32>
        %slice3A_2789 = vector.extract_strided_slice %gather3A_2491 {offsets = [2], sizes = [1], strides = [1]} : vector<16xf32> to vector<1xf32>
        %squeeze3A_2790 = vector.extract %slice3A_2789[0] : f32 from vector<1xf32>
        %slice3A_2791 = vector.extract_strided_slice %gather3A_2491 {offsets = [3], sizes = [1], strides = [1]} : vector<16xf32> to vector<1xf32>
        %squeeze3A_2792 = vector.extract %slice3A_2791[0] : f32 from vector<1xf32>
        %slice3A_2793 = vector.extract_strided_slice %gather3A_2491 {offsets = [4], sizes = [1], strides = [1]} : vector<16xf32> to vector<1xf32>
        %squeeze3A_2794 = vector.extract %slice3A_2793[0] : f32 from vector<1xf32>
        %sub3A_2795 = arith.subf %squeeze3A_2755, %squeeze3A_2786 : f32
        %sub3A_2796 = arith.subf %squeeze3A_2757, %squeeze3A_2788 : f32
        %sub3A_2797 = arith.subf %squeeze3A_2782, %squeeze3A_2790 : f32
        %sub3A_2798 = arith.subf %squeeze3A_2784, %squeeze3A_2792 : f32
        %mul3A_2799 = arith.mulf %sub3A_2795, %sub3A_2795 : f32
        %mul3A_2800 = arith.mulf %sub3A_2796, %sub3A_2796 : f32
        %add3A_2801 = arith.addf %mul3A_2799, %mul3A_2800 : f32
        %mul3A_2802 = arith.mulf %sub3A_2797, %sub3A_2797 : f32
        %add3A_2803 = arith.addf %add3A_2801, %mul3A_2802 : f32
        %mul3A_2804 = arith.mulf %sub3A_2798, %sub3A_2798 : f32
        %add3A_2805 = arith.addf %add3A_2803, %mul3A_2804 : f32
        %mul3A_2806 = arith.mulf %squeeze3A_2794, %add3A_2805 : f32
        %add3A_2807 = arith.constant 5 : i32
        %add3A_2808 = arith.addi %add3A_2807, %squeeze3A_2497 : i32
        %broadcast_in_dim3A_2809 = vector.broadcast %add3A_2808 : i32 to vector<16xi32>
        %gather3A_2810 = tpu.vector_load_idx %arg10[%broadcast_in_dim3A_2809] : memref<96xf32, #tpu.memory_space<vmem>>[vector<16xi32>], vector<16xf32>,
        %slice3A_2811 = vector.extract_strided_slice %gather3A_2810 {offsets = [0], sizes = [1], strides = [1]} : vector<16xf32> to vector<1xf32>
        %squeeze3A_2812 = vector.extract %slice3A_2811[0] : f32 from vector<1xf32>
        %mul3A_2813 = arith.constant 2.000000e+00 : f32
        %mul3A_2814 = arith.mulf %mul3A_2813, %squeeze3A_2812 : f32
        %sub3A_2815 = arith.constant 1.000000e+00 : f32
        %sub3A_2816 = arith.subf %sub3A_2815, %mul3A_2814 : f32
        %slice3A_2817 = vector.extract_strided_slice %gather3A_2491 {offsets = [5], sizes = [1], strides = [1]} : vector<16xf32> to vector<1xf32>
        %squeeze3A_2818 = vector.extract %slice3A_2817[0] : f32 from vector<1xf32>
        %add3A_2819 = arith.addf %squeeze3A_2755, %squeeze3A_2818 : f32
        %slice3A_2820 = vector.extract_strided_slice %gather3A_2491 {offsets = [6], sizes = [1], strides = [1]} : vector<16xf32> to vector<1xf32>
        %squeeze3A_2821 = vector.extract %slice3A_2820[0] : f32 from vector<1xf32>
        %add3A_2822 = arith.addf %squeeze3A_2757, %squeeze3A_2821 : f32
        %slice3A_2823 = vector.extract_strided_slice %gather3A_2491 {offsets = [7], sizes = [1], strides = [1]} : vector<16xf32> to vector<1xf32>
        %squeeze3A_2824 = vector.extract %slice3A_2823[0] : f32 from vector<1xf32>
        %mul3A_2825 = arith.mulf %squeeze3A_2782, %squeeze3A_2824 : f32
        %slice3A_2826 = vector.extract_strided_slice %gather3A_2491 {offsets = [8], sizes = [1], strides = [1]} : vector<16xf32> to vector<1xf32>
        %squeeze3A_2827 = vector.extract %slice3A_2826[0] : f32 from vector<1xf32>
        %mul3A_2828 = arith.mulf %squeeze3A_2784, %squeeze3A_2827 : f32
        %mul3A_2829 = arith.constant 5.000000e-01 : f32
        %mul3A_2830 = arith.mulf %mul3A_2825, %mul3A_2829 : f32
        %sub3A_2831 = arith.subf %add3A_2819, %mul3A_2830 : f32
        %mul3A_2832 = arith.constant 5.000000e-01 : f32
        %mul3A_2833 = arith.mulf %mul3A_2825, %mul3A_2832 : f32
        %add3A_2834 = arith.addf %add3A_2819, %mul3A_2833 : f32
        %mul3A_2835 = arith.constant 5.000000e-01 : f32
        %mul3A_2836 = arith.mulf %mul3A_2828, %mul3A_2835 : f32
        %sub3A_2837 = arith.subf %add3A_2822, %mul3A_2836 : f32
        %mul3A_2838 = arith.constant 5.000000e-01 : f32
        %mul3A_2839 = arith.mulf %mul3A_2828, %mul3A_2838 : f32
        %add3A_2840 = arith.addf %add3A_2822, %mul3A_2839 : f32
        %mul3A_2841 = arith.mulf %mul3A_2825, %mul3A_2828 : f32
        %broadcast_in_dim3A_2842 = arith.constant -1.000000e+00 : f32
        %broadcast_in_dim3A_2843 = vector.broadcast %broadcast_in_dim3A_2842 : f32 to vector<16xf32>
        %get3A_2844 = arith.constant 10 : i32
        %get3A_2845 = arith.index_cast %get3A_2844 : i32 to index
        %get3A_2846 = arith.constant 0 : index
        %get3A_2847 = tpu.vector_load %arg6[%get3A_2845, %get3A_2846] {strides = array<i32>} : memref<16x64xf32, #tpu.memory_space<vmem>>, vector<16xf32>,
        %min3A_2848 = vector.broadcast %add3A_2834 : f32 to vector<16xf32>
        %min3A_2849 = arith.minimumf %min3A_2848, %get3A_2847 : vector<16xf32>
        %get3A_2850 = arith.constant 9 : i32
        %get3A_2851 = arith.index_cast %get3A_2850 : i32 to index
        %get3A_2852 = arith.constant 0 : index
        %get3A_2853 = tpu.vector_load %arg6[%get3A_2851, %get3A_2852] {strides = array<i32>} : memref<16x64xf32, #tpu.memory_space<vmem>>, vector<16xf32>,
        %max3A_2854 = vector.broadcast %sub3A_2831 : f32 to vector<16xf32>
        %max3A_2855 = arith.maximumf %max3A_2854, %get3A_2853 : vector<16xf32>
        %sub3A_2856 = arith.subf %min3A_2849, %max3A_2855 : vector<16xf32>
        %max3A_2857 = arith.constant 0.000000e+00 : f32
        %max3A_2858 = vector.broadcast %max3A_2857 : f32 to vector<16xf32>
        %max3A_2859 = arith.maximumf %sub3A_2856, %max3A_2858 : vector<16xf32>
        %get3A_2860 = arith.constant 12 : i32
        %get3A_2861 = arith.index_cast %get3A_2860 : i32 to index
        %get3A_2862 = arith.constant 0 : index
        %get3A_2863 = tpu.vector_load %arg6[%get3A_2861, %get3A_2862] {strides = array<i32>} : memref<16x64xf32, #tpu.memory_space<vmem>>, vector<16xf32>,
        %min3A_2864 = vector.broadcast %add3A_2840 : f32 to vector<16xf32>
        %min3A_2865 = arith.minimumf %min3A_2864, %get3A_2863 : vector<16xf32>
        %get3A_2866 = arith.constant 11 : i32
        %get3A_2867 = arith.index_cast %get3A_2866 : i32 to index
        %get3A_2868 = arith.constant 0 : index
        %get3A_2869 = tpu.vector_load %arg6[%get3A_2867, %get3A_2868] {strides = array<i32>} : memref<16x64xf32, #tpu.memory_space<vmem>>, vector<16xf32>,
        %max3A_2870 = vector.broadcast %sub3A_2837 : f32 to vector<16xf32>
        %max3A_2871 = arith.maximumf %max3A_2870, %get3A_2869 : vector<16xf32>
        %sub3A_2872 = arith.subf %min3A_2865, %max3A_2871 : vector<16xf32>
        %max3A_2873 = arith.constant 0.000000e+00 : f32
        %max3A_2874 = vector.broadcast %max3A_2873 : f32 to vector<16xf32>
        %max3A_2875 = arith.maximumf %sub3A_2872, %max3A_2874 : vector<16xf32>
        %mul3A_2876 = arith.mulf %max3A_2859, %max3A_2875 : vector<16xf32>
        %get3A_2877 = arith.constant 13 : i32
        %get3A_2878 = arith.index_cast %get3A_2877 : i32 to index
        %get3A_2879 = arith.constant 0 : index
        %get3A_2880 = tpu.vector_load %arg6[%get3A_2878, %get3A_2879] {strides = array<i32>} : memref<16x64xf32, #tpu.memory_space<vmem>>, vector<16xf32>,
        %add3A_2881 = vector.broadcast %mul3A_2841 : f32 to vector<16xf32>
        %add3A_2882 = arith.addf %add3A_2881, %get3A_2880 : vector<16xf32>
        %sub3A_2883 = arith.subf %add3A_2882, %mul3A_2876 : vector<16xf32>
        %max3A_2884 = arith.constant 9.99999996E-13 : f32
        %max3A_2885 = vector.broadcast %max3A_2884 : f32 to vector<16xf32>
        %max3A_2886 = arith.maximumf %sub3A_2883, %max3A_2885 : vector<16xf32>
        %div3A_2887 = arith.divf %mul3A_2876, %max3A_2886 : vector<16xf32>
        %get3A_2888 = arith.constant 14 : i32
        %get3A_2889 = arith.index_cast %get3A_2888 : i32 to index
        %get3A_2890 = arith.constant 0 : index
        %get3A_2891 = tpu.vector_load %arg6[%get3A_2889, %get3A_2890] {strides = array<i32>} : memref<16x64xf32, #tpu.memory_space<vmem>>, vector<16xf32>,
        %gt3A_2892 = arith.constant 0.000000e+00 : f32
        %gt3A_2893 = vector.broadcast %gt3A_2892 : f32 to vector<16xf32>
        %gt3A_2894 = arith.cmpf ogt, %get3A_2891, %gt3A_2893 : vector<16xf32>
        %jit3A_2895 = arith.constant -1.000000e+00 : f32
        %broadcast_in_dim3A_2896 = vector.broadcast %jit3A_2895 : f32 to vector<16xf32>
        %select_n3A_2897 = arith.select %gt3A_2894, %div3A_2887, %broadcast_in_dim3A_2896 : vector<16xi1>, vector<16xf32>
        %max3A_2898 = arith.maximumf %broadcast_in_dim3A_2843, %select_n3A_2897 : vector<16xf32>
        %get3A_2899 = arith.constant 10 : i32
        %get3A_2900 = arith.index_cast %get3A_2899 : i32 to index
        %get3A_2901 = arith.constant 16 : index
        %get3A_2902 = tpu.vector_load %arg6[%get3A_2900, %get3A_2901] {strides = array<i32>} : memref<16x64xf32, #tpu.memory_space<vmem>>, vector<16xf32>,
        %min3A_2903 = vector.broadcast %add3A_2834 : f32 to vector<16xf32>
        %min3A_2904 = arith.minimumf %min3A_2903, %get3A_2902 : vector<16xf32>
        %get3A_2905 = arith.constant 9 : i32
        %get3A_2906 = arith.index_cast %get3A_2905 : i32 to index
        %get3A_2907 = arith.constant 16 : index
        %get3A_2908 = tpu.vector_load %arg6[%get3A_2906, %get3A_2907] {strides = array<i32>} : memref<16x64xf32, #tpu.memory_space<vmem>>, vector<16xf32>,
        %max3A_2909 = vector.broadcast %sub3A_2831 : f32 to vector<16xf32>
        %max3A_2910 = arith.maximumf %max3A_2909, %get3A_2908 : vector<16xf32>
        %sub3A_2911 = arith.subf %min3A_2904, %max3A_2910 : vector<16xf32>
        %max3A_2912 = arith.constant 0.000000e+00 : f32
        %max3A_2913 = vector.broadcast %max3A_2912 : f32 to vector<16xf32>
        %max3A_2914 = arith.maximumf %sub3A_2911, %max3A_2913 : vector<16xf32>
        %get3A_2915 = arith.constant 12 : i32
        %get3A_2916 = arith.index_cast %get3A_2915 : i32 to index
        %get3A_2917 = arith.constant 16 : index
        %get3A_2918 = tpu.vector_load %arg6[%get3A_2916, %get3A_2917] {strides = array<i32>} : memref<16x64xf32, #tpu.memory_space<vmem>>, vector<16xf32>,
        %min3A_2919 = vector.broadcast %add3A_2840 : f32 to vector<16xf32>
        %min3A_2920 = arith.minimumf %min3A_2919, %get3A_2918 : vector<16xf32>
        %get3A_2921 = arith.constant 11 : i32
        %get3A_2922 = arith.index_cast %get3A_2921 : i32 to index
        %get3A_2923 = arith.constant 16 : index
        %get3A_2924 = tpu.vector_load %arg6[%get3A_2922, %get3A_2923] {strides = array<i32>} : memref<16x64xf32, #tpu.memory_space<vmem>>, vector<16xf32>,
        %max3A_2925 = vector.broadcast %sub3A_2837 : f32 to vector<16xf32>
        %max3A_2926 = arith.maximumf %max3A_2925, %get3A_2924 : vector<16xf32>
        %sub3A_2927 = arith.subf %min3A_2920, %max3A_2926 : vector<16xf32>
        %max3A_2928 = arith.constant 0.000000e+00 : f32
        %max3A_2929 = vector.broadcast %max3A_2928 : f32 to vector<16xf32>
        %max3A_2930 = arith.maximumf %sub3A_2927, %max3A_2929 : vector<16xf32>
        %mul3A_2931 = arith.mulf %max3A_2914, %max3A_2930 : vector<16xf32>
        %get3A_2932 = arith.constant 13 : i32
        %get3A_2933 = arith.index_cast %get3A_2932 : i32 to index
        %get3A_2934 = arith.constant 16 : index
        %get3A_2935 = tpu.vector_load %arg6[%get3A_2933, %get3A_2934] {strides = array<i32>} : memref<16x64xf32, #tpu.memory_space<vmem>>, vector<16xf32>,
        %add3A_2936 = vector.broadcast %mul3A_2841 : f32 to vector<16xf32>
        %add3A_2937 = arith.addf %add3A_2936, %get3A_2935 : vector<16xf32>
        %sub3A_2938 = arith.subf %add3A_2937, %mul3A_2931 : vector<16xf32>
        %max3A_2939 = arith.constant 9.99999996E-13 : f32
        %max3A_2940 = vector.broadcast %max3A_2939 : f32 to vector<16xf32>
        %max3A_2941 = arith.maximumf %sub3A_2938, %max3A_2940 : vector<16xf32>
        %div3A_2942 = arith.divf %mul3A_2931, %max3A_2941 : vector<16xf32>
        %get3A_2943 = arith.constant 14 : i32
        %get3A_2944 = arith.index_cast %get3A_2943 : i32 to index
        %get3A_2945 = arith.constant 16 : index
        %get3A_2946 = tpu.vector_load %arg6[%get3A_2944, %get3A_2945] {strides = array<i32>} : memref<16x64xf32, #tpu.memory_space<vmem>>, vector<16xf32>,
        %gt3A_2947 = arith.constant 0.000000e+00 : f32
        %gt3A_2948 = vector.broadcast %gt3A_2947 : f32 to vector<16xf32>
        %gt3A_2949 = arith.cmpf ogt, %get3A_2946, %gt3A_2948 : vector<16xf32>
        %jit3A_2950 = arith.constant -1.000000e+00 : f32
        %broadcast_in_dim3A_2951 = vector.broadcast %jit3A_2950 : f32 to vector<16xf32>
        %select_n3A_2952 = arith.select %gt3A_2949, %div3A_2942, %broadcast_in_dim3A_2951 : vector<16xi1>, vector<16xf32>
        %max3A_2953 = arith.maximumf %max3A_2898, %select_n3A_2952 : vector<16xf32>
        %get3A_2954 = arith.constant 10 : i32
        %get3A_2955 = arith.index_cast %get3A_2954 : i32 to index
        %get3A_2956 = arith.constant 32 : index
        %get3A_2957 = tpu.vector_load %arg6[%get3A_2955, %get3A_2956] {strides = array<i32>} : memref<16x64xf32, #tpu.memory_space<vmem>>, vector<16xf32>,
        %min3A_2958 = vector.broadcast %add3A_2834 : f32 to vector<16xf32>
        %min3A_2959 = arith.minimumf %min3A_2958, %get3A_2957 : vector<16xf32>
        %get3A_2960 = arith.constant 9 : i32
        %get3A_2961 = arith.index_cast %get3A_2960 : i32 to index
        %get3A_2962 = arith.constant 32 : index
        %get3A_2963 = tpu.vector_load %arg6[%get3A_2961, %get3A_2962] {strides = array<i32>} : memref<16x64xf32, #tpu.memory_space<vmem>>, vector<16xf32>,
        %max3A_2964 = vector.broadcast %sub3A_2831 : f32 to vector<16xf32>
        %max3A_2965 = arith.maximumf %max3A_2964, %get3A_2963 : vector<16xf32>
        %sub3A_2966 = arith.subf %min3A_2959, %max3A_2965 : vector<16xf32>
        %max3A_2967 = arith.constant 0.000000e+00 : f32
        %max3A_2968 = vector.broadcast %max3A_2967 : f32 to vector<16xf32>
        %max3A_2969 = arith.maximumf %sub3A_2966, %max3A_2968 : vector<16xf32>
        %get3A_2970 = arith.constant 12 : i32
        %get3A_2971 = arith.index_cast %get3A_2970 : i32 to index
        %get3A_2972 = arith.constant 32 : index
        %get3A_2973 = tpu.vector_load %arg6[%get3A_2971, %get3A_2972] {strides = array<i32>} : memref<16x64xf32, #tpu.memory_space<vmem>>, vector<16xf32>,
        %min3A_2974 = vector.broadcast %add3A_2840 : f32 to vector<16xf32>
        %min3A_2975 = arith.minimumf %min3A_2974, %get3A_2973 : vector<16xf32>
        %get3A_2976 = arith.constant 11 : i32
        %get3A_2977 = arith.index_cast %get3A_2976 : i32 to index
        %get3A_2978 = arith.constant 32 : index
        %get3A_2979 = tpu.vector_load %arg6[%get3A_2977, %get3A_2978] {strides = array<i32>} : memref<16x64xf32, #tpu.memory_space<vmem>>, vector<16xf32>,
        %max3A_2980 = vector.broadcast %sub3A_2837 : f32 to vector<16xf32>
        %max3A_2981 = arith.maximumf %max3A_2980, %get3A_2979 : vector<16xf32>
        %sub3A_2982 = arith.subf %min3A_2975, %max3A_2981 : vector<16xf32>
        %max3A_2983 = arith.constant 0.000000e+00 : f32
        %max3A_2984 = vector.broadcast %max3A_2983 : f32 to vector<16xf32>
        %max3A_2985 = arith.maximumf %sub3A_2982, %max3A_2984 : vector<16xf32>
        %mul3A_2986 = arith.mulf %max3A_2969, %max3A_2985 : vector<16xf32>
        %get3A_2987 = arith.constant 13 : i32
        %get3A_2988 = arith.index_cast %get3A_2987 : i32 to index
        %get3A_2989 = arith.constant 32 : index
        %get3A_2990 = tpu.vector_load %arg6[%get3A_2988, %get3A_2989] {strides = array<i32>} : memref<16x64xf32, #tpu.memory_space<vmem>>, vector<16xf32>,
        %add3A_2991 = vector.broadcast %mul3A_2841 : f32 to vector<16xf32>
        %add3A_2992 = arith.addf %add3A_2991, %get3A_2990 : vector<16xf32>
        %sub3A_2993 = arith.subf %add3A_2992, %mul3A_2986 : vector<16xf32>
        %max3A_2994 = arith.constant 9.99999996E-13 : f32
        %max3A_2995 = vector.broadcast %max3A_2994 : f32 to vector<16xf32>
        %max3A_2996 = arith.maximumf %sub3A_2993, %max3A_2995 : vector<16xf32>
        %div3A_2997 = arith.divf %mul3A_2986, %max3A_2996 : vector<16xf32>
        %get3A_2998 = arith.constant 14 : i32
        %get3A_2999 = arith.index_cast %get3A_2998 : i32 to index
        %get3A_3000 = arith.constant 32 : index
        %get3A_3001 = tpu.vector_load %arg6[%get3A_2999, %get3A_3000] {strides = array<i32>} : memref<16x64xf32, #tpu.memory_space<vmem>>, vector<16xf32>,
        %gt3A_3002 = arith.constant 0.000000e+00 : f32
        %gt3A_3003 = vector.broadcast %gt3A_3002 : f32 to vector<16xf32>
        %gt3A_3004 = arith.cmpf ogt, %get3A_3001, %gt3A_3003 : vector<16xf32>
        %jit3A_3005 = arith.constant -1.000000e+00 : f32
        %broadcast_in_dim3A_3006 = vector.broadcast %jit3A_3005 : f32 to vector<16xf32>
        %select_n3A_3007 = arith.select %gt3A_3004, %div3A_2997, %broadcast_in_dim3A_3006 : vector<16xi1>, vector<16xf32>
        %max3A_3008 = arith.maximumf %max3A_2953, %select_n3A_3007 : vector<16xf32>
        %get3A_3009 = arith.constant 10 : i32
        %get3A_3010 = arith.index_cast %get3A_3009 : i32 to index
        %get3A_3011 = arith.constant 48 : index
        %get3A_3012 = tpu.vector_load %arg6[%get3A_3010, %get3A_3011] {strides = array<i32>} : memref<16x64xf32, #tpu.memory_space<vmem>>, vector<16xf32>,
        %min3A_3013 = vector.broadcast %add3A_2834 : f32 to vector<16xf32>
        %min3A_3014 = arith.minimumf %min3A_3013, %get3A_3012 : vector<16xf32>
        %get3A_3015 = arith.constant 9 : i32
        %get3A_3016 = arith.index_cast %get3A_3015 : i32 to index
        %get3A_3017 = arith.constant 48 : index
        %get3A_3018 = tpu.vector_load %arg6[%get3A_3016, %get3A_3017] {strides = array<i32>} : memref<16x64xf32, #tpu.memory_space<vmem>>, vector<16xf32>,
        %max3A_3019 = vector.broadcast %sub3A_2831 : f32 to vector<16xf32>
        %max3A_3020 = arith.maximumf %max3A_3019, %get3A_3018 : vector<16xf32>
        %sub3A_3021 = arith.subf %min3A_3014, %max3A_3020 : vector<16xf32>
        %max3A_3022 = arith.constant 0.000000e+00 : f32
        %max3A_3023 = vector.broadcast %max3A_3022 : f32 to vector<16xf32>
        %max3A_3024 = arith.maximumf %sub3A_3021, %max3A_3023 : vector<16xf32>
        %get3A_3025 = arith.constant 12 : i32
        %get3A_3026 = arith.index_cast %get3A_3025 : i32 to index
        %get3A_3027 = arith.constant 48 : index
        %get3A_3028 = tpu.vector_load %arg6[%get3A_3026, %get3A_3027] {strides = array<i32>} : memref<16x64xf32, #tpu.memory_space<vmem>>, vector<16xf32>,
        %min3A_3029 = vector.broadcast %add3A_2840 : f32 to vector<16xf32>
        %min3A_3030 = arith.minimumf %min3A_3029, %get3A_3028 : vector<16xf32>
        %get3A_3031 = arith.constant 11 : i32
        %get3A_3032 = arith.index_cast %get3A_3031 : i32 to index
        %get3A_3033 = arith.constant 48 : index
        %get3A_3034 = tpu.vector_load %arg6[%get3A_3032, %get3A_3033] {strides = array<i32>} : memref<16x64xf32, #tpu.memory_space<vmem>>, vector<16xf32>,
        %max3A_3035 = vector.broadcast %sub3A_2837 : f32 to vector<16xf32>
        %max3A_3036 = arith.maximumf %max3A_3035, %get3A_3034 : vector<16xf32>
        %sub3A_3037 = arith.subf %min3A_3030, %max3A_3036 : vector<16xf32>
        %max3A_3038 = arith.constant 0.000000e+00 : f32
        %max3A_3039 = vector.broadcast %max3A_3038 : f32 to vector<16xf32>
        %max3A_3040 = arith.maximumf %sub3A_3037, %max3A_3039 : vector<16xf32>
        %mul3A_3041 = arith.mulf %max3A_3024, %max3A_3040 : vector<16xf32>
        %get3A_3042 = arith.constant 13 : i32
        %get3A_3043 = arith.index_cast %get3A_3042 : i32 to index
        %get3A_3044 = arith.constant 48 : index
        %get3A_3045 = tpu.vector_load %arg6[%get3A_3043, %get3A_3044] {strides = array<i32>} : memref<16x64xf32, #tpu.memory_space<vmem>>, vector<16xf32>,
        %add3A_3046 = vector.broadcast %mul3A_2841 : f32 to vector<16xf32>
        %add3A_3047 = arith.addf %add3A_3046, %get3A_3045 : vector<16xf32>
        %sub3A_3048 = arith.subf %add3A_3047, %mul3A_3041 : vector<16xf32>
        %max3A_3049 = arith.constant 9.99999996E-13 : f32
        %max3A_3050 = vector.broadcast %max3A_3049 : f32 to vector<16xf32>
        %max3A_3051 = arith.maximumf %sub3A_3048, %max3A_3050 : vector<16xf32>
        %div3A_3052 = arith.divf %mul3A_3041, %max3A_3051 : vector<16xf32>
        %get3A_3053 = arith.constant 14 : i32
        %get3A_3054 = arith.index_cast %get3A_3053 : i32 to index
        %get3A_3055 = arith.constant 48 : index
        %get3A_3056 = tpu.vector_load %arg6[%get3A_3054, %get3A_3055] {strides = array<i32>} : memref<16x64xf32, #tpu.memory_space<vmem>>, vector<16xf32>,
        %gt3A_3057 = arith.constant 0.000000e+00 : f32
        %gt3A_3058 = vector.broadcast %gt3A_3057 : f32 to vector<16xf32>
        %gt3A_3059 = arith.cmpf ogt, %get3A_3056, %gt3A_3058 : vector<16xf32>
        %jit3A_3060 = arith.constant -1.000000e+00 : f32
        %broadcast_in_dim3A_3061 = vector.broadcast %jit3A_3060 : f32 to vector<16xf32>
        %select_n3A_3062 = arith.select %gt3A_3059, %div3A_3052, %broadcast_in_dim3A_3061 : vector<16xi1>, vector<16xf32>
        %max3A_3063 = arith.maximumf %max3A_3008, %select_n3A_3062 : vector<16xf32>
        %slice3A_3064 = vector.extract_strided_slice %max3A_3063 {offsets = [0], sizes = [1], strides = [1]} : vector<16xf32> to vector<1xf32>
        %squeeze3A_3065 = vector.extract %slice3A_3064[0] : f32 from vector<1xf32>
        %slice3A_3066 = vector.extract_strided_slice %max3A_3063 {offsets = [1], sizes = [1], strides = [1]} : vector<16xf32> to vector<1xf32>
        %squeeze3A_3067 = vector.extract %slice3A_3066[0] : f32 from vector<1xf32>
        %max3A_3068 = arith.maximumf %squeeze3A_3065, %squeeze3A_3067 : f32
        %slice3A_3069 = vector.extract_strided_slice %max3A_3063 {offsets = [2], sizes = [1], strides = [1]} : vector<16xf32> to vector<1xf32>
        %squeeze3A_3070 = vector.extract %slice3A_3069[0] : f32 from vector<1xf32>
        %max3A_3071 = arith.maximumf %max3A_3068, %squeeze3A_3070 : f32
        %slice3A_3072 = vector.extract_strided_slice %max3A_3063 {offsets = [3], sizes = [1], strides = [1]} : vector<16xf32> to vector<1xf32>
        %squeeze3A_3073 = vector.extract %slice3A_3072[0] : f32 from vector<1xf32>
        %max3A_3074 = arith.maximumf %max3A_3071, %squeeze3A_3073 : f32
        %slice3A_3075 = vector.extract_strided_slice %max3A_3063 {offsets = [4], sizes = [1], strides = [1]} : vector<16xf32> to vector<1xf32>
        %squeeze3A_3076 = vector.extract %slice3A_3075[0] : f32 from vector<1xf32>
        %max3A_3077 = arith.maximumf %max3A_3074, %squeeze3A_3076 : f32
        %slice3A_3078 = vector.extract_strided_slice %max3A_3063 {offsets = [5], sizes = [1], strides = [1]} : vector<16xf32> to vector<1xf32>
        %squeeze3A_3079 = vector.extract %slice3A_3078[0] : f32 from vector<1xf32>
        %max3A_3080 = arith.maximumf %max3A_3077, %squeeze3A_3079 : f32
        %slice3A_3081 = vector.extract_strided_slice %max3A_3063 {offsets = [6], sizes = [1], strides = [1]} : vector<16xf32> to vector<1xf32>
        %squeeze3A_3082 = vector.extract %slice3A_3081[0] : f32 from vector<1xf32>
        %max3A_3083 = arith.maximumf %max3A_3080, %squeeze3A_3082 : f32
        %slice3A_3084 = vector.extract_strided_slice %max3A_3063 {offsets = [7], sizes = [1], strides = [1]} : vector<16xf32> to vector<1xf32>
        %squeeze3A_3085 = vector.extract %slice3A_3084[0] : f32 from vector<1xf32>
        %max3A_3086 = arith.maximumf %max3A_3083, %squeeze3A_3085 : f32
        %slice3A_3087 = vector.extract_strided_slice %max3A_3063 {offsets = [8], sizes = [1], strides = [1]} : vector<16xf32> to vector<1xf32>
        %squeeze3A_3088 = vector.extract %slice3A_3087[0] : f32 from vector<1xf32>
        %max3A_3089 = arith.maximumf %max3A_3086, %squeeze3A_3088 : f32
        %slice3A_3090 = vector.extract_strided_slice %max3A_3063 {offsets = [9], sizes = [1], strides = [1]} : vector<16xf32> to vector<1xf32>
        %squeeze3A_3091 = vector.extract %slice3A_3090[0] : f32 from vector<1xf32>
        %max3A_3092 = arith.maximumf %max3A_3089, %squeeze3A_3091 : f32
        %slice3A_3093 = vector.extract_strided_slice %max3A_3063 {offsets = [10], sizes = [1], strides = [1]} : vector<16xf32> to vector<1xf32>
        %squeeze3A_3094 = vector.extract %slice3A_3093[0] : f32 from vector<1xf32>
        %max3A_3095 = arith.maximumf %max3A_3092, %squeeze3A_3094 : f32
        %slice3A_3096 = vector.extract_strided_slice %max3A_3063 {offsets = [11], sizes = [1], strides = [1]} : vector<16xf32> to vector<1xf32>
        %squeeze3A_3097 = vector.extract %slice3A_3096[0] : f32 from vector<1xf32>
        %max3A_3098 = arith.maximumf %max3A_3095, %squeeze3A_3097 : f32
        %slice3A_3099 = vector.extract_strided_slice %max3A_3063 {offsets = [12], sizes = [1], strides = [1]} : vector<16xf32> to vector<1xf32>
        %squeeze3A_3100 = vector.extract %slice3A_3099[0] : f32 from vector<1xf32>
        %max3A_3101 = arith.maximumf %max3A_3098, %squeeze3A_3100 : f32
        %slice3A_3102 = vector.extract_strided_slice %max3A_3063 {offsets = [13], sizes = [1], strides = [1]} : vector<16xf32> to vector<1xf32>
        %squeeze3A_3103 = vector.extract %slice3A_3102[0] : f32 from vector<1xf32>
        %max3A_3104 = arith.maximumf %max3A_3101, %squeeze3A_3103 : f32
        %slice3A_3105 = vector.extract_strided_slice %max3A_3063 {offsets = [14], sizes = [1], strides = [1]} : vector<16xf32> to vector<1xf32>
        %squeeze3A_3106 = vector.extract %slice3A_3105[0] : f32 from vector<1xf32>
        %max3A_3107 = arith.maximumf %max3A_3104, %squeeze3A_3106 : f32
        %slice3A_3108 = vector.extract_strided_slice %max3A_3063 {offsets = [15], sizes = [1], strides = [1]} : vector<16xf32> to vector<1xf32>
        %squeeze3A_3109 = vector.extract %slice3A_3108[0] : f32 from vector<1xf32>
        %max3A_3110 = arith.maximumf %max3A_3107, %squeeze3A_3109 : f32
        %sub3A_3111 = arith.subf %squeeze3A_2763, %max3A_3110 : f32
        %mul3A_3112 = arith.mulf %sub3A_3111, %sub3A_3111 : f32
        %ge3A_3113 = arith.constant 0.699999988 : f32
        %ge3A_3114 = arith.cmpf oge, %max3A_3110, %ge3A_3113 : f32
        %jit3A_3115 = arith.constant 0.000000e+00 : f32
        %jit3A_3116 = arith.constant 1.000000e+00 : f32
        %select_n3A_3117 = arith.select %ge3A_3114, %jit3A_3115, %jit3A_3116 : f32
        %mul3A_3118 = arith.mulf %select_n3A_3117, %squeeze3A_2763 : f32
        %mul3A_3119 = arith.mulf %mul3A_3118, %squeeze3A_2763 : f32
        %sub3A_3120 = arith.subf %mul3A_3112, %mul3A_3119 : f32
        %mul3A_3121 = arith.mulf %sub3A_3111, %sub3A_3111 : f32
        %mul3A_3122 = arith.mulf %squeeze3A_2763, %squeeze3A_2763 : f32
        %sub3A_3123 = arith.subf %mul3A_3121, %mul3A_3122 : f32
        %mul3A_3124 = arith.mulf %mul3A_2622, %mul3A_2806 : f32
        %add3A_3125 = arith.addf %sub3A_2780, %mul3A_3124 : f32
        %mul3A_3126 = arith.mulf %select_n3A_2501, %select_n3A_2621 : f32
        %mul3A_3127 = arith.mulf %mul3A_3126, %sub3A_2816 : f32
        %add3A_3128 = arith.addf %add3A_3125, %mul3A_3127 : f32
        %mul3A_3129 = arith.mulf %mul3A_2622, %sub3A_3120 : f32
        %add3A_3130 = arith.addf %scan3A_2484, %mul3A_3129 : f32
        %mul3A_3131 = arith.mulf %mul3A_2622, %sub3A_3123 : f32
        %add3A_3132 = arith.addf %scan3A_2485, %mul3A_3131 : f32
        scf.yield %add3A_3128, %add3A_3130, %add3A_3132, %add3A_2753 : f32, f32, f32, vector<16xf32>
      }
      %scan3A_2455 = arith.constant 50 : i32
      %swap3A_2456 = arith.constant 0 : index
      %swap3A_2457 = tpu.vector_load %arg11[%swap3A_2456] {strides = array<i32>} : memref<32xf32, #tpu.memory_space<vmem>>, vector<16xf32>,
      tpu.vector_store %arg11[%swap3A_2456], %scan3A_2454#3 {strides = array<i32>} : memref<32xf32, #tpu.memory_space<vmem>>, vector<16xf32>,
      %eq3A_2458 = arith.constant 0 : i32
      %eq3A_2459 = vector.broadcast %eq3A_2458 : i32 to vector<16xi32>
      %eq3A_2460 = arith.cmpi eq, %iota3A, %eq3A_2459 : vector<16xi32>
      %eq3A_2461 = arith.constant 1 : i32
      %eq3A_2462 = vector.broadcast %eq3A_2461 : i32 to vector<16xi32>
      %eq3A_2463 = arith.cmpi eq, %iota3A, %eq3A_2462 : vector<16xi32>
      %eq3A_2464 = arith.constant 2 : i32
      %eq3A_2465 = vector.broadcast %eq3A_2464 : i32 to vector<16xi32>
      %eq3A_2466 = arith.cmpi eq, %iota3A, %eq3A_2465 : vector<16xi32>
      %eq3A_2467 = arith.constant 3 : i32
      %eq3A_2468 = vector.broadcast %eq3A_2467 : i32 to vector<16xi32>
      %eq3A_2469 = arith.cmpi eq, %iota3A, %eq3A_2468 : vector<16xi32>
      %jit3A_2470 = arith.constant 0.000000e+00 : f32
      %broadcast_in_dim3A_2471 = vector.broadcast %convert_element_type3A_83 : f32 to vector<16xf32>
      %broadcast_in_dim3A_2472 = vector.broadcast %jit3A_2470 : f32 to vector<16xf32>
      %select_n3A_2473 = arith.select %eq3A_2469, %broadcast_in_dim3A_2471, %broadcast_in_dim3A_2472 : vector<16xi1>, vector<16xf32>
      %broadcast_in_dim3A_2474 = vector.broadcast %scan3A_2454#2 : f32 to vector<16xf32>
      %select_n3A_2475 = arith.select %eq3A_2466, %broadcast_in_dim3A_2474, %select_n3A_2473 : vector<16xi1>, vector<16xf32>
      %broadcast_in_dim3A_2476 = vector.broadcast %scan3A_2454#1 : f32 to vector<16xf32>
      %select_n3A_2477 = arith.select %eq3A_2463, %broadcast_in_dim3A_2476, %select_n3A_2475 : vector<16xi1>, vector<16xf32>
      %broadcast_in_dim3A_2478 = vector.broadcast %scan3A_2454#0 : f32 to vector<16xf32>
      %select_n3A_2479 = arith.select %eq3A_2460, %broadcast_in_dim3A_2478, %select_n3A_2477 : vector<16xi1>, vector<16xf32>
      %swap3A_2480 = arith.constant 16 : index
      %swap3A_2481 = tpu.vector_load %arg11[%swap3A_2480] {strides = array<i32>} : memref<32xf32, #tpu.memory_space<vmem>>, vector<16xf32>,
      tpu.vector_store %arg11[%swap3A_2480], %select_n3A_2479 {strides = array<i32>} : memref<32xf32, #tpu.memory_space<vmem>>, vector<16xf32>,
      "tpu.region"() ({
        %run_scoped3A = tpu.sem_alloc : memref<!tpu.dma_semaphore, #tpu.memory_space<semaphore_mem>>
        %dma_start3A = arith.constant 0 : i32
        %dma_start3A_2482 = tpu.memref_slice %arg4[%add3A, %dma_start3A] : memref<16x32xf32, #tpu.memory_space<hbm>> -> memref<1x32xf32, #tpu.memory_space<hbm>>
        %dma_start3A_2483 = tpu.memref_squeeze %dma_start3A_2482 : memref<1x32xf32, #tpu.memory_space<hbm>> -> memref<32xf32, #tpu.memory_space<hbm>>
        %dma_start3A_2484 = arith.constant 0 : i32
        %dma_start3A_2485 = tpu.memref_slice %arg4[%add3A, %dma_start3A_2484] : memref<16x32xf32, #tpu.memory_space<hbm>> -> memref<1x32xf32, #tpu.memory_space<hbm>>
        %dma_start3A_2486 = tpu.memref_squeeze %dma_start3A_2485 : memref<1x32xf32, #tpu.memory_space<hbm>> -> memref<32xf32, #tpu.memory_space<hbm>>
        tpu.enqueue_dma source(%arg11 : memref<32xf32, #tpu.memory_space<vmem>>) target(%dma_start3A_2486 : memref<32xf32, #tpu.memory_space<hbm>>) target_semaphore(%run_scoped3A : memref<!tpu.dma_semaphore, #tpu.memory_space<semaphore_mem>>)
        %dma_wait3A = arith.constant 0 : i32
        %dma_wait3A_2487 = tpu.memref_slice %arg4[%add3A, %dma_wait3A] : memref<16x32xf32, #tpu.memory_space<hbm>> -> memref<1x32xf32, #tpu.memory_space<hbm>>
        %dma_wait3A_2488 = tpu.memref_squeeze %dma_wait3A_2487 : memref<1x32xf32, #tpu.memory_space<hbm>> -> memref<32xf32, #tpu.memory_space<hbm>>
        %dma_wait3A_2489 = arith.constant 0 : i32
        %dma_wait3A_2490 = tpu.memref_slice %arg4[%add3A, %dma_wait3A_2489] : memref<16x32xf32, #tpu.memory_space<hbm>> -> memref<1x32xf32, #tpu.memory_space<hbm>>
        %dma_wait3A_2491 = tpu.memref_squeeze %dma_wait3A_2490 : memref<1x32xf32, #tpu.memory_space<hbm>> -> memref<32xf32, #tpu.memory_space<hbm>>
        tpu.wait_dma2 semaphore(%run_scoped3A : memref<!tpu.dma_semaphore, #tpu.memory_space<semaphore_mem>>) src(%arg11 : memref<32xf32, #tpu.memory_space<vmem>>) dst(%dma_wait3A_2491 : memref<32xf32, #tpu.memory_space<hbm>>)
        tpu.yield
      }) : () -> ()
    } else {
    }
    return
  }
}

module attributes {stable_mosaic.version = 14 : i64} {
  func.func @_dense_body(%arg0: i32, %arg1: memref<5x16x64xf32, #tpu.memory_space<smem>>, %arg2: memref<1x16x4096xf32, #tpu.memory_space<vmem>>, %arg3: memref<1x3x128xf32, #tpu.memory_space<vmem>>) attributes {dimension_semantics = [#tpu.dimension_semantics<arbitrary>], iteration_bounds = array<i64: 16>, scalar_prefetch = 0 : i64, scratch_operands = 0 : i64, tpu.core_type = #tpu.core_type<tc>, window_params = [{transform_indices = @transform_0, window_bounds = array<i64: 5, 16, 64>}, {transform_indices = @transform_1, window_bounds = array<i64: 1, 16, 4096>}, {transform_indices = @transform_2, window_bounds = array<i64: 1, 3, 128>}]} {
    %iota3A = tpu.iota {dimensions = array<i32: 0>} : vector<32x128xi32>
    %mul3A = arith.constant 128 : i32
    %mul3A_0 = vector.broadcast %mul3A : i32 to vector<32x128xi32>
    %mul3A_1 = arith.muli %iota3A, %mul3A_0 : vector<32x128xi32>
    %iota3A_2 = tpu.iota {dimensions = array<i32: 1>} : vector<32x128xi32>
    %add3A = arith.addi %mul3A_1, %iota3A_2 : vector<32x128xi32>
    %and3A = arith.constant 63 : i32
    %and3A_3 = vector.broadcast %and3A : i32 to vector<32x128xi32>
    %and3A_4 = arith.andi %add3A, %and3A_3 : vector<32x128xi32>
    %convert_element_type3A = arith.sitofp %and3A_4 : vector<32x128xi32> to vector<32x128xf32>
    %shift_right_arithmetic3A = arith.constant 6 : i32
    %shift_right_arithmetic3A_5 = vector.broadcast %shift_right_arithmetic3A : i32 to vector<32x128xi32>
    %shift_right_arithmetic3A_6 = arith.shrsi %add3A, %shift_right_arithmetic3A_5 : vector<32x128xi32>
    %convert_element_type3A_7 = arith.sitofp %shift_right_arithmetic3A_6 : vector<32x128xi32> to vector<32x128xf32>
    %get3A = arith.constant 0 : index
    %get3A_8 = arith.constant 0 : index
    %get3A_9 = arith.constant 0 : index
    %get3A_10 = vector.load %arg2[%get3A, %get3A_8, %get3A_9] : memref<1x16x4096xf32, #tpu.memory_space<vmem>>, vector<1x1x4096xf32>
    %get3A_11 = vector.shape_cast %get3A_10 : vector<1x1x4096xf32> to vector<4096xf32>
    %reshape3A = vector.shape_cast %get3A_11 : vector<4096xf32> to vector<32x128xf32>
    %neg3A = arith.constant 0.000000e+00 : f32
    %neg3A_12 = vector.broadcast %neg3A : f32 to vector<32x128xf32>
    %neg3A_13 = arith.subf %neg3A_12, %reshape3A : vector<32x128xf32>
    %exp3A = math.exp %neg3A_13 : vector<32x128xf32>
    %add3A_14 = arith.constant 1.000000e+00 : f32
    %add3A_15 = vector.broadcast %add3A_14 : f32 to vector<32x128xf32>
    %add3A_16 = arith.addf %add3A_15, %exp3A : vector<32x128xf32>
    %div3A = arith.constant 1.000000e+00 : f32
    %div3A_17 = vector.broadcast %div3A : f32 to vector<32x128xf32>
    %div3A_18 = arith.divf %div3A_17, %add3A_16 : vector<32x128xf32>
    %add3A_19 = arith.addf %div3A_18, %convert_element_type3A : vector<32x128xf32>
    %get3A_20 = arith.constant 0 : index
    %get3A_21 = arith.constant 1 : index
    %get3A_22 = arith.constant 0 : index
    %get3A_23 = vector.load %arg2[%get3A_20, %get3A_21, %get3A_22] : memref<1x16x4096xf32, #tpu.memory_space<vmem>>, vector<1x1x4096xf32>
    %get3A_24 = vector.shape_cast %get3A_23 : vector<1x1x4096xf32> to vector<4096xf32>
    %reshape3A_25 = vector.shape_cast %get3A_24 : vector<4096xf32> to vector<32x128xf32>
    %neg3A_26 = arith.constant 0.000000e+00 : f32
    %neg3A_27 = vector.broadcast %neg3A_26 : f32 to vector<32x128xf32>
    %neg3A_28 = arith.subf %neg3A_27, %reshape3A_25 : vector<32x128xf32>
    %exp3A_29 = math.exp %neg3A_28 : vector<32x128xf32>
    %add3A_30 = arith.constant 1.000000e+00 : f32
    %add3A_31 = vector.broadcast %add3A_30 : f32 to vector<32x128xf32>
    %add3A_32 = arith.addf %add3A_31, %exp3A_29 : vector<32x128xf32>
    %div3A_33 = arith.constant 1.000000e+00 : f32
    %div3A_34 = vector.broadcast %div3A_33 : f32 to vector<32x128xf32>
    %div3A_35 = arith.divf %div3A_34, %add3A_32 : vector<32x128xf32>
    %add3A_36 = arith.addf %div3A_35, %convert_element_type3A_7 : vector<32x128xf32>
    %get3A_37 = arith.constant 0 : index
    %get3A_38 = arith.constant 2 : index
    %get3A_39 = arith.constant 0 : index
    %get3A_40 = vector.load %arg2[%get3A_37, %get3A_38, %get3A_39] : memref<1x16x4096xf32, #tpu.memory_space<vmem>>, vector<1x1x4096xf32>
    %get3A_41 = vector.shape_cast %get3A_40 : vector<1x1x4096xf32> to vector<4096xf32>
    %reshape3A_42 = vector.shape_cast %get3A_41 : vector<4096xf32> to vector<32x128xf32>
    %exp3A_43 = math.exp %reshape3A_42 : vector<32x128xf32>
    %mul3A_44 = arith.constant 1.250000e+00 : f32
    %mul3A_45 = vector.broadcast %mul3A_44 : f32 to vector<32x128xf32>
    %mul3A_46 = arith.mulf %exp3A_43, %mul3A_45 : vector<32x128xf32>
    %get3A_47 = arith.constant 0 : index
    %get3A_48 = arith.constant 3 : index
    %get3A_49 = arith.constant 0 : index
    %get3A_50 = vector.load %arg2[%get3A_47, %get3A_48, %get3A_49] : memref<1x16x4096xf32, #tpu.memory_space<vmem>>, vector<1x1x4096xf32>
    %get3A_51 = vector.shape_cast %get3A_50 : vector<1x1x4096xf32> to vector<4096xf32>
    %reshape3A_52 = vector.shape_cast %get3A_51 : vector<4096xf32> to vector<32x128xf32>
    %exp3A_53 = math.exp %reshape3A_52 : vector<32x128xf32>
    %mul3A_54 = arith.constant 1.625000e+00 : f32
    %mul3A_55 = vector.broadcast %mul3A_54 : f32 to vector<32x128xf32>
    %mul3A_56 = arith.mulf %exp3A_53, %mul3A_55 : vector<32x128xf32>
    %get3A_57 = arith.constant 0 : index
    %get3A_58 = arith.constant 4 : index
    %get3A_59 = arith.constant 0 : index
    %get3A_60 = vector.load %arg2[%get3A_57, %get3A_58, %get3A_59] : memref<1x16x4096xf32, #tpu.memory_space<vmem>>, vector<1x1x4096xf32>
    %get3A_61 = vector.shape_cast %get3A_60 : vector<1x1x4096xf32> to vector<4096xf32>
    %reshape3A_62 = vector.shape_cast %get3A_61 : vector<4096xf32> to vector<32x128xf32>
    %neg3A_63 = arith.constant 0.000000e+00 : f32
    %neg3A_64 = vector.broadcast %neg3A_63 : f32 to vector<32x128xf32>
    %neg3A_65 = arith.subf %neg3A_64, %reshape3A_62 : vector<32x128xf32>
    %exp3A_66 = math.exp %neg3A_65 : vector<32x128xf32>
    %add3A_67 = arith.constant 1.000000e+00 : f32
    %add3A_68 = vector.broadcast %add3A_67 : f32 to vector<32x128xf32>
    %add3A_69 = arith.addf %add3A_68, %exp3A_66 : vector<32x128xf32>
    %div3A_70 = arith.constant 1.000000e+00 : f32
    %div3A_71 = vector.broadcast %div3A_70 : f32 to vector<32x128xf32>
    %div3A_72 = arith.divf %div3A_71, %add3A_69 : vector<32x128xf32>
    %mul3A_73 = arith.constant 5.000000e-01 : f32
    %mul3A_74 = vector.broadcast %mul3A_73 : f32 to vector<32x128xf32>
    %mul3A_75 = arith.mulf %mul3A_46, %mul3A_74 : vector<32x128xf32>
    %sub3A = arith.subf %add3A_19, %mul3A_75 : vector<32x128xf32>
    %mul3A_76 = arith.constant 5.000000e-01 : f32
    %mul3A_77 = vector.broadcast %mul3A_76 : f32 to vector<32x128xf32>
    %mul3A_78 = arith.mulf %mul3A_46, %mul3A_77 : vector<32x128xf32>
    %add3A_79 = arith.addf %add3A_19, %mul3A_78 : vector<32x128xf32>
    %mul3A_80 = arith.constant 5.000000e-01 : f32
    %mul3A_81 = vector.broadcast %mul3A_80 : f32 to vector<32x128xf32>
    %mul3A_82 = arith.mulf %mul3A_56, %mul3A_81 : vector<32x128xf32>
    %sub3A_83 = arith.subf %add3A_36, %mul3A_82 : vector<32x128xf32>
    %mul3A_84 = arith.constant 5.000000e-01 : f32
    %mul3A_85 = vector.broadcast %mul3A_84 : f32 to vector<32x128xf32>
    %mul3A_86 = arith.mulf %mul3A_56, %mul3A_85 : vector<32x128xf32>
    %add3A_87 = arith.addf %add3A_36, %mul3A_86 : vector<32x128xf32>
    %mul3A_88 = arith.mulf %mul3A_46, %mul3A_56 : vector<32x128xf32>
    %mul3A_89 = arith.mulf %div3A_72, %div3A_72 : vector<32x128xf32>
    %get3A_90 = arith.constant 0 : index
    %get3A_91 = arith.constant 5 : index
    %get3A_92 = arith.constant 0 : index
    %get3A_93 = vector.load %arg2[%get3A_90, %get3A_91, %get3A_92] : memref<1x16x4096xf32, #tpu.memory_space<vmem>>, vector<1x1x4096xf32>
    %get3A_94 = vector.shape_cast %get3A_93 : vector<1x1x4096xf32> to vector<4096xf32>
    %reshape3A_95 = vector.shape_cast %get3A_94 : vector<4096xf32> to vector<32x128xf32>
    %neg3A_96 = arith.constant 0.000000e+00 : f32
    %neg3A_97 = vector.broadcast %neg3A_96 : f32 to vector<32x128xf32>
    %neg3A_98 = arith.subf %neg3A_97, %reshape3A_95 : vector<32x128xf32>
    %exp3A_99 = math.exp %neg3A_98 : vector<32x128xf32>
    %add3A_100 = arith.constant 1.000000e+00 : f32
    %add3A_101 = vector.broadcast %add3A_100 : f32 to vector<32x128xf32>
    %add3A_102 = arith.addf %add3A_101, %exp3A_99 : vector<32x128xf32>
    %div3A_103 = arith.constant 1.000000e+00 : f32
    %div3A_104 = vector.broadcast %div3A_103 : f32 to vector<32x128xf32>
    %div3A_105 = arith.divf %div3A_104, %add3A_102 : vector<32x128xf32>
    %add3A_106 = arith.addf %div3A_105, %convert_element_type3A : vector<32x128xf32>
    %get3A_107 = arith.constant 0 : index
    %get3A_108 = arith.constant 6 : index
    %get3A_109 = arith.constant 0 : index
    %get3A_110 = vector.load %arg2[%get3A_107, %get3A_108, %get3A_109] : memref<1x16x4096xf32, #tpu.memory_space<vmem>>, vector<1x1x4096xf32>
    %get3A_111 = vector.shape_cast %get3A_110 : vector<1x1x4096xf32> to vector<4096xf32>
    %reshape3A_112 = vector.shape_cast %get3A_111 : vector<4096xf32> to vector<32x128xf32>
    %neg3A_113 = arith.constant 0.000000e+00 : f32
    %neg3A_114 = vector.broadcast %neg3A_113 : f32 to vector<32x128xf32>
    %neg3A_115 = arith.subf %neg3A_114, %reshape3A_112 : vector<32x128xf32>
    %exp3A_116 = math.exp %neg3A_115 : vector<32x128xf32>
    %add3A_117 = arith.constant 1.000000e+00 : f32
    %add3A_118 = vector.broadcast %add3A_117 : f32 to vector<32x128xf32>
    %add3A_119 = arith.addf %add3A_118, %exp3A_116 : vector<32x128xf32>
    %div3A_120 = arith.constant 1.000000e+00 : f32
    %div3A_121 = vector.broadcast %div3A_120 : f32 to vector<32x128xf32>
    %div3A_122 = arith.divf %div3A_121, %add3A_119 : vector<32x128xf32>
    %add3A_123 = arith.addf %div3A_122, %convert_element_type3A_7 : vector<32x128xf32>
    %get3A_124 = arith.constant 0 : index
    %get3A_125 = arith.constant 7 : index
    %get3A_126 = arith.constant 0 : index
    %get3A_127 = vector.load %arg2[%get3A_124, %get3A_125, %get3A_126] : memref<1x16x4096xf32, #tpu.memory_space<vmem>>, vector<1x1x4096xf32>
    %get3A_128 = vector.shape_cast %get3A_127 : vector<1x1x4096xf32> to vector<4096xf32>
    %reshape3A_129 = vector.shape_cast %get3A_128 : vector<4096xf32> to vector<32x128xf32>
    %exp3A_130 = math.exp %reshape3A_129 : vector<32x128xf32>
    %mul3A_131 = arith.constant 2.000000e+00 : f32
    %mul3A_132 = vector.broadcast %mul3A_131 : f32 to vector<32x128xf32>
    %mul3A_133 = arith.mulf %exp3A_130, %mul3A_132 : vector<32x128xf32>
    %get3A_134 = arith.constant 0 : index
    %get3A_135 = arith.constant 8 : index
    %get3A_136 = arith.constant 0 : index
    %get3A_137 = vector.load %arg2[%get3A_134, %get3A_135, %get3A_136] : memref<1x16x4096xf32, #tpu.memory_space<vmem>>, vector<1x1x4096xf32>
    %get3A_138 = vector.shape_cast %get3A_137 : vector<1x1x4096xf32> to vector<4096xf32>
    %reshape3A_139 = vector.shape_cast %get3A_138 : vector<4096xf32> to vector<32x128xf32>
    %exp3A_140 = math.exp %reshape3A_139 : vector<32x128xf32>
    %mul3A_141 = arith.constant 3.750000e+00 : f32
    %mul3A_142 = vector.broadcast %mul3A_141 : f32 to vector<32x128xf32>
    %mul3A_143 = arith.mulf %exp3A_140, %mul3A_142 : vector<32x128xf32>
    %get3A_144 = arith.constant 0 : index
    %get3A_145 = arith.constant 9 : index
    %get3A_146 = arith.constant 0 : index
    %get3A_147 = vector.load %arg2[%get3A_144, %get3A_145, %get3A_146] : memref<1x16x4096xf32, #tpu.memory_space<vmem>>, vector<1x1x4096xf32>
    %get3A_148 = vector.shape_cast %get3A_147 : vector<1x1x4096xf32> to vector<4096xf32>
    %reshape3A_149 = vector.shape_cast %get3A_148 : vector<4096xf32> to vector<32x128xf32>
    %neg3A_150 = arith.constant 0.000000e+00 : f32
    %neg3A_151 = vector.broadcast %neg3A_150 : f32 to vector<32x128xf32>
    %neg3A_152 = arith.subf %neg3A_151, %reshape3A_149 : vector<32x128xf32>
    %exp3A_153 = math.exp %neg3A_152 : vector<32x128xf32>
    %add3A_154 = arith.constant 1.000000e+00 : f32
    %add3A_155 = vector.broadcast %add3A_154 : f32 to vector<32x128xf32>
    %add3A_156 = arith.addf %add3A_155, %exp3A_153 : vector<32x128xf32>
    %div3A_157 = arith.constant 1.000000e+00 : f32
    %div3A_158 = vector.broadcast %div3A_157 : f32 to vector<32x128xf32>
    %div3A_159 = arith.divf %div3A_158, %add3A_156 : vector<32x128xf32>
    %mul3A_160 = arith.constant 5.000000e-01 : f32
    %mul3A_161 = vector.broadcast %mul3A_160 : f32 to vector<32x128xf32>
    %mul3A_162 = arith.mulf %mul3A_133, %mul3A_161 : vector<32x128xf32>
    %sub3A_163 = arith.subf %add3A_106, %mul3A_162 : vector<32x128xf32>
    %mul3A_164 = arith.constant 5.000000e-01 : f32
    %mul3A_165 = vector.broadcast %mul3A_164 : f32 to vector<32x128xf32>
    %mul3A_166 = arith.mulf %mul3A_133, %mul3A_165 : vector<32x128xf32>
    %add3A_167 = arith.addf %add3A_106, %mul3A_166 : vector<32x128xf32>
    %mul3A_168 = arith.constant 5.000000e-01 : f32
    %mul3A_169 = vector.broadcast %mul3A_168 : f32 to vector<32x128xf32>
    %mul3A_170 = arith.mulf %mul3A_143, %mul3A_169 : vector<32x128xf32>
    %sub3A_171 = arith.subf %add3A_123, %mul3A_170 : vector<32x128xf32>
    %mul3A_172 = arith.constant 5.000000e-01 : f32
    %mul3A_173 = vector.broadcast %mul3A_172 : f32 to vector<32x128xf32>
    %mul3A_174 = arith.mulf %mul3A_143, %mul3A_173 : vector<32x128xf32>
    %add3A_175 = arith.addf %add3A_123, %mul3A_174 : vector<32x128xf32>
    %mul3A_176 = arith.mulf %mul3A_133, %mul3A_143 : vector<32x128xf32>
    %mul3A_177 = arith.mulf %div3A_159, %div3A_159 : vector<32x128xf32>
    %get3A_178 = arith.constant 0 : index
    %get3A_179 = arith.constant 10 : index
    %get3A_180 = arith.constant 0 : index
    %get3A_181 = vector.load %arg2[%get3A_178, %get3A_179, %get3A_180] : memref<1x16x4096xf32, #tpu.memory_space<vmem>>, vector<1x1x4096xf32>
    %get3A_182 = vector.shape_cast %get3A_181 : vector<1x1x4096xf32> to vector<4096xf32>
    %reshape3A_183 = vector.shape_cast %get3A_182 : vector<4096xf32> to vector<32x128xf32>
    %neg3A_184 = arith.constant 0.000000e+00 : f32
    %neg3A_185 = vector.broadcast %neg3A_184 : f32 to vector<32x128xf32>
    %neg3A_186 = arith.subf %neg3A_185, %reshape3A_183 : vector<32x128xf32>
    %exp3A_187 = math.exp %neg3A_186 : vector<32x128xf32>
    %add3A_188 = arith.constant 1.000000e+00 : f32
    %add3A_189 = vector.broadcast %add3A_188 : f32 to vector<32x128xf32>
    %add3A_190 = arith.addf %add3A_189, %exp3A_187 : vector<32x128xf32>
    %div3A_191 = arith.constant 1.000000e+00 : f32
    %div3A_192 = vector.broadcast %div3A_191 : f32 to vector<32x128xf32>
    %div3A_193 = arith.divf %div3A_192, %add3A_190 : vector<32x128xf32>
    %add3A_194 = arith.addf %div3A_193, %convert_element_type3A : vector<32x128xf32>
    %get3A_195 = arith.constant 0 : index
    %get3A_196 = arith.constant 11 : index
    %get3A_197 = arith.constant 0 : index
    %get3A_198 = vector.load %arg2[%get3A_195, %get3A_196, %get3A_197] : memref<1x16x4096xf32, #tpu.memory_space<vmem>>, vector<1x1x4096xf32>
    %get3A_199 = vector.shape_cast %get3A_198 : vector<1x1x4096xf32> to vector<4096xf32>
    %reshape3A_200 = vector.shape_cast %get3A_199 : vector<4096xf32> to vector<32x128xf32>
    %neg3A_201 = arith.constant 0.000000e+00 : f32
    %neg3A_202 = vector.broadcast %neg3A_201 : f32 to vector<32x128xf32>
    %neg3A_203 = arith.subf %neg3A_202, %reshape3A_200 : vector<32x128xf32>
    %exp3A_204 = math.exp %neg3A_203 : vector<32x128xf32>
    %add3A_205 = arith.constant 1.000000e+00 : f32
    %add3A_206 = vector.broadcast %add3A_205 : f32 to vector<32x128xf32>
    %add3A_207 = arith.addf %add3A_206, %exp3A_204 : vector<32x128xf32>
    %div3A_208 = arith.constant 1.000000e+00 : f32
    %div3A_209 = vector.broadcast %div3A_208 : f32 to vector<32x128xf32>
    %div3A_210 = arith.divf %div3A_209, %add3A_207 : vector<32x128xf32>
    %add3A_211 = arith.addf %div3A_210, %convert_element_type3A_7 : vector<32x128xf32>
    %get3A_212 = arith.constant 0 : index
    %get3A_213 = arith.constant 12 : index
    %get3A_214 = arith.constant 0 : index
    %get3A_215 = vector.load %arg2[%get3A_212, %get3A_213, %get3A_214] : memref<1x16x4096xf32, #tpu.memory_space<vmem>>, vector<1x1x4096xf32>
    %get3A_216 = vector.shape_cast %get3A_215 : vector<1x1x4096xf32> to vector<4096xf32>
    %reshape3A_217 = vector.shape_cast %get3A_216 : vector<4096xf32> to vector<32x128xf32>
    %exp3A_218 = math.exp %reshape3A_217 : vector<32x128xf32>
    %mul3A_219 = arith.constant 4.125000e+00 : f32
    %mul3A_220 = vector.broadcast %mul3A_219 : f32 to vector<32x128xf32>
    %mul3A_221 = arith.mulf %exp3A_218, %mul3A_220 : vector<32x128xf32>
    %get3A_222 = arith.constant 0 : index
    %get3A_223 = arith.constant 13 : index
    %get3A_224 = arith.constant 0 : index
    %get3A_225 = vector.load %arg2[%get3A_222, %get3A_223, %get3A_224] : memref<1x16x4096xf32, #tpu.memory_space<vmem>>, vector<1x1x4096xf32>
    %get3A_226 = vector.shape_cast %get3A_225 : vector<1x1x4096xf32> to vector<4096xf32>
    %reshape3A_227 = vector.shape_cast %get3A_226 : vector<4096xf32> to vector<32x128xf32>
    %exp3A_228 = math.exp %reshape3A_227 : vector<32x128xf32>
    %mul3A_229 = arith.constant 2.875000e+00 : f32
    %mul3A_230 = vector.broadcast %mul3A_229 : f32 to vector<32x128xf32>
    %mul3A_231 = arith.mulf %exp3A_228, %mul3A_230 : vector<32x128xf32>
    %get3A_232 = arith.constant 0 : index
    %get3A_233 = arith.constant 14 : index
    %get3A_234 = arith.constant 0 : index
    %get3A_235 = vector.load %arg2[%get3A_232, %get3A_233, %get3A_234] : memref<1x16x4096xf32, #tpu.memory_space<vmem>>, vector<1x1x4096xf32>
    %get3A_236 = vector.shape_cast %get3A_235 : vector<1x1x4096xf32> to vector<4096xf32>
    %reshape3A_237 = vector.shape_cast %get3A_236 : vector<4096xf32> to vector<32x128xf32>
    %neg3A_238 = arith.constant 0.000000e+00 : f32
    %neg3A_239 = vector.broadcast %neg3A_238 : f32 to vector<32x128xf32>
    %neg3A_240 = arith.subf %neg3A_239, %reshape3A_237 : vector<32x128xf32>
    %exp3A_241 = math.exp %neg3A_240 : vector<32x128xf32>
    %add3A_242 = arith.constant 1.000000e+00 : f32
    %add3A_243 = vector.broadcast %add3A_242 : f32 to vector<32x128xf32>
    %add3A_244 = arith.addf %add3A_243, %exp3A_241 : vector<32x128xf32>
    %div3A_245 = arith.constant 1.000000e+00 : f32
    %div3A_246 = vector.broadcast %div3A_245 : f32 to vector<32x128xf32>
    %div3A_247 = arith.divf %div3A_246, %add3A_244 : vector<32x128xf32>
    %mul3A_248 = arith.constant 5.000000e-01 : f32
    %mul3A_249 = vector.broadcast %mul3A_248 : f32 to vector<32x128xf32>
    %mul3A_250 = arith.mulf %mul3A_221, %mul3A_249 : vector<32x128xf32>
    %sub3A_251 = arith.subf %add3A_194, %mul3A_250 : vector<32x128xf32>
    %mul3A_252 = arith.constant 5.000000e-01 : f32
    %mul3A_253 = vector.broadcast %mul3A_252 : f32 to vector<32x128xf32>
    %mul3A_254 = arith.mulf %mul3A_221, %mul3A_253 : vector<32x128xf32>
    %add3A_255 = arith.addf %add3A_194, %mul3A_254 : vector<32x128xf32>
    %mul3A_256 = arith.constant 5.000000e-01 : f32
    %mul3A_257 = vector.broadcast %mul3A_256 : f32 to vector<32x128xf32>
    %mul3A_258 = arith.mulf %mul3A_231, %mul3A_257 : vector<32x128xf32>
    %sub3A_259 = arith.subf %add3A_211, %mul3A_258 : vector<32x128xf32>
    %mul3A_260 = arith.constant 5.000000e-01 : f32
    %mul3A_261 = vector.broadcast %mul3A_260 : f32 to vector<32x128xf32>
    %mul3A_262 = arith.mulf %mul3A_231, %mul3A_261 : vector<32x128xf32>
    %add3A_263 = arith.addf %add3A_211, %mul3A_262 : vector<32x128xf32>
    %mul3A_264 = arith.mulf %mul3A_221, %mul3A_231 : vector<32x128xf32>
    %mul3A_265 = arith.mulf %div3A_247, %div3A_247 : vector<32x128xf32>
    %broadcast_in_dim3A = arith.constant 0.000000e+00 : f32
    %broadcast_in_dim3A_266 = vector.broadcast %broadcast_in_dim3A : f32 to vector<32x128xf32>
    %scan3A = arith.constant 0 : i32
    %scan3A_267 = arith.constant 50 : i32
    %scan3A_268 = arith.addi %scan3A, %scan3A_267 : i32
    %scan3A_269 = arith.constant 1 : i32
    %scan3A_270:6 = scf.for %scan3A_386 = %scan3A to %scan3A_268 step %scan3A_269 iter_args(%scan3A_387 = %broadcast_in_dim3A_266, %scan3A_388 = %broadcast_in_dim3A_266, %scan3A_389 = %broadcast_in_dim3A_266, %scan3A_390 = %broadcast_in_dim3A_266, %scan3A_391 = %broadcast_in_dim3A_266, %scan3A_392 = %broadcast_in_dim3A_266) -> (vector<32x128xf32>, vector<32x128xf32>, vector<32x128xf32>, vector<32x128xf32>, vector<32x128xf32>, vector<32x128xf32>)  : i32 {
      %get3A_393 = arith.constant 0 : index
      %get3A_394 = arith.index_cast %arg0 : i32 to index
      %get3A_395 = arith.index_cast %scan3A_386 : i32 to index
      %get3A_396 = memref.load %arg1[%get3A_393, %get3A_394, %get3A_395] : memref<5x16x64xf32, #tpu.memory_space<smem>>
      %mul3A_397 = arith.constant 6.400000e+01 : f32
      %mul3A_398 = arith.mulf %get3A_396, %mul3A_397 : f32
      %get3A_399 = arith.constant 1 : index
      %get3A_400 = arith.index_cast %arg0 : i32 to index
      %get3A_401 = arith.index_cast %scan3A_386 : i32 to index
      %get3A_402 = memref.load %arg1[%get3A_399, %get3A_400, %get3A_401] : memref<5x16x64xf32, #tpu.memory_space<smem>>
      %mul3A_403 = arith.constant 6.400000e+01 : f32
      %mul3A_404 = arith.mulf %get3A_402, %mul3A_403 : f32
      %get3A_405 = arith.constant 2 : index
      %get3A_406 = arith.index_cast %arg0 : i32 to index
      %get3A_407 = arith.index_cast %scan3A_386 : i32 to index
      %get3A_408 = memref.load %arg1[%get3A_405, %get3A_406, %get3A_407] : memref<5x16x64xf32, #tpu.memory_space<smem>>
      %mul3A_409 = arith.constant 6.400000e+01 : f32
      %mul3A_410 = arith.mulf %get3A_408, %mul3A_409 : f32
      %get3A_411 = arith.constant 3 : index
      %get3A_412 = arith.index_cast %arg0 : i32 to index
      %get3A_413 = arith.index_cast %scan3A_386 : i32 to index
      %get3A_414 = memref.load %arg1[%get3A_411, %get3A_412, %get3A_413] : memref<5x16x64xf32, #tpu.memory_space<smem>>
      %mul3A_415 = arith.constant 6.400000e+01 : f32
      %mul3A_416 = arith.mulf %get3A_414, %mul3A_415 : f32
      %mul3A_417 = arith.constant 5.000000e-01 : f32
      %mul3A_418 = arith.mulf %mul3A_410, %mul3A_417 : f32
      %sub3A_419 = arith.subf %mul3A_398, %mul3A_418 : f32
      %mul3A_420 = arith.constant 5.000000e-01 : f32
      %mul3A_421 = arith.mulf %mul3A_410, %mul3A_420 : f32
      %add3A_422 = arith.addf %mul3A_398, %mul3A_421 : f32
      %mul3A_423 = arith.constant 5.000000e-01 : f32
      %mul3A_424 = arith.mulf %mul3A_416, %mul3A_423 : f32
      %sub3A_425 = arith.subf %mul3A_404, %mul3A_424 : f32
      %mul3A_426 = arith.constant 5.000000e-01 : f32
      %mul3A_427 = arith.mulf %mul3A_416, %mul3A_426 : f32
      %add3A_428 = arith.addf %mul3A_404, %mul3A_427 : f32
      %mul3A_429 = arith.mulf %mul3A_410, %mul3A_416 : f32
      %min3A = vector.broadcast %add3A_422 : f32 to vector<32x128xf32>
      %min3A_430 = arith.minimumf %add3A_79, %min3A : vector<32x128xf32>
      %max3A = vector.broadcast %sub3A_419 : f32 to vector<32x128xf32>
      %max3A_431 = arith.maximumf %sub3A, %max3A : vector<32x128xf32>
      %sub3A_432 = arith.subf %min3A_430, %max3A_431 : vector<32x128xf32>
      %max3A_433 = arith.constant 0.000000e+00 : f32
      %max3A_434 = vector.broadcast %max3A_433 : f32 to vector<32x128xf32>
      %max3A_435 = arith.maximumf %sub3A_432, %max3A_434 : vector<32x128xf32>
      %min3A_436 = vector.broadcast %add3A_428 : f32 to vector<32x128xf32>
      %min3A_437 = arith.minimumf %add3A_87, %min3A_436 : vector<32x128xf32>
      %max3A_438 = vector.broadcast %sub3A_425 : f32 to vector<32x128xf32>
      %max3A_439 = arith.maximumf %sub3A_83, %max3A_438 : vector<32x128xf32>
      %sub3A_440 = arith.subf %min3A_437, %max3A_439 : vector<32x128xf32>
      %max3A_441 = arith.constant 0.000000e+00 : f32
      %max3A_442 = vector.broadcast %max3A_441 : f32 to vector<32x128xf32>
      %max3A_443 = arith.maximumf %sub3A_440, %max3A_442 : vector<32x128xf32>
      %mul3A_444 = arith.mulf %max3A_435, %max3A_443 : vector<32x128xf32>
      %add3A_445 = vector.broadcast %mul3A_429 : f32 to vector<32x128xf32>
      %add3A_446 = arith.addf %mul3A_88, %add3A_445 : vector<32x128xf32>
      %sub3A_447 = arith.subf %add3A_446, %mul3A_444 : vector<32x128xf32>
      %max3A_448 = arith.constant 9.99999996E-13 : f32
      %max3A_449 = vector.broadcast %max3A_448 : f32 to vector<32x128xf32>
      %max3A_450 = arith.maximumf %sub3A_447, %max3A_449 : vector<32x128xf32>
      %mul3A_451 = arith.constant 0.699999988 : f32
      %mul3A_452 = vector.broadcast %mul3A_451 : f32 to vector<32x128xf32>
      %mul3A_453 = arith.mulf %mul3A_452, %max3A_450 : vector<32x128xf32>
      %ge3A = arith.cmpf oge, %mul3A_444, %mul3A_453 : vector<32x128xf32>
      %jit3A_454 = arith.constant 1.000000e+00 : f32
      %jit3A_455 = arith.constant 0.000000e+00 : f32
      %broadcast_in_dim3A_456 = vector.broadcast %jit3A_454 : f32 to vector<32x128xf32>
      %broadcast_in_dim3A_457 = vector.broadcast %jit3A_455 : f32 to vector<32x128xf32>
      %select_n3A_458 = arith.select %ge3A, %broadcast_in_dim3A_456, %broadcast_in_dim3A_457 : vector<32x128xi1>, vector<32x128xf32>
      %max3A_459 = arith.maximumf %scan3A_387, %select_n3A_458 : vector<32x128xf32>
      %gt3A = arith.cmpf ogt, %mul3A_444, %mul3A_453 : vector<32x128xf32>
      %jit3A_460 = arith.constant 1.000000e+00 : f32
      %jit3A_461 = arith.constant 0.000000e+00 : f32
      %broadcast_in_dim3A_462 = vector.broadcast %jit3A_460 : f32 to vector<32x128xf32>
      %broadcast_in_dim3A_463 = vector.broadcast %jit3A_461 : f32 to vector<32x128xf32>
      %select_n3A_464 = arith.select %gt3A, %broadcast_in_dim3A_462, %broadcast_in_dim3A_463 : vector<32x128xi1>, vector<32x128xf32>
      %max3A_465 = arith.maximumf %scan3A_388, %select_n3A_464 : vector<32x128xf32>
      %min3A_466 = vector.broadcast %add3A_422 : f32 to vector<32x128xf32>
      %min3A_467 = arith.minimumf %add3A_167, %min3A_466 : vector<32x128xf32>
      %max3A_468 = vector.broadcast %sub3A_419 : f32 to vector<32x128xf32>
      %max3A_469 = arith.maximumf %sub3A_163, %max3A_468 : vector<32x128xf32>
      %sub3A_470 = arith.subf %min3A_467, %max3A_469 : vector<32x128xf32>
      %max3A_471 = arith.constant 0.000000e+00 : f32
      %max3A_472 = vector.broadcast %max3A_471 : f32 to vector<32x128xf32>
      %max3A_473 = arith.maximumf %sub3A_470, %max3A_472 : vector<32x128xf32>
      %min3A_474 = vector.broadcast %add3A_428 : f32 to vector<32x128xf32>
      %min3A_475 = arith.minimumf %add3A_175, %min3A_474 : vector<32x128xf32>
      %max3A_476 = vector.broadcast %sub3A_425 : f32 to vector<32x128xf32>
      %max3A_477 = arith.maximumf %sub3A_171, %max3A_476 : vector<32x128xf32>
      %sub3A_478 = arith.subf %min3A_475, %max3A_477 : vector<32x128xf32>
      %max3A_479 = arith.constant 0.000000e+00 : f32
      %max3A_480 = vector.broadcast %max3A_479 : f32 to vector<32x128xf32>
      %max3A_481 = arith.maximumf %sub3A_478, %max3A_480 : vector<32x128xf32>
      %mul3A_482 = arith.mulf %max3A_473, %max3A_481 : vector<32x128xf32>
      %add3A_483 = vector.broadcast %mul3A_429 : f32 to vector<32x128xf32>
      %add3A_484 = arith.addf %mul3A_176, %add3A_483 : vector<32x128xf32>
      %sub3A_485 = arith.subf %add3A_484, %mul3A_482 : vector<32x128xf32>
      %max3A_486 = arith.constant 9.99999996E-13 : f32
      %max3A_487 = vector.broadcast %max3A_486 : f32 to vector<32x128xf32>
      %max3A_488 = arith.maximumf %sub3A_485, %max3A_487 : vector<32x128xf32>
      %mul3A_489 = arith.constant 0.699999988 : f32
      %mul3A_490 = vector.broadcast %mul3A_489 : f32 to vector<32x128xf32>
      %mul3A_491 = arith.mulf %mul3A_490, %max3A_488 : vector<32x128xf32>
      %ge3A_492 = arith.cmpf oge, %mul3A_482, %mul3A_491 : vector<32x128xf32>
      %jit3A_493 = arith.constant 1.000000e+00 : f32
      %jit3A_494 = arith.constant 0.000000e+00 : f32
      %broadcast_in_dim3A_495 = vector.broadcast %jit3A_493 : f32 to vector<32x128xf32>
      %broadcast_in_dim3A_496 = vector.broadcast %jit3A_494 : f32 to vector<32x128xf32>
      %select_n3A_497 = arith.select %ge3A_492, %broadcast_in_dim3A_495, %broadcast_in_dim3A_496 : vector<32x128xi1>, vector<32x128xf32>
      %max3A_498 = arith.maximumf %scan3A_389, %select_n3A_497 : vector<32x128xf32>
      %gt3A_499 = arith.cmpf ogt, %mul3A_482, %mul3A_491 : vector<32x128xf32>
      %jit3A_500 = arith.constant 1.000000e+00 : f32
      %jit3A_501 = arith.constant 0.000000e+00 : f32
      %broadcast_in_dim3A_502 = vector.broadcast %jit3A_500 : f32 to vector<32x128xf32>
      %broadcast_in_dim3A_503 = vector.broadcast %jit3A_501 : f32 to vector<32x128xf32>
      %select_n3A_504 = arith.select %gt3A_499, %broadcast_in_dim3A_502, %broadcast_in_dim3A_503 : vector<32x128xi1>, vector<32x128xf32>
      %max3A_505 = arith.maximumf %scan3A_390, %select_n3A_504 : vector<32x128xf32>
      %min3A_506 = vector.broadcast %add3A_422 : f32 to vector<32x128xf32>
      %min3A_507 = arith.minimumf %add3A_255, %min3A_506 : vector<32x128xf32>
      %max3A_508 = vector.broadcast %sub3A_419 : f32 to vector<32x128xf32>
      %max3A_509 = arith.maximumf %sub3A_251, %max3A_508 : vector<32x128xf32>
      %sub3A_510 = arith.subf %min3A_507, %max3A_509 : vector<32x128xf32>
      %max3A_511 = arith.constant 0.000000e+00 : f32
      %max3A_512 = vector.broadcast %max3A_511 : f32 to vector<32x128xf32>
      %max3A_513 = arith.maximumf %sub3A_510, %max3A_512 : vector<32x128xf32>
      %min3A_514 = vector.broadcast %add3A_428 : f32 to vector<32x128xf32>
      %min3A_515 = arith.minimumf %add3A_263, %min3A_514 : vector<32x128xf32>
      %max3A_516 = vector.broadcast %sub3A_425 : f32 to vector<32x128xf32>
      %max3A_517 = arith.maximumf %sub3A_259, %max3A_516 : vector<32x128xf32>
      %sub3A_518 = arith.subf %min3A_515, %max3A_517 : vector<32x128xf32>
      %max3A_519 = arith.constant 0.000000e+00 : f32
      %max3A_520 = vector.broadcast %max3A_519 : f32 to vector<32x128xf32>
      %max3A_521 = arith.maximumf %sub3A_518, %max3A_520 : vector<32x128xf32>
      %mul3A_522 = arith.mulf %max3A_513, %max3A_521 : vector<32x128xf32>
      %add3A_523 = vector.broadcast %mul3A_429 : f32 to vector<32x128xf32>
      %add3A_524 = arith.addf %mul3A_264, %add3A_523 : vector<32x128xf32>
      %sub3A_525 = arith.subf %add3A_524, %mul3A_522 : vector<32x128xf32>
      %max3A_526 = arith.constant 9.99999996E-13 : f32
      %max3A_527 = vector.broadcast %max3A_526 : f32 to vector<32x128xf32>
      %max3A_528 = arith.maximumf %sub3A_525, %max3A_527 : vector<32x128xf32>
      %mul3A_529 = arith.constant 0.699999988 : f32
      %mul3A_530 = vector.broadcast %mul3A_529 : f32 to vector<32x128xf32>
      %mul3A_531 = arith.mulf %mul3A_530, %max3A_528 : vector<32x128xf32>
      %ge3A_532 = arith.cmpf oge, %mul3A_522, %mul3A_531 : vector<32x128xf32>
      %jit3A_533 = arith.constant 1.000000e+00 : f32
      %jit3A_534 = arith.constant 0.000000e+00 : f32
      %broadcast_in_dim3A_535 = vector.broadcast %jit3A_533 : f32 to vector<32x128xf32>
      %broadcast_in_dim3A_536 = vector.broadcast %jit3A_534 : f32 to vector<32x128xf32>
      %select_n3A_537 = arith.select %ge3A_532, %broadcast_in_dim3A_535, %broadcast_in_dim3A_536 : vector<32x128xi1>, vector<32x128xf32>
      %max3A_538 = arith.maximumf %scan3A_391, %select_n3A_537 : vector<32x128xf32>
      %gt3A_539 = arith.cmpf ogt, %mul3A_522, %mul3A_531 : vector<32x128xf32>
      %jit3A_540 = arith.constant 1.000000e+00 : f32
      %jit3A_541 = arith.constant 0.000000e+00 : f32
      %broadcast_in_dim3A_542 = vector.broadcast %jit3A_540 : f32 to vector<32x128xf32>
      %broadcast_in_dim3A_543 = vector.broadcast %jit3A_541 : f32 to vector<32x128xf32>
      %select_n3A_544 = arith.select %gt3A_539, %broadcast_in_dim3A_542, %broadcast_in_dim3A_543 : vector<32x128xi1>, vector<32x128xf32>
      %max3A_545 = arith.maximumf %scan3A_392, %select_n3A_544 : vector<32x128xf32>
      scf.yield %max3A_459, %max3A_465, %max3A_498, %max3A_505, %max3A_538, %max3A_545 : vector<32x128xf32>, vector<32x128xf32>, vector<32x128xf32>, vector<32x128xf32>, vector<32x128xf32>, vector<32x128xf32>
    }
    %scan3A_271 = arith.constant 50 : i32
    %iota3A_272 = tpu.iota {dimensions = array<i32: 1>} : vector<1x128xi32>
    %iota3A_273 = vector.shape_cast %iota3A_272 : vector<1x128xi32> to vector<128xi32>
    %reduce_sum3A = vector.shape_cast %mul3A_89 : vector<32x128xf32> to vector<1x32x128xf32>
    %reduce_sum3A_274 = arith.constant dense<0.000000e+00> : vector<1xf32>
    %reduce_sum3A_275 = vector.multi_reduction <add>, %reduce_sum3A, %reduce_sum3A_274 [1, 2] : vector<1x32x128xf32> to vector<1xf32>
    %reduce_sum3A_276 = vector.shape_cast %reduce_sum3A_275 : vector<1xf32> to vector<1x1x1xf32>
    %reduce_sum3A_277 = vector.extract %reduce_sum3A_276[0, 0, 0] : f32 from vector<1x1x1xf32>
    %mul3A_278 = arith.mulf %scan3A_270#0, %mul3A_89 : vector<32x128xf32>
    %reduce_sum3A_279 = vector.shape_cast %mul3A_278 : vector<32x128xf32> to vector<1x32x128xf32>
    %reduce_sum3A_280 = arith.constant dense<0.000000e+00> : vector<1xf32>
    %reduce_sum3A_281 = vector.multi_reduction <add>, %reduce_sum3A_279, %reduce_sum3A_280 [1, 2] : vector<1x32x128xf32> to vector<1xf32>
    %reduce_sum3A_282 = vector.shape_cast %reduce_sum3A_281 : vector<1xf32> to vector<1x1x1xf32>
    %reduce_sum3A_283 = vector.extract %reduce_sum3A_282[0, 0, 0] : f32 from vector<1x1x1xf32>
    %reduce_sum3A_284 = vector.shape_cast %scan3A_270#1 : vector<32x128xf32> to vector<1x32x128xf32>
    %reduce_sum3A_285 = arith.constant dense<0.000000e+00> : vector<1xf32>
    %reduce_sum3A_286 = vector.multi_reduction <add>, %reduce_sum3A_284, %reduce_sum3A_285 [1, 2] : vector<1x32x128xf32> to vector<1xf32>
    %reduce_sum3A_287 = vector.shape_cast %reduce_sum3A_286 : vector<1xf32> to vector<1x1x1xf32>
    %reduce_sum3A_288 = vector.extract %reduce_sum3A_287[0, 0, 0] : f32 from vector<1x1x1xf32>
    %eq3A = arith.constant 0 : i32
    %eq3A_289 = vector.broadcast %eq3A : i32 to vector<128xi32>
    %eq3A_290 = arith.cmpi eq, %iota3A_273, %eq3A_289 : vector<128xi32>
    %eq3A_291 = arith.constant 1 : i32
    %eq3A_292 = vector.broadcast %eq3A_291 : i32 to vector<128xi32>
    %eq3A_293 = arith.cmpi eq, %iota3A_273, %eq3A_292 : vector<128xi32>
    %eq3A_294 = arith.constant 2 : i32
    %eq3A_295 = vector.broadcast %eq3A_294 : i32 to vector<128xi32>
    %eq3A_296 = arith.cmpi eq, %iota3A_273, %eq3A_295 : vector<128xi32>
    %jit3A = arith.constant 0.000000e+00 : f32
    %broadcast_in_dim3A_297 = vector.broadcast %reduce_sum3A_288 : f32 to vector<128xf32>
    %broadcast_in_dim3A_298 = vector.broadcast %jit3A : f32 to vector<128xf32>
    %select_n3A = arith.select %eq3A_296, %broadcast_in_dim3A_297, %broadcast_in_dim3A_298 : vector<128xi1>, vector<128xf32>
    %broadcast_in_dim3A_299 = vector.broadcast %reduce_sum3A_283 : f32 to vector<128xf32>
    %select_n3A_300 = arith.select %eq3A_293, %broadcast_in_dim3A_299, %select_n3A : vector<128xi1>, vector<128xf32>
    %broadcast_in_dim3A_301 = vector.broadcast %reduce_sum3A_277 : f32 to vector<128xf32>
    %select_n3A_302 = arith.select %eq3A_290, %broadcast_in_dim3A_301, %select_n3A_300 : vector<128xi1>, vector<128xf32>
    %swap3A = arith.constant 0 : index
    %swap3A_303 = arith.constant 0 : index
    %swap3A_304 = arith.constant 0 : index
    %swap3A_305 = vector.load %arg3[%swap3A, %swap3A_303, %swap3A_304] : memref<1x3x128xf32, #tpu.memory_space<vmem>>, vector<1x1x128xf32>
    %swap3A_306 = vector.shape_cast %swap3A_305 : vector<1x1x128xf32> to vector<128xf32>
    %swap3A_307 = vector.shape_cast %select_n3A_302 : vector<128xf32> to vector<1x1x128xf32>
    tpu.vector_store %arg3[%swap3A, %swap3A_303, %swap3A_304], %swap3A_307 {strides = array<i32>} : memref<1x3x128xf32, #tpu.memory_space<vmem>>, vector<1x1x128xf32>,
    %reduce_sum3A_308 = vector.shape_cast %mul3A_177 : vector<32x128xf32> to vector<1x32x128xf32>
    %reduce_sum3A_309 = arith.constant dense<0.000000e+00> : vector<1xf32>
    %reduce_sum3A_310 = vector.multi_reduction <add>, %reduce_sum3A_308, %reduce_sum3A_309 [1, 2] : vector<1x32x128xf32> to vector<1xf32>
    %reduce_sum3A_311 = vector.shape_cast %reduce_sum3A_310 : vector<1xf32> to vector<1x1x1xf32>
    %reduce_sum3A_312 = vector.extract %reduce_sum3A_311[0, 0, 0] : f32 from vector<1x1x1xf32>
    %mul3A_313 = arith.mulf %scan3A_270#2, %mul3A_177 : vector<32x128xf32>
    %reduce_sum3A_314 = vector.shape_cast %mul3A_313 : vector<32x128xf32> to vector<1x32x128xf32>
    %reduce_sum3A_315 = arith.constant dense<0.000000e+00> : vector<1xf32>
    %reduce_sum3A_316 = vector.multi_reduction <add>, %reduce_sum3A_314, %reduce_sum3A_315 [1, 2] : vector<1x32x128xf32> to vector<1xf32>
    %reduce_sum3A_317 = vector.shape_cast %reduce_sum3A_316 : vector<1xf32> to vector<1x1x1xf32>
    %reduce_sum3A_318 = vector.extract %reduce_sum3A_317[0, 0, 0] : f32 from vector<1x1x1xf32>
    %reduce_sum3A_319 = vector.shape_cast %scan3A_270#3 : vector<32x128xf32> to vector<1x32x128xf32>
    %reduce_sum3A_320 = arith.constant dense<0.000000e+00> : vector<1xf32>
    %reduce_sum3A_321 = vector.multi_reduction <add>, %reduce_sum3A_319, %reduce_sum3A_320 [1, 2] : vector<1x32x128xf32> to vector<1xf32>
    %reduce_sum3A_322 = vector.shape_cast %reduce_sum3A_321 : vector<1xf32> to vector<1x1x1xf32>
    %reduce_sum3A_323 = vector.extract %reduce_sum3A_322[0, 0, 0] : f32 from vector<1x1x1xf32>
    %eq3A_324 = arith.constant 0 : i32
    %eq3A_325 = vector.broadcast %eq3A_324 : i32 to vector<128xi32>
    %eq3A_326 = arith.cmpi eq, %iota3A_273, %eq3A_325 : vector<128xi32>
    %eq3A_327 = arith.constant 1 : i32
    %eq3A_328 = vector.broadcast %eq3A_327 : i32 to vector<128xi32>
    %eq3A_329 = arith.cmpi eq, %iota3A_273, %eq3A_328 : vector<128xi32>
    %eq3A_330 = arith.constant 2 : i32
    %eq3A_331 = vector.broadcast %eq3A_330 : i32 to vector<128xi32>
    %eq3A_332 = arith.cmpi eq, %iota3A_273, %eq3A_331 : vector<128xi32>
    %jit3A_333 = arith.constant 0.000000e+00 : f32
    %broadcast_in_dim3A_334 = vector.broadcast %reduce_sum3A_323 : f32 to vector<128xf32>
    %broadcast_in_dim3A_335 = vector.broadcast %jit3A_333 : f32 to vector<128xf32>
    %select_n3A_336 = arith.select %eq3A_332, %broadcast_in_dim3A_334, %broadcast_in_dim3A_335 : vector<128xi1>, vector<128xf32>
    %broadcast_in_dim3A_337 = vector.broadcast %reduce_sum3A_318 : f32 to vector<128xf32>
    %select_n3A_338 = arith.select %eq3A_329, %broadcast_in_dim3A_337, %select_n3A_336 : vector<128xi1>, vector<128xf32>
    %broadcast_in_dim3A_339 = vector.broadcast %reduce_sum3A_312 : f32 to vector<128xf32>
    %select_n3A_340 = arith.select %eq3A_326, %broadcast_in_dim3A_339, %select_n3A_338 : vector<128xi1>, vector<128xf32>
    %swap3A_341 = arith.constant 0 : index
    %swap3A_342 = arith.constant 1 : index
    %swap3A_343 = arith.constant 0 : index
    %swap3A_344 = vector.load %arg3[%swap3A_341, %swap3A_342, %swap3A_343] : memref<1x3x128xf32, #tpu.memory_space<vmem>>, vector<1x1x128xf32>
    %swap3A_345 = vector.shape_cast %swap3A_344 : vector<1x1x128xf32> to vector<128xf32>
    %swap3A_346 = vector.shape_cast %select_n3A_340 : vector<128xf32> to vector<1x1x128xf32>
    tpu.vector_store %arg3[%swap3A_341, %swap3A_342, %swap3A_343], %swap3A_346 {strides = array<i32>} : memref<1x3x128xf32, #tpu.memory_space<vmem>>, vector<1x1x128xf32>,
    %reduce_sum3A_347 = vector.shape_cast %mul3A_265 : vector<32x128xf32> to vector<1x32x128xf32>
    %reduce_sum3A_348 = arith.constant dense<0.000000e+00> : vector<1xf32>
    %reduce_sum3A_349 = vector.multi_reduction <add>, %reduce_sum3A_347, %reduce_sum3A_348 [1, 2] : vector<1x32x128xf32> to vector<1xf32>
    %reduce_sum3A_350 = vector.shape_cast %reduce_sum3A_349 : vector<1xf32> to vector<1x1x1xf32>
    %reduce_sum3A_351 = vector.extract %reduce_sum3A_350[0, 0, 0] : f32 from vector<1x1x1xf32>
    %mul3A_352 = arith.mulf %scan3A_270#4, %mul3A_265 : vector<32x128xf32>
    %reduce_sum3A_353 = vector.shape_cast %mul3A_352 : vector<32x128xf32> to vector<1x32x128xf32>
    %reduce_sum3A_354 = arith.constant dense<0.000000e+00> : vector<1xf32>
    %reduce_sum3A_355 = vector.multi_reduction <add>, %reduce_sum3A_353, %reduce_sum3A_354 [1, 2] : vector<1x32x128xf32> to vector<1xf32>
    %reduce_sum3A_356 = vector.shape_cast %reduce_sum3A_355 : vector<1xf32> to vector<1x1x1xf32>
    %reduce_sum3A_357 = vector.extract %reduce_sum3A_356[0, 0, 0] : f32 from vector<1x1x1xf32>
    %reduce_sum3A_358 = vector.shape_cast %scan3A_270#5 : vector<32x128xf32> to vector<1x32x128xf32>
    %reduce_sum3A_359 = arith.constant dense<0.000000e+00> : vector<1xf32>
    %reduce_sum3A_360 = vector.multi_reduction <add>, %reduce_sum3A_358, %reduce_sum3A_359 [1, 2] : vector<1x32x128xf32> to vector<1xf32>
    %reduce_sum3A_361 = vector.shape_cast %reduce_sum3A_360 : vector<1xf32> to vector<1x1x1xf32>
    %reduce_sum3A_362 = vector.extract %reduce_sum3A_361[0, 0, 0] : f32 from vector<1x1x1xf32>
    %eq3A_363 = arith.constant 0 : i32
    %eq3A_364 = vector.broadcast %eq3A_363 : i32 to vector<128xi32>
    %eq3A_365 = arith.cmpi eq, %iota3A_273, %eq3A_364 : vector<128xi32>
    %eq3A_366 = arith.constant 1 : i32
    %eq3A_367 = vector.broadcast %eq3A_366 : i32 to vector<128xi32>
    %eq3A_368 = arith.cmpi eq, %iota3A_273, %eq3A_367 : vector<128xi32>
    %eq3A_369 = arith.constant 2 : i32
    %eq3A_370 = vector.broadcast %eq3A_369 : i32 to vector<128xi32>
    %eq3A_371 = arith.cmpi eq, %iota3A_273, %eq3A_370 : vector<128xi32>
    %jit3A_372 = arith.constant 0.000000e+00 : f32
    %broadcast_in_dim3A_373 = vector.broadcast %reduce_sum3A_362 : f32 to vector<128xf32>
    %broadcast_in_dim3A_374 = vector.broadcast %jit3A_372 : f32 to vector<128xf32>
    %select_n3A_375 = arith.select %eq3A_371, %broadcast_in_dim3A_373, %broadcast_in_dim3A_374 : vector<128xi1>, vector<128xf32>
    %broadcast_in_dim3A_376 = vector.broadcast %reduce_sum3A_357 : f32 to vector<128xf32>
    %select_n3A_377 = arith.select %eq3A_368, %broadcast_in_dim3A_376, %select_n3A_375 : vector<128xi1>, vector<128xf32>
    %broadcast_in_dim3A_378 = vector.broadcast %reduce_sum3A_351 : f32 to vector<128xf32>
    %select_n3A_379 = arith.select %eq3A_365, %broadcast_in_dim3A_378, %select_n3A_377 : vector<128xi1>, vector<128xf32>
    %swap3A_380 = arith.constant 0 : index
    %swap3A_381 = arith.constant 2 : index
    %swap3A_382 = arith.constant 0 : index
    %swap3A_383 = vector.load %arg3[%swap3A_380, %swap3A_381, %swap3A_382] : memref<1x3x128xf32, #tpu.memory_space<vmem>>, vector<1x1x128xf32>
    %swap3A_384 = vector.shape_cast %swap3A_383 : vector<1x1x128xf32> to vector<128xf32>
    %swap3A_385 = vector.shape_cast %select_n3A_379 : vector<128xf32> to vector<1x1x128xf32>
    tpu.vector_store %arg3[%swap3A_380, %swap3A_381, %swap3A_382], %swap3A_385 {strides = array<i32>} : memref<1x3x128xf32, #tpu.memory_space<vmem>>, vector<1x1x128xf32>,
    return
  }
  func.func @transform_0(%arg0: i32) -> (i32, i32, i32) {
    %c0_i32 = arith.constant 0 : i32
    %c0_i32_0 = arith.constant 0 : i32
    %c0_i32_1 = arith.constant 0 : i32
    %c0_i32_2 = arith.constant 0 : i32
    return %c0_i32, %c0_i32_0, %c0_i32_1 : i32, i32, i32
  }
  func.func @transform_1(%arg0: i32) -> (i32, i32, i32) {
    %c0_i32 = arith.constant 0 : i32
    %c0_i32_0 = arith.constant 0 : i32
    %c0_i32_1 = arith.constant 0 : i32
    return %arg0, %c0_i32, %c0_i32_0 : i32, i32, i32
  }
  func.func @transform_2(%arg0: i32) -> (i32, i32, i32) {
    %c0_i32 = arith.constant 0 : i32
    %c0_i32_0 = arith.constant 0 : i32
    %c0_i32_1 = arith.constant 0 : i32
    return %arg0, %c0_i32, %c0_i32_0 : i32, i32, i32
  }
}

</mosaic_0001>

<sc_bundles>
// kernel: kernel.4.cloned.1.call-start
scs
__scs_entry_jumppad:
0x0: {  	(pc) =	sbr.rel $0x88, $3  }
0x1: {  	(tag) =	ssettag $0x0;
	lr =	simm.s32 $0x1  }
0x2: {  	[smem:$0x3F9F] =	sst lr;
	_ =	strace $0xD0000000  }
0x3: {  	_ = 	snop  }
0x4: {  	_ = 	snop  }
0x5: {  	_ = 	snop  }
0x6: {  	_ = 	snop  }
0x7: {  	_ = 	snop  }
__scs_overlays_trampoline_lowered:
0x8: {  	[smem:$0x3FAE] =	sst s0  }
0x9: {  	[smem:$0x3FAF] =	sst s1  }
0xa: {  	[smem:$0x3FB0] =	sst s2  }
0xb: {  	[smem:$0x3FB1] =	sst s3  }
0xc: {  	[smem:$0x3FB2] =	sst s4  }
0xd: {  	[smem:$0x3FB3] =	sst s5  }
0xe: {  	[smem:$0x3FB4] =	sst s6  }
0xf: {  	[smem:$0x3FB5] =	sst s7  }
0x10: {  	[smem:$0x3FB6] =	sst s8  }
0x11: {  	[smem:$0x3FB7] =	sst s9;
	s0 =	simm.s32 @!p0 $0x0  }
0x12: {  	s1 =	sld [smem:$0x3F9D];
	s0 =	simm.s32 @p0 $0x1  }
0x13: {  	[smem:$0x3FB8] =	sst s0;
	s0 =	simm.s32 @!p1 $0x0  }
0x14: {  	s2 =	sld [smem:$0x3F9C];
	s0 =	simm.s32 @p1 $0x1  }
0x15: {  	[smem:$0x3FB9] =	sst s0;
	s0 =	simm.s32 @!p2 $0x0  }
0x16: {  	s3 =	sld [smem:$0x3FDB];
	s0 =	simm.s32 @p2 $0x1  }
0x17: {  	s4 =	simm.s32 $0x1BF5;
	[smem:$0x3FBB] =	sst s0  }
0x18: {  	s0 =	sld [smem:$0x3F9E];
	_ =	swait.ge [sflag:s4], $0x0  }
0x19: {  	s7 =	sld [smem:$0x3F9F]  }
0x1a: {  	s8 =	sadd.s32 $0xFFFFE003, lr  }
0x1b: {  	s9 =	sadd.s32 $0xFFFFFEF7, lr;
	s5 =	simm.s32 $0xFFFFFFFF;
	p2 =	slt.u32 s8, $0xFFFFF086  }
0x1c: {  	p1 =	slt.u32 s9, $0xF7A;
	s5 =	simm.s32 @!p2 $0x0  }
0x1d: {  	s5 =	simm.s32 @p1 $0x1;
	p0 =	seq.s32 s7, s2  }
0x1e: {  	s7 =	smul.u32 @!p0 $0xF7A, s2;
	p2 =	seq.s32 @!p0 s5, $0x0  }
0x1f: {  	s9 =	smul.u32 $0xF7A, s1;
	s8 =	simm.s32 @!p0 $0x1BF5;
	p2 =	por !p2, p0  }
0x20: {  	[sflag:s8] =	ssyncset.s32 @!p0 $0xFFFFF086;
	s6 =	sadd.s32 @!p0 s3, s7;
	s7 =	simm.s32 @!p0 $0x108  }
0x21: {  	s3 =	sadd.s32 s3, s9;
	s6 =	sadd.s32 @!p0 $0x88, s6;
	s7 =	simm.s32 @p2 $0x1082  }
0x22: {  	[simem:s7], [sflag:s8] =	dma.local @!p0 [hbm:s6], $0xF7A  }
0x23: {  	s9 =	sor.u32 $0xD0000000, s2;
	s6 =	simm.s32 $0x108;
	_ =	swait.ge @!p0 [sflag:s8], $0x0  }
0x24: {  	s3 =	sadd.s32 $0x88, s3;
	s6 =	simm.s32 @!p1 $0x1082;
	[sflag:s4] =	ssyncset.s32 $0xFFFFF086  }
0x25: {  	[simem:s6], [sflag:s4] =	dma.local [hbm:s3], $0xF7A  }
0x26: {  	[smem:$0x3F9F] =	sst s1;
	(tag) =	ssettag s2;
	_ =	strace s9  }
0x27: {  	s1 =	sld [smem:$0x3FAF]  }
0x28: {  	s2 =	sld [smem:$0x3FB0]  }
0x29: {  	s4 =	sld [smem:$0x3FB2]  }
0x2a: {  	p0 =	seq.s32 s5, $0x0;
	s5 =	sld [smem:$0x3FB3]  }
0x2b: {  	s6 =	sld [smem:$0x3FB4]  }
0x2c: {  	s7 =	sld [smem:$0x3FB5]  }
0x2d: {  	s3 =	simm.s32 $0x108;
	s8 =	sld [smem:$0x3FB6]  }
0x2e: {  	s3 =	simm.s32 @!p0 $0x1082;
	s9 =	sld [smem:$0x3FB7]  }
0x2f: {  	lr =	sadd.s32 s0, s3;
	s0 =	sld [smem:$0x3FAE]  }
0x30: {  	s3 =	sld [smem:$0x3FB1]  }
0x31: {  	[smem:$0x3FBA] =	sst s10  }
0x32: {  	s10 =	sld [smem:$0x3FB8];
	_ =	sdelay $0x3  }
0x33: {  	p0 =	seq.s32 s10, $0x1;
	s10 =	sld [smem:$0x3FBA];
	_ =	sdelay $0x3  }
0x34: {  	[smem:$0x3FBA] =	sst s10  }
0x35: {  	s10 =	sld [smem:$0x3FB9];
	_ =	sdelay $0x3  }
0x36: {  	p1 =	seq.s32 s10, $0x1;
	s10 =	sld [smem:$0x3FBA];
	_ =	sdelay $0x3  }
0x37: {  	[smem:$0x3FBA] =	sst s10  }
0x38: {  	s10 =	sld [smem:$0x3FBB]  }
0x39: {  	_ = 	snop;
	(pc) =	sbr.ind lr, $3  }
0x3a: {  	_ = 	snop  }
0x3b: {  	_ = 	snop  }
0x3c: {  	p2 =	seq.s32 s10, $0x1;
	s10 =	sld [smem:$0x3FBA]  }
0x3d: {  	_ =	shalt  }
0x3e: {  	_ =	shalt  }
0x3f: {  	_ =	shalt  }
0x40: {  	_ =	shalt  }
0x41: {  	_ =	shalt  }
0x42: {  	_ =	shalt  }
0x43: {  	_ =	shalt  }
0x44: {  	_ =	shalt  }
0x45: {  	_ =	shalt  }
0x46: {  	_ =	shalt  }
0x47: {  	_ =	shalt  }
0x48: {  	_ =	shalt  }
0x49: {  	_ =	shalt  }
0x4a: {  	_ =	shalt  }
0x4b: {  	_ =	shalt  }
0x4c: {  	_ =	shalt  }
0x4d: {  	_ =	shalt  }
0x4e: {  	_ =	shalt  }
0x4f: {  	_ =	shalt  }
0x50: {  	_ =	shalt  }
0x51: {  	_ =	shalt  }
0x52: {  	_ =	shalt  }
0x53: {  	_ =	shalt  }
0x54: {  	_ =	shalt  }
0x55: {  	_ =	shalt  }
0x56: {  	_ =	shalt  }
0x57: {  	_ =	shalt  }
0x58: {  	_ =	shalt  }
0x59: {  	_ =	shalt  }
0x5a: {  	_ =	shalt  }
0x5b: {  	_ =	shalt  }
0x5c: {  	_ =	shalt  }
0x5d: {  	_ =	shalt  }
0x5e: {  	_ =	shalt  }
0x5f: {  	_ =	shalt  }
0x60: {  	_ =	shalt  }
0x61: {  	_ =	shalt  }
0x62: {  	_ =	shalt  }
0x63: {  	_ =	shalt  }
0x64: {  	_ =	shalt  }
0x65: {  	_ =	shalt  }
0x66: {  	_ =	shalt  }
0x67: {  	_ =	shalt  }
0x68: {  	_ =	shalt  }
0x69: {  	_ =	shalt  }
0x6a: {  	_ =	shalt  }
0x6b: {  	_ =	shalt  }
0x6c: {  	_ =	shalt  }
0x6d: {  	_ =	shalt  }
0x6e: {  	_ =	shalt  }
0x6f: {  	_ =	shalt  }
0x70: {  	_ =	shalt  }
0x71: {  	_ =	shalt  }
0x72: {  	_ =	shalt  }
0x73: {  	_ =	shalt  }
0x74: {  	_ =	shalt  }
0x75: {  	_ =	shalt  }
0x76: {  	_ =	shalt  }
0x77: {  	_ =	shalt  }
0x78: {  	_ =	shalt  }
0x79: {  	_ =	shalt  }
0x7a: {  	_ =	shalt  }
0x7b: {  	_ =	shalt  }
0x7c: {  	_ =	shalt  }
0x7d: {  	_ =	shalt  }
0x7e: {  	_ =	shalt  }
0x7f: {  	_ =	shalt  }
0x80: {  	_ =	shalt  }
0x81: {  	_ =	shalt  }
0x82: {  	_ =	shalt  }
0x83: {  	_ =	shalt  }
0x84: {  	_ =	shalt  }
0x85: {  	_ =	shalt  }
0x86: {  	_ =	shalt  }
0x87: {  	_ =	shalt  }
.Lfunc_end0:
.L_simem_size_0:
called_computation_lowered:
.L_overlay_start_0:
0x88: {  	s2 =	sld [smem:$0x3FD9]  }
0x89: {  	s3 =	sld [smem:$0x3FFE];
	_ =	sdelay $0x1  }
0x8a: {  	s1 =	srdreg.scid  }
0x8b: {  	s0 =	sand.u32 $0x1, s1  }
0x8c: {  	s16 =	sshll.u32 s0, $0xA;
	s2 =	sadd.s32 s3, s2  }
0x8d: {  	s2 =	sadd.s32 s2, s16  }
0x8e: {  	[smem:$0x3FC6] =	sst s2  }
0x8f: {  	_ = 	snop  }
0x90: {  	(tm) =	ssettm $0x1  }
0x91: {  	s17 =	sld [smem:$0x3FFB];
	_ =	sdelay $0x3  }
0x92: {  	_ =	strace s17  }
0x93: {  	s2 =	sld [smem:$0x3FFC];
	_ =	sdelay $0x3  }
0x94: {  	_ =	strace s2  }
0x95: {  	s2 =	sld [smem:$0x3FFD];
	_ =	sdelay $0x3  }
0x96: {  	_ =	strace s2  }
0x97: {  	_ =	strace $0x8FFFFFFF  }
0x98: {  	s18 =	sld [smem:$0x3FDB];
	_ =	sdelay $0x1  }
0x99: {  	s19 =	simm.s32 $_scs_section_size  }
0x9a: {  	s4 =	simm.s32 $_size__tile_overlayer_lowered;
	s5 =	simm.s32 $_tile_overlayer_lowered  }
0x9b: {  	s22 =	simm.s32 $0x1BFF;
	s21 =	sshll.u32 s5, $0x1;
	s2 =	sadd.s32 s19, s18  }
0x9c: {  	s6 =	simm.s32 $0x0;
	s20 =	sshll.u32 s4, $0x1;
	s4 =	sadd.s32 s21, s2  }
0x9d: {  	[timem:s6], [sflag:s22] =	dma.local [hbm:s4], s20  }
0x9e: {  	_ =	swait.ge [sflag:s22], s20  }
0x9f: {  	s3 =	ssub.s32 $0x0, s20;
	[sflag:s22] =	ssyncset.done $0x0  }
0xa0: {  	[sflag:s22] =	ssyncadd.s32 s3;
	_ =	sdelay $0x1  }
0xa1: {  	s23 =	simm.s32 $0x1B8B  }
0xa2: {  	_ =	swait.ge [sflag:s23], $0x1  }
0xa3: {  	[sflag:s23] =	ssyncset.done $0x0  }
0xa4: {  	s25 =	simm.s32 $0x1B8E;
	s24 =	sld [smem:$0x3FFE];
	[sflag:s23] =	ssyncadd.s32 $0xFFFFFFFF  }
0xa5: {  	s26 =	simm.s32 $execute0_lowered;
	[smem:$0x3FD2] =	sst s25  }
0xa6: {  	s4 =	sshll.u32 s26, $0x1;
	_ =	strace $0x80000046;
	[dreg:$0x1] =	wrdreg $0xFFFFFFFF  }
0xa7: {  	s28 =	simm.s32 $_size_execute0_lowered;
	s2 =	sadd.s32 s2, s4;
	[dreg:$0x0] =	wrdreg $0x0  }
0xa8: {  	s4 =	sshll.u32 s28, $0x1;
	[dreg:$0x2] =	wrdreg s2  }
0xa9: {  	[dreg:$0x3] =	wrdreg s4  }
0xaa: {  	[dreg:$0x4] =	wrdreg $0xC0  }
0xab: {  	_ =	task [dreg:s6], $0x5FFFF  }
0xac: {  	[dreg:$0x1] =	wrdreg $0xFFFFFFFF  }
0xad: {  	[dreg:$0x0] =	wrdreg $0x60  }
0xae: {  	[dreg:$0x2] =	wrdreg s24  }
0xaf: {  	[dreg:$0x3] =	wrdreg $0x9  }
0xb0: {  	_ =	task.clear_ibuf [dreg:s6], $0x4FFFF;
	_ =	strace $0x90000046  }
0xb1: {  	s29 =	simm.s32 $0x9;
	_ =	strace $0x80000048  }
0xb2: {  	_ =	swait.ge [sflag:s29], $0x1  }
0xb3: {  	[sflag:s29] =	ssyncadd.s32 $0xFFFFFFFF  }
0xb4: {  	_ =	strace $0x90000048  }
0xb5: {  	_ =	sfence  }
0xb6: {  	s30 =	sld [smem:$0x0];
	_ =	sdelay $0x2  }
0xb7: {  	s31 =	sshll.u32 s1, $0xD;
	s1 =	sshrl.u32 s1, $0x2  }
0xb8: {  	s3 =	sand.u32 $0x4000, s31;
	s1 =	sadd.s32 s1, s30  }
0xb9: {  	s0 =	sor.u32 s3, s0;
	s1 =	sshll.u32 s1, $0x11  }
0xba: {  	s0 =	sor.u32 s1, s0  }
0xbb: {  	s0 =	sadd.s32 $0x8F2B, s0  }
0xbc: {  	[sflag:s0] =	ssyncadd.remote.s32 $0x1  }
0xbd: {  	_ =	sfence.sel $0xFFFF  }
0xbe: {  	[dreg:$0x0] =	wrdreg $0xFFFFFFFF;
	(pc) =	sbr.abs _section_cstart, $3  }
0xbf: {  	[dreg:$0x1] =	wrdreg $0xFFFFFFFF  }
0xc0: {  	_ =	task.clear_ibuf [dreg:s6], $0x2FFFF;
	_ =	strace $0x9FFFFFFF  }
0xc1: {  	(tm) =	ssettm $0x7FFFFFFF  }
tec
execute0_lowered:
.L_overlay_start_1:
0x0: {  	(tag) =	ssettag $0x1  }
0x1: {  	s1 =	simm.s32 $0x0  }
0x2: {  	[smem:$0x7FF] =	sst s1  }
0x3: {  	s0 =	rddreg [dreg:$0x0];
	v0 =	vimm.f32 $1.200000050e+00;
	_ =	strace $0x80000047  }
0x4: {  	(erf) = vrcp.f32 v0;
	_ =	sdelay $0x3  }
0x5: {  	s31 =	stileid.u32  }
0x6: {  	p0 =	sgt.u32 s31, $0x7  }
.Ltmp0:
0x7: {  	_ = 	snop;
	(pc) =	sbr.rel @p0 .LBB2_11-.Ltmp0, $3  }
0x8: {  	_ =	sdelay $0x1  }
0x9: {  	v0 =	vpop (erf)  }
0xa: {  	[tilespmem:$0x1FFF0] =	vst v0  }
0xb: {  	s2 =	srdreg.scid;
	s1 =	stileid.u32;
	s28 =	simm.s32 $0x180  }
0xc: {  	v1 =	vlaneseq.u32;
	s11 =	simm.s32 $0x980;
	s29 =	simm.f32 $1.000000000e+00;
	s12 =	simm.s32 $0x60  }
0xd: {  	s30 =	simm.s32 $0x3D80;
	s13 =	simm.s32 $0x1;
	v0 =	vmul.u32 $0xFFFFFFFF, v1;
	[dreg:$0x2] =	wrdreg s28  }
0xe: {  	s31 =	simm.f32 $0.0e+00;
	s2 =	sand.u32 $0x1, s2;
	[dreg:$0x3] =	wrdreg s29  }
0xf: {  	s3 =	sshll.u32 s1, $0x1;
	s22 =	sshrl.u32 s1, $0x2;
	[dreg:$0x4] =	wrdreg s30;
	v2 =	vadd.s32 $0xFFFFFFFF, v0  }
0x10: {  	[dreg:$0x5] =	wrdreg s31;
	s1 =	simm.s32 $0x0;
	s4 =	sor.u32 s2, s3;
	[tilespmem:$0x1FFB0] =	vst v2;
	v2 =	vadd.s32 $0xFFFFFFEF, v0  }
0x11: {  	vm0 =	vcmask $0x300;
	vm1 =	vcmask $0x704;
	s7 =	smul.u32 $0xC00, s22;
	s2 =	ssub.s32 $0x2, s2;
	s5 =	sshll.u32 s4, $0x7;
	[tilespmem:$0x1FFC0] =	vst v2;
	v2 =	vimm.s32 $0x280  }
0x12: {  	vm2 =	vcmask $0xB08;
	v3 =	vimm.s32 $0x54000;
	s6 =	sshll.u32 s22, $0xA;
	s8 =	sshrl.u32 s2, $0x1;
	s5 =	sand.u32 $0x380, s5;
	v2 =	vsel vm0, $0x0, v2  }
0x13: {  	vm3 =	vcmask $0xF0C;
	vm4 =	vcmask $0x1310;
	s2 =	ssub.s32 s2, s8;
	s6 =	sor.u32 s6, s5;
	s7 =	sor.u32 s7, s5;
	v2 =	vsel vm1, $0x80, v2  }
0x14: {  	v7 =	vor.u32 $0x10, v1;
	v3 =	vsel vm0, $0x50000, v3;
	s26 =	smax.u32 s2, $0x1;
	s6 =	sshrl.u32 s6, $0x3;
	s24 =	sshrl.u32 s7, $0x3;
	v2 =	vsel vm2, $0x100, v2  }
0x15: {  	v3 =	vsel vm1, $0x51000, v3;
	v4 =	vadd.s32 $0xFFFFFFDF, v0;
	[dreg:$0x8] =	wrdreg s26;
	s6 =	sadd.s32 s6, s0;
	s25 =	sadd.s32 s0, s24;
	v2 =	vsel vm3, $0x180, v2  }
0x16: {  	s3 =	sadd.s32 $0x3FC000, s0;
	[tilespmem:$0x1FFD0] =	vst v4;
	v0 =	vadd.s32 $0xFFFFFFCF, v0;
	s23 =	sadd.s32 $0x400, s6;
	[dreg:$0x7] =	wrdreg s25;
	v11 =	vsel vm4, $0x200, v2;
	v2 =	vsel vm2, $0x52000, v3  }
0x17: {  	v9 =	vor.u32 $0x20, v1;
	v12 =	vor.u32 $0x30, v1;
	s4 =	smul.u32 $0xFF, s4;
	s5 =	simm.s32 $0x2;
	[tilespmem:$0x1FFE0] =	vst v0;
	[dreg:$0x6] =	wrdreg s23;
	v14 =	vsel vm3, $0x53000, v2  }
.LBB2_2:
0x18: {  	[dreg:$0x9] =	wrdreg s1;
	s17 =	simm.s32 $0x0  }
0x19: {  	s0 =	rddreg [dreg:$0x7];
	s18 =	simm.s32 $0x80;
	s2 =	simm.s32 $0x400  }
0x1a: {  	[tilespmem:s17], [sflag:$0x2] =	stream.strided.gather [hbm4b:s0+s18], $0x180, s2, s18, $0x38;
	[tilespmem:$0x3E80] =	vst v63  }
0x1b: {  	_ =	swait.ge [sflag:s5], $0x180  }
0x1c: {  	[sflag:s5] =	ssyncset.done $0x0  }
0x1d: {  	[sflag:s5] =	ssyncadd.s32 $0xFFFFFE80  }
0x1e: {  	v0 =	vld [tilespmem:$0x0]  }
0x1f: {  	v2 =	vld [tilespmem:$0x40]  }
0x20: {  	v3 =	vld [tilespmem:$0x80]  }
0x21: {  	v4 =	vld [tilespmem:$0xC0]  }
0x22: {  	v19 =	vld [tilespmem:$0x100]  }
0x23: {  	v5 =	vld [tilespmem:$0x10]  }
0x24: {  	v6 =	vld [tilespmem:$0x50]  }
0x25: {  	v8 =	vld [tilespmem:$0x20]  }
0x26: {  	v10 =	vld [tilespmem:$0x60]  }
0x27: {  	v13 =	vld [tilespmem:$0x90]  }
0x28: {  	v15 =	vld [tilespmem:$0xA0]  }
0x29: {  	v17 =	vld [tilespmem:$0xD0]  }
0x2a: {  	v16 =	vadd.f32 v2, v0;
	v5 =	vadd.f32 v6, v5;
	v6 =	vld [tilespmem:$0xE0]  }
0x2b: {  	v18 =	vld [tilespmem:$0x110];
	v8 =	vadd.f32 v10, v8  }
0x2c: {  	v10 =	vld [tilespmem:$0x120];
	v16 =	vadd.f32 v3, v16;
	v5 =	vadd.f32 v13, v5  }
0x2d: {  	v32 =	vmul.f32 $6.400000000e+01, v3;
	v8 =	vadd.f32 v15, v8;
	v15 =	vmul.f32 $6.400000000e+01, v4  }
0x2e: {  	v13 =	vadd.f32 v4, v16;
	v5 =	vadd.f32 v17, v5  }
0x2f: {  	v41 =	vmul.f32 v15, v32;
	v6 =	vadd.f32 v6, v8  }
0x30: {  	v4 =	vmul.f32 $5.000000000e-01, v32;
	v13 =	vadd.f32 v19, v13;
	v5 =	vadd.f32 v18, v5  }
0x31: {  	v37 =	vadd.f32 $1.185937500e+01, v41;
	v6 =	vadd.f32 v10, v6;
	v10 =	vmul.f32 $6.400000000e+01, v2  }
0x32: {  	v63 =	vadd.f32 $1.631250000e+02, v41;
	vm4 =	vgt.f32 v13, $0.0e+00;
	v13 =	vmul.f32 $6.400000000e+01, v0  }
0x33: {  	v8 =	vmpcnt.ones.xlane vm4;
	vm5 =	vgt.f32 v6, $0.0e+00;
	v6 =	vtrunc.f32 v10  }
0x34: {  	vm4 =	vgt.f32 v5, $0.0e+00;
	v5 =	vtrunc.f32 v13;
	v6 =	vcvt.f32.s32 v6  }
0x35: {  	v23 =	vadd.f32 $4.826250000e+02, v41;
	v0 =	vmpcnt.ones.xlane vm4;
	v5 =	vcvt.f32.s32 v5  }
0x36: {  	v2 =	vmpcnt.ones.xlane vm5;
	(v2sf) =	vpush v8, $0x0;
	[tilespmem:$0x1FD40] =	vst v6;
	v6 =	vcvt.s32.f32 v6  }
0x37: {  	v42 =	vsub.f32 v13, v4;
	(v2sf) =	vpush v0, $0x0;
	v3 =	vcvt.s32.f32 v5  }
0x38: {  	(v2sf) =	vpush v2, $0x0;
	[tilespmem:$0x1FDF0] =	vst v6;
	v2 =	vadd.f32 $5.000000000e-01, v6;
	v6 =	vmul.f32 $5.000000000e-01, v15  }
0x39: {  	v43 =	vadd.f32 v4, v13;
	[tilespmem:$0x1FDD0] =	vst v3;
	v3 =	vadd.f32 $5.000000000e-01, v3  }
0x3a: {  	[tilespmem:$0x1FE00] =	vst v10;
	v44 =	vsub.f32 v10, v6;
	v45 =	vadd.f32 v6, v10  }
0x3b: {  	[tilespmem:$0x1FDE0] =	vst v13;
	v10 =	vadd.f32 $8.125000000e-01, v2;
	v13 =	vadd.f32 $-8.125000000e-01, v2  }
0x3c: {  	[tilespmem:$0x1FDA0] =	vst v15;
	v15 =	vadd.f32 $-1.875000000e+00, v2;
	v33 =	vadd.f32 $1.437500000e+00, v2  }
0x3d: {  	v34 =	vadd.f32 $-1.437500000e+00, v2;
	v36 =	vadd.f32 $-3.812500000e+00, v2  }
0x3e: {  	v39 =	vadd.f32 $2.812500000e+00, v2;
	v21 =	vadd.f32 $-2.812500000e+00, v2  }
0x3f: {  	v47 =	vadd.f32 $7.437500000e+00, v2;
	v48 =	vadd.f32 $-7.437500000e+00, v2  }
0x40: {  	v0 =	vld [tilespmem:$0x30];
	v53 =	vadd.f32 $5.625000000e+00, v2;
	v24 =	vadd.f32 $-5.625000000e+00, v2  }
0x41: {  	[tilespmem:$0x1FD50] =	vst v5;
	v5 =	vld [tilespmem:$0x70];
	v59 =	vadd.f32 $1.237500000e+01, v2;
	v60 =	vadd.f32 $-1.237500000e+01, v2  }
0x42: {  	v27 =	vadd.f32 $2.037500000e+01, v2;
	v6 =	vadd.f32 $6.250000000e-01, v3  }
0x43: {  	v8 =	vadd.f32 $-6.250000000e-01, v3;
	v38 =	vadd.f32 $-3.875000000e+00, v3  }
0x44: {  	v4 =	vld [tilespmem:$0xB0];
	v46 =	vadd.f32 $-3.687500000e+00, v3;
	v52 =	vadd.f32 $-7.250000000e+00, v3  }
0x45: {  	v56 =	vadd.f32 $9.750000000e+00, v3;
	v25 =	vadd.f32 $-9.750000000e+00, v3  }
0x46: {  	v26 =	vadd.f32 $2.331250000e+01, v3;
	v0 =	vadd.f32 v5, v0;
	v15 =	vmax.f32 v15, v44  }
0x47: {  	v35 =	vmax.f32 v34, v44;
	v5 =	vmin.f32 v6, v43;
	v6 =	vmax.f32 v8, v42  }
0x48: {  	v8 =	vmax.f32 v13, v44;
	v13 =	vadd.f32 $1.875000000e+00, v2;
	v5 =	vsub.f32 v5, v6  }
0x49: {  	v6 =	vmin.f32 v10, v45;
	v4 =	vadd.f32 v4, v0;
	v10 =	vadd.f32 $-1.000000000e+00, v3  }
0x4a: {  	v17 =	vmin.f32 v39, v45;
	v0 =	vsub.f32 v6, v8;
	v6 =	vld [tilespmem:$0xF0];
	v8 =	vadd.f32 $1.000000000e+00, v3  }
0x4b: {  	v21 =	vmax.f32 v21, v44;
	v49 =	vmin.f32 v47, v45;
	v13 =	vmin.f32 v13, v45  }
0x4c: {  	v5 =	vmax.f32 v5, $0.0e+00;
	v10 =	vmax.f32 v10, v42;
	v8 =	vmin.f32 v8, v43  }
0x4d: {  	v0 =	vmax.f32 v0, $0.0e+00;
	v8 =	vsub.f32 v8, v10;
	v10 =	vsub.f32 v13, v15  }
0x4e: {  	v50 =	vmax.f32 v48, v44;
	v0 =	vmul.f32 v0, v5;
	v5 =	vadd.f32 $2.031250000e+00, v41  }
0x4f: {  	v13 =	vld [tilespmem:$0x130];
	v6 =	vadd.f32 v6, v4;
	v4 =	vmax.f32 v8, $0.0e+00;
	v8 =	vmax.f32 v10, $0.0e+00  }
0x50: {  	v15 =	vadd.f32 $-2.062500000e+00, v3;
	v4 =	vmul.f32 v8, v4;
	v8 =	vadd.f32 $2.062500000e+00, v3  }
0x51: {  	v54 =	vmin.f32 v53, v45;
	v55 =	vmax.f32 v24, v44;
	v10 =	vadd.f32 $7.500000000e+00, v41  }
0x52: {  	v5 =	vsub.f32 v5, v0;
	v15 =	vmax.f32 v15, v42;
	v8 =	vmin.f32 v8, v43  }
0x53: {  	v10 =	vsub.f32 v10, v4;
	v8 =	vsub.f32 v8, v15;
	v15 =	vmin.f32 v33, v45  }
0x54: {  	v5 =	vmax.f32 v5, $9.999999960e-13;
	v6 =	vadd.f32 v13, v6;
	v13 =	vsub.f32 v15, v35  }
0x55: {  	v24 =	vmax.f32 v60, v44;
	(erf) = vrcp.f32 v5;
	v15 =	vadd.f32 $-1.875000000e+00, v3  }
0x56: {  	v5 =	vmax.f32 v10, $9.999999960e-13;
	v10 =	vmax.f32 v13, $0.0e+00;
	v13 =	vadd.f32 $1.875000000e+00, v3  }
0x57: {  	v62 =	vmin.f32 v27, v45;
	v8 =	vmax.f32 v8, $0.0e+00;
	v15 =	vmax.f32 v15, v42  }
0x58: {  	v8 =	vmul.f32 v10, v8;
	v10 =	vadd.f32 $3.812500000e+00, v2;
	v13 =	vmin.f32 v13, v43  }
0x59: {  	v40 =	vsub.f32 v17, v21;
	(erf) = vrcp.f32 v5;
	v13 =	vsub.f32 v13, v15  }
0x5a: {  	v10 =	vmin.f32 v10, v45;
	v15 =	vmax.f32 v36, v44;
	v5 =	vsub.f32 v37, v8  }
0x5b: {  	v16 =	vmax.f32 v38, v42;
	v10 =	vsub.f32 v10, v15;
	v15 =	vadd.f32 $3.875000000e+00, v3  }
0x5c: {  	v17 =	vmax.f32 v52, v42;
	v57 =	vmin.f32 v56, v43;
	v13 =	vmax.f32 v13, $0.0e+00  }
0x5d: {  	v5 =	vmax.f32 v5, $9.999999960e-13;
	v10 =	vmax.f32 v10, $0.0e+00;
	v15 =	vmin.f32 v15, v43  }
0x5e: {  	v10 =	vmul.f32 v10, v13;
	v13 =	vadd.f32 $2.859375000e+01, v41;
	v15 =	vsub.f32 v15, v16  }
0x5f: {  	v58 =	vmax.f32 v25, v42;
	vm4 =	vgt.f32 v6, $0.0e+00;
	(erf) = vrcp.f32 v5  }
0x60: {  	v5 =	vsub.f32 v13, v10;
	v6 =	vmax.f32 v15, $0.0e+00;
	v13 =	vmax.f32 v40, $0.0e+00  }
0x61: {  	v25 =	vmin.f32 v59, v45;
	v15 =	vadd.f32 $4.359375000e+01, v41;
	v6 =	vmul.f32 v13, v6  }
0x62: {  	v61 =	vmin.f32 v26, v43;
	v21 =	vsub.f32 v57, v58;
	v13 =	vadd.f32 $3.687500000e+00, v3  }
0x63: {  	v24 =	vsub.f32 v25, v24;
	v5 =	vmax.f32 v5, $9.999999960e-13;
	v15 =	vsub.f32 v15, v6  }
0x64: {  	v16 =	vmax.f32 v46, v42;
	v13 =	vmin.f32 v13, v43;
	(erf) = vrcp.f32 v5  }
0x65: {  	v13 =	vsub.f32 v13, v16;
	v5 =	vmax.f32 v15, $9.999999960e-13;
	v15 =	vsub.f32 v49, v50  }
0x66: {  	v21 =	vmax.f32 v21, $0.0e+00;
	v24 =	vmax.f32 v24, $0.0e+00;
	(erf) = vrcp.f32 v5  }
0x67: {  	v5 =	vmax.f32 v13, $0.0e+00;
	v13 =	vmax.f32 v15, $0.0e+00;
	v15 =	vadd.f32 $7.250000000e+00, v3  }
0x68: {  	v21 =	vmul.f32 v24, v21;
	v2 =	vadd.f32 $-2.037500000e+01, v2;
	v3 =	vadd.f32 $-2.331250000e+01, v3  }
0x69: {  	v5 =	vmul.f32 v13, v5;
	v13 =	vadd.f32 $1.097031250e+02, v41;
	v15 =	vmin.f32 v15, v43  }
0x6a: {  	v2 =	vmax.f32 v2, v44;
	v15 =	vsub.f32 v15, v17;
	v17 =	vsub.f32 v54, v55  }
0x6b: {  	v2 =	vsub.f32 v62, v2;
	v3 =	vmax.f32 v3, v42;
	v13 =	vsub.f32 v13, v5  }
0x6c: {  	v3 =	vsub.f32 v61, v3;
	v15 =	vmax.f32 v15, $0.0e+00;
	v17 =	vmax.f32 v17, $0.0e+00  }
0x6d: {  	v2 =	vmax.f32 v2, $0.0e+00;
	v13 =	vmax.f32 v13, $9.999999960e-13;
	v15 =	vmul.f32 v17, v15  }
0x6e: {  	v3 =	vmax.f32 v3, $0.0e+00;
	(erf) = vrcp.f32 v13;
	v13 =	vsub.f32 v23, v21  }
0x6f: {  	v2 =	vmul.f32 v2, v3;
	v3 =	vadd.f32 $1.899968750e+03, v41;
	v17 =	vsub.f32 v63, v15  }
0x70: {  	v13 =	vmax.f32 v13, $9.999999960e-13  }
0x71: {  	v51 =	vmpcnt.ones.xlane vm4;
	v3 =	vsub.f32 v3, v2;
	v26 =	vmax.f32 v17, $9.999999960e-13  }
0x72: {  	v27 =	vpop (erf);
	(erf) = vrcp.f32 v26  }
0x73: {  	(v2sf) =	vpush v51, $0x0;
	v3 =	vmax.f32 v3, $9.999999960e-13;
	(erf) = vrcp.f32 v13;
	v13 =	vpop (erf)  }
0x74: {  	(erf) = vrcp.f32 v3;
	v3 =	vmul.f32 v13, v4;
	_ =	sdelay $0x1  }
0x75: {  	v0 =	vmul.f32 v27, v0;
	v4 =	vpop (erf)  }
0x76: {  	v4 =	vmul.f32 v4, v8  }
0x77: {  	v8 =	vimm.s32 $0x0;
	vm4 =	vgt.f32 v3, v0;
	v0 =	vmax.f32 v0, v3;
	v3 =	vpop (erf)  }
0x78: {  	v8 =	vsel vm4, $0x1, v8;
	v3 =	vmul.f32 v3, v10;
	v10 =	vpop (erf)  }
0x79: {  	vm4 =	vgt.f32 v4, v0;
	v0 =	vmax.f32 v0, v4;
	v4 =	vmul.f32 v10, v6;
	_ =	sdelay $0x1  }
0x7a: {  	v8 =	vsel vm4, $0x2, v8;
	v6 =	vpop (erf)  }
0x7b: {  	vm4 =	vgt.f32 v3, v0;
	v0 =	vmax.f32 v0, v3;
	v3 =	vmul.f32 v6, v5  }
0x7c: {  	v5 =	vsel vm4, $0x3, v8;
	vm4 =	vgt.f32 v4, v0;
	v0 =	vmax.f32 v0, v4;
	v4 =	vpop (erf)  }
0x7d: {  	s19 =	spop (v2sf);
	v5 =	vsel vm4, $0x4, v5;
	vm4 =	vgt.f32 v3, v0;
	v4 =	vmul.f32 v4, v15;
	v6 =	vpop (erf)  }
0x7e: {  	s20 =	spop (v2sf);
	v0 =	vmax.f32 v0, v3;
	v5 =	vsel vm4, $0x5, v5;
	v3 =	vmul.f32 v6, v21;
	v6 =	vpop (erf)  }
0x7f: {  	s0 =	sadd.s32 s19, s20;
	s21 =	spop (v2sf);
	vm4 =	vgt.f32 v4, v0;
	v0 =	vmax.f32 v0, v4;
	v2 =	vmul.f32 v6, v2  }
0x80: {  	s0 =	sadd.s32 s21, s0;
	s22 =	spop (v2sf);
	v4 =	vsel vm4, $0x6, v5;
	vm4 =	vgt.f32 v3, v0;
	v0 =	vmax.f32 v0, v3  }
0x81: {  	v22 =	vld [tilespmem:$0x1FFF0];
	s0 =	sadd.s32 s22, s0;
	v3 =	vsel vm4, $0x7, v4;
	vm4 =	vgt.f32 v2, v0  }
0x82: {  	v23 =	vmov s0;
	v0 =	vmul.f32 $2.441406250e-04, v41;
	v2 =	vsel vm4, $0x8, v3  }
0x83: {  	vm4 =	vgt.s32 v23, v1;
	vm5 =	vlt.u32 v2, $0x3  }
0x84: {  	v58 =	vsub.f32 $2.000000000e+00, v0;
	vm5 =	vmand vm5, vm4  }
0x85: {  	v63 =	vnsel vm5, $0x0, v2  }
0x86: {  	v0 =	vmul.f32 v58, v22;
	v2 =	vimm.f32 $4.125000000e+00;
	vm6 =	veq.s32 v63, $0x1  }
0x87: {  	vm7 =	veq.s32 v63, $0x0;
	v2 =	vsel vm6, $0x40000000, v2  }
0x88: {  	v0 =	vadd.f32 $1.200000050e+00, v0;
	v3 =	vsel vm7, $0x3FA00000, v2;
	v2 =	vimm.f32 $2.875000000e+00  }
0x89: {  	v2 =	vsel vm6, $0x40700000, v2  }
0x8a: {  	(erf) = vrcp.f32 v3;
	v0 =	vmul.f32 $5.000000000e-01, v0;
	v2 =	vsel vm7, $0x3FD00000, v2  }
0x8b: {  	(erf) = vrcp.f32 v2  }
0x8c: {  	(erf) = vrcp.f32 v0;
	_ =	sdelay $0x5  }
0x8d: {  	[tilespmem:$0x1FE20] =	vst v3  }
0x8e: {  	v4 =	vld [tilespmem:$0x50];
	[tilespmem:$0x1FE40] =	vst v2;
	v2 =	vpop (erf)  }
0x8f: {  	v3 =	vld [tilespmem:$0x10];
	[tilespmem:$0x1FD80] =	vst v2;
	v2 =	vpop (erf)  }
0x90: {  	[tilespmem:$0x1FDB0] =	vst v2;
	v2 =	vpop (erf)  }
0x91: {  	v2 =	vmul.f32 v2, v58;
	_ =	sdelay $0x1  }
0x92: {  	v0 =	vadd.f32 v2, v0;
	v2 =	vld [tilespmem:$0x90]  }
0x93: {  	v6 =	vmul.f32 $6.400000000e+01, v4;
	v8 =	vmul.f32 $6.400000000e+01, v3  }
0x94: {  	v5 =	vmul.f32 $5.000000000e-01, v0;
	v0 =	vld [tilespmem:$0xD0]  }
0x95: {  	v4 =	vtrunc.f32 v6;
	v3 =	vtrunc.f32 v8  }
0x96: {  	v4 =	vcvt.f32.s32 v4;
	v13 =	vcvt.f32.s32 v3  }
0x97: {  	v15 =	vmul.f32 $6.400000000e+01, v2  }
0x98: {  	[tilespmem:$0x1FE10] =	vst v4;
	v4 =	vcvt.s32.f32 v4;
	v2 =	vcvt.s32.f32 v13  }
0x99: {  	v10 =	vmul.f32 $6.400000000e+01, v0;
	v0 =	vmul.f32 $5.000000000e-01, v15  }
0x9a: {  	[tilespmem:$0x1FE70] =	vst v2;
	v3 =	vadd.f32 $5.000000000e-01, v2;
	v2 =	vadd.f32 $5.000000000e-01, v4  }
0x9b: {  	[tilespmem:$0x1FD70] =	vst v32;
	v32 =	vsub.f32 v8, v0;
	v31 =	vadd.f32 v0, v8  }
0x9c: {  	[tilespmem:$0x1FE80] =	vst v8;
	v0 =	vadd.f32 $6.250000000e-01, v3;
	v8 =	vadd.f32 $-8.125000000e-01, v2  }
0x9d: {  	v30 =	vadd.f32 $2.812500000e+00, v2;
	v35 =	vadd.f32 $-2.812500000e+00, v2  }
0x9e: {  	v37 =	vadd.f32 $-3.687500000e+00, v3;
	v38 =	vadd.f32 $7.437500000e+00, v2  }
0x9f: {  	v39 =	vadd.f32 $-7.437500000e+00, v2;
	v47 =	vadd.f32 $-7.250000000e+00, v3  }
0xa0: {  	v48 =	vadd.f32 $5.625000000e+00, v2;
	v49 =	vadd.f32 $-5.625000000e+00, v2  }
0xa1: {  	(erf) = vrcp.f32 v5;
	v52 =	vadd.f32 $9.750000000e+00, v3;
	v53 =	vadd.f32 $-9.750000000e+00, v3  }
0xa2: {  	[tilespmem:$0x1FE90] =	vst v4;
	v56 =	vadd.f32 $1.237500000e+01, v2;
	v57 =	vadd.f32 $-1.237500000e+01, v2  }
0xa3: {  	[tilespmem:$0x1FE30] =	vst v13;
	v4 =	vmul.f32 $5.000000000e-01, v10;
	v13 =	vmovc v10;
	v59 =	vadd.f32 $2.331250000e+01, v3;
	v60 =	vadd.f32 $2.037500000e+01, v2  }
0xa4: {  	[tilespmem:$0x1FEB0] =	vst v15;
	v34 =	vmul.f32 v13, v15;
	v13 =	vadd.f32 $1.875000000e+00, v2;
	v15 =	vadd.f32 $-1.875000000e+00, v2  }
0xa5: {  	v33 =	vsub.f32 v6, v4;
	v36 =	vadd.f32 v4, v6  }
0xa6: {  	[tilespmem:$0x1FEA0] =	vst v6;
	v4 =	vadd.f32 $-6.250000000e-01, v3;
	v6 =	vadd.f32 $8.125000000e-01, v2;
	v0 =	vmin.f32 v0, v31  }
0xa7: {  	v54 =	vmin.f32 v52, v31;
	v55 =	vmax.f32 v53, v32;
	v61 =	vmin.f32 v59, v31  }
0xa8: {  	v29 =	vadd.f32 $1.185937500e+01, v34;
	v25 =	vadd.f32 $4.826250000e+02, v34;
	v4 =	vmax.f32 v4, v32  }
0xa9: {  	v13 =	vmin.f32 v13, v36;
	v15 =	vmax.f32 v15, v33;
	v16 =	vmin.f32 v30, v36  }
0xaa: {  	[tilespmem:$0x1FEE0] =	vst v10;
	v10 =	vpop (erf);
	v0 =	vsub.f32 v0, v4;
	v4 =	vmin.f32 v6, v36;
	v6 =	vmax.f32 v8, v33  }
0xab: {  	v8 =	vmul.f32 v10, v58;
	v10 =	vadd.f32 $-1.000000000e+00, v3;
	v4 =	vsub.f32 v4, v6  }
0xac: {  	v17 =	vmax.f32 v35, v33;
	v6 =	vadd.f32 $1.000000000e+00, v3;
	v0 =	vmax.f32 v0, $0.0e+00  }
0xad: {  	v10 =	vmax.f32 v10, v32;
	v5 =	vadd.f32 v8, v5;
	v4 =	vmax.f32 v4, $0.0e+00  }
0xae: {  	v6 =	vmin.f32 v6, v31;
	v0 =	vmul.f32 v4, v0;
	v4 =	vadd.f32 $2.031250000e+00, v34  }
0xaf: {  	v40 =	vmin.f32 v38, v36;
	v6 =	vsub.f32 v6, v10;
	v10 =	vsub.f32 v13, v15  }
0xb0: {  	v46 =	vmax.f32 v39, v33;
	v13 =	vadd.f32 $-2.062500000e+00, v3;
	v28 =	vmul.f32 $5.000000000e-01, v5  }
0xb1: {  	v8 =	vsub.f32 v4, v0;
	v4 =	vmax.f32 v6, $0.0e+00;
	v6 =	vmax.f32 v10, $0.0e+00  }
0xb2: {  	v5 =	vadd.f32 $1.437500000e+00, v2;
	v4 =	vmul.f32 v6, v4;
	v6 =	vadd.f32 $2.062500000e+00, v3  }
0xb3: {  	v50 =	vmin.f32 v48, v36;
	v15 =	vadd.f32 $-1.437500000e+00, v2;
	v10 =	vadd.f32 $7.500000000e+00, v34  }
0xb4: {  	v13 =	vmax.f32 v13, v32;
	v5 =	vmin.f32 v5, v36;
	v6 =	vmin.f32 v6, v31  }
0xb5: {  	v10 =	vsub.f32 v10, v4;
	v6 =	vsub.f32 v6, v13;
	v13 =	vmax.f32 v15, v33  }
0xb6: {  	(erf) = vrcp.f32 v28;
	v8 =	vmax.f32 v8, $9.999999960e-13;
	v5 =	vsub.f32 v5, v13  }
0xb7: {  	(erf) = vrcp.f32 v8;
	v8 =	vmax.f32 v10, $9.999999960e-13;
	v10 =	vadd.f32 $1.875000000e+00, v3  }
0xb8: {  	v13 =	vadd.f32 $-1.875000000e+00, v3;
	v6 =	vmax.f32 v6, $0.0e+00;
	v5 =	vmax.f32 v5, $0.0e+00  }
0xb9: {  	v15 =	vadd.f32 $-3.812500000e+00, v2;
	v5 =	vmul.f32 v5, v6;
	v6 =	vadd.f32 $3.812500000e+00, v2  }
0xba: {  	v24 =	vmin.f32 v56, v36;
	v10 =	vmin.f32 v10, v31;
	v13 =	vmax.f32 v13, v32  }
0xbb: {  	v10 =	vsub.f32 v10, v13;
	v13 =	vmax.f32 v15, v33;
	v6 =	vmin.f32 v6, v36  }
0xbc: {  	v21 =	vmax.f32 v57, v33;
	v15 =	vadd.f32 $-3.875000000e+00, v3;
	v6 =	vsub.f32 v6, v13  }
0xbd: {  	(erf) = vrcp.f32 v8;
	v8 =	vsub.f32 v29, v5;
	v13 =	vadd.f32 $3.875000000e+00, v3  }
0xbe: {  	v10 =	vmax.f32 v10, $0.0e+00;
	v15 =	vmax.f32 v15, v32;
	v6 =	vmax.f32 v6, $0.0e+00  }
0xbf: {  	v13 =	vmin.f32 v13, v31;
	v6 =	vmul.f32 v6, v10;
	v10 =	vadd.f32 $2.859375000e+01, v34  }
0xc0: {  	v8 =	vmax.f32 v8, $9.999999960e-13;
	v13 =	vsub.f32 v13, v15;
	v15 =	vsub.f32 v16, v17  }
0xc1: {  	v51 =	vmax.f32 v49, v33;
	v21 =	vsub.f32 v24, v21;
	(erf) = vrcp.f32 v8  }
0xc2: {  	v8 =	vsub.f32 v10, v6;
	v10 =	vmax.f32 v13, $0.0e+00;
	v13 =	vmax.f32 v15, $0.0e+00  }
0xc3: {  	v2 =	vadd.f32 $-2.037500000e+01, v2;
	v15 =	vadd.f32 $4.359375000e+01, v34;
	v10 =	vmul.f32 v13, v10  }
0xc4: {  	v62 =	vmin.f32 v60, v36;
	v24 =	vadd.f32 $1.631250000e+02, v34;
	v13 =	vadd.f32 $3.687500000e+00, v3  }
0xc5: {  	v2 =	vmax.f32 v2, v33;
	v8 =	vmax.f32 v8, $9.999999960e-13;
	v15 =	vsub.f32 v15, v10  }
0xc6: {  	v16 =	vmax.f32 v37, v32;
	v13 =	vmin.f32 v13, v31;
	(erf) = vrcp.f32 v8  }
0xc7: {  	v13 =	vsub.f32 v13, v16;
	v8 =	vmax.f32 v15, $9.999999960e-13;
	v15 =	vsub.f32 v40, v46  }
0xc8: {  	v21 =	vmax.f32 v21, $0.0e+00;
	v2 =	vsub.f32 v62, v2;
	(erf) = vrcp.f32 v8  }
0xc9: {  	v8 =	vmax.f32 v13, $0.0e+00;
	v13 =	vmax.f32 v15, $0.0e+00;
	v15 =	vadd.f32 $7.250000000e+00, v3  }
0xca: {  	v17 =	vsub.f32 v54, v55;
	v16 =	vmax.f32 v47, v32;
	v3 =	vadd.f32 $-2.331250000e+01, v3  }
0xcb: {  	v8 =	vmul.f32 v13, v8;
	v13 =	vadd.f32 $1.097031250e+02, v34;
	v15 =	vmin.f32 v15, v31  }
0xcc: {  	v17 =	vmax.f32 v17, $0.0e+00;
	v15 =	vsub.f32 v15, v16;
	v16 =	vsub.f32 v50, v51  }
0xcd: {  	v17 =	vmul.f32 v21, v17;
	v3 =	vmax.f32 v3, v32;
	v13 =	vsub.f32 v13, v8  }
0xce: {  	v3 =	vsub.f32 v61, v3;
	v15 =	vmax.f32 v15, $0.0e+00;
	v16 =	vmax.f32 v16, $0.0e+00  }
0xcf: {  	v2 =	vmax.f32 v2, $0.0e+00;
	v13 =	vmax.f32 v13, $9.999999960e-13;
	v15 =	vmul.f32 v16, v15  }
0xd0: {  	v3 =	vmax.f32 v3, $0.0e+00;
	(erf) = vrcp.f32 v13;
	v13 =	vsub.f32 v25, v17  }
0xd1: {  	v2 =	vmul.f32 v2, v3;
	v3 =	vadd.f32 $1.899968750e+03, v34;
	v16 =	vsub.f32 v24, v15  }
0xd2: {  	v13 =	vmax.f32 v13, $9.999999960e-13  }
0xd3: {  	v26 =	vpop (erf);
	v3 =	vsub.f32 v3, v2;
	v16 =	vmax.f32 v16, $9.999999960e-13  }
0xd4: {  	v27 =	vpop (erf);
	(erf) = vrcp.f32 v16  }
0xd5: {  	v3 =	vmax.f32 v3, $9.999999960e-13;
	(erf) = vrcp.f32 v13;
	v13 =	vpop (erf)  }
0xd6: {  	(erf) = vrcp.f32 v3;
	v3 =	vmul.f32 v13, v4;
	_ =	sdelay $0x1  }
0xd7: {  	v0 =	vmul.f32 v27, v0  }
0xd8: {  	v4 =	vpop (erf)  }
0xd9: {  	v4 =	vmul.f32 v4, v5;
	vm11 =	vgt.f32 v3, v0;
	v0 =	vmax.f32 v0, v3;
	v3 =	vpop (erf)  }
0xda: {  	v18 =	vimm.s32 $0x0;
	v3 =	vmul.f32 v3, v6;
	v6 =	vpop (erf)  }
0xdb: {  	vm12 =	vgt.f32 v4, v0;
	v0 =	vmax.f32 v0, v4;
	v4 =	vmul.f32 v6, v10  }
0xdc: {  	v5 =	vsel vm11, $0x1, v18  }
0xdd: {  	v5 =	vsel vm12, $0x2, v5;
	v6 =	vpop (erf)  }
0xde: {  	vm13 =	vgt.f32 v3, v0;
	v0 =	vmax.f32 v0, v3;
	v3 =	vmul.f32 v6, v8  }
0xdf: {  	v5 =	vsel vm13, $0x3, v5;
	vm14 =	vgt.f32 v4, v0;
	v0 =	vmax.f32 v0, v4;
	v4 =	vpop (erf)  }
0xe0: {  	v5 =	vsel vm14, $0x4, v5;
	vm15 =	vgt.f32 v3, v0;
	v4 =	vmul.f32 v4, v15;
	v6 =	vpop (erf)  }
0xe1: {  	v0 =	vmax.f32 v0, v3;
	v5 =	vsel vm15, $0x5, v5;
	v3 =	vmul.f32 v6, v17;
	v6 =	vpop (erf)  }
0xe2: {  	vm9 =	vgt.f32 v4, v0;
	v0 =	vmax.f32 v0, v4;
	v2 =	vmul.f32 v6, v2  }
0xe3: {  	v4 =	vsel vm9, $0x6, v5;
	vm10 =	vgt.f32 v3, v0;
	v0 =	vmax.f32 v0, v3  }
0xe4: {  	v3 =	vsel vm10, $0x7, v4;
	vm11 =	vgt.f32 v2, v0;
	v0 =	vmul.f32 $2.441406250e-04, v34  }
0xe5: {  	v2 =	vsel vm11, $0x8, v3  }
0xe6: {  	vm6 =	vgt.s32 v23, v7;
	vm12 =	vlt.u32 v2, $0x3;
	v57 =	vsub.f32 $2.000000000e+00, v0  }
0xe7: {  	vm7 =	vmand vm6, vm12  }
0xe8: {  	v56 =	vnsel vm7, $0x0, v2;
	v0 =	vmul.f32 v57, v22  }
0xe9: {  	v20 =	vimm.f32 $2.875000000e+00;
	[tilespmem:$0x1FD60] =	vst v19;
	v19 =	vimm.f32 $4.125000000e+00;
	vm8 =	veq.s32 v56, $0x1  }
0xea: {  	vm9 =	veq.s32 v56, $0x0;
	v2 =	vsel vm8, $0x40000000, v19;
	v0 =	vadd.f32 $1.200000050e+00, v0  }
0xeb: {  	v3 =	vsel vm9, $0x3FA00000, v2;
	v2 =	vsel vm8, $0x40700000, v20  }
0xec: {  	v2 =	vsel vm9, $0x3FD00000, v2;
	(erf) = vrcp.f32 v3;
	v0 =	vmul.f32 $5.000000000e-01, v0  }
0xed: {  	(erf) = vrcp.f32 v2  }
0xee: {  	(erf) = vrcp.f32 v0;
	_ =	sdelay $0x5  }
0xef: {  	[tilespmem:$0x1FF00] =	vst v3  }
0xf0: {  	[tilespmem:$0x1FF10] =	vst v2;
	v2 =	vpop (erf)  }
0xf1: {  	v3 =	vld [tilespmem:$0x20];
	[tilespmem:$0x1FEC0] =	vst v2;
	v2 =	vpop (erf)  }
0xf2: {  	v4 =	vld [tilespmem:$0x60];
	[tilespmem:$0x1FEF0] =	vst v2;
	v2 =	vpop (erf)  }
0xf3: {  	v2 =	vmul.f32 v2, v57;
	_ =	sdelay $0x1  }
0xf4: {  	v0 =	vadd.f32 v2, v0;
	v2 =	vld [tilespmem:$0xA0]  }
0xf5: {  	v59 =	vmul.f32 $6.400000000e+01, v3;
	v3 =	vld [tilespmem:$0xE0]  }
0xf6: {  	v60 =	vmul.f32 $6.400000000e+01, v4  }
0xf7: {  	v4 =	vtrunc.f32 v59  }
0xf8: {  	v5 =	vcvt.f32.s32 v4;
	v4 =	vtrunc.f32 v60  }
0xf9: {  	[tilespmem:$0x1FDC0] =	vst v28;
	v4 =	vcvt.f32.s32 v4;
	v28 =	vmul.f32 $6.400000000e+01, v2  }
0xfa: {  	[tilespmem:$0x1FF30] =	vst v5;
	v29 =	vmul.f32 $6.400000000e+01, v3;
	v2 =	vcvt.s32.f32 v5  }
0xfb: {  	[tilespmem:$0x1FF20] =	vst v4;
	v5 =	vcvt.s32.f32 v4;
	v4 =	vmul.f32 $5.000000000e-01, v28  }
0xfc: {  	[tilespmem:$0x1FF40] =	vst v2;
	v3 =	vadd.f32 $5.000000000e-01, v2  }
0xfd: {  	[tilespmem:$0x1FF50] =	vst v5;
	v2 =	vadd.f32 $5.000000000e-01, v5;
	v5 =	vmul.f32 $5.000000000e-01, v29;
	v53 =	vsub.f32 v59, v4  }
0xfe: {  	v51 =	vadd.f32 v4, v59;
	v4 =	vadd.f32 $6.250000000e-01, v3  }
0xff: {  	v0 =	vmul.f32 $5.000000000e-01, v0;
	v50 =	vsub.f32 v60, v5;
	v6 =	vadd.f32 $-6.250000000e-01, v3  }
0x100: {  	v52 =	vadd.f32 v5, v60;
	v5 =	vadd.f32 $8.125000000e-01, v2  }
0x101: {  	(erf) = vrcp.f32 v0;
	v8 =	vadd.f32 $-8.125000000e-01, v2;
	v10 =	vadd.f32 $1.000000000e+00, v3  }
0x102: {  	v15 =	vadd.f32 $1.875000000e+00, v2;
	v30 =	vadd.f32 $-1.875000000e+00, v2  }
0x103: {  	v35 =	vadd.f32 $-3.812500000e+00, v2;
	v37 =	vadd.f32 $-2.812500000e+00, v2  }
0x104: {  	v38 =	vadd.f32 $-3.687500000e+00, v3;
	v39 =	vadd.f32 $7.437500000e+00, v2  }
0x105: {  	v40 =	vadd.f32 $7.250000000e+00, v3;
	v46 =	vadd.f32 $-7.250000000e+00, v3  }
0x106: {  	v49 =	vadd.f32 $5.625000000e+00, v2;
	v54 =	vadd.f32 $-5.625000000e+00, v2  }
0x107: {  	[tilespmem:$0x1FF60] =	vst v28;
	v61 =	vmul.f32 v29, v28;
	v62 =	vadd.f32 $9.750000000e+00, v3;
	v28 =	vadd.f32 $-9.750000000e+00, v3  }
0x108: {  	[tilespmem:$0x1FF80] =	vst v29;
	v29 =	vadd.f32 $1.237500000e+01, v2;
	v4 =	vmin.f32 v4, v51;
	v6 =	vmax.f32 v6, v53  }
0x109: {  	v4 =	vsub.f32 v4, v6;
	v6 =	vadd.f32 $-1.000000000e+00, v3  }
0x10a: {  	v5 =	vmin.f32 v5, v52;
	v8 =	vmax.f32 v8, v50;
	v10 =	vmin.f32 v10, v51;
	v13 =	vpop (erf)  }
0x10b: {  	v5 =	vsub.f32 v5, v8;
	v6 =	vmax.f32 v6, v53;
	v8 =	vmul.f32 v13, v57  }
0x10c: {  	v13 =	vmax.f32 v30, v50;
	v6 =	vsub.f32 v10, v6;
	v10 =	vmin.f32 v15, v52  }
0x10d: {  	v4 =	vmax.f32 v4, $0.0e+00;
	v5 =	vmax.f32 v5, $0.0e+00;
	v10 =	vsub.f32 v10, v13  }
0x10e: {  	v16 =	vmax.f32 v38, v53;
	v8 =	vadd.f32 v8, v0;
	v0 =	vmul.f32 v5, v4  }
0x10f: {  	v5 =	vadd.f32 $2.031250000e+00, v61;
	v4 =	vmax.f32 v6, $0.0e+00;
	v6 =	vmax.f32 v10, $0.0e+00  }
0x110: {  	v17 =	vmin.f32 v39, v52;
	v4 =	vmul.f32 v6, v4;
	v6 =	vadd.f32 $7.500000000e+00, v61  }
0x111: {  	v47 =	vmin.f32 v40, v51;
	v8 =	vmul.f32 $5.000000000e-01, v8;
	v5 =	vsub.f32 v5, v0  }
0x112: {  	v48 =	vmax.f32 v46, v53;
	v10 =	vadd.f32 $-2.062500000e+00, v3;
	v6 =	vsub.f32 v6, v4  }
0x113: {  	[tilespmem:$0x1FED0] =	vst v8;
	(erf) = vrcp.f32 v8;
	v5 =	vmax.f32 v5, $9.999999960e-13;
	v8 =	vadd.f32 $2.062500000e+00, v3  }
0x114: {  	v55 =	vmin.f32 v49, v52;
	(erf) = vrcp.f32 v5;
	v5 =	vmax.f32 v6, $9.999999960e-13  }
0x115: {  	v6 =	vmin.f32 v8, v51;
	v8 =	vmax.f32 v10, v53;
	v10 =	vadd.f32 $1.437500000e+00, v2  }
0x116: {  	(erf) = vrcp.f32 v5;
	v5 =	vsub.f32 v6, v8;
	v6 =	vadd.f32 $-1.437500000e+00, v2  }
0x117: {  	v13 =	vadd.f32 $-1.875000000e+00, v3;
	v8 =	vmin.f32 v10, v52;
	v10 =	vadd.f32 $1.875000000e+00, v3  }
0x118: {  	v40 =	vadd.f32 $2.037500000e+01, v2;
	v15 =	vadd.f32 $3.812500000e+00, v2;
	v6 =	vmax.f32 v6, v50  }
0x119: {  	v6 =	vsub.f32 v8, v6;
	v8 =	vmin.f32 v10, v51;
	v10 =	vmax.f32 v13, v53  }
0x11a: {  	v13 =	vmax.f32 v35, v50;
	v8 =	vsub.f32 v8, v10;
	v10 =	vmin.f32 v15, v52  }
0x11b: {  	v5 =	vmax.f32 v5, $0.0e+00;
	v10 =	vsub.f32 v10, v13;
	v6 =	vmax.f32 v6, $0.0e+00  }
0x11c: {  	v15 =	vadd.f32 $-3.875000000e+00, v3;
	v13 =	vadd.f32 $3.875000000e+00, v3;
	v5 =	vmul.f32 v6, v5  }
0x11d: {  	v6 =	vadd.f32 $1.185937500e+01, v61;
	v8 =	vmax.f32 v8, $0.0e+00;
	v10 =	vmax.f32 v10, $0.0e+00  }
0x11e: {  	v46 =	vadd.f32 $1.097031250e+02, v61;
	v8 =	vmul.f32 v10, v8;
	v10 =	vadd.f32 $2.812500000e+00, v2  }
0x11f: {  	v15 =	vmax.f32 v15, v53;
	v13 =	vmin.f32 v13, v51;
	v6 =	vsub.f32 v6, v5  }
0x120: {  	v13 =	vsub.f32 v13, v15;
	v15 =	vmax.f32 v37, v50;
	v10 =	vmin.f32 v10, v52  }
0x121: {  	v38 =	vmin.f32 v29, v52;
	v10 =	vsub.f32 v10, v15;
	v15 =	vadd.f32 $2.859375000e+01, v61  }
0x122: {  	v30 =	vadd.f32 $-1.237500000e+01, v2;
	v6 =	vmax.f32 v6, $9.999999960e-13;
	v13 =	vmax.f32 v13, $0.0e+00  }
0x123: {  	(erf) = vrcp.f32 v6;
	v6 =	vsub.f32 v15, v8;
	v10 =	vmax.f32 v10, $0.0e+00  }
0x124: {  	v49 =	vadd.f32 $1.631250000e+02, v61;
	v10 =	vmul.f32 v10, v13;
	v13 =	vadd.f32 $4.359375000e+01, v61  }
0x125: {  	v39 =	vmax.f32 v30, v50;
	v15 =	vadd.f32 $3.687500000e+00, v3;
	v6 =	vmax.f32 v6, $9.999999960e-13  }
0x126: {  	(erf) = vrcp.f32 v6;
	v6 =	vsub.f32 v13, v10;
	v13 =	vadd.f32 $-7.437500000e+00, v2  }
0x127: {  	v24 =	vmin.f32 v40, v52;
	v21 =	vsub.f32 v38, v39;
	v15 =	vmin.f32 v15, v51  }
0x128: {  	v35 =	vmin.f32 v62, v51;
	v15 =	vsub.f32 v15, v16;
	v13 =	vmax.f32 v13, v50  }
0x129: {  	v16 =	vmax.f32 v54, v50;
	v2 =	vadd.f32 $-2.037500000e+01, v2;
	v13 =	vsub.f32 v17, v13  }
0x12a: {  	v37 =	vmax.f32 v28, v53;
	v16 =	vsub.f32 v55, v16;
	v6 =	vmax.f32 v6, $9.999999960e-13  }
0x12b: {  	v15 =	vmax.f32 v15, $0.0e+00;
	v2 =	vmax.f32 v2, v50;
	v13 =	vmax.f32 v13, $0.0e+00  }
0x12c: {  	v13 =	vmul.f32 v13, v15;
	v15 =	vadd.f32 $2.331250000e+01, v3;
	v3 =	vadd.f32 $-2.331250000e+01, v3  }
0x12d: {  	(erf) = vrcp.f32 v6;
	v6 =	vsub.f32 v47, v48;
	v17 =	vsub.f32 v35, v37  }
0x12e: {  	v2 =	vsub.f32 v24, v2;
	v15 =	vmin.f32 v15, v51;
	v3 =	vmax.f32 v3, v53  }
0x12f: {  	v16 =	vmax.f32 v16, $0.0e+00;
	v48 =	vmax.f32 v21, $0.0e+00;
	v3 =	vsub.f32 v15, v3  }
0x130: {  	v6 =	vmax.f32 v6, $0.0e+00;
	v47 =	vmax.f32 v17, $0.0e+00;
	v2 =	vmax.f32 v2, $0.0e+00  }
0x131: {  	v6 =	vmul.f32 v16, v6;
	v16 =	vmul.f32 v48, v47;
	v3 =	vmax.f32 v3, $0.0e+00  }
0x132: {  	v15 =	vsub.f32 v46, v13;
	v2 =	vmul.f32 v2, v3;
	v3 =	vadd.f32 $4.826250000e+02, v61  }
0x133: {  	v55 =	vadd.f32 $1.899968750e+03, v61;
	v54 =	vsub.f32 v49, v6  }
0x134: {  	v15 =	vmax.f32 v15, $9.999999960e-13;
	v3 =	vsub.f32 v3, v16  }
0x135: {  	(erf) = vrcp.f32 v15;
	v15 =	vmax.f32 v54, $9.999999960e-13;
	v62 =	vsub.f32 v55, v2  }
0x136: {  	(erf) = vrcp.f32 v15;
	v3 =	vmax.f32 v3, $9.999999960e-13  }
0x137: {  	(erf) = vrcp.f32 v3;
	v3 =	vmax.f32 v62, $9.999999960e-13  }
0x138: {  	v15 =	vpop (erf)  }
0x139: {  	[tilespmem:$0x1FE60] =	vst v15;
	v15 =	vpop (erf)  }
0x13a: {  	(erf) = vrcp.f32 v3;
	v3 =	vpop (erf)  }
0x13b: {  	v3 =	vmul.f32 v3, v4;
	_ =	sdelay $0x1  }
0x13c: {  	v0 =	vmul.f32 v15, v0;
	v4 =	vpop (erf)  }
0x13d: {  	v4 =	vmul.f32 v4, v5;
	v5 =	vpop (erf)  }
0x13e: {  	v5 =	vmul.f32 v5, v8;
	v8 =	vmax.f32 v0, v3;
	vm13 =	vgt.f32 v3, v0;
	v3 =	vpop (erf)  }
0x13f: {  	v3 =	vmul.f32 v3, v10  }
0x140: {  	v27 =	vimm.s32 $0x0;
	v0 =	vmax.f32 v8, v4  }
0x141: {  	vm14 =	vgt.f32 v4, v8;
	v4 =	vsel vm13, $0x1, v27;
	vm10 =	vgt.f32 v5, v0;
	v8 =	vpop (erf)  }
0x142: {  	v0 =	vmax.f32 v0, v5;
	v4 =	vsel vm14, $0x2, v4;
	v5 =	vmul.f32 v8, v13  }
0x143: {  	v4 =	vsel vm10, $0x3, v4;
	vm15 =	vgt.f32 v3, v0;
	v0 =	vmax.f32 v0, v3;
	v3 =	vpop (erf)  }
0x144: {  	v4 =	vsel vm15, $0x4, v4;
	vm12 =	vgt.f32 v5, v0;
	v3 =	vmul.f32 v3, v6;
	v6 =	vpop (erf)  }
0x145: {  	v0 =	vmax.f32 v0, v5;
	v4 =	vsel vm12, $0x5, v4;
	v5 =	vmul.f32 v6, v16;
	v6 =	vpop (erf)  }
0x146: {  	vm13 =	vgt.f32 v3, v0;
	v0 =	vmax.f32 v0, v3;
	v2 =	vmul.f32 v6, v2  }
0x147: {  	v3 =	vsel vm13, $0x6, v4;
	vm14 =	vgt.f32 v5, v0;
	v0 =	vmax.f32 v0, v5  }
0x148: {  	v3 =	vsel vm14, $0x7, v3;
	vm15 =	vgt.f32 v2, v0;
	v0 =	vmul.f32 $2.441406250e-04, v61  }
0x149: {  	v2 =	vsel vm15, $0x8, v3  }
0x14a: {  	vm8 =	vgt.s32 v23, v9;
	vm12 =	vlt.u32 v2, $0x3;
	v38 =	vsub.f32 $2.000000000e+00, v0  }
0x14b: {  	vm9 =	vmand vm8, vm12  }
0x14c: {  	v37 =	vnsel vm9, $0x0, v2;
	v0 =	vmul.f32 v38, v22  }
0x14d: {  	v19 =	vimm.f32 $4.125000000e+00;
	v20 =	vimm.f32 $2.875000000e+00;
	vm13 =	veq.s32 v37, $0x1  }
0x14e: {  	vm11 =	veq.s32 v37, $0x0;
	v2 =	vsel vm13, $0x40000000, v19;
	v0 =	vadd.f32 $1.200000050e+00, v0  }
0x14f: {  	v3 =	vsel vm11, $0x3FA00000, v2;
	v2 =	vsel vm13, $0x40700000, v20  }
0x150: {  	v62 =	vsel vm11, $0x3FD00000, v2;
	(erf) = vrcp.f32 v3;
	v0 =	vmul.f32 $5.000000000e-01, v0  }
0x151: {  	(erf) = vrcp.f32 v62  }
0x152: {  	(erf) = vrcp.f32 v0;
	_ =	sdelay $0x6  }
0x153: {  	[tilespmem:$0x1FFA0] =	vst v3;
	v3 =	vld [tilespmem:$0x30];
	v2 =	vpop (erf)  }
0x154: {  	v4 =	vld [tilespmem:$0x70];
	[tilespmem:$0x1FF70] =	vst v2;
	v2 =	vpop (erf)  }
0x155: {  	[tilespmem:$0x1FF90] =	vst v2;
	v2 =	vpop (erf)  }
0x156: {  	v5 =	vld [tilespmem:$0xF0];
	v2 =	vmul.f32 v2, v38;
	_ =	sdelay $0x1  }
0x157: {  	v39 =	vmul.f32 $6.400000000e+01, v3;
	v0 =	vadd.f32 v2, v0;
	v2 =	vld [tilespmem:$0xB0]  }
0x158: {  	v40 =	vmul.f32 $6.400000000e+01, v4  }
0x159: {  	v6 =	vmul.f32 $5.000000000e-01, v0;
	v0 =	vtrunc.f32 v39  }
0x15a: {  	v55 =	vmul.f32 $6.400000000e+01, v5;
	v47 =	vcvt.f32.s32 v0  }
0x15b: {  	v0 =	vtrunc.f32 v40;
	(erf) = vrcp.f32 v6  }
0x15c: {  	v46 =	vcvt.f32.s32 v0;
	v49 =	vmul.f32 $6.400000000e+01, v2  }
0x15d: {  	v54 =	vcvt.s32.f32 v47;
	v2 =	vmul.f32 $5.000000000e-01, v55  }
0x15e: {  	v0 =	vmul.f32 $5.000000000e-01, v49  }
0x15f: {  	v48 =	vcvt.s32.f32 v46;
	v21 =	vadd.f32 $5.000000000e-01, v54;
	v24 =	vsub.f32 v40, v2  }
0x160: {  	v28 =	vadd.f32 v2, v40;
	v29 =	vsub.f32 v39, v0  }
0x161: {  	v30 =	vadd.f32 v0, v39;
	v0 =	vadd.f32 $5.000000000e-01, v48  }
0x162: {  	v2 =	vadd.f32 $6.250000000e-01, v21;
	v8 =	vadd.f32 $-6.250000000e-01, v21  }
0x163: {  	v35 =	vadd.f32 $8.125000000e-01, v0;
	v3 =	vadd.f32 $-8.125000000e-01, v0  }
0x164: {  	v4 =	vmin.f32 v2, v30  }
0x165: {  	v8 =	vmax.f32 v8, v29;
	v35 =	vmin.f32 v35, v28;
	v3 =	vmax.f32 v3, v24  }
0x166: {  	v4 =	vsub.f32 v4, v8;
	v2 =	vpop (erf);
	v3 =	vsub.f32 v35, v3  }
0x167: {  	v19 =	vmul.f32 v55, v49;
	v8 =	vmul.f32 v2, v38  }
0x168: {  	v4 =	vmax.f32 v4, $0.0e+00;
	v3 =	vmax.f32 v3, $0.0e+00  }
0x169: {  	v6 =	vadd.f32 v8, v6;
	v27 =	vmul.f32 v3, v4;
	v3 =	vadd.f32 $2.031250000e+00, v19  }
0x16a: {  	v5 =	vadd.f32 $-2.062500000e+00, v21  }
0x16b: {  	v2 =	vadd.f32 $-1.875000000e+00, v0;
	v35 =	vmul.f32 $5.000000000e-01, v6;
	v3 =	vsub.f32 v3, v27  }
0x16c: {  	v5 =	vmax.f32 v5, v29;
	v8 =	vadd.f32 $2.062500000e+00, v21;
	v4 =	vadd.f32 $1.000000000e+00, v21  }
0x16d: {  	v6 =	vadd.f32 $-1.000000000e+00, v21;
	(erf) = vrcp.f32 v35;
	v3 =	vmax.f32 v3, $9.999999960e-13  }
0x16e: {  	v2 =	vmax.f32 v2, v24;
	(erf) = vrcp.f32 v3;
	v3 =	vadd.f32 $1.875000000e+00, v0  }
0x16f: {  	v13 =	vmin.f32 v4, v30;
	v4 =	vadd.f32 $-1.437500000e+00, v0;
	v10 =	vmax.f32 v6, v29  }
0x170: {  	v10 =	vsub.f32 v13, v10;
	v6 =	vmin.f32 v3, v28;
	v3 =	vadd.f32 $1.437500000e+00, v0  }
0x171: {  	v4 =	vmax.f32 v4, v24;
	v13 =	vadd.f32 $3.875000000e+00, v21;
	v2 =	vsub.f32 v6, v2  }
0x172: {  	v6 =	vmin.f32 v8, v30;
	v8 =	vadd.f32 $1.875000000e+00, v21;
	v3 =	vmin.f32 v3, v28  }
0x173: {  	v5 =	vsub.f32 v6, v5;
	v6 =	vsub.f32 v3, v4  }
0x174: {  	v4 =	vmax.f32 v10, $0.0e+00;
	v2 =	vmax.f32 v2, $0.0e+00;
	v10 =	vadd.f32 $-1.875000000e+00, v21  }
0x175: {  	v3 =	vadd.f32 $-3.875000000e+00, v21;
	v25 =	vmul.f32 v2, v4;
	v2 =	vadd.f32 $3.812500000e+00, v0  }
0x176: {  	v8 =	vmin.f32 v8, v30;
	v4 =	vadd.f32 $-3.812500000e+00, v0;
	v10 =	vmax.f32 v10, v29  }
0x177: {  	v3 =	vmax.f32 v3, v29;
	v6 =	vmax.f32 v6, $0.0e+00;
	v2 =	vmin.f32 v2, v28  }
0x178: {  	v4 =	vmax.f32 v4, v24;
	v8 =	vsub.f32 v8, v10;
	v10 =	vadd.f32 $2.812500000e+00, v0  }
0x179: {  	v2 =	vsub.f32 v2, v4;
	v4 =	vmin.f32 v13, v30;
	v13 =	vadd.f32 $-2.812500000e+00, v0  }
0x17a: {  	v3 =	vsub.f32 v4, v3;
	v4 =	vmax.f32 v5, $0.0e+00;
	v5 =	vadd.f32 $7.500000000e+00, v19  }
0x17b: {  	v10 =	vmin.f32 v10, v28;
	v8 =	vmax.f32 v8, $0.0e+00;
	v13 =	vmax.f32 v13, v24  }
0x17c: {  	v22 =	vmul.f32 v6, v4;
	v4 =	vadd.f32 $-7.250000000e+00, v21;
	v6 =	vsub.f32 v10, v13  }
0x17d: {  	v2 =	vmax.f32 v2, $0.0e+00;
	v5 =	vsub.f32 v5, v25;
	v10 =	vadd.f32 $1.185937500e+01, v19  }
0x17e: {  	[tilespmem:$0x1FD90] =	vst v26;
	v26 =	vmul.f32 v2, v8;
	v8 =	vadd.f32 $2.859375000e+01, v19;
	v3 =	vmax.f32 v3, $0.0e+00  }
0x17f: {  	v13 =	vadd.f32 $7.437500000e+00, v0;
	v2 =	vadd.f32 $-7.437500000e+00, v0;
	v4 =	vmax.f32 v4, v29  }
0x180: {  	v5 =	vmax.f32 v5, $9.999999960e-13;
	v10 =	vsub.f32 v10, v22;
	v6 =	vmax.f32 v6, $0.0e+00  }
0x181: {  	v13 =	vmin.f32 v13, v28;
	v2 =	vmax.f32 v2, v24;
	(erf) = vrcp.f32 v5  }
0x182: {  	[tilespmem:$0x1FE50] =	vst v23;
	v23 =	vmul.f32 v6, v3;
	v5 =	vsub.f32 v8, v26;
	v8 =	vadd.f32 $4.359375000e+01, v19  }
0x183: {  	v3 =	vadd.f32 $7.250000000e+00, v21;
	v2 =	vsub.f32 v13, v2;
	v6 =	vmax.f32 v10, $9.999999960e-13  }
0x184: {  	v10 =	vadd.f32 $3.687500000e+00, v21;
	(erf) = vrcp.f32 v6;
	v6 =	vadd.f32 $-3.687500000e+00, v21  }
0x185: {  	v13 =	vadd.f32 $-1.237500000e+01, v0;
	v5 =	vmax.f32 v5, $9.999999960e-13;
	v8 =	vsub.f32 v8, v23  }
0x186: {  	v3 =	vmin.f32 v3, v30;
	v10 =	vmin.f32 v10, v30;
	v6 =	vmax.f32 v6, v29  }
0x187: {  	(erf) = vrcp.f32 v5;
	v5 =	vsub.f32 v10, v6;
	v6 =	vmax.f32 v8, $9.999999960e-13  }
0x188: {  	v2 =	vmax.f32 v2, $0.0e+00;
	v3 =	vsub.f32 v3, v4;
	(erf) = vrcp.f32 v6  }
0x189: {  	v6 =	vadd.f32 $-5.625000000e+00, v0;
	v4 =	vmax.f32 v5, $0.0e+00;
	v5 =	vadd.f32 $5.625000000e+00, v0  }
0x18a: {  	v8 =	vadd.f32 $9.750000000e+00, v21;
	v20 =	vmul.f32 v2, v4;
	v4 =	vadd.f32 $1.097031250e+02, v19  }
0x18b: {  	v10 =	vadd.f32 $-9.750000000e+00, v21;
	v6 =	vmax.f32 v6, v24;
	v5 =	vmin.f32 v5, v28  }
0x18c: {  	v5 =	vsub.f32 v5, v6;
	v4 =	vsub.f32 v4, v20  }
0x18d: {  	v6 =	vmin.f32 v8, v30;
	v8 =	vmax.f32 v10, v29;
	v10 =	vadd.f32 $1.237500000e+01, v0  }
0x18e: {  	v3 =	vmax.f32 v3, $0.0e+00;
	v6 =	vsub.f32 v6, v8;
	v4 =	vmax.f32 v4, $9.999999960e-13  }
0x18f: {  	v5 =	vmax.f32 v5, $0.0e+00;
	v8 =	vmin.f32 v10, v28;
	v10 =	vmax.f32 v13, v24  }
0x190: {  	(erf) = vrcp.f32 v4;
	v18 =	vmul.f32 v5, v3;
	v4 =	vsub.f32 v8, v10  }
0x191: {  	v5 =	vmax.f32 v6, $0.0e+00;
	v10 =	vadd.f32 $2.037500000e+01, v0;
	v0 =	vadd.f32 $-2.037500000e+01, v0  }
0x192: {  	v2 =	vld [tilespmem:$0x1FD60];
	v6 =	vadd.f32 $2.331250000e+01, v21;
	v8 =	vadd.f32 $-2.331250000e+01, v21;
	v4 =	vmax.f32 v4, $0.0e+00  }
0x193: {  	v0 =	vmax.f32 v0, v24;
	v17 =	vmul.f32 v4, v5  }
0x194: {  	v5 =	vmin.f32 v6, v30;
	v6 =	vmax.f32 v8, v29;
	v8 =	vmin.f32 v10, v28  }
0x195: {  	v4 =	vld [tilespmem:$0x1FD40];
	v5 =	vsub.f32 v5, v6;
	v0 =	vsub.f32 v8, v0  }
0x196: {  	v15 =	vld [tilespmem:$0x1FD50];
	v10 =	vadd.f32 $1.631250000e+02, v19  }
0x197: {  	v8 =	vtrunc.f32 v2;
	v2 =	vld [tilespmem:$0x1FD80];
	v5 =	vmax.f32 v5, $0.0e+00;
	v0 =	vmax.f32 v0, $0.0e+00  }
0x198: {  	v16 =	vmul.f32 v0, v5;
	v0 =	vld [tilespmem:$0x1FD70]  }
0x199: {  	v10 =	vsub.f32 v10, v18  }
0x19a: {  	v13 =	vadd.f32 $4.826250000e+02, v19;
	v6 =	vshll.u32 v4, $0x6  }
0x19b: {  	v5 =	vcvt.f32.s32 v8;
	v8 =	vmax.f32 v10, $9.999999960e-13;
	v6 =	vadd.s32 v15, v6  }
0x19c: {  	v10 =	vsub.f32 v13, v17;
	v13 =	vadd.f32 $1.899968750e+03, v19;
	v6 =	vmul.u32 $0x3, v6  }
0x19d: {  	(erf) = vrcp.f32 v8;
	v21 =	vmul.f32 v2, v0;
	v0 =	vld [tilespmem:$0x1FFB0]  }
0x19e: {  	v8 =	vmax.f32 v10, $9.999999960e-13;
	v10 =	vsub.f32 v13, v16;
	v2 =	vmovc v63;
	v6 =	vadd.s32 v6, v63;
	v63 =	vld [tilespmem:$0x1FD90];
	_ =	sdelay $0x1  }
0x19f: {  	vm14 =	vlt.s32 v5, $0x4F;
	v10 =	vmax.f32 v10, $9.999999960e-13  }
0x1a0: {  	(erf) = vrcp.f32 v8;
	v8 =	vnsel vm14, $0x4F, v5;
	v5 =	vpop (erf);
	v13 =	vshll.u32 v6, $0x7  }
0x1a1: {  	v3 =	vpop (erf);
	v13 =	vadd.s32 v8, v13;
	v6 =	vsel vm5, v6, v0  }
0x1a2: {  	(erf) = vrcp.f32 v10;
	v10 =	vpop (erf);
	v58 =	vmul.f32 v63, v58;
	v63 =	vld [tilespmem:$0x1FDB0];
	[tilespmem:$0x980] =	vst v6;
	v6 =	vsel vm5, v13, v0  }
0x1a3: {  	[tilespmem:$0xA00] =	vst v6;
	v6 =	vmul.f32 v10, v25;
	v10 =	vmul.u32 $0x55, v2;
	v2 =	vld [tilespmem:$0x1FDA0];
	_ =	sdelay $0x4  }
0x1a4: {  	v25 =	vmul.f32 v63, v2;
	v2 =	vld [tilespmem:$0x1FDC0];
	_ =	sdelay $0x3  }
0x1a5: {  	v0 =	vmul.f32 v3, v27;
	v13 =	vpop (erf);
	v27 =	vld [tilespmem:$0x1FDD0]  }
0x1a6: {  	[tilespmem:$0xA80] =	vst v8;
	v8 =	vmul.f32 v13, v22;
	v13 =	vadd.f32 v58, v2;
	v2 =	vld [tilespmem:$0x1FDE0];
	_ =	sdelay $0x2  }
0x1a7: {  	vm5 =	vgt.f32 v6, v0;
	v0 =	vmax.f32 v0, v6;
	v6 =	vpop (erf)  }
0x1a8: {  	vm10 =	vgt.f32 v8, v0;
	v6 =	vmul.f32 v6, v26;
	v26 =	vpop (erf)  }
0x1a9: {  	[tilespmem:$0xB00] =	vst v10;
	v0 =	vmax.f32 v0, v8;
	v8 =	vmul.f32 v26, v23;
	v26 =	vld [tilespmem:$0x1FDF0];
	v10 =	vsub.f32 v2, v27  }
0x1aa: {  	v2 =	vld [tilespmem:$0x1FE00]  }
0x1ab: {  	v63 =	vpop (erf)  }
0x1ac: {  	vm11 =	vgt.f32 v6, v0;
	v0 =	vmax.f32 v0, v6;
	v6 =	vmul.f32 v63, v20  }
0x1ad: {  	vm12 =	vgt.f32 v8, v0;
	v0 =	vmax.f32 v0, v8;
	[tilespmem:$0x180] =	vst v10;
	v10 =	vpop (erf)  }
0x1ae: {  	vm13 =	vgt.f32 v6, v0;
	v3 =	vmul.f32 v10, v18;
	v10 =	vpop (erf)  }
0x1af: {  	[tilespmem:$0xB80] =	vst v4;
	v0 =	vmax.f32 v0, v6;
	v58 =	vsub.f32 v2, v26;
	v4 =	vmul.f32 v10, v17  }
0x1b0: {  	v2 =	vimm.s32 $0x0;
	vm14 =	vgt.f32 v3, v0;
	v0 =	vmax.f32 v0, v3  }
0x1b1: {  	v10 =	vsel vm5, $0x1, v2;
	vm5 =	vgt.f32 v4, v0;
	v0 =	vmax.f32 v0, v4;
	v4 =	vld [tilespmem:$0x1FE40]  }
0x1b2: {  	[tilespmem:$0xC00] =	vst v15;
	v15 =	vld [tilespmem:$0x1FE10];
	v6 =	vmul.f32 $5.000000000e-01, v13;
	v13 =	vpop (erf)  }
0x1b3: {  	[tilespmem:$0x800] =	vst v41;
	v8 =	vld [tilespmem:$0x110];
	v2 =	vmul.f32 v13, v16;
	v3 =	vsel vm10, $0x2, v10  }
0x1b4: {  	[tilespmem:$0x600] =	vst v42;
	v13 =	vld [tilespmem:$0x1FE30];
	v3 =	vsel vm11, $0x3, v3  }
0x1b5: {  	[tilespmem:$0x680] =	vst v43;
	vm15 =	vgt.f32 v2, v0;
	v0 =	vsel vm12, $0x4, v3;
	v3 =	vld [tilespmem:$0x1FE20]  }
0x1b6: {  	[tilespmem:$0x580] =	vst v4;
	v4 =	vld [tilespmem:$0x1FE50]  }
0x1b7: {  	[tilespmem:$0x700] =	vst v44  }
0x1b8: {  	[tilespmem:$0x780] =	vst v45;
	v23 =	vimm.f32 $0.0e+00;
	v2 =	vshll.u32 v15, $0x6;
	v0 =	vsel vm13, $0x5, v0  }
0x1b9: {  	v44 =	vld [tilespmem:$0x1FE70];
	[tilespmem:$0x380] =	vst v6;
	v6 =	vsel vm4, $0x3F800000, v23;
	v0 =	vsel vm14, $0x6, v0;
	v2 =	vadd.s32 v13, v2  }
0x1ba: {  	v10 =	vld [tilespmem:$0x1FFF0];
	v0 =	vsel vm5, $0x7, v0;
	v2 =	vmul.u32 $0x3, v2;
	[tilespmem:$0x500] =	vst v3;
	v3 =	vtrunc.f32 v8  }
0x1bb: {  	[tilespmem:$0x880] =	vst v6;
	v6 =	vld [tilespmem:$0x1FFC0];
	v3 =	vcvt.f32.s32 v3;
	vm5 =	vgt.s32 v4, v12;
	v4 =	vmul.f32 $2.441406250e-04, v19  }
0x1bc: {  	[tilespmem:$0x610] =	vst v32;
	v0 =	vsel vm15, $0x8, v0  }
0x1bd: {  	[tilespmem:$0x690] =	vst v31;
	v2 =	vadd.s32 v2, v56;
	vm4 =	vlt.s32 v3, $0x4F;
	v4 =	vsub.f32 $2.000000000e+00, v4  }
0x1be: {  	[tilespmem:$0x810] =	vst v34;
	vm10 =	vlt.u32 v0, $0x3;
	v8 =	vshll.u32 v2, $0x7;
	v3 =	vnsel vm4, $0x4F, v3  }
0x1bf: {  	[tilespmem:$0x410] =	vst v44;
	vm4 =	vmand vm5, vm10;
	v8 =	vadd.s32 v3, v8;
	v10 =	vmul.f32 v4, v10  }
0x1c0: {  	[tilespmem:$0x710] =	vst v33;
	v2 =	vsel vm7, v2, v6;
	v0 =	vnsel vm4, $0x0, v0;
	v6 =	vsel vm7, v8, v6  }
0x1c1: {  	[tilespmem:$0x790] =	vst v36;
	vm12 =	veq.s32 v0, $0x1;
	v8 =	vadd.f32 $1.200000050e+00, v10;
	v10 =	vimm.f32 $2.875000000e+00  }
0x1c2: {  	vm13 =	veq.s32 v0, $0x0;
	[tilespmem:$0xA10] =	vst v6;
	v6 =	vmul.u32 $0x55, v56;
	v10 =	vsel vm12, $0x40700000, v10  }
0x1c3: {  	[tilespmem:$0xA90] =	vst v3;
	v3 =	vsel vm13, $0x3FD00000, v10;
	v10 =	vld [tilespmem:$0x1FE80]  }
0x1c4: {  	[tilespmem:$0xB10] =	vst v6;
	v6 =	vld [tilespmem:$0x1FE60]  }
0x1c5: {  	[tilespmem:$0x820] =	vst v61  }
0x1c6: {  	[tilespmem:$0x200] =	vst v58  }
0x1c7: {  	v58 =	vld [tilespmem:$0x1FEF0];
	[tilespmem:$0x990] =	vst v2;
	v2 =	vimm.f32 $4.125000000e+00  }
0x1c8: {  	[tilespmem:$0xB90] =	vst v15;
	v15 =	vld [tilespmem:$0x1FE90];
	v2 =	vsel vm12, $0x40000000, v2;
	v10 =	vsub.f32 v10, v44  }
0x1c9: {  	[tilespmem:$0x620] =	vst v53;
	v2 =	vsel vm13, $0x3FA00000, v2;
	v6 =	vmul.f32 v6, v57;
	v57 =	vld [tilespmem:$0x1FED0]  }
0x1ca: {  	(erf) = vrcp.f32 v2;
	v8 =	vmul.f32 $5.000000000e-01, v8;
	[tilespmem:$0x190] =	vst v10;
	v10 =	vld [tilespmem:$0x1FEE0]  }
0x1cb: {  	[tilespmem:$0xC10] =	vst v13;
	v13 =	vld [tilespmem:$0x1FEA0];
	(erf) = vrcp.f32 v3  }
0x1cc: {  	[tilespmem:$0x6A0] =	vst v51;
	(erf) = vrcp.f32 v8  }
0x1cd: {  	[tilespmem:$0x720] =	vst v50  }
0x1ce: {  	v45 =	vld [tilespmem:$0x1FEB0];
	[tilespmem:$0x7A0] =	vst v52;
	v6 =	vadd.f32 v6, v57  }
0x1cf: {  	[tilespmem:$0x400] =	vst v27;
	v56 =	vld [tilespmem:$0x1FEC0];
	v10 =	vmul.f32 v58, v10  }
0x1d0: {  	[tilespmem:$0x490] =	vst v15;
	v13 =	vsub.f32 v13, v15;
	v15 =	vld [tilespmem:$0x1FF00];
	v6 =	vmul.f32 $5.000000000e-01, v6  }
0x1d1: {  	[tilespmem:$0x300] =	vst v25;
	v25 =	vld [tilespmem:$0x1FF20]  }
0x1d2: {  	v27 =	vld [tilespmem:$0x1FF30];
	[tilespmem:$0x390] =	vst v6  }
0x1d3: {  	v6 =	vld [tilespmem:$0x120];
	[tilespmem:$0x310] =	vst v10;
	v10 =	vpop (erf)  }
0x1d4: {  	[tilespmem:$0x210] =	vst v13;
	v20 =	vmul.f32 v56, v45;
	v13 =	vpop (erf)  }
0x1d5: {  	[tilespmem:$0x510] =	vst v15;
	v63 =	vpop (erf)  }
0x1d6: {  	v15 =	vld [tilespmem:$0x1FF10];
	[tilespmem:$0x290] =	vst v20;
	v20 =	vmul.f32 v63, v4  }
0x1d7: {  	v43 =	vmul.u32 $0x55, v37;
	[tilespmem:$0x480] =	vst v26;
	v26 =	vshll.u32 v25, $0x6  }
0x1d8: {  	[tilespmem:$0x280] =	vst v21;
	v21 =	vadd.s32 v27, v26;
	v44 =	vld [tilespmem:$0x1FF40];
	v6 =	vtrunc.f32 v6;
	v8 =	vadd.f32 v20, v8  }
0x1d9: {  	[tilespmem:$0xB20] =	vst v43;
	v32 =	vmul.u32 $0x3, v21;
	v6 =	vcvt.f32.s32 v6  }
0x1da: {  	[tilespmem:$0x5A0] =	vst v62;
	v8 =	vmul.f32 $5.000000000e-01, v8  }
0x1db: {  	[tilespmem:$0x590] =	vst v15;
	v15 =	vld [tilespmem:$0x1FFD0];
	vm14 =	vlt.s32 v6, $0x4F;
	v20 =	vadd.s32 v32, v37  }
0x1dc: {  	[tilespmem:$0xC30] =	vst v47;
	v6 =	vnsel vm14, $0x4F, v6;
	v36 =	vshll.u32 v20, $0x7;
	(erf) = vrcp.f32 v8  }
0x1dd: {  	[tilespmem:$0xAA0] =	vst v6;
	v41 =	vadd.s32 v6, v36;
	v6 =	vsub.f32 v59, v44  }
0x1de: {  	[tilespmem:$0xBB0] =	vst v46;
	v5 =	vmul.f32 v5, v38;
	v59 =	vld [tilespmem:$0x1FF90]  }
0x1df: {  	[tilespmem:$0x1A0] =	vst v6;
	v6 =	vld [tilespmem:$0x1FF80]  }
0x1e0: {  	[tilespmem:$0x430] =	vst v54;
	v5 =	vadd.f32 v5, v35;
	v20 =	vsel vm9, v20, v15;
	v42 =	vsel vm9, v41, v15;
	v15 =	vld [tilespmem:$0x1FF50]  }
0x1e1: {  	[tilespmem:$0x4B0] =	vst v48  }
0x1e2: {  	[tilespmem:$0x730] =	vst v24;
	v5 =	vmul.f32 $5.000000000e-01, v5  }
0x1e3: {  	[tilespmem:$0x7B0] =	vst v28  }
0x1e4: {  	[tilespmem:$0x3A0] =	vst v5;
	v5 =	vld [tilespmem:$0x130];
	v6 =	vmul.f32 v59, v6  }
0x1e5: {  	[tilespmem:$0x830] =	vst v19;
	v45 =	vsub.f32 v60, v15;
	v60 =	vpop (erf)  }
0x1e6: {  	[tilespmem:$0x320] =	vst v6;
	v6 =	vmul.f32 v60, v4  }
0x1e7: {  	[tilespmem:$0x630] =	vst v29  }
0x1e8: {  	[tilespmem:$0x6B0] =	vst v30;
	v33 =	vsel vm6, $0x3F800000, v23;
	v6 =	vadd.f32 v6, v8;
	v8 =	vld [tilespmem:$0x1FFA0]  }
0x1e9: {  	v5 =	vtrunc.f32 v5;
	v61 =	vsel vm8, $0x3F800000, v23;
	[tilespmem:$0x890] =	vst v33  }
0x1ea: {  	v5 =	vcvt.f32.s32 v5;
	[tilespmem:$0x8A0] =	vst v61  }
0x1eb: {  	[tilespmem:$0xBA0] =	vst v25  }
0x1ec: {  	[tilespmem:$0xC20] =	vst v27;
	vm15 =	vlt.s32 v5, $0x4F  }
0x1ed: {  	v5 =	vnsel vm15, $0x4F, v5;
	v6 =	vmul.f32 $5.000000000e-01, v6;
	[tilespmem:$0x520] =	vst v8;
	v8 =	vshll.u32 v46, $0x6  }
0x1ee: {  	[tilespmem:$0xAB0] =	vst v5;
	v56 =	vld [tilespmem:$0x1FF60];
	v8 =	vadd.s32 v47, v8  }
0x1ef: {  	[tilespmem:$0x530] =	vst v2;
	v2 =	vsel vm5, $0x3F800000, v23;
	v57 =	vld [tilespmem:$0x1FF70];
	(erf) = vrcp.f32 v6;
	v8 =	vmul.u32 $0x3, v8  }
0x1f0: {  	[tilespmem:$0x8B0] =	vst v2  }
0x1f1: {  	[tilespmem:$0x5B0] =	vst v3;
	v8 =	vadd.s32 v8, v0;
	v0 =	vmul.u32 $0x55, v0  }
0x1f2: {  	[tilespmem:$0x420] =	vst v44  }
0x1f3: {  	[tilespmem:$0xB30] =	vst v0;
	v0 =	vsub.f32 v39, v54  }
0x1f4: {  	v58 =	vmul.f32 v57, v56;
	[tilespmem:$0x4A0] =	vst v15;
	v15 =	vld [tilespmem:$0x1FFE0]  }
0x1f5: {  	[tilespmem:$0x1B0] =	vst v0;
	v0 =	vmul.f32 v13, v55  }
0x1f6: {  	[tilespmem:$0x2A0] =	vst v58  }
0x1f7: {  	v62 =	vshll.u32 v8, $0x7;
	[tilespmem:$0x330] =	vst v0;
	v0 =	vmov s17  }
0x1f8: {  	[tilespmem:$0x9A0] =	vst v20;
	v63 =	vadd.s32 v5, v62;
	v5 =	vpop (erf);
	v0 =	vand.u32 $0x7F, v0  }
0x1f9: {  	[tilespmem:$0xA20] =	vst v42;
	v8 =	vsel vm4, v8, v15;
	v4 =	vmul.f32 v5, v4;
	v0 =	vbroadcast v0, $0x0  }
0x1fa: {  	[tilespmem:$0x9B0] =	vst v8;
	v8 =	vsel vm4, v63, v15  }
0x1fb: {  	[tilespmem:$0xA30] =	vst v8;
	v8 =	vmul.f32 v10, v49;
	v4 =	vadd.f32 v4, v6;
	v0 =	vor.u32 v11, v0  }
0x1fc: {  	[tilespmem:$0x220] =	vst v45;
	v5 =	vsub.f32 v40, v48  }
0x1fd: {  	[tilespmem:$0x2B0] =	vst v8;
	v4 =	vmul.f32 $5.000000000e-01, v4  }
0x1fe: {  	[tilespmem:$0x230] =	vst v5  }
0x1ff: {  	[tilespmem:$0x3B0] =	vst v4  }
0x200: {  	v0 =	vld.idx.msk [tilespmem:v0+s11+$0x0], $0xffff;
	_ =	sdelay $0x4  }
0x201: {  	(v2sf) =	vpush v0, $0x3  }
0x202: {  	(v2sf) =	vpush v0, $0x4  }
0x203: {  	(v2sf) =	vpush v0, $0x5;
	_ =	sdelay $0xc  }
0x204: {  	s23 =	spop (v2sf)  }
0x205: {  	s24 =	simm.s32 $0x1;
	[dreg:$0xa] =	wrdreg s0;
	s8 =	spop (v2sf)  }
0x206: {  	s0 =	sadd.s32 s4, s23;
	s8 =	sshll.u32 s8, $0x6;
	s9 =	spop (v2sf)  }
0x207: {  	v2 =	vmov s24;
	v0 =	vmul.u32 $0x1000, v1;
	s0 =	sshll.u32 s0, $0xC;
	s25 =	sadd.s32 s9, s8  }
0x208: {  	v3 =	vand.u32 $0x7F, v2;
	s2 =	sadd.s32 s0, s25  }
0x209: {  	v5 =	vbroadcast v3, $0x0;
	v2 =	vor.u32 $0x10000, v0;
	s0 =	simm.s32 $0xDB0;
	v4 =	vadd.s32 s2, v0  }
0x20a: {  	v3 =	vor.u32 $0x20000, v0;
	v6 =	vadd.s32 s2, v2;
	[tilespmem:s0+$0xFFFFFFD0] =	vst v4  }
0x20b: {  	v10 =	vor.u32 v11, v5;
	v5 =	vor.u32 $0x40000, v0;
	v8 =	vadd.s32 s2, v3;
	[tilespmem:s0+$0xFFFFFFE0] =	vst v6  }
0x20c: {  	v4 =	vor.u32 $0x30000, v0;
	[tilespmem:s0+$0xFFFFFFF0] =	vst v8;
	v8 =	vadd.s32 s2, v5  }
0x20d: {  	v6 =	vadd.s32 s2, v4;
	[tilespmem:s0+$0x10] =	vst v8  }
0x20e: {  	[tilespmem:s0+$0x0] =	vst v6;
	v6 =	vadd.s32 s2, v14  }
0x20f: {  	[tilespmem:s0+$0x20] =	vst v6  }
0x210: {  	v6 =	vld.idx.msk [tilespmem:v10+s11+$0x0], $0xffff;
	_ =	sdelay $0x4  }
0x211: {  	(v2sf) =	vpush v6, $0x3  }
0x212: {  	(v2sf) =	vpush v6, $0x4  }
0x213: {  	(v2sf) =	vpush v6, $0x5;
	_ =	sdelay $0xc  }
0x214: {  	s26 =	spop (v2sf)  }
0x215: {  	s28 =	simm.s32 $0x2;
	s29 =	spop (v2sf)  }
0x216: {  	v6 =	vmov s28;
	s2 =	sadd.s32 s4, s26;
	s30 =	sshll.u32 s29, $0x6;
	s31 =	spop (v2sf)  }
0x217: {  	v6 =	vand.u32 $0x7F, v6;
	s14 =	sshll.u32 s2, $0xC;
	s8 =	sadd.s32 s31, s30  }
0x218: {  	v6 =	vbroadcast v6, $0x0;
	s2 =	simm.s32 $0x3;
	s8 =	sadd.s32 s14, s8  }
.LBB2_3:
0x219: {  	p0 =	sne.s32 s2, $0x31;
	v8 =	vadd.s32 s8, v0;
	v10 =	vadd.s32 s8, v2;
	v13 =	vadd.s32 s8, v3;
	s0 =	sadd.s32 $0x60, s0  }
0x21a: {  	v15 =	vadd.s32 s8, v5;
	v16 =	vadd.s32 s8, v14;
	[tilespmem:s0+$0xFFFFFFD0] =	vst v8;
	v8 =	vadd.s32 s8, v4  }
0x21b: {  	v6 =	vor.u32 v11, v6;
	[tilespmem:s0+$0xFFFFFFE0] =	vst v10  }
0x21c: {  	[tilespmem:s0+$0xFFFFFFF0] =	vst v13  }
0x21d: {  	[tilespmem:s0+$0x0] =	vst v8  }
0x21e: {  	[tilespmem:s0+$0x10] =	vst v15  }
0x21f: {  	[tilespmem:s0+$0x20] =	vst v16  }
0x220: {  	v6 =	vld.idx.msk [tilespmem:v6+s11+$0x0], $0xffff;
	_ =	sdelay $0x5  }
0x221: {  	(v2sf) =	vpush v6, $0x3  }
0x222: {  	(v2sf) =	vpush v6, $0x4  }
0x223: {  	(v2sf) =	vpush v6, $0x5;
	_ =	sdelay $0xc  }
.Ltmp1:
0x224: {  	s8 =	spop (v2sf);
	(pc) =	sbr.rel @p0 .LBB2_3-.Ltmp1, $4  }
0x225: {  	s9 =	spop (v2sf)  }
0x226: {  	v6 =	vmov s2;
	s8 =	sadd.s32 s4, s8;
	s9 =	sshll.u32 s9, $0x6;
	s14 =	spop (v2sf)  }
0x227: {  	v6 =	vand.u32 $0x7F, v6;
	s8 =	sshll.u32 s8, $0xC;
	s9 =	sadd.s32 s14, s9  }
0x228: {  	s2 =	sadd.s32 $0x1, s2;
	v6 =	vbroadcast v6, $0x0;
	s8 =	sadd.s32 s8, s9  }
0x229: {  	v8 =	vadd.s32 s8, v0;
	s0 =	sadd.s32 $0x60, s0  }
0x22a: {  	v10 =	vadd.s32 s8, v2;
	[tilespmem:s0+$0xFFFFFFD0] =	vst v8  }
0x22b: {  	v8 =	vadd.s32 s8, v3;
	v6 =	vor.u32 v11, v6;
	[tilespmem:s0+$0xFFFFFFE0] =	vst v10  }
0x22c: {  	v10 =	vadd.s32 s8, v4;
	[tilespmem:s0+$0xFFFFFFF0] =	vst v8  }
0x22d: {  	v8 =	vadd.s32 s8, v5;
	[tilespmem:s0+$0x0] =	vst v10  }
0x22e: {  	v10 =	vadd.s32 s8, v14;
	[tilespmem:s0+$0x10] =	vst v8  }
0x22f: {  	[tilespmem:s0+$0x20] =	vst v10  }
0x230: {  	v6 =	vld.idx.msk [tilespmem:v6+s11+$0x0], $0xffff;
	_ =	sdelay $0x4  }
0x231: {  	(v2sf) =	vpush v6, $0x3  }
0x232: {  	(v2sf) =	vpush v6, $0x4  }
0x233: {  	(v2sf) =	vpush v6, $0x5;
	_ =	sdelay $0xc  }
0x234: {  	s2 =	spop (v2sf)  }
0x235: {  	s31 =	spop (v2sf)  }
0x236: {  	s2 =	sadd.s32 s4, s2;
	s8 =	sshll.u32 s31, $0x6;
	s9 =	spop (v2sf)  }
0x237: {  	s2 =	sshll.u32 s2, $0xC;
	s8 =	sadd.s32 s9, s8  }
0x238: {  	s2 =	sadd.s32 s2, s8  }
0x239: {  	s0 =	sadd.s32 $0x60, s0;
	v0 =	vadd.s32 s2, v0  }
0x23a: {  	v2 =	vadd.s32 s2, v2;
	[tilespmem:s0+$0xFFFFFFD0] =	vst v0  }
0x23b: {  	v0 =	vadd.s32 s2, v3;
	[tilespmem:s0+$0xFFFFFFE0] =	vst v2  }
0x23c: {  	v2 =	vadd.s32 s2, v4;
	[tilespmem:s0+$0xFFFFFFF0] =	vst v0  }
0x23d: {  	v0 =	vadd.s32 s2, v5;
	[tilespmem:s0+$0x0] =	vst v2  }
0x23e: {  	v2 =	vadd.s32 s2, v14;
	[tilespmem:s0+$0x10] =	vst v0  }
0x23f: {  	[tilespmem:s0+$0x20] =	vst v2  }
.LBB2_5:
0x240: {  	p0 =	sne.s32 s17, $0x4980  }
.Ltmp2:
0x241: {  	_ = 	snop;
	(pc) =	sbr.rel @p0 .LBB2_5-.Ltmp2, $4  }
0x242: {  	_ = 	snop  }
0x243: {  	s0 =	sshra.s32 s17, $0x2  }
0x244: {  	s17 =	sadd.s32 $0x180, s17;
	s2 =	sadd.s32 $0x2580, s0;
	s0 =	sadd.s32 $0xD80, s0  }
0x245: {  	[tilespmem:s2], [sflag:$0x1] =	stream.indirect.gather [hbm4b:s3+s12], $0x1, s0, s12, $0xb8;
	[tilespmem:$0x3E80] =	vst v63  }
0x246: {  	s0 =	simm.s32 $0x32  }
.LBB2_7:
0x247: {  	p0 =	sne.s32 s0, $0x1  }
.Ltmp3:
0x248: {  	_ = 	snop;
	(pc) =	sbr.rel @p0 .LBB2_7-.Ltmp3, $4  }
0x249: {  	_ = 	snop  }
0x24a: {  	_ =	swait.ge [sflag:s13], $0x60  }
0x24b: {  	[sflag:s13] =	ssyncset.done $0x0  }
0x24c: {  	s0 =	sadd.s32 $0xFFFFFFFF, s0;
	[sflag:s13] =	ssyncadd.s32 $0xFFFFFFA0  }
0x24d: {  	s21 =	simm.s32 $0x25B0  }
0x24e: {  	v0 =	vld [tilespmem:s21+$0xFFFFFFD0];
	_ =	sdelay $0x4  }
0x24f: {  	v2 =	vsub.f32 $0.0e+00, v0  }
0x250: {  	v0 =	vmul.f32 $1.442695020e+00, v0  }
0x251: {  	v2 =	vmul.f32 $1.442695020e+00, v2  }
0x252: {  	(erf) = vpow2.f32 v0  }
0x253: {  	(erf) = vpow2.f32 v2;
	_ =	sdelay $0x7  }
0x254: {  	v3 =	vpop (erf)  }
0x255: {  	v0 =	vpop (erf)  }
0x256: {  	v0 =	vadd.f32 $1.000000000e+00, v0;
	_ =	sdelay $0x1  }
0x257: {  	(erf) = vrcp.f32 v0;
	_ =	sdelay $0x1  }
0x258: {  	v15 =	vmul.u32 $0x80, v1  }
0x259: {  	s0 =	simm.s32 $0x0  }
0x25a: {  	v0 =	vor.u32 s0, v15  }
0x25b: {  	v4 =	vor.u32 s0, v11;
	_ =	sdelay $0x2  }
0x25c: {  	s2 =	rddreg [dreg:$0x2]  }
0x25d: {  	v2 =	vld.idx.msk [tilespmem:v0+s2+$0x0], $0xffff;
	v0 =	vpop (erf)  }
0x25e: {  	v6 =	vld.idx.msk [tilespmem:v4+s11+$0x0], $0xffff;
	[tilespmem:$0x3D80] =	vst v0  }
0x25f: {  	v4 =	vld [tilespmem:s21+$0xFFFFFFE0];
	_ =	sdelay $0x4  }
0x260: {  	v4 =	vsub.f32 $0.0e+00, v4  }
0x261: {  	(v2sf) =	vpush v3, $0x2  }
0x262: {  	(v2sf) =	vpush v0, $0x2;
	v4 =	vmul.f32 $1.442695020e+00, v4  }
0x263: {  	(v2sf) =	vpush v0, $0x0  }
0x264: {  	(v2sf) =	vpush v3, $0x3;
	(erf) = vpow2.f32 v4  }
0x265: {  	(v2sf) =	vpush v0, $0x1  }
0x266: {  	(v2sf) =	vpush v2, $0x0  }
0x267: {  	(v2sf) =	vpush v2, $0x1  }
0x268: {  	(v2sf) =	vpush v6, $0x2  }
0x269: {  	(v2sf) =	vpush v2, $0x6  }
0x26a: {  	(v2sf) =	vpush v2, $0x5  }
0x26b: {  	(v2sf) =	vpush v2, $0x7;
	_ =	sdelay $0x1  }
0x26c: {  	(v2sf) =	vpush v2, $0x3;
	v3 =	vpop (erf)  }
0x26d: {  	(v2sf) =	vpush v2, $0x8;
	v3 =	vadd.f32 $1.000000000e+00, v3;
	_ =	sdelay $0x1  }
0x26e: {  	s17 =	spop (v2sf);
	(erf) = vrcp.f32 v3  }
0x26f: {  	s19 =	spop (v2sf)  }
0x270: {  	s22 =	spop (v2sf)  }
0x271: {  	s20 =	spop (v2sf)  }
0x272: {  	s24 =	spop (v2sf)  }
0x273: {  	s23 =	spop (v2sf)  }
0x274: {  	s26 =	spop (v2sf)  }
0x275: {  	s18 =	spop (v2sf)  }
0x276: {  	v5 =	vld [tilespmem:$0x680];
	s15 =	spop (v2sf)  }
0x277: {  	v10 =	vld [tilespmem:$0x690];
	s8 =	spop (v2sf);
	v3 =	vpop (erf)  }
0x278: {  	v13 =	vld [tilespmem:$0x610];
	s9 =	spop (v2sf);
	[tilespmem:$0x3D90] =	vst v3  }
0x279: {  	s9 =	smul.f32 s17, s9;
	v8 =	vld [tilespmem:s21+$0xFFFFFFF0]  }
0x27a: {  	v16 =	vld [tilespmem:$0x600];
	s8 =	sadd.f32 s22, s8;
	s25 =	spop (v2sf)  }
0x27b: {  	v17 =	vld [tilespmem:$0x790];
	s14 =	spop (v2sf);
	s28 =	smul.f32 $5.000000000e-01, s9  }
0x27c: {  	v18 =	vld [tilespmem:$0x780];
	s2 =	sadd.f32 s24, s15;
	s14 =	smul.f32 s20, s14  }
0x27d: {  	v19 =	vld [tilespmem:$0x700];
	s30 =	ssub.f32 s8, s28  }
0x27e: {  	v4 =	vld [tilespmem:$0x710];
	s29 =	smul.f32 $5.000000000e-01, s14;
	s8 =	sadd.f32 s8, s28;
	v8 =	vsub.f32 $0.0e+00, v8  }
0x27f: {  	_ = 	snop  }
0x280: {  	s16 =	sadd.f32 s2, s29;
	v16 =	vmax.f32 v16, s30;
	v5 =	vmin.f32 v5, s8;
	v8 =	vmul.f32 $1.442695020e+00, v8  }
0x281: {  	v13 =	vmax.f32 v13, s30;
	s2 =	ssub.f32 s2, s29;
	v10 =	vmin.f32 v10, s8;
	v5 =	vsub.f32 v5, v16;
	v16 =	vld [tilespmem:$0x810]  }
0x282: {  	v10 =	vsub.f32 v10, v13;
	v13 =	vmin.f32 v17, s16;
	(erf) = vpow2.f32 v8;
	v8 =	vld [tilespmem:$0x800]  }
0x283: {  	v4 =	vmax.f32 v4, s2;
	v17 =	vmin.f32 v18, s16;
	v18 =	vmax.f32 v19, s2  }
0x284: {  	v4 =	vsub.f32 v13, v4;
	v13 =	vsub.f32 v17, v18  }
0x285: {  	s9 =	smul.f32 s14, s9;
	v5 =	vmax.f32 v5, $0.0e+00  }
0x286: {  	v10 =	vmax.f32 v10, $0.0e+00;
	v4 =	vmax.f32 v4, $0.0e+00;
	v13 =	vmax.f32 v13, $0.0e+00  }
0x287: {  	v10 =	vmul.f32 v4, v10;
	v4 =	vadd.f32 s9, v16;
	v8 =	vadd.f32 s9, v8  }
0x288: {  	v13 =	vmul.f32 v13, v5  }
0x289: {  	v4 =	vsub.f32 v4, v10  }
0x28a: {  	v5 =	vsub.f32 v8, v13  }
0x28b: {  	v4 =	vmax.f32 v4, $9.999999960e-13;
	v8 =	vpop (erf)  }
0x28c: {  	v19 =	vld [tilespmem:$0x720];
	(erf) = vrcp.f32 v4;
	v5 =	vmax.f32 v5, $9.999999960e-13;
	v8 =	vadd.f32 $1.000000000e+00, v8  }
0x28d: {  	v17 =	vld [tilespmem:$0x620];
	(erf) = vrcp.f32 v5  }
0x28e: {  	v18 =	vld [tilespmem:$0x7A0];
	(erf) = vrcp.f32 v8  }
0x28f: {  	v4 =	vld [tilespmem:$0x6B0]  }
0x290: {  	v5 =	vld [tilespmem:$0x6A0]  }
0x291: {  	v8 =	vld [tilespmem:$0x630]  }
0x292: {  	v20 =	vld [tilespmem:$0x730]  }
0x293: {  	v16 =	vld [tilespmem:$0x7B0]  }
0x294: {  	v4 =	vmin.f32 v4, s8  }
0x295: {  	v19 =	vmax.f32 v19, s2;
	v17 =	vmax.f32 v17, s30;
	v18 =	vmin.f32 v18, s16;
	v21 =	vpop (erf)  }
0x296: {  	v22 =	vld [tilespmem:$0x820];
	v18 =	vsub.f32 v18, v19;
	v5 =	vmin.f32 v5, s8;
	v8 =	vmax.f32 v8, s30;
	v23 =	vpop (erf)  }
0x297: {  	v24 =	vld [tilespmem:$0x830];
	v5 =	vsub.f32 v5, v17;
	v8 =	vsub.f32 v4, v8;
	v4 =	vpop (erf)  }
0x298: {  	v16 =	vmin.f32 v16, s16;
	v17 =	vmax.f32 v20, s2;
	[tilespmem:$0x3DA0] =	vst v4  }
0x299: {  	v18 =	vmax.f32 v18, $0.0e+00;
	v16 =	vsub.f32 v16, v17;
	v5 =	vmax.f32 v5, $0.0e+00;
	v17 =	vld [tilespmem:s21+$0x0]  }
0x29a: {  	v18 =	vmul.f32 v18, v5  }
0x29b: {  	v5 =	vadd.f32 s9, v22;
	v16 =	vmax.f32 v16, $0.0e+00;
	v8 =	vmax.f32 v8, $0.0e+00  }
0x29c: {  	v19 =	vadd.f32 s9, v24;
	v16 =	vmul.f32 v16, v8  }
0x29d: {  	v5 =	vsub.f32 v5, v18  }
0x29e: {  	v8 =	vsub.f32 v19, v16;
	v17 =	vsub.f32 $0.0e+00, v17  }
0x29f: {  	v5 =	vmax.f32 v5, $9.999999960e-13  }
0x2a0: {  	(erf) = vrcp.f32 v5;
	v8 =	vmax.f32 v8, $9.999999960e-13;
	v5 =	vmul.f32 $1.442695020e+00, v17  }
0x2a1: {  	(erf) = vrcp.f32 v8  }
0x2a2: {  	(erf) = vpow2.f32 v5;
	_ =	sdelay $0x6  }
0x2a3: {  	v17 =	vpop (erf)  }
0x2a4: {  	v19 =	vpop (erf)  }
0x2a5: {  	v5 =	vpop (erf)  }
0x2a6: {  	v5 =	vadd.f32 $1.000000000e+00, v5;
	_ =	sdelay $0x1  }
0x2a7: {  	(erf) = vrcp.f32 v5;
	_ =	sdelay $0x8  }
0x2a8: {  	v5 =	vpop (erf)  }
0x2a9: {  	[tilespmem:$0x3DB0] =	vst v5  }
0x2aa: {  	v8 =	vld [tilespmem:s21+$0x10];
	_ =	sdelay $0x4  }
0x2ab: {  	v8 =	vsub.f32 $0.0e+00, v8;
	_ =	sdelay $0x1  }
0x2ac: {  	v8 =	vmul.f32 $1.442695020e+00, v8;
	_ =	sdelay $0x1  }
0x2ad: {  	(erf) = vpow2.f32 v8  }
0x2ae: {  	v52 =	vld [tilespmem:$0x9A0]  }
0x2af: {  	v53 =	vld [tilespmem:$0x980]  }
0x2b0: {  	v51 =	vld [tilespmem:$0x990]  }
0x2b1: {  	v25 =	vbroadcast v6, $0x0  }
0x2b2: {  	v27 =	vmov s0  }
0x2b3: {  	vm5 =	vlt.u32 v27, v9;
	vm4 =	veq.s32 v52, v25  }
0x2b4: {  	v57 =	vld [tilespmem:$0x890];
	vm9 =	vlt.u32 v27, v1;
	vm6 =	veq.s32 v53, v25;
	vm8 =	vmand vm5, vm4  }
0x2b5: {  	v60 =	vld [tilespmem:$0x8A0];
	vm7 =	veq.s32 v51, v25;
	vm4 =	vlt.u32 v27, v7;
	v54 =	vmpcnt.ones.xlane vm8  }
0x2b6: {  	v26 =	vld [tilespmem:$0xA00];
	vm7 =	vmand vm4, vm7;
	(v2sf) =	vpush v6, $0x0;
	v8 =	vbroadcast v6, $0x1;
	v6 =	vpop (erf)  }
0x2b7: {  	v28 =	vld [tilespmem:$0xA20];
	vm6 =	vmand vm9, vm6;
	v56 =	vmpcnt.ones.xlane vm7;
	v6 =	vadd.f32 $1.000000000e+00, v6  }
0x2b8: {  	v55 =	vld [tilespmem:$0xA30];
	v58 =	vmpcnt.ones.xlane vm6;
	(v2sf) =	vpush v54, $0x0  }
0x2b9: {  	(v2sf) =	vpush v56, $0x0;
	(erf) = vrcp.f32 v6;
	v6 =	vld [tilespmem:$0x880]  }
0x2ba: {  	vm11 =	vgt.f32 v57, $0.0e+00;
	vm13 =	vgt.f32 v60, $0.0e+00;
	(v2sf) =	vpush v58, $0x0  }
0x2bb: {  	(v2sf) =	vpush v2, $0x2;
	v10 =	vmul.f32 v21, v10;
	vm15 =	veq.s32 v26, v8  }
0x2bc: {  	v13 =	vmul.f32 v23, v13;
	vm8 =	vmand vm9, vm15;
	vm9 =	veq.s32 v28, v8  }
0x2bd: {  	v62 =	vld [tilespmem:$0x8B0];
	v10 =	vnsel vm11, $0xBF800000, v10;
	vm10 =	veq.s32 v55, v8;
	vm7 =	vmand vm5, vm9  }
0x2be: {  	vm12 =	vgt.f32 v6, $0.0e+00;
	v6 =	vmax.f32 v13, $-1.000000000e+00;
	v13 =	vmul.f32 v17, v18  }
0x2bf: {  	vm5 =	vlt.u32 v27, v12;
	v59 =	vmpcnt.ones.xlane vm7;
	v6 =	vnsel vm12, $0xBF800000, v6  }
0x2c0: {  	vm6 =	vmand vm5, vm10;
	v6 =	vmax.f32 v6, v10;
	v10 =	vnsel vm13, $0xBF800000, v13  }
0x2c1: {  	v16 =	vmul.f32 v19, v16;
	v61 =	vmpcnt.ones.xlane vm6;
	v6 =	vmax.f32 v6, v10  }
0x2c2: {  	vm14 =	vgt.f32 v62, $0.0e+00;
	(v2sf) =	vpush v59, $0x0  }
0x2c3: {  	v63 =	vmpcnt.ones.xlane vm8;
	(v2sf) =	vpush v61, $0x0;
	v10 =	vnsel vm14, $0xBF800000, v16  }
0x2c4: {  	(v2sf) =	vpush v0, $0x3;
	v10 =	vmax.f32 v6, v10;
	v6 =	vpop (erf)  }
0x2c5: {  	(v2sf) =	vpush v63, $0x0;
	[tilespmem:$0x3DC0] =	vst v6  }
0x2c6: {  	(v2sf) =	vpush v10, $0xA;
	v13 =	vld [tilespmem:s21+$0x20]  }
0x2c7: {  	(v2sf) =	vpush v10, $0x1  }
0x2c8: {  	(v2sf) =	vpush v10, $0x2  }
0x2c9: {  	v16 =	vld [tilespmem:$0x9B0];
	(v2sf) =	vpush v10, $0x3  }
0x2ca: {  	(v2sf) =	vpush v10, $0x4  }
0x2cb: {  	(v2sf) =	vpush v10, $0x5;
	v13 =	vsub.f32 $0.0e+00, v13  }
0x2cc: {  	s9 =	spop (v2sf);
	(v2sf) =	vpush v10, $0x9  }
0x2cd: {  	s8 =	spop (v2sf);
	v13 =	vmul.f32 $1.442695020e+00, v13  }
0x2ce: {  	s14 =	spop (v2sf);
	vm15 =	veq.s32 v16, v25;
	(v2sf) =	vpush v10, $0x0  }
0x2cf: {  	s29 =	spop (v2sf);
	vm5 =	vmand vm5, vm15;
	(erf) = vpow2.f32 v13  }
0x2d0: {  	s30 =	spop (v2sf);
	v16 =	vmpcnt.ones.xlane vm5;
	(v2sf) =	vpush v10, $0x8  }
0x2d1: {  	s0 =	spop (v2sf);
	(v2sf) =	vpush v0, $0x4  }
0x2d2: {  	s21 =	spop (v2sf);
	(v2sf) =	vpush v16, $0x0  }
0x2d3: {  	s2 =	spop (v2sf);
	(v2sf) =	vpush v10, $0x6  }
0x2d4: {  	s28 =	spop (v2sf);
	(v2sf) =	vpush v10, $0x7  }
0x2d5: {  	s31 =	spop (v2sf)  }
0x2d6: {  	s1 =	spop (v2sf)  }
0x2d7: {  	s7 =	smul.f32 s22, s22;
	(v2sf) =	vpush v10, $0xB;
	s6 =	spop (v2sf)  }
0x2d8: {  	s5 =	smul.f32 s24, s24;
	(v2sf) =	vpush v10, $0xC;
	s10 =	spop (v2sf);
	v13 =	vpop (erf)  }
0x2d9: {  	s24 =	ssub.f32 s24, s26;
	(v2sf) =	vpush v10, $0xD;
	s26 =	spop (v2sf);
	v13 =	vadd.f32 $1.000000000e+00, v13  }
0x2da: {  	s16 =	ssub.f32 s22, s23;
	(v2sf) =	vpush v10, $0xE;
	s15 =	spop (v2sf)  }
0x2db: {  	s22 =	sadd.f32 s5, s7;
	s5 =	spop (v2sf);
	(v2sf) =	vpush v10, $0xF;
	(erf) = vrcp.f32 v13  }
0x2dc: {  	s7 =	ssub.f32 s20, s25;
	s20 =	smul.f32 s19, s19  }
0x2dd: {  	p1 =	sgt.s32 s9, $0xFFFFFFFF;
	s9 =	rddreg [dreg:$0x3];
	s25 =	spop (v2sf)  }
0x2de: {  	s17 =	ssub.f32 s17, s30;
	s1 =	smax.f32 s25, s1  }
0x2df: {  	s19 =	spop (v2sf);
	s1 =	smax.f32 s1, s6  }
0x2e0: {  	s23 =	spop (v2sf);
	s1 =	smax.f32 s1, s10  }
0x2e1: {  	s18 =	sadd.s32 $0x5, s18;
	v10 =	vld [tilespmem:$0xA10];
	s10 =	spop (v2sf);
	s1 =	smax.f32 s1, s26  }
0x2e2: {  	v13 =	vmov s18;
	s25 =	spop (v2sf);
	s1 =	smax.f32 s1, s15  }
0x2e3: {  	s26 =	spop (v2sf);
	s1 =	smax.f32 s1, s25  }
0x2e4: {  	s30 =	rddreg [dreg:$0x4];
	s1 =	smax.f32 s1, s26;
	v16 =	vpop (erf)  }
0x2e5: {  	s15 =	smul.f32 s24, s24;
	s1 =	smax.f32 s1, s19;
	(v2sf) =	vpush v16, $0x4  }
0x2e6: {  	vm5 =	veq.s32 v10, v8;
	s18 =	spop (v2sf);
	s1 =	smax.f32 s1, s5;
	[tilespmem:$0x3DD0] =	vst v16  }
0x2e7: {  	vm4 =	vmand vm4, vm5;
	s19 =	spop (v2sf);
	s1 =	smax.f32 s1, s31;
	v8 =	vld.idx.msk [tilespmem:v13+s30+$0x0], $0xffff  }
0x2e8: {  	v10 =	vmpcnt.ones.xlane vm4;
	s24 =	spop (v2sf);
	s1 =	smax.f32 s1, s18  }
0x2e9: {  	s25 =	spop (v2sf);
	s1 =	smax.f32 s1, s19  }
0x2ea: {  	s19 =	simm.s32 $0x2610;
	s1 =	smax.f32 s1, s24;
	s26 =	spop (v2sf);
	(v2sf) =	vpush v10, $0x0  }
0x2eb: {  	s2 =	smul.f32 s2, s2;
	s1 =	smax.f32 s1, s25;
	v10 =	vld [tilespmem:s19+$0xFFFFFFD0];
	(v2sf) =	vpush v2, $0x4  }
0x2ec: {  	s9 =	simm.s32 @!p1 $0x0;
	s5 =	rddreg [dreg:$0x5];
	s1 =	smax.f32 s1, s26;
	(v2sf) =	vpush v8, $0x0  }
0x2ed: {  	s14 =	sadd.s32 s29, s14;
	s31 =	smul.f32 s17, s17;
	p0 =	sge.f32 s1, $6.999999880e-01  }
0x2ee: {  	s8 =	sadd.s32 s8, s14;
	s17 =	sadd.f32 s22, s20;
	s18 =	smul.f32 s23, s23  }
0x2ef: {  	s30 =	smul.f32 s16, s16;
	s1 =	ssub.f32 s23, s1;
	s5 =	simm.s32 @!p0 $0x3F800000  }
0x2f0: {  	s10 =	ssub.s32 $0x0, s10;
	s2 =	sadd.f32 s17, s2;
	s5 =	smul.f32 s5, s23;
	v2 =	vsub.f32 $0.0e+00, v10  }
0x2f1: {  	v0 =	vmul.f32 v0, v0;
	p0 =	seq.s32 s8, s10;
	s8 =	smov.u32 s9;
	s1 =	smul.f32 s1, s1;
	v8 =	vmul.f32 $1.442695020e+00, v10  }
0x2f2: {  	v3 =	vmul.f32 v3, v3;
	s2 =	sadd.f32 s2, s18;
	s8 =	simm.s32 @!p0 $0x0;
	s5 =	smul.f32 s5, s23;
	v2 =	vmul.f32 $1.442695020e+00, v2  }
0x2f3: {  	s7 =	smul.f32 s7, s7;
	s6 =	sadd.f32 s15, s30;
	v0 =	vmul.f32 s8, v0;
	(erf) = vpow2.f32 v8  }
0x2f4: {  	v8 =	vimm.f32 $0.0e+00;
	s5 =	ssub.f32 s1, s5;
	(erf) = vpow2.f32 v2;
	s20 =	spop (v2sf)  }
0x2f5: {  	s6 =	sadd.f32 s6, s31;
	v3 =	vmul.f32 s8, v3;
	v0 =	vadd.f32 v0, v8;
	v2 =	vmul.f32 v4, v4;
	s22 =	smul.f32 $1.100000000e+01, s20  }
0x2f6: {  	s1 =	ssub.f32 s1, s18;
	v4 =	vmul.f32 v5, v5;
	s5 =	smul.f32 s5, s8  }
0x2f7: {  	s6 =	sadd.f32 s6, s7;
	s23 =	simm.f32 $0.0e+00;
	v0 =	vadd.f32 v3, v0;
	v3 =	vmul.f32 v6, v6;
	v2 =	vmul.f32 s8, v2;
	s7 =	smul.f32 s22, s20  }
0x2f8: {  	s1 =	smul.f32 s1, s8;
	v4 =	vmul.f32 s8, v4;
	s17 =	sadd.f32 s5, s23  }
0x2f9: {  	v0 =	vadd.f32 v2, v0;
	v2 =	vmul.f32 s8, v3;
	v3 =	vmul.f32 v16, v16;
	s24 =	spop (v2sf);
	s2 =	sadd.f32 s7, s2  }
0x2fa: {  	s18 =	sadd.f32 s1, s23;
	s25 =	spop (v2sf)  }
0x2fb: {  	s30 =	ssub.s32 $0x0, s21;
	v0 =	vadd.f32 v4, v0;
	s26 =	spop (v2sf);
	s2 =	smul.f32 s2, s8  }
0x2fc: {  	v4 =	vpop (erf);
	s5 =	sadd.s32 s28, s24;
	s1 =	smul.f32 s6, s25;
	s29 =	sadd.f32 s26, s26  }
0x2fd: {  	s20 =	simm.s32 $0x1;
	v0 =	vadd.f32 v2, v0;
	v2 =	vmul.f32 s8, v3;
	s0 =	sadd.s32 s0, s5;
	v3 =	vpop (erf);
	s2 =	ssub.f32 s23, s2  }
0x2fe: {  	p0 =	seq.s32 s0, s30;
	v3 =	vadd.f32 $1.000000000e+00, v3;
	s1 =	smul.f32 s1, s8;
	s31 =	ssub.f32 $1.000000000e+00, s29  }
0x2ff: {  	v5 =	vor.u32 s20, v11;
	s0 =	rddreg [dreg:$0x2];
	s9 =	simm.s32 @!p0 $0x0  }
0x300: {  	s21 =	simm.s32 $0x2;
	v16 =	vadd.f32 v2, v0;
	v0 =	vor.u32 s20, v15;
	(erf) = vrcp.f32 v3;
	s22 =	sadd.f32 s2, s1;
	s23 =	smul.f32 s31, s9  }
.LBB2_9:
0x301: {  	_ =	sdelay $0x7  }
0x302: {  	v2 =	vld.idx.msk [tilespmem:v0+s0+$0x0], $0xffff;
	v0 =	vpop (erf)  }
0x303: {  	v6 =	vld.idx.msk [tilespmem:v5+s11+$0x0], $0xffff;
	[tilespmem:$0x3D80] =	vst v0  }
0x304: {  	(v2sf) =	vpush v4, $0x2;
	v8 =	vld [tilespmem:s19+$0xFFFFFFE0];
	_ =	sdelay $0x1  }
0x305: {  	(v2sf) =	vpush v0, $0x2  }
0x306: {  	(v2sf) =	vpush v0, $0x0  }
0x307: {  	(v2sf) =	vpush v4, $0x3  }
0x308: {  	v3 =	vld [tilespmem:$0xA10];
	(v2sf) =	vpush v0, $0x1;
	v8 =	vsub.f32 $0.0e+00, v8  }
0x309: {  	v5 =	vld [tilespmem:$0x990];
	(v2sf) =	vpush v2, $0x0  }
0x30a: {  	v10 =	vld [tilespmem:$0x980];
	v8 =	vmul.f32 $1.442695020e+00, v8  }
0x30b: {  	v17 =	vld [tilespmem:$0x9A0];
	v18 =	vmov s20;
	(v2sf) =	vpush v2, $0x1  }
0x30c: {  	v19 =	vld [tilespmem:$0x9B0];
	vm9 =	vlt.u32 v18, v1;
	(erf) = vpow2.f32 v8  }
0x30d: {  	v13 =	vbroadcast v6, $0x1;
	v4 =	vbroadcast v6, $0x0;
	(v2sf) =	vpush v6, $0x2  }
0x30e: {  	vm5 =	vlt.u32 v18, v7;
	vm10 =	vlt.u32 v18, v9;
	(v2sf) =	vpush v2, $0x6  }
0x30f: {  	vm4 =	veq.s32 v3, v13;
	vm7 =	veq.s32 v10, v4;
	(v2sf) =	vpush v2, $0x5  }
0x310: {  	vm8 =	veq.s32 v5, v4;
	vm11 =	veq.s32 v17, v4;
	(v2sf) =	vpush v2, $0x7  }
0x311: {  	vm12 =	veq.s32 v19, v4;
	vm11 =	vmand vm10, vm11;
	(v2sf) =	vpush v2, $0x3  }
0x312: {  	s22 =	sadd.f32 s22, s23;
	v3 =	vld [tilespmem:$0xA20];
	vm8 =	vmand vm5, vm8;
	v4 =	vmpcnt.ones.xlane vm11;
	s23 =	spop (v2sf);
	(v2sf) =	vpush v2, $0x8  }
0x313: {  	vm7 =	vmand vm9, vm7;
	v8 =	vmpcnt.ones.xlane vm8;
	(v2sf) =	vpush v6, $0x0  }
0x314: {  	v6 =	vmpcnt.ones.xlane vm7;
	s29 =	spop (v2sf);
	(v2sf) =	vpush v4, $0x0  }
0x315: {  	s5 =	spop (v2sf);
	(v2sf) =	vpush v8, $0x0;
	v10 =	vpop (erf)  }
0x316: {  	s30 =	spop (v2sf);
	(v2sf) =	vpush v6, $0x0;
	v10 =	vadd.f32 $1.000000000e+00, v10  }
0x317: {  	vm11 =	veq.s32 v3, v13;
	v3 =	vld [tilespmem:$0xA30];
	s6 =	spop (v2sf)  }
0x318: {  	s8 =	smul.f32 s5, s5;
	s7 =	spop (v2sf);
	(v2sf) =	vpush v2, $0x2;
	(erf) = vrcp.f32 v10  }
0x319: {  	v5 =	vld [tilespmem:$0xA00];
	s2 =	smul.f32 s6, s6  }
0x31a: {  	v20 =	vld [tilespmem:$0x620];
	s9 =	spop (v2sf);
	s14 =	ssub.f32 s5, s7  }
0x31b: {  	v21 =	vld [tilespmem:$0x610];
	s9 =	ssub.f32 s6, s9  }
0x31c: {  	v22 =	vld [tilespmem:$0x600];
	vm6 =	vlt.u32 v18, v12;
	vm14 =	vmand vm10, vm11;
	vm15 =	veq.s32 v3, v13;
	s10 =	spop (v2sf);
	s2 =	sadd.f32 s2, s8  }
0x31d: {  	v24 =	vld [tilespmem:$0x790];
	vm12 =	vmand vm6, vm12;
	vm6 =	vmand vm6, vm15;
	v4 =	vmpcnt.ones.xlane vm14;
	s8 =	smul.f32 s29, s29;
	s31 =	spop (v2sf)  }
0x31e: {  	s1 =	smov.u32 s21;
	v25 =	vld [tilespmem:$0x780];
	vm13 =	veq.s32 v5, v13;
	v6 =	vmpcnt.ones.xlane vm6;
	s15 =	spop (v2sf);
	s25 =	sadd.f32 s6, s31  }
0x31f: {  	s20 =	smov.u32 s1;
	v17 =	vld [tilespmem:$0x680];
	vm13 =	vmand vm9, vm13;
	(v2sf) =	vpush v4, $0x0;
	s16 =	spop (v2sf);
	s1 =	sadd.f32 s5, s15  }
0x320: {  	v19 =	vld [tilespmem:$0x630];
	v8 =	vmpcnt.ones.xlane vm13;
	(v2sf) =	vpush v6, $0x0;
	s5 =	smul.f32 s23, s16;
	s16 =	spop (v2sf)  }
0x321: {  	v6 =	vld [tilespmem:$0x6B0];
	(v2sf) =	vpush v0, $0x3;
	s26 =	spop (v2sf);
	s15 =	ssub.f32 s30, s16;
	v4 =	vpop (erf)  }
0x322: {  	(v2sf) =	vpush v8, $0x0;
	v8 =	vld [tilespmem:$0x690];
	s28 =	spop (v2sf);
	s7 =	smul.f32 $5.000000000e-01, s5;
	[tilespmem:$0x3D90] =	vst v4  }
0x323: {  	s6 =	smul.f32 s30, s26;
	p1 =	sgt.s32 s28, $0xFFFFFFFF;
	s29 =	spop (v2sf);
	v23 =	vld [tilespmem:s19+$0xFFFFFFF0]  }
0x324: {  	v18 =	vld [tilespmem:$0x6A0];
	s28 =	sadd.s32 $0x5, s10;
	s10 =	ssub.f32 s1, s7;
	s24 =	spop (v2sf)  }
0x325: {  	v26 =	vld [tilespmem:$0x7A0];
	s1 =	sadd.f32 s1, s7;
	s30 =	spop (v2sf)  }
0x326: {  	v27 =	vld [tilespmem:$0x700];
	s26 =	smul.f32 $5.000000000e-01, s6;
	v21 =	vmax.f32 v21, s10;
	v20 =	vmax.f32 v20, s10;
	v19 =	vmax.f32 v19, s10;
	s0 =	sadd.s32 s30, s24  }
0x327: {  	v28 =	vld [tilespmem:$0x800];
	v22 =	vmax.f32 v22, s10;
	v8 =	vmin.f32 v8, s1;
	v17 =	vmin.f32 v17, s1;
	s31 =	spop (v2sf);
	s0 =	sadd.s32 s29, s0;
	s29 =	smul.f32 s9, s9  }
0x328: {  	v10 =	vld [tilespmem:$0x710];
	v6 =	vmin.f32 v6, s1;
	v17 =	vsub.f32 v17, v22;
	s30 =	ssub.f32 s23, s31;
	s31 =	smul.f32 s14, s14;
	v23 =	vsub.f32 $0.0e+00, v23  }
0x329: {  	v13 =	vld [tilespmem:$0x7B0];
	v18 =	vmin.f32 v18, s1;
	v8 =	vsub.f32 v8, v21;
	v6 =	vsub.f32 v6, v19;
	s9 =	smul.f32 s6, s5;
	s6 =	sadd.f32 s25, s26  }
0x32a: {  	v48 =	vld [tilespmem:$0x720];
	v18 =	vsub.f32 v18, v20;
	s14 =	sadd.f32 s29, s31;
	v23 =	vmul.f32 $1.442695020e+00, v23  }
0x32b: {  	v46 =	vld [tilespmem:$0x730];
	v17 =	vmax.f32 v17, $0.0e+00;
	v8 =	vmax.f32 v8, $0.0e+00;
	v6 =	vmax.f32 v6, $0.0e+00;
	s31 =	ssub.f32 s25, s26  }
0x32c: {  	v50 =	vld [tilespmem:$0x810];
	v18 =	vmax.f32 v18, $0.0e+00;
	v45 =	vmin.f32 v24, s6;
	(erf) = vpow2.f32 v23  }
0x32d: {  	v47 =	vmin.f32 v25, s6;
	v19 =	vmin.f32 v26, s6;
	v10 =	vmax.f32 v10, s31  }
0x32e: {  	v53 =	vld [tilespmem:$0x820];
	v13 =	vmin.f32 v13, s6;
	v49 =	vmax.f32 v27, s31;
	v10 =	vsub.f32 v45, v10  }
0x32f: {  	v56 =	vld [tilespmem:$0x830];
	v52 =	vadd.f32 s9, v28;
	v55 =	vmax.f32 v48, s31;
	v51 =	vsub.f32 v47, v49  }
0x330: {  	v22 =	vmax.f32 v46, s31;
	v19 =	vsub.f32 v19, v55;
	v10 =	vmax.f32 v10, $0.0e+00  }
0x331: {  	v54 =	vmax.f32 v51, $0.0e+00;
	v8 =	vmul.f32 v10, v8;
	v10 =	vadd.f32 s9, v50  }
0x332: {  	v13 =	vsub.f32 v13, v22;
	v19 =	vmax.f32 v19, $0.0e+00;
	v17 =	vmul.f32 v54, v17  }
0x333: {  	v18 =	vmul.f32 v19, v18;
	v19 =	vadd.f32 s9, v53;
	v10 =	vsub.f32 v10, v8  }
0x334: {  	v58 =	vadd.f32 s9, v56;
	v13 =	vmax.f32 v13, $0.0e+00;
	v21 =	vsub.f32 v52, v17  }
0x335: {  	v13 =	vmul.f32 v13, v6;
	v19 =	vsub.f32 v19, v18;
	v10 =	vmax.f32 v10, $9.999999960e-13;
	v6 =	vpop (erf)  }
0x336: {  	v57 =	vmax.f32 v21, $9.999999960e-13;
	(erf) = vrcp.f32 v10;
	v6 =	vadd.f32 $1.000000000e+00, v6  }
0x337: {  	(erf) = vrcp.f32 v57  }
0x338: {  	v10 =	vmax.f32 v19, $9.999999960e-13;
	v19 =	vsub.f32 v58, v13;
	(erf) = vrcp.f32 v6;
	_ =	sdelay $0x1  }
0x339: {  	v6 =	vmax.f32 v19, $9.999999960e-13;
	(erf) = vrcp.f32 v10  }
0x33a: {  	(erf) = vrcp.f32 v6  }
0x33b: {  	v6 =	vld [tilespmem:$0x890];
	_ =	sdelay $0x2  }
0x33c: {  	v10 =	vld [tilespmem:$0x880];
	v59 =	vpop (erf)  }
0x33d: {  	vm4 =	vmand vm5, vm4;
	v19 =	vld [tilespmem:$0x8A0];
	v61 =	vpop (erf)  }
0x33e: {  	v60 =	vld [tilespmem:$0x8B0];
	v3 =	vmpcnt.ones.xlane vm4;
	v8 =	vmul.f32 v59, v8;
	vm4 =	vgt.f32 v6, $0.0e+00;
	v6 =	vpop (erf)  }
0x33f: {  	v17 =	vmul.f32 v61, v17;
	[tilespmem:$0x3DA0] =	vst v6  }
0x340: {  	v8 =	vnsel vm4, $0xBF800000, v8;
	v62 =	vpop (erf);
	v63 =	vld [tilespmem:s19+$0x0]  }
0x341: {  	vm4 =	vgt.f32 v10, $0.0e+00;
	v10 =	vmax.f32 v17, $-1.000000000e+00;
	v17 =	vmul.f32 v62, v18;
	v18 =	vpop (erf)  }
0x342: {  	v10 =	vnsel vm4, $0xBF800000, v10;
	vm4 =	vgt.f32 v19, $0.0e+00;
	v13 =	vmul.f32 v18, v13  }
0x343: {  	v8 =	vmax.f32 v10, v8;
	v10 =	vnsel vm4, $0xBF800000, v17;
	vm4 =	vgt.f32 v60, $0.0e+00  }
0x344: {  	v8 =	vmax.f32 v8, v10;
	v10 =	vnsel vm4, $0xBF800000, v13  }
0x345: {  	s23 =	spop (v2sf);
	v8 =	vmax.f32 v8, v10;
	v10 =	vsub.f32 $0.0e+00, v63  }
0x346: {  	s24 =	spop (v2sf)  }
0x347: {  	s7 =	smul.f32 s30, s30;
	s30 =	spop (v2sf);
	v10 =	vmul.f32 $1.442695020e+00, v10  }
0x348: {  	s26 =	spop (v2sf);
	(v2sf) =	vpush v8, $0xA  }
0x349: {  	(v2sf) =	vpush v8, $0x1;
	(erf) = vpow2.f32 v10  }
0x34a: {  	(v2sf) =	vpush v8, $0x2  }
0x34b: {  	(v2sf) =	vpush v8, $0x3  }
0x34c: {  	(v2sf) =	vpush v8, $0x4  }
0x34d: {  	(v2sf) =	vpush v8, $0x5  }
0x34e: {  	v5 =	vmpcnt.ones.xlane vm12;
	(v2sf) =	vpush v8, $0x9  }
0x34f: {  	(v2sf) =	vpush v8, $0x0  }
0x350: {  	(v2sf) =	vpush v8, $0x8  }
0x351: {  	(v2sf) =	vpush v0, $0x4  }
0x352: {  	(v2sf) =	vpush v5, $0x0;
	v5 =	vpop (erf)  }
0x353: {  	v5 =	vadd.f32 $1.000000000e+00, v5;
	_ =	sdelay $0x1  }
0x354: {  	(erf) = vrcp.f32 v5;
	_ =	sdelay $0x2  }
0x355: {  	s16 =	smul.f32 s15, s15;
	s1 =	sadd.f32 s14, s7  }
0x356: {  	_ = 	snop  }
0x357: {  	s25 =	sadd.f32 s1, s16;
	(v2sf) =	vpush v8, $0x6;
	s1 =	spop (v2sf)  }
0x358: {  	(v2sf) =	vpush v8, $0x7;
	s5 =	spop (v2sf)  }
0x359: {  	s6 =	spop (v2sf);
	(v2sf) =	vpush v8, $0xB  }
0x35a: {  	s16 =	spop (v2sf);
	(v2sf) =	vpush v8, $0xC  }
0x35b: {  	s7 =	spop (v2sf);
	(v2sf) =	vpush v8, $0xD;
	v5 =	vpop (erf)  }
0x35c: {  	s29 =	sadd.f32 s2, s8;
	s8 =	spop (v2sf);
	(v2sf) =	vpush v8, $0xE;
	[tilespmem:$0x3DB0] =	vst v5  }
0x35d: {  	s9 =	spop (v2sf);
	(v2sf) =	vpush v8, $0xF;
	v8 =	vld [tilespmem:s19+$0x10];
	_ =	sdelay $0x4  }
0x35e: {  	v8 =	vsub.f32 $0.0e+00, v8;
	_ =	sdelay $0x1  }
0x35f: {  	v8 =	vmul.f32 $1.442695020e+00, v8;
	_ =	sdelay $0x1  }
0x360: {  	(erf) = vpow2.f32 v8;
	_ =	sdelay $0x8  }
0x361: {  	v8 =	vpop (erf)  }
0x362: {  	v8 =	vadd.f32 $1.000000000e+00, v8;
	_ =	sdelay $0x1  }
0x363: {  	(erf) = vrcp.f32 v8;
	_ =	sdelay $0x8  }
0x364: {  	v8 =	vpop (erf)  }
0x365: {  	s31 =	rddreg [dreg:$0x3];
	s14 =	spop (v2sf);
	[tilespmem:$0x3DC0] =	vst v8  }
0x366: {  	s2 =	smax.f32 s14, s5;
	s15 =	spop (v2sf);
	v10 =	vld [tilespmem:s19+$0x20]  }
0x367: {  	s5 =	smax.f32 s2, s6;
	s2 =	spop (v2sf)  }
0x368: {  	s5 =	smax.f32 s5, s16;
	s16 =	spop (v2sf)  }
0x369: {  	s31 =	simm.s32 @!p1 $0x0;
	s6 =	ssub.s32 $0x0, s16;
	s5 =	smax.f32 s5, s7  }
0x36a: {  	p1 =	seq.s32 s0, s6;
	s5 =	smax.f32 s5, s8;
	s6 =	spop (v2sf)  }
0x36b: {  	s0 =	smax.f32 s5, s6;
	s7 =	spop (v2sf);
	v10 =	vsub.f32 $0.0e+00, v10  }
0x36c: {  	s0 =	smax.f32 s0, s7  }
0x36d: {  	s0 =	smax.f32 s0, s15;
	v10 =	vmul.f32 $1.442695020e+00, v10  }
0x36e: {  	s0 =	smax.f32 s0, s9  }
0x36f: {  	s0 =	smax.f32 s0, s1;
	s8 =	spop (v2sf);
	(erf) = vpow2.f32 v10  }
0x370: {  	s0 =	smax.f32 s0, s8;
	s9 =	spop (v2sf)  }
0x371: {  	s0 =	smax.f32 s0, s9;
	s10 =	spop (v2sf)  }
0x372: {  	s0 =	smax.f32 s0, s10;
	s14 =	spop (v2sf)  }
0x373: {  	s0 =	smax.f32 s0, s14;
	s15 =	spop (v2sf)  }
0x374: {  	s0 =	smax.f32 s0, s15  }
0x375: {  	p2 =	sge.f32 s0, $6.999999880e-01  }
0x376: {  	s1 =	rddreg [dreg:$0x5]  }
0x377: {  	s16 =	ssub.f32 s2, s0;
	s1 =	simm.s32 @!p2 $0x3F800000  }
0x378: {  	s1 =	smul.f32 s1, s2;
	v10 =	vpop (erf)  }
0x379: {  	s6 =	smul.f32 s16, s16;
	v10 =	vadd.f32 $1.000000000e+00, v10  }
0x37a: {  	s0 =	smul.f32 s1, s2  }
0x37b: {  	(erf) = vrcp.f32 v10  }
0x37c: {  	v0 =	vmul.f32 v0, v0;
	s5 =	ssub.f32 s6, s0;
	s0 =	smov.u32 s31  }
0x37d: {  	s0 =	simm.s32 @!p1 $0x0  }
0x37e: {  	v4 =	vmul.f32 v4, v4;
	v0 =	vmul.f32 s0, v0  }
0x37f: {  	v6 =	vmul.f32 v6, v6  }
0x380: {  	v4 =	vmul.f32 s0, v4;
	v0 =	vadd.f32 v0, v16;
	v8 =	vmul.f32 v8, v8;
	_ =	sdelay $0x1  }
0x381: {  	v6 =	vmul.f32 s0, v6;
	v0 =	vadd.f32 v4, v0;
	v4 =	vmov s28;
	_ =	sdelay $0x1  }
0x382: {  	v0 =	vadd.f32 v6, v0;
	v6 =	vmul.f32 s0, v8;
	v8 =	vpop (erf)  }
0x383: {  	(v2sf) =	vpush v8, $0x4  }
0x384: {  	s7 =	rddreg [dreg:$0x4];
	[tilespmem:$0x3DD0] =	vst v8  }
0x385: {  	v5 =	vmul.f32 v5, v5;
	v4 =	vld.idx.msk [tilespmem:v4+s7+$0x0], $0xffff;
	_ =	sdelay $0x1  }
0x386: {  	v5 =	vmul.f32 s0, v5;
	(v2sf) =	vpush v3, $0x0  }
0x387: {  	s19 =	sadd.s32 $0x60, s19;
	(v2sf) =	vpush v2, $0x4  }
0x388: {  	v0 =	vadd.f32 v5, v0;
	v5 =	vmul.f32 v8, v8;
	v8 =	vld [tilespmem:s19+$0xFFFFFFD0]  }
0x389: {  	(v2sf) =	vpush v4, $0x0;
	_ =	sdelay $0x1  }
0x38a: {  	s2 =	smul.f32 s2, s2;
	v0 =	vadd.f32 v6, v0;
	v5 =	vmul.f32 s0, v5;
	_ =	sdelay $0x1  }
0x38b: {  	s1 =	ssub.f32 s6, s2;
	v16 =	vadd.f32 v5, v0;
	v0 =	vsub.f32 $0.0e+00, v8  }
0x38c: {  	v5 =	vmul.f32 $1.442695020e+00, v8  }
0x38d: {  	s1 =	smul.f32 s1, s0;
	v0 =	vmul.f32 $1.442695020e+00, v0  }
0x38e: {  	s8 =	smul.f32 s30, s30;
	(erf) = vpow2.f32 v5  }
0x38f: {  	s18 =	sadd.f32 s1, s18;
	(erf) = vpow2.f32 v0;
	s9 =	spop (v2sf)  }
0x390: {  	s1 =	sadd.f32 s29, s8;
	s10 =	smul.f32 $1.100000000e+01, s9  }
0x391: {  	_ = 	snop  }
0x392: {  	s1 =	sadd.f32 s1, s2;
	s14 =	smul.f32 s10, s9  }
0x393: {  	s5 =	smul.f32 s5, s0;
	s15 =	spop (v2sf)  }
0x394: {  	s16 =	spop (v2sf);
	s1 =	sadd.f32 s14, s1  }
0x395: {  	p0 =	sne.s32 s21, $0x31;
	s17 =	sadd.f32 s5, s17;
	s5 =	smul.f32 s25, s16  }
0x396: {  	s2 =	sadd.s32 s26, s15;
	s26 =	spop (v2sf);
	s1 =	smul.f32 s1, s0  }
.Ltmp4:
0x397: {  	v4 =	vpop (erf);
	s6 =	sadd.f32 s26, s26;
	(pc) =	sbr.rel @p0 .LBB2_9-.Ltmp4, $4  }
0x398: {  	s28 =	ssub.s32 $0x0, s24;
	s2 =	sadd.s32 s23, s2;
	v0 =	vpop (erf);
	s1 =	ssub.f32 s22, s1  }
0x399: {  	p1 =	seq.s32 s2, s28;
	v0 =	vadd.f32 $1.000000000e+00, v0;
	s29 =	smul.f32 s5, s0;
	s30 =	ssub.f32 $1.000000000e+00, s6  }
0x39a: {  	s31 =	simm.s32 @!p1 $0x0;
	s0 =	rddreg [dreg:$0x2]  }
0x39b: {  	s21 =	sadd.s32 $0x1, s21;
	v5 =	vor.u32 s20, v11;
	(erf) = vrcp.f32 v0;
	v0 =	vor.u32 s20, v15;
	s22 =	sadd.f32 s1, s29;
	s23 =	smul.f32 s30, s31  }
0x39c: {  	_ =	sdelay $0x7  }
0x39d: {  	v3 =	vld.idx.msk [tilespmem:v0+s0+$0x0], $0xffff;
	v0 =	vpop (erf)  }
0x39e: {  	v6 =	vld.idx.msk [tilespmem:v5+s11+$0x0], $0xffff;
	[tilespmem:$0x3D80] =	vst v0  }
0x39f: {  	v2 =	vld [tilespmem:s19+$0xFFFFFFE0];
	_ =	sdelay $0x4  }
0x3a0: {  	v2 =	vsub.f32 $0.0e+00, v2  }
0x3a1: {  	(v2sf) =	vpush v4, $0x2  }
0x3a2: {  	(v2sf) =	vpush v0, $0x2;
	v2 =	vmul.f32 $1.442695020e+00, v2  }
0x3a3: {  	(v2sf) =	vpush v0, $0x0  }
0x3a4: {  	(v2sf) =	vpush v4, $0x3;
	(erf) = vpow2.f32 v2  }
0x3a5: {  	(v2sf) =	vpush v0, $0x1  }
0x3a6: {  	(v2sf) =	vpush v3, $0x0  }
0x3a7: {  	(v2sf) =	vpush v3, $0x1  }
0x3a8: {  	(v2sf) =	vpush v6, $0x2  }
0x3a9: {  	(v2sf) =	vpush v3, $0x6  }
0x3aa: {  	(v2sf) =	vpush v3, $0x5  }
0x3ab: {  	(v2sf) =	vpush v3, $0x7;
	_ =	sdelay $0x1  }
0x3ac: {  	(v2sf) =	vpush v3, $0x3;
	v2 =	vpop (erf)  }
0x3ad: {  	(v2sf) =	vpush v3, $0x8;
	v2 =	vadd.f32 $1.000000000e+00, v2;
	_ =	sdelay $0x1  }
0x3ae: {  	s26 =	spop (v2sf);
	(erf) = vrcp.f32 v2  }
0x3af: {  	s21 =	spop (v2sf)  }
0x3b0: {  	s29 =	spop (v2sf)  }
0x3b1: {  	s24 =	spop (v2sf)  }
0x3b2: {  	s15 =	spop (v2sf)  }
0x3b3: {  	s30 =	spop (v2sf)  }
0x3b4: {  	s31 =	spop (v2sf)  }
0x3b5: {  	s25 =	spop (v2sf)  }
0x3b6: {  	v5 =	vld [tilespmem:$0x680];
	s1 =	spop (v2sf)  }
0x3b7: {  	v10 =	vld [tilespmem:$0x690];
	s2 =	spop (v2sf);
	v2 =	vpop (erf)  }
0x3b8: {  	v13 =	vld [tilespmem:$0x610];
	s5 =	spop (v2sf);
	[tilespmem:$0x3D90] =	vst v2  }
0x3b9: {  	s5 =	smul.f32 s26, s5;
	v8 =	vld [tilespmem:s19+$0xFFFFFFF0]  }
0x3ba: {  	v15 =	vld [tilespmem:$0x600];
	s2 =	sadd.f32 s29, s2;
	s28 =	spop (v2sf)  }
0x3bb: {  	v17 =	vld [tilespmem:$0x790];
	s6 =	spop (v2sf);
	s7 =	smul.f32 $5.000000000e-01, s5  }
0x3bc: {  	v18 =	vld [tilespmem:$0x780];
	s1 =	sadd.f32 s15, s1;
	s6 =	smul.f32 s24, s6  }
0x3bd: {  	v19 =	vld [tilespmem:$0x700];
	s9 =	ssub.f32 s2, s7  }
0x3be: {  	v4 =	vld [tilespmem:$0x710];
	s8 =	smul.f32 $5.000000000e-01, s6;
	s2 =	sadd.f32 s2, s7;
	v8 =	vsub.f32 $0.0e+00, v8  }
0x3bf: {  	_ = 	snop  }
0x3c0: {  	s16 =	sadd.f32 s1, s8;
	v15 =	vmax.f32 v15, s9;
	v5 =	vmin.f32 v5, s2;
	v8 =	vmul.f32 $1.442695020e+00, v8  }
0x3c1: {  	v13 =	vmax.f32 v13, s9;
	s1 =	ssub.f32 s1, s8;
	v10 =	vmin.f32 v10, s2;
	v5 =	vsub.f32 v5, v15;
	v15 =	vld [tilespmem:$0x810]  }
0x3c2: {  	v10 =	vsub.f32 v10, v13;
	v13 =	vmin.f32 v17, s16;
	(erf) = vpow2.f32 v8;
	v8 =	vld [tilespmem:$0x800]  }
0x3c3: {  	v4 =	vmax.f32 v4, s1;
	v39 =	vmin.f32 v18, s16;
	v40 =	vmax.f32 v19, s1  }
0x3c4: {  	v4 =	vsub.f32 v13, v4;
	v13 =	vsub.f32 v39, v40  }
0x3c5: {  	s5 =	smul.f32 s6, s5;
	v5 =	vmax.f32 v5, $0.0e+00  }
0x3c6: {  	v10 =	vmax.f32 v10, $0.0e+00;
	v4 =	vmax.f32 v4, $0.0e+00;
	v13 =	vmax.f32 v13, $0.0e+00  }
0x3c7: {  	v10 =	vmul.f32 v4, v10;
	v4 =	vadd.f32 s5, v15;
	v8 =	vadd.f32 s5, v8  }
0x3c8: {  	v13 =	vmul.f32 v13, v5  }
0x3c9: {  	v4 =	vsub.f32 v4, v10  }
0x3ca: {  	v5 =	vsub.f32 v8, v13  }
0x3cb: {  	v41 =	vld [tilespmem:$0x620];
	v4 =	vmax.f32 v4, $9.999999960e-13;
	v8 =	vpop (erf)  }
0x3cc: {  	v42 =	vld [tilespmem:$0x7A0];
	(erf) = vrcp.f32 v4;
	v5 =	vmax.f32 v5, $9.999999960e-13;
	v8 =	vadd.f32 $1.000000000e+00, v8  }
0x3cd: {  	v43 =	vld [tilespmem:$0x720];
	(erf) = vrcp.f32 v5  }
0x3ce: {  	v20 =	vld [tilespmem:$0x730];
	(erf) = vrcp.f32 v8  }
0x3cf: {  	v4 =	vld [tilespmem:$0x6B0]  }
0x3d0: {  	v15 =	vld [tilespmem:$0x7B0]  }
0x3d1: {  	v8 =	vld [tilespmem:$0x630]  }
0x3d2: {  	v5 =	vld [tilespmem:$0x6A0];
	_ =	sdelay $0x1  }
0x3d3: {  	v4 =	vmin.f32 v4, s2  }
0x3d4: {  	v17 =	vmax.f32 v41, s9;
	v18 =	vmin.f32 v42, s16;
	v19 =	vmax.f32 v43, s1;
	v21 =	vpop (erf)  }
0x3d5: {  	v22 =	vld [tilespmem:$0x820];
	v44 =	vmax.f32 v20, s1;
	v18 =	vsub.f32 v18, v19;
	v8 =	vmax.f32 v8, s9;
	v23 =	vpop (erf)  }
0x3d6: {  	v24 =	vld [tilespmem:$0x830];
	v15 =	vmin.f32 v15, s16;
	v5 =	vmin.f32 v5, s2;
	v8 =	vsub.f32 v4, v8;
	v4 =	vpop (erf)  }
0x3d7: {  	v15 =	vsub.f32 v15, v44;
	v5 =	vsub.f32 v5, v17;
	[tilespmem:$0x3DA0] =	vst v4  }
0x3d8: {  	v45 =	vld [tilespmem:s19+$0x0]  }
0x3d9: {  	v18 =	vmax.f32 v18, $0.0e+00;
	v15 =	vmax.f32 v15, $0.0e+00;
	v5 =	vmax.f32 v5, $0.0e+00  }
0x3da: {  	v18 =	vmul.f32 v18, v5;
	v5 =	vadd.f32 s5, v22;
	v8 =	vmax.f32 v8, $0.0e+00  }
0x3db: {  	v46 =	vadd.f32 s5, v24;
	v15 =	vmul.f32 v15, v8  }
0x3dc: {  	v5 =	vsub.f32 v5, v18  }
0x3dd: {  	v8 =	vsub.f32 v46, v15;
	v17 =	vsub.f32 $0.0e+00, v45  }
0x3de: {  	v5 =	vmax.f32 v5, $9.999999960e-13  }
0x3df: {  	(erf) = vrcp.f32 v5;
	v8 =	vmax.f32 v8, $9.999999960e-13;
	v5 =	vmul.f32 $1.442695020e+00, v17  }
0x3e0: {  	(erf) = vrcp.f32 v8  }
0x3e1: {  	(erf) = vpow2.f32 v5;
	_ =	sdelay $0x6  }
0x3e2: {  	v47 =	vpop (erf)  }
0x3e3: {  	v48 =	vpop (erf)  }
0x3e4: {  	v5 =	vpop (erf)  }
0x3e5: {  	v5 =	vadd.f32 $1.000000000e+00, v5;
	_ =	sdelay $0x1  }
0x3e6: {  	(erf) = vrcp.f32 v5;
	_ =	sdelay $0x8  }
0x3e7: {  	v5 =	vpop (erf)  }
0x3e8: {  	[tilespmem:$0x3DB0] =	vst v5  }
0x3e9: {  	v8 =	vld [tilespmem:s19+$0x10];
	_ =	sdelay $0x4  }
0x3ea: {  	v8 =	vsub.f32 $0.0e+00, v8;
	_ =	sdelay $0x1  }
0x3eb: {  	v8 =	vmul.f32 $1.442695020e+00, v8;
	_ =	sdelay $0x1  }
0x3ec: {  	(erf) = vpow2.f32 v8;
	_ =	sdelay $0x6  }
0x3ed: {  	v49 =	vld [tilespmem:$0x990]  }
0x3ee: {  	v51 =	vld [tilespmem:$0x9A0]  }
0x3ef: {  	v50 =	vld [tilespmem:$0x980];
	v8 =	vpop (erf)  }
0x3f0: {  	v8 =	vadd.f32 $1.000000000e+00, v8  }
0x3f1: {  	v26 =	vmov s20;
	v25 =	vbroadcast v6, $0x0  }
0x3f2: {  	vm7 =	vlt.u32 v26, v9;
	(erf) = vrcp.f32 v8  }
0x3f3: {  	v57 =	vld [tilespmem:$0x890];
	vm9 =	vlt.u32 v26, v1;
	vm4 =	vlt.u32 v26, v7;
	vm8 =	veq.s32 v51, v25  }
0x3f4: {  	vm6 =	veq.s32 v50, v25;
	vm5 =	veq.s32 v49, v25;
	vm8 =	vmand vm7, vm8  }
0x3f5: {  	v52 =	vld [tilespmem:$0xA20];
	vm14 =	vmand vm4, vm5;
	vm6 =	vmand vm9, vm6;
	v54 =	vmpcnt.ones.xlane vm8  }
0x3f6: {  	v55 =	vmpcnt.ones.xlane vm14;
	(v2sf) =	vpush v6, $0x0;
	v8 =	vbroadcast v6, $0x1;
	v6 =	vld [tilespmem:$0xA00]  }
0x3f7: {  	v53 =	vld [tilespmem:$0xA30];
	v56 =	vmpcnt.ones.xlane vm6;
	(v2sf) =	vpush v54, $0x0  }
0x3f8: {  	v27 =	vld [tilespmem:$0x8A0];
	vm11 =	vgt.f32 v57, $0.0e+00;
	(v2sf) =	vpush v55, $0x0  }
0x3f9: {  	v59 =	vld [tilespmem:$0x880];
	vm5 =	vlt.u32 v26, v12;
	(v2sf) =	vpush v56, $0x0;
	v10 =	vmul.f32 v21, v10  }
0x3fa: {  	v61 =	vld [tilespmem:$0x8B0];
	(v2sf) =	vpush v3, $0x2;
	v13 =	vmul.f32 v23, v13;
	vm15 =	veq.s32 v52, v8  }
0x3fb: {  	v10 =	vnsel vm11, $0xBF800000, v10;
	vm12 =	vmand vm7, vm15;
	vm15 =	veq.s32 v6, v8;
	v6 =	vpop (erf)  }
0x3fc: {  	v13 =	vmax.f32 v13, $-1.000000000e+00;
	v17 =	vmul.f32 v47, v18;
	vm13 =	veq.s32 v53, v8;
	[tilespmem:$0x3DC0] =	vst v6  }
0x3fd: {  	v15 =	vmul.f32 v48, v15;
	vm14 =	vmand vm5, vm13;
	vm13 =	vgt.f32 v27, $0.0e+00;
	v62 =	vld [tilespmem:s19+$0x20]  }
0x3fe: {  	v58 =	vmpcnt.ones.xlane vm12;
	v60 =	vmpcnt.ones.xlane vm14;
	vm12 =	vgt.f32 v59, $0.0e+00  }
0x3ff: {  	vm14 =	vgt.f32 v61, $0.0e+00;
	v13 =	vnsel vm12, $0xBF800000, v13;
	vm10 =	vmand vm9, vm15  }
0x400: {  	(v2sf) =	vpush v58, $0x0;
	v10 =	vmax.f32 v13, v10;
	v13 =	vnsel vm13, $0xBF800000, v17  }
0x401: {  	(v2sf) =	vpush v60, $0x0;
	v63 =	vmpcnt.ones.xlane vm10;
	v10 =	vmax.f32 v10, v13  }
0x402: {  	v13 =	vnsel vm14, $0xBF800000, v15;
	(v2sf) =	vpush v0, $0x3;
	v15 =	vsub.f32 $0.0e+00, v62  }
0x403: {  	v10 =	vmax.f32 v10, v13;
	(v2sf) =	vpush v63, $0x0  }
0x404: {  	(v2sf) =	vpush v10, $0xA;
	v13 =	vmul.f32 $1.442695020e+00, v15  }
0x405: {  	(v2sf) =	vpush v10, $0x1  }
0x406: {  	(v2sf) =	vpush v10, $0x2;
	(erf) = vpow2.f32 v13  }
0x407: {  	(v2sf) =	vpush v10, $0x3;
	v13 =	vld [tilespmem:$0x9B0]  }
0x408: {  	(v2sf) =	vpush v10, $0x4  }
0x409: {  	(v2sf) =	vpush v10, $0x5  }
0x40a: {  	s8 =	spop (v2sf);
	(v2sf) =	vpush v10, $0x9  }
0x40b: {  	s2 =	spop (v2sf);
	(v2sf) =	vpush v10, $0x0  }
0x40c: {  	s10 =	ssub.f32 s29, s30;
	s9 =	spop (v2sf);
	(v2sf) =	vpush v10, $0x8;
	vm15 =	veq.s32 v13, v25  }
0x40d: {  	s21 =	smul.f32 s21, s21;
	s14 =	spop (v2sf);
	vm5 =	vmand vm5, vm15  }
0x40e: {  	s10 =	smul.f32 s10, s10;
	s1 =	spop (v2sf);
	v13 =	vmpcnt.ones.xlane vm5  }
0x40f: {  	s19 =	sadd.f32 s22, s23;
	(v2sf) =	vpush v0, $0x4;
	s22 =	spop (v2sf);
	v15 =	vpop (erf)  }
0x410: {  	s28 =	ssub.f32 s24, s28;
	s20 =	spop (v2sf);
	(v2sf) =	vpush v13, $0x0;
	v13 =	vadd.f32 $1.000000000e+00, v15  }
0x411: {  	s6 =	smul.f32 s15, s15;
	s23 =	spop (v2sf);
	(v2sf) =	vpush v10, $0x6  }
0x412: {  	s7 =	smul.f32 s29, s29;
	s0 =	spop (v2sf);
	(v2sf) =	vpush v10, $0x7;
	(erf) = vrcp.f32 v13  }
0x413: {  	s16 =	ssub.f32 s15, s31;
	s15 =	spop (v2sf)  }
0x414: {  	s5 =	sadd.f32 s6, s7;
	s6 =	spop (v2sf);
	(v2sf) =	vpush v10, $0xB  }
0x415: {  	s7 =	smul.f32 s16, s16;
	s16 =	spop (v2sf);
	(v2sf) =	vpush v10, $0xC  }
0x416: {  	s1 =	ssub.f32 s26, s1;
	s26 =	spop (v2sf);
	(v2sf) =	vpush v10, $0xD  }
0x417: {  	s7 =	sadd.f32 s7, s10;
	s29 =	spop (v2sf);
	(v2sf) =	vpush v10, $0xE  }
0x418: {  	s24 =	sadd.s32 $0x5, s25;
	s1 =	smul.f32 s1, s1;
	s30 =	spop (v2sf);
	v13 =	vld [tilespmem:$0xA10]  }
0x419: {  	s5 =	sadd.f32 s5, s21;
	s10 =	spop (v2sf);
	(v2sf) =	vpush v10, $0xF;
	v10 =	vmov s24  }
0x41a: {  	s1 =	sadd.f32 s7, s1;
	s31 =	spop (v2sf)  }
0x41b: {  	s6 =	smax.f32 s31, s6;
	s7 =	spop (v2sf);
	v15 =	vpop (erf)  }
0x41c: {  	s31 =	smul.f32 s28, s28;
	s6 =	smax.f32 s6, s16;
	(v2sf) =	vpush v15, $0x4  }
0x41d: {  	s6 =	smax.f32 s6, s26;
	s26 =	rddreg [dreg:$0x4];
	vm5 =	veq.s32 v13, v8;
	[tilespmem:$0x3DD0] =	vst v15  }
0x41e: {  	s16 =	rddreg [dreg:$0x5];
	s24 =	spop (v2sf);
	vm4 =	vmand vm4, vm5;
	v8 =	vld.idx.msk [tilespmem:v10+s26+$0x0], $0xffff  }
0x41f: {  	s6 =	smax.f32 s6, s29;
	v10 =	vmpcnt.ones.xlane vm4;
	s25 =	spop (v2sf)  }
0x420: {  	s6 =	smax.f32 s6, s30;
	s29 =	spop (v2sf)  }
0x421: {  	(v2sf) =	vpush v10, $0x0;
	s6 =	smax.f32 s6, s29;
	s30 =	spop (v2sf)  }
0x422: {  	s1 =	sadd.f32 s1, s31;
	(v2sf) =	vpush v3, $0x4;
	s6 =	smax.f32 s6, s30  }
0x423: {  	s26 =	spop (v2sf);
	s6 =	smax.f32 s6, s7;
	(v2sf) =	vpush v8, $0x0  }
0x424: {  	s28 =	spop (v2sf);
	s6 =	smax.f32 s6, s10  }
0x425: {  	s29 =	spop (v2sf);
	s10 =	rddreg [dreg:$0x3]  }
0x426: {  	s6 =	smax.f32 s6, s15;
	s30 =	spop (v2sf)  }
0x427: {  	s15 =	smul.f32 s23, s23;
	s6 =	smax.f32 s6, s26  }
0x428: {  	s31 =	spop (v2sf);
	s6 =	smax.f32 s6, s28  }
0x429: {  	s26 =	smul.f32 s24, s24;
	s6 =	smax.f32 s6, s29  }
0x42a: {  	p0 =	sgt.s32 s8, $0xFFFFFFFF;
	s5 =	sadd.f32 s5, s15;
	s6 =	smax.f32 s6, s30  }
0x42b: {  	s10 =	simm.s32 @!p0 $0x0;
	s6 =	smax.f32 s6, s31;
	s21 =	spop (v2sf)  }
0x42c: {  	s28 =	sadd.s32 s14, s9;
	p1 =	sge.f32 s6, $6.999999880e-01;
	s23 =	smul.f32 $1.100000000e+01, s21  }
0x42d: {  	s8 =	smov.u32 s10;
	s2 =	sadd.s32 s2, s28;
	s5 =	sadd.f32 s5, s26  }
0x42e: {  	s30 =	ssub.s32 $0x0, s25;
	s16 =	simm.s32 @!p1 $0x3F800000;
	s29 =	smul.f32 s23, s21  }
0x42f: {  	v0 =	vmul.f32 v0, v0;
	p0 =	seq.s32 s2, s30;
	s6 =	ssub.f32 s24, s6;
	s31 =	smul.f32 s16, s24  }
0x430: {  	s8 =	simm.s32 @!p0 $0x0;
	s14 =	spop (v2sf);
	s5 =	sadd.f32 s29, s5  }
0x431: {  	v2 =	vmul.f32 v2, v2;
	v0 =	vmul.f32 s8, v0;
	s15 =	spop (v2sf);
	s2 =	smul.f32 s31, s24  }
0x432: {  	s21 =	ssub.s32 $0x0, s20;
	s16 =	spop (v2sf);
	s5 =	smul.f32 s5, s8  }
0x433: {  	v3 =	vmul.f32 v4, v4;
	v2 =	vmul.f32 s8, v2;
	v0 =	vadd.f32 v0, v16;
	s0 =	sadd.s32 s0, s14;
	s1 =	smul.f32 s1, s15;
	s9 =	sadd.f32 s16, s16  }
0x434: {  	s0 =	sadd.s32 s22, s0;
	s22 =	smul.f32 s6, s6;
	s5 =	ssub.f32 s19, s5  }
0x435: {  	v4 =	vmul.f32 v5, v5;
	v3 =	vmul.f32 s8, v3;
	v0 =	vadd.f32 v2, v0;
	p0 =	seq.s32 s0, s21;
	s1 =	smul.f32 s1, s8;
	s23 =	ssub.f32 $1.000000000e+00, s9  }
0x436: {  	s10 =	simm.s32 @!p0 $0x0;
	s2 =	ssub.f32 s22, s2  }
0x437: {  	v4 =	vmul.f32 s8, v4;
	v2 =	vmul.f32 v6, v6;
	v0 =	vadd.f32 v3, v0;
	s1 =	sadd.f32 s5, s1;
	s24 =	smul.f32 s23, s10  }
0x438: {  	s0 =	ssub.f32 s22, s26  }
0x439: {  	v2 =	vmul.f32 s8, v2;
	v3 =	vmul.f32 v15, v15;
	v0 =	vadd.f32 v4, v0;
	s2 =	smul.f32 s2, s8;
	s1 =	sadd.f32 s1, s24  }
0x43a: {  	s25 =	rddreg [dreg:$0xa];
	s0 =	smul.f32 s0, s8  }
0x43b: {  	v3 =	vmul.f32 s8, v3;
	v0 =	vadd.f32 v2, v0;
	s2 =	sadd.f32 s2, s17;
	v4 =	vmov s1  }
0x43c: {  	s0 =	sadd.f32 s0, s18;
	v2 =	vnsel vm0, $0x0, v4  }
0x43d: {  	v0 =	vadd.f32 v3, v0;
	s1 =	scvt.s32.f32 s25;
	v2 =	vsel vm1, s2, v2  }
0x43e: {  	v2 =	vsel vm2, s0, v2  }
0x43f: {  	s28 =	rddreg [dreg:$0x6];
	[tilespmem:$0x3E00] =	vst v0;
	v2 =	vsel vm3, s1, v2  }
0x440: {  	s29 =	simm.s32 $0x3E00;
	s26 =	simm.s32 $0x0;
	s5 =	simm.s32 $0x2;
	[tilespmem:$0x3E10] =	vst v2  }
0x441: {  	[hbm4b:s28+s26] =	stream.linear.scatter [tilespmem:s29], [sflag:$0x2], $0x80, $0x38;
	[tilespmem:$0x3E80] =	vst v63  }
0x442: {  	_ =	swait.ge [sflag:s5], $0x80  }
0x443: {  	s30 =	rddreg [dreg:$0x9]  }
0x444: {  	s31 =	rddreg [dreg:$0x8];
	s1 =	sadd.s32 $0x1, s30  }
0x445: {  	p0 =	sne.s32 s1, s31  }
.Ltmp5:
0x446: {  	_ = 	snop;
	(pc) =	sbr.rel @p0 .LBB2_2-.Ltmp5, $3  }
0x447: {  	_ =	sdelay $0x1  }
0x448: {  	[sflag:s5] =	ssyncset.done $0x0  }
0x449: {  	[sflag:s5] =	ssyncadd.s32 $0xFFFFFF80  }
.LBB2_11:
0x44a: {  	_ =	sfence.sel $0x180000  }
0x44b: {  	[bflag:$0x0] =	sbarrier.arrive $0xFFFF  }
0x44c: {  	_ =	strace $0x90000047  }
0x44d: {  	s0 =	stileid.u32;
	[bflag:$0x2] =	sbarrier.arrive $0xFFFF  }
0x44e: {  	p0 =	sne.s32 s0, $0x0;
	s0 =	rddreg [dreg:$0x1]  }
0x44f: {  	s0 =	sadd.s32 @!p0 $0x100000, s0  }
0x450: {  	[sflag:s0] =	ssyncadd.tile.s32 @!p0 $0x1;
	_ =	shalt  }
.Lfunc_end2:
_tile_overlayer_lowered:
.L_overlay_start_2:
0x451: {  	(tag) =	ssettag $0x2  }
0x452: {  	s0 =	rddreg [dreg:$0x0];
	s2 =	stileid.u32  }
0x453: {  	s1 =	rddreg [dreg:$0x1];
	p0 =	sne.s32 s2, $0x0  }
0x454: {  	s3 =	rddreg [dreg:$0x2];
	[bflag:$0x3] =	sbarrier.arrive $0xFFFF;
	s2 =	simm.s32 @!p0 $0x1C02  }
0x455: {  	[timem:s3], [sflag:s2] =	dma.local @!p0 [hbm:s0], s1  }
0x456: {  	s0 =	simm.s32 @!p0 $0x2  }
0x457: {  	_ =	swait.ge @!p0 [sflag:s0], s1  }
0x458: {  	s1 =	ssub.s32 @!p0 $0x0, s1;
	[sflag:s0] =	ssyncset.done @!p0 $0x0  }
0x459: {  	[sflag:s0] =	ssyncadd.s32 @!p0 s1  }
0x45a: {  	[bflag:$0x3] =	sbarrier.arrive $0xFFFF  }
0x45b: {  	_ =	shalt  }

</sc_bundles>
